<compile_context>
chip_gen: v7x
topology: tpu7x:2x2x1
jax: 0.10.2.dev20260603
libtpu: 0.0.44.dev20260713+nightly
codegen_flags: <defaults>
</compile_context>

<pallas_src>
import functools

import jax
import jax.numpy as jnp
from jax import lax
from jax.experimental import pallas as pl
from jax.experimental.pallas import tpu as pltpu
from jax.experimental.pallas import tpu_sc as plsc

N = 10000
E = 160000
F_IN = 256
H = 512
C = 40
G = 64

SLAB = 128
NTILE = 16
EB = 80
E_PAD = 163840
EPT = E_PAD // NTILE
NBATCH = EPT // EB
HB = NBATCH // 2
SRCH = HB * EB
NPAD = 10112
RPT = NPAD // NTILE


def _make_seg_sum(nslab: int):
    nchunk = nslab // 2
    mesh = plsc.VectorSubcoreMesh(core_axis_name="c", subcore_axis_name="s",
                                  num_cores=2, num_subcores=NTILE)

    @functools.partial(
        pl.kernel,
        out_type=jax.ShapeDtypeStruct((nslab, NPAD, SLAB), jnp.float32),
        mesh=mesh,
        scratch_types=[
            pltpu.VMEM((SRCH,), jnp.int32),
            pltpu.VMEM((HB, EB), jnp.int32),
            pltpu.VMEM((EB, SLAB), jnp.float32),
            pltpu.VMEM((EB, SLAB), jnp.float32),
            pltpu.VMEM((EB, SLAB), jnp.float32),
            pltpu.VMEM_SHARED((NPAD, SLAB), jnp.float32),
            pltpu.SemaphoreType.DMA,
            pltpu.SemaphoreType.DMA,
            pltpu.SemaphoreType.DMA,
            pltpu.SemaphoreType.DMA,
            pltpu.SemaphoreType.DMA,
            pltpu.SemaphoreType.DMA,
            pltpu.SemaphoreType.DMA,
        ],
    )
    def seg(h_hbm, srcq_hbm, ei_hbm, zeros_hbm, out_hbm, src_v, dst_v, rows0,
            rows1, rows2, agg_sh, sem0, sem1, sem2, zsem, isem, wsem, dsem):
        cid = lax.axis_index("c")
        sid = lax.axis_index("s")
        rsl = pl.ds(sid * RPT, RPT)
        bufs = (rows0, rows1, rows2)
        sems = (sem0, sem1, sem2)

        def gstart(lb, j):
            pltpu.async_copy(h_hbm.at[src_v.at[pl.ds(lb * EB, EB)]],
                             bufs[j], sems[j])

        def gwait(lb, j):
            pltpu.make_async_copy(h_hbm.at[src_v.at[pl.ds(lb * EB, EB)]],
                                  bufs[j], sems[j]).wait()

        def scat(b, j):
            pltpu.sync_copy(bufs[j], agg_sh.at[dst_v.at[b]], add=True)

        def ibase(c):
            return (c * 2 + cid) * E_PAD + sid * EPT

        def prime():
            gstart(0, 0)
            gstart(1, 1)
            gstart(2, 2)

        pltpu.sync_copy(ei_hbm.at[1, sid, pl.ds(0, HB)], dst_v)
        icp = pltpu.async_copy(srcq_hbm.at[pl.ds(ibase(0), SRCH)], src_v, isem)
        zcp = pltpu.async_copy(zeros_hbm.at[rsl], agg_sh.at[rsl], zsem)
        icp.wait()
        zcp.wait()
        plsc.subcore_barrier()
        prime()
        for c in range(nchunk):
            for half in range(2):
                def batch(k3, _):
                    b0 = 3 * k3
                    for j in range(3):
                        gwait(b0 + j, j)
                        scat(b0 + j, j)
                        gstart(b0 + 3 + j, j)
                    return 0
                lax.fori_loop(0, (HB - 4) // 3, batch, 0)
                gwait(HB - 4, 0)
                scat(HB - 4, 0)
                gstart(HB - 1, 0)
                gwait(HB - 3, 1)
                scat(HB - 3, 1)
                gwait(HB - 2, 2)
                scat(HB - 2, 2)
                gwait(HB - 1, 0)
                scat(HB - 1, 0)
                if half == 0:
                    pltpu.sync_copy(
                        srcq_hbm.at[pl.ds(ibase(c) + SRCH, SRCH)], src_v)
                    pltpu.sync_copy(ei_hbm.at[1, sid, pl.ds(HB, HB)], dst_v)
                    prime()
            last = c == nchunk - 1
            if not last:
                icp = pltpu.async_copy(
                    srcq_hbm.at[pl.ds(ibase(c + 1), SRCH)], src_v, isem)
                dcp = pltpu.async_copy(ei_hbm.at[1, sid, pl.ds(0, HB)],
                                       dst_v, dsem)
            plsc.subcore_barrier()
            wcp = pltpu.async_copy(agg_sh.at[rsl],
                                   out_hbm.at[c * 2 + cid, rsl], wsem)
            if not last:
                icp.wait()
                prime()
                dcp.wait()
                wcp.wait()
                zcp = pltpu.async_copy(zeros_hbm.at[rsl], agg_sh.at[rsl], zsem)
                zcp.wait()
                plsc.subcore_barrier()
            else:
                wcp.wait()

    return seg


def _make_mlp(nslab_in: int):
    fin = nslab_in * SLAB
    R = 2000

    def body(h_ref, a_ref, wa_ref, ba_ref, wb_ref, bb_ref, o_ref):
        hh = jnp.concatenate(
            [h_ref[q] + a_ref[q] for q in range(nslab_in)], axis=1)
        t = jnp.dot(hh, wa_ref[...], preferred_element_type=jnp.float32)
        t = jnp.maximum(t + ba_ref[...], 0.0)
        o = jnp.dot(t, wb_ref[...], preferred_element_type=jnp.float32)
        o = jnp.maximum(o + bb_ref[...], 0.0)
        for q in range(4):
            o_ref[q] = o[:, q * SLAB:(q + 1) * SLAB]

    return pl.pallas_call(
        body,
        grid=(N // R,),
        in_specs=[
            pl.BlockSpec((nslab_in, R, SLAB), lambda i: (0, i, 0)),
            pl.BlockSpec((nslab_in, R, SLAB), lambda i: (0, i, 0)),
            pl.BlockSpec((fin, H), lambda i: (0, 0)),
            pl.BlockSpec((1, H), lambda i: (0, 0)),
            pl.BlockSpec((H, H), lambda i: (0, 0)),
            pl.BlockSpec((1, H), lambda i: (0, 0)),
        ],
        out_specs=pl.BlockSpec((4, R, SLAB), lambda i: (0, i, 0)),
        out_shape=jax.ShapeDtypeStruct((4, N, SLAB), jnp.float32),
    )


_RP = 2000


def _pool_body(b_ref, h_ref, w_ref, lb_ref, o_ref, sums_ref, cnt_ref):
    i = pl.program_id(0)

    @pl.when(i == 0)
    def _init():
        sums_ref[...] = jnp.zeros_like(sums_ref)
        cnt_ref[...] = jnp.zeros_like(cnt_ref)

    b = b_ref[0, 0, :]
    oh = (lax.broadcasted_iota(jnp.int32, (G, _RP), 0) == b[None, :]).astype(
        jnp.float32)
    h = jnp.concatenate([h_ref[q] for q in range(4)], axis=1)
    sums_ref[...] += jnp.dot(oh, h, preferred_element_type=jnp.float32)
    cnt_ref[...] += jnp.dot(oh, jnp.ones((_RP, 128), jnp.float32),
                            preferred_element_type=jnp.float32)

    @pl.when(i == pl.num_programs(0) - 1)
    def _fin():
        cnt = jnp.maximum(cnt_ref[:, 0:1], 1.0)
        pooled = sums_ref[...] / cnt
        o_ref[...] = jnp.dot(pooled, w_ref[...],
                             preferred_element_type=jnp.float32) + lb_ref[...]


_POOL = pl.pallas_call(
    _pool_body,
    grid=(N // _RP,),
    in_specs=[
        pl.BlockSpec((1, 1, _RP), lambda i: (i, 0, 0)),
        pl.BlockSpec((4, _RP, SLAB), lambda i: (0, i, 0)),
        pl.BlockSpec((H, 128), lambda i: (0, 0)),
        pl.BlockSpec((1, 128), lambda i: (0, 0)),
    ],
    out_specs=pl.BlockSpec((G, 128), lambda i: (0, 0)),
    out_shape=jax.ShapeDtypeStruct((G, 128), jnp.float32),
    scratch_shapes=[
        pltpu.VMEM((G, H), jnp.float32),
        pltpu.VMEM((G, 128), jnp.float32),
    ],
)

_SEG2 = _make_seg_sum(2)
_SEG4 = _make_seg_sum(4)
_MLP0 = _make_mlp(2)
_MLP1 = _make_mlp(4)


def kernel(x, edge_index, batch, W0a, b0a, W0b, b0b, W1a, b1a, W1b, b1b,
           W2a, b2a, W2b, b2b, linW, linb):
    zeros = jnp.zeros((NPAD, SLAB), jnp.float32)
    npad_e = E_PAD - E
    pad_src = jnp.arange(npad_e, dtype=jnp.int32) % N
    pad_dst = N + jnp.arange(npad_e, dtype=jnp.int32) % (NPAD - N)
    ep = jnp.concatenate([edge_index, jnp.stack([pad_src, pad_dst])], axis=1)
    ei = ep.reshape(2, NTILE, NBATCH, EB)
    qoff = jnp.arange(4, dtype=jnp.int32)[:, None] * N
    srcq4 = (ep[0][None, :] + qoff).reshape(-1)
    srcq2 = srcq4[:2 * E_PAD]
    x_sm = x.reshape(N, 2, SLAB).transpose(1, 0, 2)
    agg0 = _SEG2(x_sm.reshape(2 * N, SLAB), srcq2, ei, zeros)
    h1 = _MLP0(x_sm, agg0, W0a, b0a.reshape(1, H), W0b, b0b.reshape(1, H))
    agg1 = _SEG4(h1.reshape(4 * N, SLAB), srcq4, ei, zeros)
    h2 = _MLP1(h1, agg1, W1a, b1a.reshape(1, H), W1b, b1b.reshape(1, H))
    agg2 = _SEG4(h2.reshape(4 * N, SLAB), srcq4, ei, zeros)
    h3 = _MLP1(h2, agg2, W2a, b2a.reshape(1, H), W2b, b2b.reshape(1, H))
    wpad = jnp.zeros((H, 128), jnp.float32).at[:, :C].set(linW)
    bpad = jnp.zeros((1, 128), jnp.float32).at[0, :C].set(linb)
    out = _POOL(batch.reshape(N // _RP, 1, _RP), h3, wpad, bpad)
    return out[:, :C]

# --- scband reference (transcript-rebuilt; emitter-appended) ---
"""Pipeline reference for scband-gin-773094114065 (READ-ONLY COPY).

The authoritative reference and input builder live on the scoring server;
editing this copy changes nothing except your own understanding.
"""

import jax, jax.numpy as jnp
import numpy as np

N = 10000
E = 160000
F_IN = 256
H = 512
C = 40
G = 64

def _glorot(key, shape):
    fan_in = shape[0]
    return jax.random.normal(key, shape, jnp.float32) * (1.0 / np.sqrt(fan_in))

def setup_inputs(seed: int = 0):
    key = jax.random.key(seed)
    ks = jax.random.split(key, 16)
    inp = {}
    inp['x'] = jax.random.normal(ks[0], (N, F_IN), jnp.float32)
    inp['edge_index'] = jax.random.randint(ks[1], (2, E), 0, N, dtype=jnp.int32)
    inp['batch'] = jnp.sort(jax.random.randint(ks[2], (N,), 0, G, dtype=jnp.int32))
    inp['W0a'] = _glorot(ks[3], (F_IN, H)); inp['b0a'] = jnp.zeros((H,), jnp.float32)
    inp['W0b'] = _glorot(ks[4], (H, H)); inp['b0b'] = jnp.zeros((H,), jnp.float32)
    inp['W1a'] = _glorot(ks[5], (H, H)); inp['b1a'] = jnp.zeros((H,), jnp.float32)
    inp['W1b'] = _glorot(ks[6], (H, H)); inp['b1b'] = jnp.zeros((H,), jnp.float32)
    inp['W2a'] = _glorot(ks[7], (H, H)); inp['b2a'] = jnp.zeros((H,), jnp.float32)
    inp['W2b'] = _glorot(ks[8], (H, H)); inp['b2b'] = jnp.zeros((H,), jnp.float32)
    inp['linW'] = _glorot(ks[9], (H, C)); inp['linb'] = jnp.zeros((C,), jnp.float32)
    return inp

def _mlp(h, Wa, ba, Wb, bb):
    return jax.nn.relu(h @ Wa + ba) @ Wb + bb

def reference(x, edge_index, batch, W0a, b0a, W0b, b0b, W1a, b1a, W1b, b1b, W2a, b2a, W2b, b2b, linW, linb):
    # GINConv with eps=0: h' = MLP((1+eps)*x + sum_{j in N(i)} x_j)
    src = edge_index[0]
    dst = edge_index[1]
    h = x
    layers = [(W0a, b0a, W0b, b0b), (W1a, b1a, W1b, b1b), (W2a, b2a, W2b, b2b)]
    for (Wa, ba, Wb, bb) in layers:
        agg = jax.ops.segment_sum(h[src], dst, num_segments=N)
        h = _mlp(h + agg, Wa, ba, Wb, bb)
        h = jax.nn.relu(h)
        # dropout is identity in eval mode
    sums = jax.ops.segment_sum(h, batch, num_segments=G)
    counts = jax.ops.segment_sum(jnp.ones((N, 1), jnp.float32), batch, num_segments=G)
    pooled = sums / jnp.maximum(counts, 1.0)
    return pooled @ linW + linb

if __name__ == "__main__":
    import jax
    _d = setup_inputs()
    print(jax.jit(kernel)(*tuple(_d.values())))

</pallas_src>

<mosaic_0001>
#map = affine_map<(d0, d1) -> (0, 0)>
#map1 = affine_map<(d0, d1) -> (0)>
#map2 = affine_map<(d0, d1) -> (0, 0, 0, 0)>
#map3 = affine_map<(d0, d1) -> (0, 0, 0)>
module attributes {stable_mosaic.version = 14 : i64} {
  func.func @seg(%arg0: i32, %arg1: i32, %arg2: memref<20000x128xf32, #tpu.memory_space<hbm>>, %arg3: memref<327680xi32, #tpu.memory_space<hbm>>, %arg4: memref<2x16x128x80xi32, #tpu.memory_space<hbm>>, %arg5: memref<10112x128xf32, #tpu.memory_space<hbm>>, %arg6: memref<2x10112x128xf32, #tpu.memory_space<hbm>>, %arg7: memref<5120xi32, #tpu.memory_space<vmem>>, %arg8: memref<64x80xi32, #tpu.memory_space<vmem>>, %arg9: memref<80x128xf32, #tpu.memory_space<vmem>>, %arg10: memref<80x128xf32, #tpu.memory_space<vmem>>, %arg11: memref<80x128xf32, #tpu.memory_space<vmem>>, %arg12: memref<10112x128xf32, #tpu.memory_space<vmem_shared>>, %arg13: memref<!tpu.dma_semaphore, #tpu.memory_space<semaphore_mem>>, %arg14: memref<!tpu.dma_semaphore, #tpu.memory_space<semaphore_mem>>, %arg15: memref<!tpu.dma_semaphore, #tpu.memory_space<semaphore_mem>>, %arg16: memref<!tpu.dma_semaphore, #tpu.memory_space<semaphore_mem>>, %arg17: memref<!tpu.dma_semaphore, #tpu.memory_space<semaphore_mem>>, %arg18: memref<!tpu.dma_semaphore, #tpu.memory_space<semaphore_mem>>, %arg19: memref<!tpu.dma_semaphore, #tpu.memory_space<semaphore_mem>>) attributes {dimension_semantics = [#tpu.dimension_semantics<core_parallel>, #tpu.dimension_semantics<subcore_parallel>], iteration_bounds = array<i64: 2, 16>, scalar_prefetch = 0 : i64, scratch_operands = 13 : i64, tpu.core_type = #tpu.core_type<sc_vector_subcore>, window_params = [{transform_indices = #map}, {transform_indices = #map1}, {transform_indices = #map2}, {transform_indices = #map}, {transform_indices = #map3}]} {
    %mul3A = arith.constant 632 : i32
    %mul3A_0 = arith.muli %arg1, %mul3A : i32
    %run_scoped3A = arith.constant 1 : i32
    "tpu.region"() ({
      %run_scoped3A_141 = tpu.sem_alloc : memref<!tpu.dma_semaphore, #tpu.memory_space<semaphore_mem>>
      %dma_start3A_142 = arith.constant 0 : i32
      %dma_start3A_143 = arith.constant 0 : i32
      %dma_start3A_144 = tpu.memref_slice %arg4[%run_scoped3A, %arg1, %dma_start3A_142, %dma_start3A_143] : memref<2x16x128x80xi32, #tpu.memory_space<hbm>> -> memref<1x1x64x80xi32, #tpu.memory_space<hbm>>
      %dma_start3A_145 = tpu.memref_squeeze %dma_start3A_144 : memref<1x1x64x80xi32, #tpu.memory_space<hbm>> -> memref<64x80xi32, #tpu.memory_space<hbm>>
      %dma_start3A_146 = arith.constant 0 : i32
      %dma_start3A_147 = arith.constant 0 : i32
      %dma_start3A_148 = tpu.memref_slice %arg4[%run_scoped3A, %arg1, %dma_start3A_146, %dma_start3A_147] : memref<2x16x128x80xi32, #tpu.memory_space<hbm>> -> memref<1x1x64x80xi32, #tpu.memory_space<hbm>>
      %dma_start3A_149 = tpu.memref_squeeze %dma_start3A_148 : memref<1x1x64x80xi32, #tpu.memory_space<hbm>> -> memref<64x80xi32, #tpu.memory_space<hbm>>
      tpu.enqueue_dma source(%dma_start3A_149 : memref<64x80xi32, #tpu.memory_space<hbm>>) target(%arg8 : memref<64x80xi32, #tpu.memory_space<vmem>>) target_semaphore(%run_scoped3A_141 : memref<!tpu.dma_semaphore, #tpu.memory_space<semaphore_mem>>)
      %dma_wait3A_150 = arith.constant 0 : i32
      %dma_wait3A_151 = arith.constant 0 : i32
      %dma_wait3A_152 = tpu.memref_slice %arg4[%run_scoped3A, %arg1, %dma_wait3A_150, %dma_wait3A_151] : memref<2x16x128x80xi32, #tpu.memory_space<hbm>> -> memref<1x1x64x80xi32, #tpu.memory_space<hbm>>
      %dma_wait3A_153 = tpu.memref_squeeze %dma_wait3A_152 : memref<1x1x64x80xi32, #tpu.memory_space<hbm>> -> memref<64x80xi32, #tpu.memory_space<hbm>>
      %dma_wait3A_154 = arith.constant 0 : i32
      %dma_wait3A_155 = arith.constant 0 : i32
      %dma_wait3A_156 = tpu.memref_slice %arg4[%run_scoped3A, %arg1, %dma_wait3A_154, %dma_wait3A_155] : memref<2x16x128x80xi32, #tpu.memory_space<hbm>> -> memref<1x1x64x80xi32, #tpu.memory_space<hbm>>
      %dma_wait3A_157 = tpu.memref_squeeze %dma_wait3A_156 : memref<1x1x64x80xi32, #tpu.memory_space<hbm>> -> memref<64x80xi32, #tpu.memory_space<hbm>>
      tpu.wait_dma2 semaphore(%run_scoped3A_141 : memref<!tpu.dma_semaphore, #tpu.memory_space<semaphore_mem>>) src(%dma_wait3A_157 : memref<64x80xi32, #tpu.memory_space<hbm>>) dst(%arg8 : memref<64x80xi32, #tpu.memory_space<vmem>>)
      tpu.yield
    }) : () -> ()
    %add3A = arith.constant 0 : i32
    %add3A_1 = arith.addi %add3A, %arg0 : i32
    %mul3A_2 = arith.constant 163840 : i32
    %mul3A_3 = arith.muli %add3A_1, %mul3A_2 : i32
    %mul3A_4 = arith.constant 10240 : i32
    %mul3A_5 = arith.muli %arg1, %mul3A_4 : i32
    %add3A_6 = arith.addi %mul3A_3, %mul3A_5 : i32
    %dma_start3A = tpu.memref_slice %arg3[%add3A_6] : memref<327680xi32, #tpu.memory_space<hbm>> -> memref<5120xi32, #tpu.memory_space<hbm>>
    %dma_start3A_7 = tpu.memref_slice %arg3[%add3A_6] : memref<327680xi32, #tpu.memory_space<hbm>> -> memref<5120xi32, #tpu.memory_space<hbm>>
    tpu.enqueue_dma source(%dma_start3A_7 : memref<5120xi32, #tpu.memory_space<hbm>>) target(%arg7 : memref<5120xi32, #tpu.memory_space<vmem>>) target_semaphore(%arg17 : memref<!tpu.dma_semaphore, #tpu.memory_space<semaphore_mem>>)
    %dma_start3A_8 = arith.constant 0 : i32
    %dma_start3A_9 = tpu.memref_slice %arg12[%mul3A_0, %dma_start3A_8] : memref<10112x128xf32, #tpu.memory_space<vmem_shared>> -> memref<632x128xf32, #tpu.memory_space<vmem_shared>>
    %dma_start3A_10 = arith.constant 0 : i32
    %dma_start3A_11 = tpu.memref_slice %arg5[%mul3A_0, %dma_start3A_10] : memref<10112x128xf32, #tpu.memory_space<hbm>> -> memref<632x128xf32, #tpu.memory_space<hbm>>
    tpu.enqueue_dma source(%dma_start3A_11 : memref<632x128xf32, #tpu.memory_space<hbm>>) target(%dma_start3A_9 : memref<632x128xf32, #tpu.memory_space<vmem_shared>>) target_semaphore(%arg16 : memref<!tpu.dma_semaphore, #tpu.memory_space<semaphore_mem>>)
    %dma_wait3A = tpu.memref_slice %arg3[%add3A_6] : memref<327680xi32, #tpu.memory_space<hbm>> -> memref<5120xi32, #tpu.memory_space<hbm>>
    %dma_wait3A_12 = tpu.memref_slice %arg3[%add3A_6] : memref<327680xi32, #tpu.memory_space<hbm>> -> memref<5120xi32, #tpu.memory_space<hbm>>
    tpu.wait_dma2 semaphore(%arg17 : memref<!tpu.dma_semaphore, #tpu.memory_space<semaphore_mem>>) src(%dma_wait3A_12 : memref<5120xi32, #tpu.memory_space<hbm>>) dst(%arg7 : memref<5120xi32, #tpu.memory_space<vmem>>)
    %dma_wait3A_13 = arith.constant 0 : i32
    %dma_wait3A_14 = tpu.memref_slice %arg12[%mul3A_0, %dma_wait3A_13] : memref<10112x128xf32, #tpu.memory_space<vmem_shared>> -> memref<632x128xf32, #tpu.memory_space<vmem_shared>>
    %dma_wait3A_15 = arith.constant 0 : i32
    %dma_wait3A_16 = tpu.memref_slice %arg5[%mul3A_0, %dma_wait3A_15] : memref<10112x128xf32, #tpu.memory_space<hbm>> -> memref<632x128xf32, #tpu.memory_space<hbm>>
    tpu.wait_dma2 semaphore(%arg16 : memref<!tpu.dma_semaphore, #tpu.memory_space<semaphore_mem>>) src(%dma_wait3A_16 : memref<632x128xf32, #tpu.memory_space<hbm>>) dst(%dma_wait3A_14 : memref<632x128xf32, #tpu.memory_space<vmem_shared>>)
    %barrier3A = arith.constant 0 : index
    tpu.barrier barrier_id(%barrier3A)
    %dma_start3A_17 = arith.constant 0 : i32
    %dma_start3A_18 = tpu.memref_slice %arg7[%dma_start3A_17] : memref<5120xi32, #tpu.memory_space<vmem>> -> memref<80xi32, #tpu.memory_space<vmem>>
    %dma_start3A_19 = arith.constant 0 : i32
    %dma_start3A_20 = arith.constant 0 : i32
    %dma_start3A_21 = tpu.memref_slice %arg2[%dma_start3A_19, %dma_start3A_20] : memref<20000x128xf32, #tpu.memory_space<hbm>> -> memref<20000x128xf32, #tpu.memory_space<hbm>>
    tpu.enqueue_indirect_dma source(%dma_start3A_21 : memref<20000x128xf32, #tpu.memory_space<hbm>>) target(%arg9 : memref<80x128xf32, #tpu.memory_space<vmem>>) offsets(%dma_start3A_18 : memref<80xi32, #tpu.memory_space<vmem>>) semaphore(%arg13 : memref<!tpu.dma_semaphore, #tpu.memory_space<semaphore_mem>>)
    %dma_start3A_22 = arith.constant 80 : i32
    %dma_start3A_23 = tpu.memref_slice %arg7[%dma_start3A_22] : memref<5120xi32, #tpu.memory_space<vmem>> -> memref<80xi32, #tpu.memory_space<vmem>>
    %dma_start3A_24 = arith.constant 0 : i32
    %dma_start3A_25 = arith.constant 0 : i32
    %dma_start3A_26 = tpu.memref_slice %arg2[%dma_start3A_24, %dma_start3A_25] : memref<20000x128xf32, #tpu.memory_space<hbm>> -> memref<20000x128xf32, #tpu.memory_space<hbm>>
    tpu.enqueue_indirect_dma source(%dma_start3A_26 : memref<20000x128xf32, #tpu.memory_space<hbm>>) target(%arg10 : memref<80x128xf32, #tpu.memory_space<vmem>>) offsets(%dma_start3A_23 : memref<80xi32, #tpu.memory_space<vmem>>) semaphore(%arg14 : memref<!tpu.dma_semaphore, #tpu.memory_space<semaphore_mem>>)
    %dma_start3A_27 = arith.constant 160 : i32
    %dma_start3A_28 = tpu.memref_slice %arg7[%dma_start3A_27] : memref<5120xi32, #tpu.memory_space<vmem>> -> memref<80xi32, #tpu.memory_space<vmem>>
    %dma_start3A_29 = arith.constant 0 : i32
    %dma_start3A_30 = arith.constant 0 : i32
    %dma_start3A_31 = tpu.memref_slice %arg2[%dma_start3A_29, %dma_start3A_30] : memref<20000x128xf32, #tpu.memory_space<hbm>> -> memref<20000x128xf32, #tpu.memory_space<hbm>>
    tpu.enqueue_indirect_dma source(%dma_start3A_31 : memref<20000x128xf32, #tpu.memory_space<hbm>>) target(%arg11 : memref<80x128xf32, #tpu.memory_space<vmem>>) offsets(%dma_start3A_28 : memref<80xi32, #tpu.memory_space<vmem>>) semaphore(%arg15 : memref<!tpu.dma_semaphore, #tpu.memory_space<semaphore_mem>>)
    %scan3A = arith.constant 0 : i32
    %scan3A_32 = arith.constant 0 : i32
    %scan3A_33 = arith.constant 20 : i32
    %scan3A_34 = arith.addi %scan3A_32, %scan3A_33 : i32
    %scan3A_35 = arith.constant 1 : i32
    %scan3A_36 = scf.for %scan3A_141 = %scan3A_32 to %scan3A_34 step %scan3A_35 iter_args(%scan3A_142 = %scan3A) -> (i32)  : i32 {
      %mul3A_143 = arith.constant 3 : i32
      %mul3A_144 = arith.muli %mul3A_143, %scan3A_141 : i32
      %add3A_145 = arith.constant 0 : i32
      %add3A_146 = arith.addi %mul3A_144, %add3A_145 : i32
      %mul3A_147 = arith.constant 80 : i32
      %mul3A_148 = arith.muli %add3A_146, %mul3A_147 : i32
      %dma_wait3A_149 = tpu.memref_slice %arg7[%mul3A_148] : memref<5120xi32, #tpu.memory_space<vmem>> -> memref<80xi32, #tpu.memory_space<vmem>>
      %dma_wait3A_150 = arith.constant 0 : i32
      %dma_wait3A_151 = arith.constant 0 : i32
      %dma_wait3A_152 = tpu.memref_slice %arg2[%dma_wait3A_150, %dma_wait3A_151] : memref<20000x128xf32, #tpu.memory_space<hbm>> -> memref<20000x128xf32, #tpu.memory_space<hbm>>
      tpu.wait_indirect_dma semaphore(%arg13 : memref<!tpu.dma_semaphore, #tpu.memory_space<semaphore_mem>>) src(%dma_wait3A_152 : memref<20000x128xf32, #tpu.memory_space<hbm>>) dst(%arg9 : memref<80x128xf32, #tpu.memory_space<vmem>>)
      %add3A_153 = arith.constant 0 : i32
      %add3A_154 = arith.addi %mul3A_144, %add3A_153 : i32
      "tpu.region"() ({
        %run_scoped3A_206 = tpu.sem_alloc : memref<!tpu.dma_semaphore, #tpu.memory_space<semaphore_mem>>
        %dma_start3A_207 = arith.constant 0 : i32
        %dma_start3A_208 = tpu.memref_slice %arg8[%add3A_154, %dma_start3A_207] : memref<64x80xi32, #tpu.memory_space<vmem>> -> memref<1x80xi32, #tpu.memory_space<vmem>>
        %dma_start3A_209 = tpu.memref_squeeze %dma_start3A_208 : memref<1x80xi32, #tpu.memory_space<vmem>> -> memref<80xi32, #tpu.memory_space<vmem>>
        %dma_start3A_210 = arith.constant 0 : i32
        %dma_start3A_211 = arith.constant 0 : i32
        %dma_start3A_212 = tpu.memref_slice %arg12[%dma_start3A_210, %dma_start3A_211] : memref<10112x128xf32, #tpu.memory_space<vmem_shared>> -> memref<10112x128xf32, #tpu.memory_space<vmem_shared>>
        tpu.enqueue_indirect_dma source(%arg9 : memref<80x128xf32, #tpu.memory_space<vmem>>) target(%dma_start3A_212 : memref<10112x128xf32, #tpu.memory_space<vmem_shared>>) offsets(%dma_start3A_209 : memref<80xi32, #tpu.memory_space<vmem>>) semaphore(%run_scoped3A_206 : memref<!tpu.dma_semaphore, #tpu.memory_space<semaphore_mem>>) {add = true}
        %dma_wait3A_213 = arith.constant 0 : i32
        %dma_wait3A_214 = tpu.memref_slice %arg8[%add3A_154, %dma_wait3A_213] : memref<64x80xi32, #tpu.memory_space<vmem>> -> memref<1x80xi32, #tpu.memory_space<vmem>>
        %dma_wait3A_215 = tpu.memref_squeeze %dma_wait3A_214 : memref<1x80xi32, #tpu.memory_space<vmem>> -> memref<80xi32, #tpu.memory_space<vmem>>
        %dma_wait3A_216 = arith.constant 0 : i32
        %dma_wait3A_217 = arith.constant 0 : i32
        %dma_wait3A_218 = tpu.memref_slice %arg12[%dma_wait3A_216, %dma_wait3A_217] : memref<10112x128xf32, #tpu.memory_space<vmem_shared>> -> memref<10112x128xf32, #tpu.memory_space<vmem_shared>>
        tpu.wait_indirect_dma semaphore(%run_scoped3A_206 : memref<!tpu.dma_semaphore, #tpu.memory_space<semaphore_mem>>) src(%arg9 : memref<80x128xf32, #tpu.memory_space<vmem>>) dst(%dma_wait3A_218 : memref<10112x128xf32, #tpu.memory_space<vmem_shared>>)
        tpu.yield
      }) : () -> ()
      %add3A_155 = arith.constant 3 : i32
      %add3A_156 = arith.addi %mul3A_144, %add3A_155 : i32
      %add3A_157 = arith.constant 0 : i32
      %add3A_158 = arith.addi %add3A_156, %add3A_157 : i32
      %mul3A_159 = arith.constant 80 : i32
      %mul3A_160 = arith.muli %add3A_158, %mul3A_159 : i32
      %dma_start3A_161 = tpu.memref_slice %arg7[%mul3A_160] : memref<5120xi32, #tpu.memory_space<vmem>> -> memref<80xi32, #tpu.memory_space<vmem>>
      %dma_start3A_162 = arith.constant 0 : i32
      %dma_start3A_163 = arith.constant 0 : i32
      %dma_start3A_164 = tpu.memref_slice %arg2[%dma_start3A_162, %dma_start3A_163] : memref<20000x128xf32, #tpu.memory_space<hbm>> -> memref<20000x128xf32, #tpu.memory_space<hbm>>
      tpu.enqueue_indirect_dma source(%dma_start3A_164 : memref<20000x128xf32, #tpu.memory_space<hbm>>) target(%arg9 : memref<80x128xf32, #tpu.memory_space<vmem>>) offsets(%dma_start3A_161 : memref<80xi32, #tpu.memory_space<vmem>>) semaphore(%arg13 : memref<!tpu.dma_semaphore, #tpu.memory_space<semaphore_mem>>)
      %add3A_165 = arith.constant 1 : i32
      %add3A_166 = arith.addi %mul3A_144, %add3A_165 : i32
      %mul3A_167 = arith.constant 80 : i32
      %mul3A_168 = arith.muli %add3A_166, %mul3A_167 : i32
      %dma_wait3A_169 = tpu.memref_slice %arg7[%mul3A_168] : memref<5120xi32, #tpu.memory_space<vmem>> -> memref<80xi32, #tpu.memory_space<vmem>>
      %dma_wait3A_170 = arith.constant 0 : i32
      %dma_wait3A_171 = arith.constant 0 : i32
      %dma_wait3A_172 = tpu.memref_slice %arg2[%dma_wait3A_170, %dma_wait3A_171] : memref<20000x128xf32, #tpu.memory_space<hbm>> -> memref<20000x128xf32, #tpu.memory_space<hbm>>
      tpu.wait_indirect_dma semaphore(%arg14 : memref<!tpu.dma_semaphore, #tpu.memory_space<semaphore_mem>>) src(%dma_wait3A_172 : memref<20000x128xf32, #tpu.memory_space<hbm>>) dst(%arg10 : memref<80x128xf32, #tpu.memory_space<vmem>>)
      %add3A_173 = arith.constant 1 : i32
      %add3A_174 = arith.addi %mul3A_144, %add3A_173 : i32
      "tpu.region"() ({
        %run_scoped3A_206 = tpu.sem_alloc : memref<!tpu.dma_semaphore, #tpu.memory_space<semaphore_mem>>
        %dma_start3A_207 = arith.constant 0 : i32
        %dma_start3A_208 = tpu.memref_slice %arg8[%add3A_174, %dma_start3A_207] : memref<64x80xi32, #tpu.memory_space<vmem>> -> memref<1x80xi32, #tpu.memory_space<vmem>>
        %dma_start3A_209 = tpu.memref_squeeze %dma_start3A_208 : memref<1x80xi32, #tpu.memory_space<vmem>> -> memref<80xi32, #tpu.memory_space<vmem>>
        %dma_start3A_210 = arith.constant 0 : i32
        %dma_start3A_211 = arith.constant 0 : i32
        %dma_start3A_212 = tpu.memref_slice %arg12[%dma_start3A_210, %dma_start3A_211] : memref<10112x128xf32, #tpu.memory_space<vmem_shared>> -> memref<10112x128xf32, #tpu.memory_space<vmem_shared>>
        tpu.enqueue_indirect_dma source(%arg10 : memref<80x128xf32, #tpu.memory_space<vmem>>) target(%dma_start3A_212 : memref<10112x128xf32, #tpu.memory_space<vmem_shared>>) offsets(%dma_start3A_209 : memref<80xi32, #tpu.memory_space<vmem>>) semaphore(%run_scoped3A_206 : memref<!tpu.dma_semaphore, #tpu.memory_space<semaphore_mem>>) {add = true}
        %dma_wait3A_213 = arith.constant 0 : i32
        %dma_wait3A_214 = tpu.memref_slice %arg8[%add3A_174, %dma_wait3A_213] : memref<64x80xi32, #tpu.memory_space<vmem>> -> memref<1x80xi32, #tpu.memory_space<vmem>>
        %dma_wait3A_215 = tpu.memref_squeeze %dma_wait3A_214 : memref<1x80xi32, #tpu.memory_space<vmem>> -> memref<80xi32, #tpu.memory_space<vmem>>
        %dma_wait3A_216 = arith.constant 0 : i32
        %dma_wait3A_217 = arith.constant 0 : i32
        %dma_wait3A_218 = tpu.memref_slice %arg12[%dma_wait3A_216, %dma_wait3A_217] : memref<10112x128xf32, #tpu.memory_space<vmem_shared>> -> memref<10112x128xf32, #tpu.memory_space<vmem_shared>>
        tpu.wait_indirect_dma semaphore(%run_scoped3A_206 : memref<!tpu.dma_semaphore, #tpu.memory_space<semaphore_mem>>) src(%arg10 : memref<80x128xf32, #tpu.memory_space<vmem>>) dst(%dma_wait3A_218 : memref<10112x128xf32, #tpu.memory_space<vmem_shared>>)
        tpu.yield
      }) : () -> ()
      %add3A_175 = arith.constant 3 : i32
      %add3A_176 = arith.addi %mul3A_144, %add3A_175 : i32
      %add3A_177 = arith.constant 1 : i32
      %add3A_178 = arith.addi %add3A_176, %add3A_177 : i32
      %mul3A_179 = arith.constant 80 : i32
      %mul3A_180 = arith.muli %add3A_178, %mul3A_179 : i32
      %dma_start3A_181 = tpu.memref_slice %arg7[%mul3A_180] : memref<5120xi32, #tpu.memory_space<vmem>> -> memref<80xi32, #tpu.memory_space<vmem>>
      %dma_start3A_182 = arith.constant 0 : i32
      %dma_start3A_183 = arith.constant 0 : i32
      %dma_start3A_184 = tpu.memref_slice %arg2[%dma_start3A_182, %dma_start3A_183] : memref<20000x128xf32, #tpu.memory_space<hbm>> -> memref<20000x128xf32, #tpu.memory_space<hbm>>
      tpu.enqueue_indirect_dma source(%dma_start3A_184 : memref<20000x128xf32, #tpu.memory_space<hbm>>) target(%arg10 : memref<80x128xf32, #tpu.memory_space<vmem>>) offsets(%dma_start3A_181 : memref<80xi32, #tpu.memory_space<vmem>>) semaphore(%arg14 : memref<!tpu.dma_semaphore, #tpu.memory_space<semaphore_mem>>)
      %add3A_185 = arith.constant 2 : i32
      %add3A_186 = arith.addi %mul3A_144, %add3A_185 : i32
      %mul3A_187 = arith.constant 80 : i32
      %mul3A_188 = arith.muli %add3A_186, %mul3A_187 : i32
      %dma_wait3A_189 = tpu.memref_slice %arg7[%mul3A_188] : memref<5120xi32, #tpu.memory_space<vmem>> -> memref<80xi32, #tpu.memory_space<vmem>>
      %dma_wait3A_190 = arith.constant 0 : i32
      %dma_wait3A_191 = arith.constant 0 : i32
      %dma_wait3A_192 = tpu.memref_slice %arg2[%dma_wait3A_190, %dma_wait3A_191] : memref<20000x128xf32, #tpu.memory_space<hbm>> -> memref<20000x128xf32, #tpu.memory_space<hbm>>
      tpu.wait_indirect_dma semaphore(%arg15 : memref<!tpu.dma_semaphore, #tpu.memory_space<semaphore_mem>>) src(%dma_wait3A_192 : memref<20000x128xf32, #tpu.memory_space<hbm>>) dst(%arg11 : memref<80x128xf32, #tpu.memory_space<vmem>>)
      %add3A_193 = arith.constant 2 : i32
      %add3A_194 = arith.addi %mul3A_144, %add3A_193 : i32
      "tpu.region"() ({
        %run_scoped3A_206 = tpu.sem_alloc : memref<!tpu.dma_semaphore, #tpu.memory_space<semaphore_mem>>
        %dma_start3A_207 = arith.constant 0 : i32
        %dma_start3A_208 = tpu.memref_slice %arg8[%add3A_194, %dma_start3A_207] : memref<64x80xi32, #tpu.memory_space<vmem>> -> memref<1x80xi32, #tpu.memory_space<vmem>>
        %dma_start3A_209 = tpu.memref_squeeze %dma_start3A_208 : memref<1x80xi32, #tpu.memory_space<vmem>> -> memref<80xi32, #tpu.memory_space<vmem>>
        %dma_start3A_210 = arith.constant 0 : i32
        %dma_start3A_211 = arith.constant 0 : i32
        %dma_start3A_212 = tpu.memref_slice %arg12[%dma_start3A_210, %dma_start3A_211] : memref<10112x128xf32, #tpu.memory_space<vmem_shared>> -> memref<10112x128xf32, #tpu.memory_space<vmem_shared>>
        tpu.enqueue_indirect_dma source(%arg11 : memref<80x128xf32, #tpu.memory_space<vmem>>) target(%dma_start3A_212 : memref<10112x128xf32, #tpu.memory_space<vmem_shared>>) offsets(%dma_start3A_209 : memref<80xi32, #tpu.memory_space<vmem>>) semaphore(%run_scoped3A_206 : memref<!tpu.dma_semaphore, #tpu.memory_space<semaphore_mem>>) {add = true}
        %dma_wait3A_213 = arith.constant 0 : i32
        %dma_wait3A_214 = tpu.memref_slice %arg8[%add3A_194, %dma_wait3A_213] : memref<64x80xi32, #tpu.memory_space<vmem>> -> memref<1x80xi32, #tpu.memory_space<vmem>>
        %dma_wait3A_215 = tpu.memref_squeeze %dma_wait3A_214 : memref<1x80xi32, #tpu.memory_space<vmem>> -> memref<80xi32, #tpu.memory_space<vmem>>
        %dma_wait3A_216 = arith.constant 0 : i32
        %dma_wait3A_217 = arith.constant 0 : i32
        %dma_wait3A_218 = tpu.memref_slice %arg12[%dma_wait3A_216, %dma_wait3A_217] : memref<10112x128xf32, #tpu.memory_space<vmem_shared>> -> memref<10112x128xf32, #tpu.memory_space<vmem_shared>>
        tpu.wait_indirect_dma semaphore(%run_scoped3A_206 : memref<!tpu.dma_semaphore, #tpu.memory_space<semaphore_mem>>) src(%arg11 : memref<80x128xf32, #tpu.memory_space<vmem>>) dst(%dma_wait3A_218 : memref<10112x128xf32, #tpu.memory_space<vmem_shared>>)
        tpu.yield
      }) : () -> ()
      %add3A_195 = arith.constant 3 : i32
      %add3A_196 = arith.addi %mul3A_144, %add3A_195 : i32
      %add3A_197 = arith.constant 2 : i32
      %add3A_198 = arith.addi %add3A_196, %add3A_197 : i32
      %mul3A_199 = arith.constant 80 : i32
      %mul3A_200 = arith.muli %add3A_198, %mul3A_199 : i32
      %dma_start3A_201 = tpu.memref_slice %arg7[%mul3A_200] : memref<5120xi32, #tpu.memory_space<vmem>> -> memref<80xi32, #tpu.memory_space<vmem>>
      %dma_start3A_202 = arith.constant 0 : i32
      %dma_start3A_203 = arith.constant 0 : i32
      %dma_start3A_204 = tpu.memref_slice %arg2[%dma_start3A_202, %dma_start3A_203] : memref<20000x128xf32, #tpu.memory_space<hbm>> -> memref<20000x128xf32, #tpu.memory_space<hbm>>
      tpu.enqueue_indirect_dma source(%dma_start3A_204 : memref<20000x128xf32, #tpu.memory_space<hbm>>) target(%arg11 : memref<80x128xf32, #tpu.memory_space<vmem>>) offsets(%dma_start3A_201 : memref<80xi32, #tpu.memory_space<vmem>>) semaphore(%arg15 : memref<!tpu.dma_semaphore, #tpu.memory_space<semaphore_mem>>)
      %scan3A_205 = arith.constant 0 : i32
      scf.yield %scan3A_205 : i32
    }
    %scan3A_37 = arith.constant 20 : i32
    %dma_wait3A_38 = arith.constant 4800 : i32
    %dma_wait3A_39 = tpu.memref_slice %arg7[%dma_wait3A_38] : memref<5120xi32, #tpu.memory_space<vmem>> -> memref<80xi32, #tpu.memory_space<vmem>>
    %dma_wait3A_40 = arith.constant 0 : i32
    %dma_wait3A_41 = arith.constant 0 : i32
    %dma_wait3A_42 = tpu.memref_slice %arg2[%dma_wait3A_40, %dma_wait3A_41] : memref<20000x128xf32, #tpu.memory_space<hbm>> -> memref<20000x128xf32, #tpu.memory_space<hbm>>
    tpu.wait_indirect_dma semaphore(%arg13 : memref<!tpu.dma_semaphore, #tpu.memory_space<semaphore_mem>>) src(%dma_wait3A_42 : memref<20000x128xf32, #tpu.memory_space<hbm>>) dst(%arg9 : memref<80x128xf32, #tpu.memory_space<vmem>>)
    %run_scoped3A_43 = arith.constant 60 : i32
    "tpu.region"() ({
      %run_scoped3A_141 = tpu.sem_alloc : memref<!tpu.dma_semaphore, #tpu.memory_space<semaphore_mem>>
      %dma_start3A_142 = arith.constant 0 : i32
      %dma_start3A_143 = tpu.memref_slice %arg8[%run_scoped3A_43, %dma_start3A_142] : memref<64x80xi32, #tpu.memory_space<vmem>> -> memref<1x80xi32, #tpu.memory_space<vmem>>
      %dma_start3A_144 = tpu.memref_squeeze %dma_start3A_143 : memref<1x80xi32, #tpu.memory_space<vmem>> -> memref<80xi32, #tpu.memory_space<vmem>>
      %dma_start3A_145 = arith.constant 0 : i32
      %dma_start3A_146 = arith.constant 0 : i32
      %dma_start3A_147 = tpu.memref_slice %arg12[%dma_start3A_145, %dma_start3A_146] : memref<10112x128xf32, #tpu.memory_space<vmem_shared>> -> memref<10112x128xf32, #tpu.memory_space<vmem_shared>>
      tpu.enqueue_indirect_dma source(%arg9 : memref<80x128xf32, #tpu.memory_space<vmem>>) target(%dma_start3A_147 : memref<10112x128xf32, #tpu.memory_space<vmem_shared>>) offsets(%dma_start3A_144 : memref<80xi32, #tpu.memory_space<vmem>>) semaphore(%run_scoped3A_141 : memref<!tpu.dma_semaphore, #tpu.memory_space<semaphore_mem>>) {add = true}
      %dma_wait3A_148 = arith.constant 0 : i32
      %dma_wait3A_149 = tpu.memref_slice %arg8[%run_scoped3A_43, %dma_wait3A_148] : memref<64x80xi32, #tpu.memory_space<vmem>> -> memref<1x80xi32, #tpu.memory_space<vmem>>
      %dma_wait3A_150 = tpu.memref_squeeze %dma_wait3A_149 : memref<1x80xi32, #tpu.memory_space<vmem>> -> memref<80xi32, #tpu.memory_space<vmem>>
      %dma_wait3A_151 = arith.constant 0 : i32
      %dma_wait3A_152 = arith.constant 0 : i32
      %dma_wait3A_153 = tpu.memref_slice %arg12[%dma_wait3A_151, %dma_wait3A_152] : memref<10112x128xf32, #tpu.memory_space<vmem_shared>> -> memref<10112x128xf32, #tpu.memory_space<vmem_shared>>
      tpu.wait_indirect_dma semaphore(%run_scoped3A_141 : memref<!tpu.dma_semaphore, #tpu.memory_space<semaphore_mem>>) src(%arg9 : memref<80x128xf32, #tpu.memory_space<vmem>>) dst(%dma_wait3A_153 : memref<10112x128xf32, #tpu.memory_space<vmem_shared>>)
      tpu.yield
    }) : () -> ()
    %dma_start3A_44 = arith.constant 5040 : i32
    %dma_start3A_45 = tpu.memref_slice %arg7[%dma_start3A_44] : memref<5120xi32, #tpu.memory_space<vmem>> -> memref<80xi32, #tpu.memory_space<vmem>>
    %dma_start3A_46 = arith.constant 0 : i32
    %dma_start3A_47 = arith.constant 0 : i32
    %dma_start3A_48 = tpu.memref_slice %arg2[%dma_start3A_46, %dma_start3A_47] : memref<20000x128xf32, #tpu.memory_space<hbm>> -> memref<20000x128xf32, #tpu.memory_space<hbm>>
    tpu.enqueue_indirect_dma source(%dma_start3A_48 : memref<20000x128xf32, #tpu.memory_space<hbm>>) target(%arg9 : memref<80x128xf32, #tpu.memory_space<vmem>>) offsets(%dma_start3A_45 : memref<80xi32, #tpu.memory_space<vmem>>) semaphore(%arg13 : memref<!tpu.dma_semaphore, #tpu.memory_space<semaphore_mem>>)
    %dma_wait3A_49 = arith.constant 4880 : i32
    %dma_wait3A_50 = tpu.memref_slice %arg7[%dma_wait3A_49] : memref<5120xi32, #tpu.memory_space<vmem>> -> memref<80xi32, #tpu.memory_space<vmem>>
    %dma_wait3A_51 = arith.constant 0 : i32
    %dma_wait3A_52 = arith.constant 0 : i32
    %dma_wait3A_53 = tpu.memref_slice %arg2[%dma_wait3A_51, %dma_wait3A_52] : memref<20000x128xf32, #tpu.memory_space<hbm>> -> memref<20000x128xf32, #tpu.memory_space<hbm>>
    tpu.wait_indirect_dma semaphore(%arg14 : memref<!tpu.dma_semaphore, #tpu.memory_space<semaphore_mem>>) src(%dma_wait3A_53 : memref<20000x128xf32, #tpu.memory_space<hbm>>) dst(%arg10 : memref<80x128xf32, #tpu.memory_space<vmem>>)
    %run_scoped3A_54 = arith.constant 61 : i32
    "tpu.region"() ({
      %run_scoped3A_141 = tpu.sem_alloc : memref<!tpu.dma_semaphore, #tpu.memory_space<semaphore_mem>>
      %dma_start3A_142 = arith.constant 0 : i32
      %dma_start3A_143 = tpu.memref_slice %arg8[%run_scoped3A_54, %dma_start3A_142] : memref<64x80xi32, #tpu.memory_space<vmem>> -> memref<1x80xi32, #tpu.memory_space<vmem>>
      %dma_start3A_144 = tpu.memref_squeeze %dma_start3A_143 : memref<1x80xi32, #tpu.memory_space<vmem>> -> memref<80xi32, #tpu.memory_space<vmem>>
      %dma_start3A_145 = arith.constant 0 : i32
      %dma_start3A_146 = arith.constant 0 : i32
      %dma_start3A_147 = tpu.memref_slice %arg12[%dma_start3A_145, %dma_start3A_146] : memref<10112x128xf32, #tpu.memory_space<vmem_shared>> -> memref<10112x128xf32, #tpu.memory_space<vmem_shared>>
      tpu.enqueue_indirect_dma source(%arg10 : memref<80x128xf32, #tpu.memory_space<vmem>>) target(%dma_start3A_147 : memref<10112x128xf32, #tpu.memory_space<vmem_shared>>) offsets(%dma_start3A_144 : memref<80xi32, #tpu.memory_space<vmem>>) semaphore(%run_scoped3A_141 : memref<!tpu.dma_semaphore, #tpu.memory_space<semaphore_mem>>) {add = true}
      %dma_wait3A_148 = arith.constant 0 : i32
      %dma_wait3A_149 = tpu.memref_slice %arg8[%run_scoped3A_54, %dma_wait3A_148] : memref<64x80xi32, #tpu.memory_space<vmem>> -> memref<1x80xi32, #tpu.memory_space<vmem>>
      %dma_wait3A_150 = tpu.memref_squeeze %dma_wait3A_149 : memref<1x80xi32, #tpu.memory_space<vmem>> -> memref<80xi32, #tpu.memory_space<vmem>>
      %dma_wait3A_151 = arith.constant 0 : i32
      %dma_wait3A_152 = arith.constant 0 : i32
      %dma_wait3A_153 = tpu.memref_slice %arg12[%dma_wait3A_151, %dma_wait3A_152] : memref<10112x128xf32, #tpu.memory_space<vmem_shared>> -> memref<10112x128xf32, #tpu.memory_space<vmem_shared>>
      tpu.wait_indirect_dma semaphore(%run_scoped3A_141 : memref<!tpu.dma_semaphore, #tpu.memory_space<semaphore_mem>>) src(%arg10 : memref<80x128xf32, #tpu.memory_space<vmem>>) dst(%dma_wait3A_153 : memref<10112x128xf32, #tpu.memory_space<vmem_shared>>)
      tpu.yield
    }) : () -> ()
    %dma_wait3A_55 = arith.constant 4960 : i32
    %dma_wait3A_56 = tpu.memref_slice %arg7[%dma_wait3A_55] : memref<5120xi32, #tpu.memory_space<vmem>> -> memref<80xi32, #tpu.memory_space<vmem>>
    %dma_wait3A_57 = arith.constant 0 : i32
    %dma_wait3A_58 = arith.constant 0 : i32
    %dma_wait3A_59 = tpu.memref_slice %arg2[%dma_wait3A_57, %dma_wait3A_58] : memref<20000x128xf32, #tpu.memory_space<hbm>> -> memref<20000x128xf32, #tpu.memory_space<hbm>>
    tpu.wait_indirect_dma semaphore(%arg15 : memref<!tpu.dma_semaphore, #tpu.memory_space<semaphore_mem>>) src(%dma_wait3A_59 : memref<20000x128xf32, #tpu.memory_space<hbm>>) dst(%arg11 : memref<80x128xf32, #tpu.memory_space<vmem>>)
    %run_scoped3A_60 = arith.constant 62 : i32
    "tpu.region"() ({
      %run_scoped3A_141 = tpu.sem_alloc : memref<!tpu.dma_semaphore, #tpu.memory_space<semaphore_mem>>
      %dma_start3A_142 = arith.constant 0 : i32
      %dma_start3A_143 = tpu.memref_slice %arg8[%run_scoped3A_60, %dma_start3A_142] : memref<64x80xi32, #tpu.memory_space<vmem>> -> memref<1x80xi32, #tpu.memory_space<vmem>>
      %dma_start3A_144 = tpu.memref_squeeze %dma_start3A_143 : memref<1x80xi32, #tpu.memory_space<vmem>> -> memref<80xi32, #tpu.memory_space<vmem>>
      %dma_start3A_145 = arith.constant 0 : i32
      %dma_start3A_146 = arith.constant 0 : i32
      %dma_start3A_147 = tpu.memref_slice %arg12[%dma_start3A_145, %dma_start3A_146] : memref<10112x128xf32, #tpu.memory_space<vmem_shared>> -> memref<10112x128xf32, #tpu.memory_space<vmem_shared>>
      tpu.enqueue_indirect_dma source(%arg11 : memref<80x128xf32, #tpu.memory_space<vmem>>) target(%dma_start3A_147 : memref<10112x128xf32, #tpu.memory_space<vmem_shared>>) offsets(%dma_start3A_144 : memref<80xi32, #tpu.memory_space<vmem>>) semaphore(%run_scoped3A_141 : memref<!tpu.dma_semaphore, #tpu.memory_space<semaphore_mem>>) {add = true}
      %dma_wait3A_148 = arith.constant 0 : i32
      %dma_wait3A_149 = tpu.memref_slice %arg8[%run_scoped3A_60, %dma_wait3A_148] : memref<64x80xi32, #tpu.memory_space<vmem>> -> memref<1x80xi32, #tpu.memory_space<vmem>>
      %dma_wait3A_150 = tpu.memref_squeeze %dma_wait3A_149 : memref<1x80xi32, #tpu.memory_space<vmem>> -> memref<80xi32, #tpu.memory_space<vmem>>
      %dma_wait3A_151 = arith.constant 0 : i32
      %dma_wait3A_152 = arith.constant 0 : i32
      %dma_wait3A_153 = tpu.memref_slice %arg12[%dma_wait3A_151, %dma_wait3A_152] : memref<10112x128xf32, #tpu.memory_space<vmem_shared>> -> memref<10112x128xf32, #tpu.memory_space<vmem_shared>>
      tpu.wait_indirect_dma semaphore(%run_scoped3A_141 : memref<!tpu.dma_semaphore, #tpu.memory_space<semaphore_mem>>) src(%arg11 : memref<80x128xf32, #tpu.memory_space<vmem>>) dst(%dma_wait3A_153 : memref<10112x128xf32, #tpu.memory_space<vmem_shared>>)
      tpu.yield
    }) : () -> ()
    %dma_wait3A_61 = arith.constant 5040 : i32
    %dma_wait3A_62 = tpu.memref_slice %arg7[%dma_wait3A_61] : memref<5120xi32, #tpu.memory_space<vmem>> -> memref<80xi32, #tpu.memory_space<vmem>>
    %dma_wait3A_63 = arith.constant 0 : i32
    %dma_wait3A_64 = arith.constant 0 : i32
    %dma_wait3A_65 = tpu.memref_slice %arg2[%dma_wait3A_63, %dma_wait3A_64] : memref<20000x128xf32, #tpu.memory_space<hbm>> -> memref<20000x128xf32, #tpu.memory_space<hbm>>
    tpu.wait_indirect_dma semaphore(%arg13 : memref<!tpu.dma_semaphore, #tpu.memory_space<semaphore_mem>>) src(%dma_wait3A_65 : memref<20000x128xf32, #tpu.memory_space<hbm>>) dst(%arg9 : memref<80x128xf32, #tpu.memory_space<vmem>>)
    %run_scoped3A_66 = arith.constant 63 : i32
    "tpu.region"() ({
      %run_scoped3A_141 = tpu.sem_alloc : memref<!tpu.dma_semaphore, #tpu.memory_space<semaphore_mem>>
      %dma_start3A_142 = arith.constant 0 : i32
      %dma_start3A_143 = tpu.memref_slice %arg8[%run_scoped3A_66, %dma_start3A_142] : memref<64x80xi32, #tpu.memory_space<vmem>> -> memref<1x80xi32, #tpu.memory_space<vmem>>
      %dma_start3A_144 = tpu.memref_squeeze %dma_start3A_143 : memref<1x80xi32, #tpu.memory_space<vmem>> -> memref<80xi32, #tpu.memory_space<vmem>>
      %dma_start3A_145 = arith.constant 0 : i32
      %dma_start3A_146 = arith.constant 0 : i32
      %dma_start3A_147 = tpu.memref_slice %arg12[%dma_start3A_145, %dma_start3A_146] : memref<10112x128xf32, #tpu.memory_space<vmem_shared>> -> memref<10112x128xf32, #tpu.memory_space<vmem_shared>>
      tpu.enqueue_indirect_dma source(%arg9 : memref<80x128xf32, #tpu.memory_space<vmem>>) target(%dma_start3A_147 : memref<10112x128xf32, #tpu.memory_space<vmem_shared>>) offsets(%dma_start3A_144 : memref<80xi32, #tpu.memory_space<vmem>>) semaphore(%run_scoped3A_141 : memref<!tpu.dma_semaphore, #tpu.memory_space<semaphore_mem>>) {add = true}
      %dma_wait3A_148 = arith.constant 0 : i32
      %dma_wait3A_149 = tpu.memref_slice %arg8[%run_scoped3A_66, %dma_wait3A_148] : memref<64x80xi32, #tpu.memory_space<vmem>> -> memref<1x80xi32, #tpu.memory_space<vmem>>
      %dma_wait3A_150 = tpu.memref_squeeze %dma_wait3A_149 : memref<1x80xi32, #tpu.memory_space<vmem>> -> memref<80xi32, #tpu.memory_space<vmem>>
      %dma_wait3A_151 = arith.constant 0 : i32
      %dma_wait3A_152 = arith.constant 0 : i32
      %dma_wait3A_153 = tpu.memref_slice %arg12[%dma_wait3A_151, %dma_wait3A_152] : memref<10112x128xf32, #tpu.memory_space<vmem_shared>> -> memref<10112x128xf32, #tpu.memory_space<vmem_shared>>
      tpu.wait_indirect_dma semaphore(%run_scoped3A_141 : memref<!tpu.dma_semaphore, #tpu.memory_space<semaphore_mem>>) src(%arg9 : memref<80x128xf32, #tpu.memory_space<vmem>>) dst(%dma_wait3A_153 : memref<10112x128xf32, #tpu.memory_space<vmem_shared>>)
      tpu.yield
    }) : () -> ()
    %add3A_67 = arith.constant 0 : i32
    %add3A_68 = arith.addi %add3A_67, %arg0 : i32
    %mul3A_69 = arith.constant 163840 : i32
    %mul3A_70 = arith.muli %add3A_68, %mul3A_69 : i32
    %mul3A_71 = arith.constant 10240 : i32
    %mul3A_72 = arith.muli %arg1, %mul3A_71 : i32
    %add3A_73 = arith.addi %mul3A_70, %mul3A_72 : i32
    %add3A_74 = arith.constant 5120 : i32
    %add3A_75 = arith.addi %add3A_73, %add3A_74 : i32
    "tpu.region"() ({
      %run_scoped3A_141 = tpu.sem_alloc : memref<!tpu.dma_semaphore, #tpu.memory_space<semaphore_mem>>
      %dma_start3A_142 = tpu.memref_slice %arg3[%add3A_75] : memref<327680xi32, #tpu.memory_space<hbm>> -> memref<5120xi32, #tpu.memory_space<hbm>>
      %dma_start3A_143 = tpu.memref_slice %arg3[%add3A_75] : memref<327680xi32, #tpu.memory_space<hbm>> -> memref<5120xi32, #tpu.memory_space<hbm>>
      tpu.enqueue_dma source(%dma_start3A_143 : memref<5120xi32, #tpu.memory_space<hbm>>) target(%arg7 : memref<5120xi32, #tpu.memory_space<vmem>>) target_semaphore(%run_scoped3A_141 : memref<!tpu.dma_semaphore, #tpu.memory_space<semaphore_mem>>)
      %dma_wait3A_144 = tpu.memref_slice %arg3[%add3A_75] : memref<327680xi32, #tpu.memory_space<hbm>> -> memref<5120xi32, #tpu.memory_space<hbm>>
      %dma_wait3A_145 = tpu.memref_slice %arg3[%add3A_75] : memref<327680xi32, #tpu.memory_space<hbm>> -> memref<5120xi32, #tpu.memory_space<hbm>>
      tpu.wait_dma2 semaphore(%run_scoped3A_141 : memref<!tpu.dma_semaphore, #tpu.memory_space<semaphore_mem>>) src(%dma_wait3A_145 : memref<5120xi32, #tpu.memory_space<hbm>>) dst(%arg7 : memref<5120xi32, #tpu.memory_space<vmem>>)
      tpu.yield
    }) : () -> ()
    %run_scoped3A_76 = arith.constant 1 : i32
    "tpu.region"() ({
      %run_scoped3A_141 = tpu.sem_alloc : memref<!tpu.dma_semaphore, #tpu.memory_space<semaphore_mem>>
      %dma_start3A_142 = arith.constant 64 : i32
      %dma_start3A_143 = arith.constant 0 : i32
      %dma_start3A_144 = tpu.memref_slice %arg4[%run_scoped3A_76, %arg1, %dma_start3A_142, %dma_start3A_143] : memref<2x16x128x80xi32, #tpu.memory_space<hbm>> -> memref<1x1x64x80xi32, #tpu.memory_space<hbm>>
      %dma_start3A_145 = tpu.memref_squeeze %dma_start3A_144 : memref<1x1x64x80xi32, #tpu.memory_space<hbm>> -> memref<64x80xi32, #tpu.memory_space<hbm>>
      %dma_start3A_146 = arith.constant 64 : i32
      %dma_start3A_147 = arith.constant 0 : i32
      %dma_start3A_148 = tpu.memref_slice %arg4[%run_scoped3A_76, %arg1, %dma_start3A_146, %dma_start3A_147] : memref<2x16x128x80xi32, #tpu.memory_space<hbm>> -> memref<1x1x64x80xi32, #tpu.memory_space<hbm>>
      %dma_start3A_149 = tpu.memref_squeeze %dma_start3A_148 : memref<1x1x64x80xi32, #tpu.memory_space<hbm>> -> memref<64x80xi32, #tpu.memory_space<hbm>>
      tpu.enqueue_dma source(%dma_start3A_149 : memref<64x80xi32, #tpu.memory_space<hbm>>) target(%arg8 : memref<64x80xi32, #tpu.memory_space<vmem>>) target_semaphore(%run_scoped3A_141 : memref<!tpu.dma_semaphore, #tpu.memory_space<semaphore_mem>>)
      %dma_wait3A_150 = arith.constant 64 : i32
      %dma_wait3A_151 = arith.constant 0 : i32
      %dma_wait3A_152 = tpu.memref_slice %arg4[%run_scoped3A_76, %arg1, %dma_wait3A_150, %dma_wait3A_151] : memref<2x16x128x80xi32, #tpu.memory_space<hbm>> -> memref<1x1x64x80xi32, #tpu.memory_space<hbm>>
      %dma_wait3A_153 = tpu.memref_squeeze %dma_wait3A_152 : memref<1x1x64x80xi32, #tpu.memory_space<hbm>> -> memref<64x80xi32, #tpu.memory_space<hbm>>
      %dma_wait3A_154 = arith.constant 64 : i32
      %dma_wait3A_155 = arith.constant 0 : i32
      %dma_wait3A_156 = tpu.memref_slice %arg4[%run_scoped3A_76, %arg1, %dma_wait3A_154, %dma_wait3A_155] : memref<2x16x128x80xi32, #tpu.memory_space<hbm>> -> memref<1x1x64x80xi32, #tpu.memory_space<hbm>>
      %dma_wait3A_157 = tpu.memref_squeeze %dma_wait3A_156 : memref<1x1x64x80xi32, #tpu.memory_space<hbm>> -> memref<64x80xi32, #tpu.memory_space<hbm>>
      tpu.wait_dma2 semaphore(%run_scoped3A_141 : memref<!tpu.dma_semaphore, #tpu.memory_space<semaphore_mem>>) src(%dma_wait3A_157 : memref<64x80xi32, #tpu.memory_space<hbm>>) dst(%arg8 : memref<64x80xi32, #tpu.memory_space<vmem>>)
      tpu.yield
    }) : () -> ()
    %dma_start3A_77 = arith.constant 0 : i32
    %dma_start3A_78 = tpu.memref_slice %arg7[%dma_start3A_77] : memref<5120xi32, #tpu.memory_space<vmem>> -> memref<80xi32, #tpu.memory_space<vmem>>
    %dma_start3A_79 = arith.constant 0 : i32
    %dma_start3A_80 = arith.constant 0 : i32
    %dma_start3A_81 = tpu.memref_slice %arg2[%dma_start3A_79, %dma_start3A_80] : memref<20000x128xf32, #tpu.memory_space<hbm>> -> memref<20000x128xf32, #tpu.memory_space<hbm>>
    tpu.enqueue_indirect_dma source(%dma_start3A_81 : memref<20000x128xf32, #tpu.memory_space<hbm>>) target(%arg9 : memref<80x128xf32, #tpu.memory_space<vmem>>) offsets(%dma_start3A_78 : memref<80xi32, #tpu.memory_space<vmem>>) semaphore(%arg13 : memref<!tpu.dma_semaphore, #tpu.memory_space<semaphore_mem>>)
    %dma_start3A_82 = arith.constant 80 : i32
    %dma_start3A_83 = tpu.memref_slice %arg7[%dma_start3A_82] : memref<5120xi32, #tpu.memory_space<vmem>> -> memref<80xi32, #tpu.memory_space<vmem>>
    %dma_start3A_84 = arith.constant 0 : i32
    %dma_start3A_85 = arith.constant 0 : i32
    %dma_start3A_86 = tpu.memref_slice %arg2[%dma_start3A_84, %dma_start3A_85] : memref<20000x128xf32, #tpu.memory_space<hbm>> -> memref<20000x128xf32, #tpu.memory_space<hbm>>
    tpu.enqueue_indirect_dma source(%dma_start3A_86 : memref<20000x128xf32, #tpu.memory_space<hbm>>) target(%arg10 : memref<80x128xf32, #tpu.memory_space<vmem>>) offsets(%dma_start3A_83 : memref<80xi32, #tpu.memory_space<vmem>>) semaphore(%arg14 : memref<!tpu.dma_semaphore, #tpu.memory_space<semaphore_mem>>)
    %dma_start3A_87 = arith.constant 160 : i32
    %dma_start3A_88 = tpu.memref_slice %arg7[%dma_start3A_87] : memref<5120xi32, #tpu.memory_space<vmem>> -> memref<80xi32, #tpu.memory_space<vmem>>
    %dma_start3A_89 = arith.constant 0 : i32
    %dma_start3A_90 = arith.constant 0 : i32
    %dma_start3A_91 = tpu.memref_slice %arg2[%dma_start3A_89, %dma_start3A_90] : memref<20000x128xf32, #tpu.memory_space<hbm>> -> memref<20000x128xf32, #tpu.memory_space<hbm>>
    tpu.enqueue_indirect_dma source(%dma_start3A_91 : memref<20000x128xf32, #tpu.memory_space<hbm>>) target(%arg11 : memref<80x128xf32, #tpu.memory_space<vmem>>) offsets(%dma_start3A_88 : memref<80xi32, #tpu.memory_space<vmem>>) semaphore(%arg15 : memref<!tpu.dma_semaphore, #tpu.memory_space<semaphore_mem>>)
    %scan3A_92 = arith.constant 0 : i32
    %scan3A_93 = arith.constant 0 : i32
    %scan3A_94 = arith.constant 20 : i32
    %scan3A_95 = arith.addi %scan3A_93, %scan3A_94 : i32
    %scan3A_96 = arith.constant 1 : i32
    %scan3A_97 = scf.for %scan3A_141 = %scan3A_93 to %scan3A_95 step %scan3A_96 iter_args(%scan3A_142 = %scan3A_92) -> (i32)  : i32 {
      %mul3A_143 = arith.constant 3 : i32
      %mul3A_144 = arith.muli %mul3A_143, %scan3A_141 : i32
      %add3A_145 = arith.constant 0 : i32
      %add3A_146 = arith.addi %mul3A_144, %add3A_145 : i32
      %mul3A_147 = arith.constant 80 : i32
      %mul3A_148 = arith.muli %add3A_146, %mul3A_147 : i32
      %dma_wait3A_149 = tpu.memref_slice %arg7[%mul3A_148] : memref<5120xi32, #tpu.memory_space<vmem>> -> memref<80xi32, #tpu.memory_space<vmem>>
      %dma_wait3A_150 = arith.constant 0 : i32
      %dma_wait3A_151 = arith.constant 0 : i32
      %dma_wait3A_152 = tpu.memref_slice %arg2[%dma_wait3A_150, %dma_wait3A_151] : memref<20000x128xf32, #tpu.memory_space<hbm>> -> memref<20000x128xf32, #tpu.memory_space<hbm>>
      tpu.wait_indirect_dma semaphore(%arg13 : memref<!tpu.dma_semaphore, #tpu.memory_space<semaphore_mem>>) src(%dma_wait3A_152 : memref<20000x128xf32, #tpu.memory_space<hbm>>) dst(%arg9 : memref<80x128xf32, #tpu.memory_space<vmem>>)
      %add3A_153 = arith.constant 0 : i32
      %add3A_154 = arith.addi %mul3A_144, %add3A_153 : i32
      "tpu.region"() ({
        %run_scoped3A_206 = tpu.sem_alloc : memref<!tpu.dma_semaphore, #tpu.memory_space<semaphore_mem>>
        %dma_start3A_207 = arith.constant 0 : i32
        %dma_start3A_208 = tpu.memref_slice %arg8[%add3A_154, %dma_start3A_207] : memref<64x80xi32, #tpu.memory_space<vmem>> -> memref<1x80xi32, #tpu.memory_space<vmem>>
        %dma_start3A_209 = tpu.memref_squeeze %dma_start3A_208 : memref<1x80xi32, #tpu.memory_space<vmem>> -> memref<80xi32, #tpu.memory_space<vmem>>
        %dma_start3A_210 = arith.constant 0 : i32
        %dma_start3A_211 = arith.constant 0 : i32
        %dma_start3A_212 = tpu.memref_slice %arg12[%dma_start3A_210, %dma_start3A_211] : memref<10112x128xf32, #tpu.memory_space<vmem_shared>> -> memref<10112x128xf32, #tpu.memory_space<vmem_shared>>
        tpu.enqueue_indirect_dma source(%arg9 : memref<80x128xf32, #tpu.memory_space<vmem>>) target(%dma_start3A_212 : memref<10112x128xf32, #tpu.memory_space<vmem_shared>>) offsets(%dma_start3A_209 : memref<80xi32, #tpu.memory_space<vmem>>) semaphore(%run_scoped3A_206 : memref<!tpu.dma_semaphore, #tpu.memory_space<semaphore_mem>>) {add = true}
        %dma_wait3A_213 = arith.constant 0 : i32
        %dma_wait3A_214 = tpu.memref_slice %arg8[%add3A_154, %dma_wait3A_213] : memref<64x80xi32, #tpu.memory_space<vmem>> -> memref<1x80xi32, #tpu.memory_space<vmem>>
        %dma_wait3A_215 = tpu.memref_squeeze %dma_wait3A_214 : memref<1x80xi32, #tpu.memory_space<vmem>> -> memref<80xi32, #tpu.memory_space<vmem>>
        %dma_wait3A_216 = arith.constant 0 : i32
        %dma_wait3A_217 = arith.constant 0 : i32
        %dma_wait3A_218 = tpu.memref_slice %arg12[%dma_wait3A_216, %dma_wait3A_217] : memref<10112x128xf32, #tpu.memory_space<vmem_shared>> -> memref<10112x128xf32, #tpu.memory_space<vmem_shared>>
        tpu.wait_indirect_dma semaphore(%run_scoped3A_206 : memref<!tpu.dma_semaphore, #tpu.memory_space<semaphore_mem>>) src(%arg9 : memref<80x128xf32, #tpu.memory_space<vmem>>) dst(%dma_wait3A_218 : memref<10112x128xf32, #tpu.memory_space<vmem_shared>>)
        tpu.yield
      }) : () -> ()
      %add3A_155 = arith.constant 3 : i32
      %add3A_156 = arith.addi %mul3A_144, %add3A_155 : i32
      %add3A_157 = arith.constant 0 : i32
      %add3A_158 = arith.addi %add3A_156, %add3A_157 : i32
      %mul3A_159 = arith.constant 80 : i32
      %mul3A_160 = arith.muli %add3A_158, %mul3A_159 : i32
      %dma_start3A_161 = tpu.memref_slice %arg7[%mul3A_160] : memref<5120xi32, #tpu.memory_space<vmem>> -> memref<80xi32, #tpu.memory_space<vmem>>
      %dma_start3A_162 = arith.constant 0 : i32
      %dma_start3A_163 = arith.constant 0 : i32
      %dma_start3A_164 = tpu.memref_slice %arg2[%dma_start3A_162, %dma_start3A_163] : memref<20000x128xf32, #tpu.memory_space<hbm>> -> memref<20000x128xf32, #tpu.memory_space<hbm>>
      tpu.enqueue_indirect_dma source(%dma_start3A_164 : memref<20000x128xf32, #tpu.memory_space<hbm>>) target(%arg9 : memref<80x128xf32, #tpu.memory_space<vmem>>) offsets(%dma_start3A_161 : memref<80xi32, #tpu.memory_space<vmem>>) semaphore(%arg13 : memref<!tpu.dma_semaphore, #tpu.memory_space<semaphore_mem>>)
      %add3A_165 = arith.constant 1 : i32
      %add3A_166 = arith.addi %mul3A_144, %add3A_165 : i32
      %mul3A_167 = arith.constant 80 : i32
      %mul3A_168 = arith.muli %add3A_166, %mul3A_167 : i32
      %dma_wait3A_169 = tpu.memref_slice %arg7[%mul3A_168] : memref<5120xi32, #tpu.memory_space<vmem>> -> memref<80xi32, #tpu.memory_space<vmem>>
      %dma_wait3A_170 = arith.constant 0 : i32
      %dma_wait3A_171 = arith.constant 0 : i32
      %dma_wait3A_172 = tpu.memref_slice %arg2[%dma_wait3A_170, %dma_wait3A_171] : memref<20000x128xf32, #tpu.memory_space<hbm>> -> memref<20000x128xf32, #tpu.memory_space<hbm>>
      tpu.wait_indirect_dma semaphore(%arg14 : memref<!tpu.dma_semaphore, #tpu.memory_space<semaphore_mem>>) src(%dma_wait3A_172 : memref<20000x128xf32, #tpu.memory_space<hbm>>) dst(%arg10 : memref<80x128xf32, #tpu.memory_space<vmem>>)
      %add3A_173 = arith.constant 1 : i32
      %add3A_174 = arith.addi %mul3A_144, %add3A_173 : i32
      "tpu.region"() ({
        %run_scoped3A_206 = tpu.sem_alloc : memref<!tpu.dma_semaphore, #tpu.memory_space<semaphore_mem>>
        %dma_start3A_207 = arith.constant 0 : i32
        %dma_start3A_208 = tpu.memref_slice %arg8[%add3A_174, %dma_start3A_207] : memref<64x80xi32, #tpu.memory_space<vmem>> -> memref<1x80xi32, #tpu.memory_space<vmem>>
        %dma_start3A_209 = tpu.memref_squeeze %dma_start3A_208 : memref<1x80xi32, #tpu.memory_space<vmem>> -> memref<80xi32, #tpu.memory_space<vmem>>
        %dma_start3A_210 = arith.constant 0 : i32
        %dma_start3A_211 = arith.constant 0 : i32
        %dma_start3A_212 = tpu.memref_slice %arg12[%dma_start3A_210, %dma_start3A_211] : memref<10112x128xf32, #tpu.memory_space<vmem_shared>> -> memref<10112x128xf32, #tpu.memory_space<vmem_shared>>
        tpu.enqueue_indirect_dma source(%arg10 : memref<80x128xf32, #tpu.memory_space<vmem>>) target(%dma_start3A_212 : memref<10112x128xf32, #tpu.memory_space<vmem_shared>>) offsets(%dma_start3A_209 : memref<80xi32, #tpu.memory_space<vmem>>) semaphore(%run_scoped3A_206 : memref<!tpu.dma_semaphore, #tpu.memory_space<semaphore_mem>>) {add = true}
        %dma_wait3A_213 = arith.constant 0 : i32
        %dma_wait3A_214 = tpu.memref_slice %arg8[%add3A_174, %dma_wait3A_213] : memref<64x80xi32, #tpu.memory_space<vmem>> -> memref<1x80xi32, #tpu.memory_space<vmem>>
        %dma_wait3A_215 = tpu.memref_squeeze %dma_wait3A_214 : memref<1x80xi32, #tpu.memory_space<vmem>> -> memref<80xi32, #tpu.memory_space<vmem>>
        %dma_wait3A_216 = arith.constant 0 : i32
        %dma_wait3A_217 = arith.constant 0 : i32
        %dma_wait3A_218 = tpu.memref_slice %arg12[%dma_wait3A_216, %dma_wait3A_217] : memref<10112x128xf32, #tpu.memory_space<vmem_shared>> -> memref<10112x128xf32, #tpu.memory_space<vmem_shared>>
        tpu.wait_indirect_dma semaphore(%run_scoped3A_206 : memref<!tpu.dma_semaphore, #tpu.memory_space<semaphore_mem>>) src(%arg10 : memref<80x128xf32, #tpu.memory_space<vmem>>) dst(%dma_wait3A_218 : memref<10112x128xf32, #tpu.memory_space<vmem_shared>>)
        tpu.yield
      }) : () -> ()
      %add3A_175 = arith.constant 3 : i32
      %add3A_176 = arith.addi %mul3A_144, %add3A_175 : i32
      %add3A_177 = arith.constant 1 : i32
      %add3A_178 = arith.addi %add3A_176, %add3A_177 : i32
      %mul3A_179 = arith.constant 80 : i32
      %mul3A_180 = arith.muli %add3A_178, %mul3A_179 : i32
      %dma_start3A_181 = tpu.memref_slice %arg7[%mul3A_180] : memref<5120xi32, #tpu.memory_space<vmem>> -> memref<80xi32, #tpu.memory_space<vmem>>
      %dma_start3A_182 = arith.constant 0 : i32
      %dma_start3A_183 = arith.constant 0 : i32
      %dma_start3A_184 = tpu.memref_slice %arg2[%dma_start3A_182, %dma_start3A_183] : memref<20000x128xf32, #tpu.memory_space<hbm>> -> memref<20000x128xf32, #tpu.memory_space<hbm>>
      tpu.enqueue_indirect_dma source(%dma_start3A_184 : memref<20000x128xf32, #tpu.memory_space<hbm>>) target(%arg10 : memref<80x128xf32, #tpu.memory_space<vmem>>) offsets(%dma_start3A_181 : memref<80xi32, #tpu.memory_space<vmem>>) semaphore(%arg14 : memref<!tpu.dma_semaphore, #tpu.memory_space<semaphore_mem>>)
      %add3A_185 = arith.constant 2 : i32
      %add3A_186 = arith.addi %mul3A_144, %add3A_185 : i32
      %mul3A_187 = arith.constant 80 : i32
      %mul3A_188 = arith.muli %add3A_186, %mul3A_187 : i32
      %dma_wait3A_189 = tpu.memref_slice %arg7[%mul3A_188] : memref<5120xi32, #tpu.memory_space<vmem>> -> memref<80xi32, #tpu.memory_space<vmem>>
      %dma_wait3A_190 = arith.constant 0 : i32
      %dma_wait3A_191 = arith.constant 0 : i32
      %dma_wait3A_192 = tpu.memref_slice %arg2[%dma_wait3A_190, %dma_wait3A_191] : memref<20000x128xf32, #tpu.memory_space<hbm>> -> memref<20000x128xf32, #tpu.memory_space<hbm>>
      tpu.wait_indirect_dma semaphore(%arg15 : memref<!tpu.dma_semaphore, #tpu.memory_space<semaphore_mem>>) src(%dma_wait3A_192 : memref<20000x128xf32, #tpu.memory_space<hbm>>) dst(%arg11 : memref<80x128xf32, #tpu.memory_space<vmem>>)
      %add3A_193 = arith.constant 2 : i32
      %add3A_194 = arith.addi %mul3A_144, %add3A_193 : i32
      "tpu.region"() ({
        %run_scoped3A_206 = tpu.sem_alloc : memref<!tpu.dma_semaphore, #tpu.memory_space<semaphore_mem>>
        %dma_start3A_207 = arith.constant 0 : i32
        %dma_start3A_208 = tpu.memref_slice %arg8[%add3A_194, %dma_start3A_207] : memref<64x80xi32, #tpu.memory_space<vmem>> -> memref<1x80xi32, #tpu.memory_space<vmem>>
        %dma_start3A_209 = tpu.memref_squeeze %dma_start3A_208 : memref<1x80xi32, #tpu.memory_space<vmem>> -> memref<80xi32, #tpu.memory_space<vmem>>
        %dma_start3A_210 = arith.constant 0 : i32
        %dma_start3A_211 = arith.constant 0 : i32
        %dma_start3A_212 = tpu.memref_slice %arg12[%dma_start3A_210, %dma_start3A_211] : memref<10112x128xf32, #tpu.memory_space<vmem_shared>> -> memref<10112x128xf32, #tpu.memory_space<vmem_shared>>
        tpu.enqueue_indirect_dma source(%arg11 : memref<80x128xf32, #tpu.memory_space<vmem>>) target(%dma_start3A_212 : memref<10112x128xf32, #tpu.memory_space<vmem_shared>>) offsets(%dma_start3A_209 : memref<80xi32, #tpu.memory_space<vmem>>) semaphore(%run_scoped3A_206 : memref<!tpu.dma_semaphore, #tpu.memory_space<semaphore_mem>>) {add = true}
        %dma_wait3A_213 = arith.constant 0 : i32
        %dma_wait3A_214 = tpu.memref_slice %arg8[%add3A_194, %dma_wait3A_213] : memref<64x80xi32, #tpu.memory_space<vmem>> -> memref<1x80xi32, #tpu.memory_space<vmem>>
        %dma_wait3A_215 = tpu.memref_squeeze %dma_wait3A_214 : memref<1x80xi32, #tpu.memory_space<vmem>> -> memref<80xi32, #tpu.memory_space<vmem>>
        %dma_wait3A_216 = arith.constant 0 : i32
        %dma_wait3A_217 = arith.constant 0 : i32
        %dma_wait3A_218 = tpu.memref_slice %arg12[%dma_wait3A_216, %dma_wait3A_217] : memref<10112x128xf32, #tpu.memory_space<vmem_shared>> -> memref<10112x128xf32, #tpu.memory_space<vmem_shared>>
        tpu.wait_indirect_dma semaphore(%run_scoped3A_206 : memref<!tpu.dma_semaphore, #tpu.memory_space<semaphore_mem>>) src(%arg11 : memref<80x128xf32, #tpu.memory_space<vmem>>) dst(%dma_wait3A_218 : memref<10112x128xf32, #tpu.memory_space<vmem_shared>>)
        tpu.yield
      }) : () -> ()
      %add3A_195 = arith.constant 3 : i32
      %add3A_196 = arith.addi %mul3A_144, %add3A_195 : i32
      %add3A_197 = arith.constant 2 : i32
      %add3A_198 = arith.addi %add3A_196, %add3A_197 : i32
      %mul3A_199 = arith.constant 80 : i32
      %mul3A_200 = arith.muli %add3A_198, %mul3A_199 : i32
      %dma_start3A_201 = tpu.memref_slice %arg7[%mul3A_200] : memref<5120xi32, #tpu.memory_space<vmem>> -> memref<80xi32, #tpu.memory_space<vmem>>
      %dma_start3A_202 = arith.constant 0 : i32
      %dma_start3A_203 = arith.constant 0 : i32
      %dma_start3A_204 = tpu.memref_slice %arg2[%dma_start3A_202, %dma_start3A_203] : memref<20000x128xf32, #tpu.memory_space<hbm>> -> memref<20000x128xf32, #tpu.memory_space<hbm>>
      tpu.enqueue_indirect_dma source(%dma_start3A_204 : memref<20000x128xf32, #tpu.memory_space<hbm>>) target(%arg11 : memref<80x128xf32, #tpu.memory_space<vmem>>) offsets(%dma_start3A_201 : memref<80xi32, #tpu.memory_space<vmem>>) semaphore(%arg15 : memref<!tpu.dma_semaphore, #tpu.memory_space<semaphore_mem>>)
      %scan3A_205 = arith.constant 0 : i32
      scf.yield %scan3A_205 : i32
    }
    %scan3A_98 = arith.constant 20 : i32
    %dma_wait3A_99 = arith.constant 4800 : i32
    %dma_wait3A_100 = tpu.memref_slice %arg7[%dma_wait3A_99] : memref<5120xi32, #tpu.memory_space<vmem>> -> memref<80xi32, #tpu.memory_space<vmem>>
    %dma_wait3A_101 = arith.constant 0 : i32
    %dma_wait3A_102 = arith.constant 0 : i32
    %dma_wait3A_103 = tpu.memref_slice %arg2[%dma_wait3A_101, %dma_wait3A_102] : memref<20000x128xf32, #tpu.memory_space<hbm>> -> memref<20000x128xf32, #tpu.memory_space<hbm>>
    tpu.wait_indirect_dma semaphore(%arg13 : memref<!tpu.dma_semaphore, #tpu.memory_space<semaphore_mem>>) src(%dma_wait3A_103 : memref<20000x128xf32, #tpu.memory_space<hbm>>) dst(%arg9 : memref<80x128xf32, #tpu.memory_space<vmem>>)
    %run_scoped3A_104 = arith.constant 60 : i32
    "tpu.region"() ({
      %run_scoped3A_141 = tpu.sem_alloc : memref<!tpu.dma_semaphore, #tpu.memory_space<semaphore_mem>>
      %dma_start3A_142 = arith.constant 0 : i32
      %dma_start3A_143 = tpu.memref_slice %arg8[%run_scoped3A_104, %dma_start3A_142] : memref<64x80xi32, #tpu.memory_space<vmem>> -> memref<1x80xi32, #tpu.memory_space<vmem>>
      %dma_start3A_144 = tpu.memref_squeeze %dma_start3A_143 : memref<1x80xi32, #tpu.memory_space<vmem>> -> memref<80xi32, #tpu.memory_space<vmem>>
      %dma_start3A_145 = arith.constant 0 : i32
      %dma_start3A_146 = arith.constant 0 : i32
      %dma_start3A_147 = tpu.memref_slice %arg12[%dma_start3A_145, %dma_start3A_146] : memref<10112x128xf32, #tpu.memory_space<vmem_shared>> -> memref<10112x128xf32, #tpu.memory_space<vmem_shared>>
      tpu.enqueue_indirect_dma source(%arg9 : memref<80x128xf32, #tpu.memory_space<vmem>>) target(%dma_start3A_147 : memref<10112x128xf32, #tpu.memory_space<vmem_shared>>) offsets(%dma_start3A_144 : memref<80xi32, #tpu.memory_space<vmem>>) semaphore(%run_scoped3A_141 : memref<!tpu.dma_semaphore, #tpu.memory_space<semaphore_mem>>) {add = true}
      %dma_wait3A_148 = arith.constant 0 : i32
      %dma_wait3A_149 = tpu.memref_slice %arg8[%run_scoped3A_104, %dma_wait3A_148] : memref<64x80xi32, #tpu.memory_space<vmem>> -> memref<1x80xi32, #tpu.memory_space<vmem>>
      %dma_wait3A_150 = tpu.memref_squeeze %dma_wait3A_149 : memref<1x80xi32, #tpu.memory_space<vmem>> -> memref<80xi32, #tpu.memory_space<vmem>>
      %dma_wait3A_151 = arith.constant 0 : i32
      %dma_wait3A_152 = arith.constant 0 : i32
      %dma_wait3A_153 = tpu.memref_slice %arg12[%dma_wait3A_151, %dma_wait3A_152] : memref<10112x128xf32, #tpu.memory_space<vmem_shared>> -> memref<10112x128xf32, #tpu.memory_space<vmem_shared>>
      tpu.wait_indirect_dma semaphore(%run_scoped3A_141 : memref<!tpu.dma_semaphore, #tpu.memory_space<semaphore_mem>>) src(%arg9 : memref<80x128xf32, #tpu.memory_space<vmem>>) dst(%dma_wait3A_153 : memref<10112x128xf32, #tpu.memory_space<vmem_shared>>)
      tpu.yield
    }) : () -> ()
    %dma_start3A_105 = arith.constant 5040 : i32
    %dma_start3A_106 = tpu.memref_slice %arg7[%dma_start3A_105] : memref<5120xi32, #tpu.memory_space<vmem>> -> memref<80xi32, #tpu.memory_space<vmem>>
    %dma_start3A_107 = arith.constant 0 : i32
    %dma_start3A_108 = arith.constant 0 : i32
    %dma_start3A_109 = tpu.memref_slice %arg2[%dma_start3A_107, %dma_start3A_108] : memref<20000x128xf32, #tpu.memory_space<hbm>> -> memref<20000x128xf32, #tpu.memory_space<hbm>>
    tpu.enqueue_indirect_dma source(%dma_start3A_109 : memref<20000x128xf32, #tpu.memory_space<hbm>>) target(%arg9 : memref<80x128xf32, #tpu.memory_space<vmem>>) offsets(%dma_start3A_106 : memref<80xi32, #tpu.memory_space<vmem>>) semaphore(%arg13 : memref<!tpu.dma_semaphore, #tpu.memory_space<semaphore_mem>>)
    %dma_wait3A_110 = arith.constant 4880 : i32
    %dma_wait3A_111 = tpu.memref_slice %arg7[%dma_wait3A_110] : memref<5120xi32, #tpu.memory_space<vmem>> -> memref<80xi32, #tpu.memory_space<vmem>>
    %dma_wait3A_112 = arith.constant 0 : i32
    %dma_wait3A_113 = arith.constant 0 : i32
    %dma_wait3A_114 = tpu.memref_slice %arg2[%dma_wait3A_112, %dma_wait3A_113] : memref<20000x128xf32, #tpu.memory_space<hbm>> -> memref<20000x128xf32, #tpu.memory_space<hbm>>
    tpu.wait_indirect_dma semaphore(%arg14 : memref<!tpu.dma_semaphore, #tpu.memory_space<semaphore_mem>>) src(%dma_wait3A_114 : memref<20000x128xf32, #tpu.memory_space<hbm>>) dst(%arg10 : memref<80x128xf32, #tpu.memory_space<vmem>>)
    %run_scoped3A_115 = arith.constant 61 : i32
    "tpu.region"() ({
      %run_scoped3A_141 = tpu.sem_alloc : memref<!tpu.dma_semaphore, #tpu.memory_space<semaphore_mem>>
      %dma_start3A_142 = arith.constant 0 : i32
      %dma_start3A_143 = tpu.memref_slice %arg8[%run_scoped3A_115, %dma_start3A_142] : memref<64x80xi32, #tpu.memory_space<vmem>> -> memref<1x80xi32, #tpu.memory_space<vmem>>
      %dma_start3A_144 = tpu.memref_squeeze %dma_start3A_143 : memref<1x80xi32, #tpu.memory_space<vmem>> -> memref<80xi32, #tpu.memory_space<vmem>>
      %dma_start3A_145 = arith.constant 0 : i32
      %dma_start3A_146 = arith.constant 0 : i32
      %dma_start3A_147 = tpu.memref_slice %arg12[%dma_start3A_145, %dma_start3A_146] : memref<10112x128xf32, #tpu.memory_space<vmem_shared>> -> memref<10112x128xf32, #tpu.memory_space<vmem_shared>>
      tpu.enqueue_indirect_dma source(%arg10 : memref<80x128xf32, #tpu.memory_space<vmem>>) target(%dma_start3A_147 : memref<10112x128xf32, #tpu.memory_space<vmem_shared>>) offsets(%dma_start3A_144 : memref<80xi32, #tpu.memory_space<vmem>>) semaphore(%run_scoped3A_141 : memref<!tpu.dma_semaphore, #tpu.memory_space<semaphore_mem>>) {add = true}
      %dma_wait3A_148 = arith.constant 0 : i32
      %dma_wait3A_149 = tpu.memref_slice %arg8[%run_scoped3A_115, %dma_wait3A_148] : memref<64x80xi32, #tpu.memory_space<vmem>> -> memref<1x80xi32, #tpu.memory_space<vmem>>
      %dma_wait3A_150 = tpu.memref_squeeze %dma_wait3A_149 : memref<1x80xi32, #tpu.memory_space<vmem>> -> memref<80xi32, #tpu.memory_space<vmem>>
      %dma_wait3A_151 = arith.constant 0 : i32
      %dma_wait3A_152 = arith.constant 0 : i32
      %dma_wait3A_153 = tpu.memref_slice %arg12[%dma_wait3A_151, %dma_wait3A_152] : memref<10112x128xf32, #tpu.memory_space<vmem_shared>> -> memref<10112x128xf32, #tpu.memory_space<vmem_shared>>
      tpu.wait_indirect_dma semaphore(%run_scoped3A_141 : memref<!tpu.dma_semaphore, #tpu.memory_space<semaphore_mem>>) src(%arg10 : memref<80x128xf32, #tpu.memory_space<vmem>>) dst(%dma_wait3A_153 : memref<10112x128xf32, #tpu.memory_space<vmem_shared>>)
      tpu.yield
    }) : () -> ()
    %dma_wait3A_116 = arith.constant 4960 : i32
    %dma_wait3A_117 = tpu.memref_slice %arg7[%dma_wait3A_116] : memref<5120xi32, #tpu.memory_space<vmem>> -> memref<80xi32, #tpu.memory_space<vmem>>
    %dma_wait3A_118 = arith.constant 0 : i32
    %dma_wait3A_119 = arith.constant 0 : i32
    %dma_wait3A_120 = tpu.memref_slice %arg2[%dma_wait3A_118, %dma_wait3A_119] : memref<20000x128xf32, #tpu.memory_space<hbm>> -> memref<20000x128xf32, #tpu.memory_space<hbm>>
    tpu.wait_indirect_dma semaphore(%arg15 : memref<!tpu.dma_semaphore, #tpu.memory_space<semaphore_mem>>) src(%dma_wait3A_120 : memref<20000x128xf32, #tpu.memory_space<hbm>>) dst(%arg11 : memref<80x128xf32, #tpu.memory_space<vmem>>)
    %run_scoped3A_121 = arith.constant 62 : i32
    "tpu.region"() ({
      %run_scoped3A_141 = tpu.sem_alloc : memref<!tpu.dma_semaphore, #tpu.memory_space<semaphore_mem>>
      %dma_start3A_142 = arith.constant 0 : i32
      %dma_start3A_143 = tpu.memref_slice %arg8[%run_scoped3A_121, %dma_start3A_142] : memref<64x80xi32, #tpu.memory_space<vmem>> -> memref<1x80xi32, #tpu.memory_space<vmem>>
      %dma_start3A_144 = tpu.memref_squeeze %dma_start3A_143 : memref<1x80xi32, #tpu.memory_space<vmem>> -> memref<80xi32, #tpu.memory_space<vmem>>
      %dma_start3A_145 = arith.constant 0 : i32
      %dma_start3A_146 = arith.constant 0 : i32
      %dma_start3A_147 = tpu.memref_slice %arg12[%dma_start3A_145, %dma_start3A_146] : memref<10112x128xf32, #tpu.memory_space<vmem_shared>> -> memref<10112x128xf32, #tpu.memory_space<vmem_shared>>
      tpu.enqueue_indirect_dma source(%arg11 : memref<80x128xf32, #tpu.memory_space<vmem>>) target(%dma_start3A_147 : memref<10112x128xf32, #tpu.memory_space<vmem_shared>>) offsets(%dma_start3A_144 : memref<80xi32, #tpu.memory_space<vmem>>) semaphore(%run_scoped3A_141 : memref<!tpu.dma_semaphore, #tpu.memory_space<semaphore_mem>>) {add = true}
      %dma_wait3A_148 = arith.constant 0 : i32
      %dma_wait3A_149 = tpu.memref_slice %arg8[%run_scoped3A_121, %dma_wait3A_148] : memref<64x80xi32, #tpu.memory_space<vmem>> -> memref<1x80xi32, #tpu.memory_space<vmem>>
      %dma_wait3A_150 = tpu.memref_squeeze %dma_wait3A_149 : memref<1x80xi32, #tpu.memory_space<vmem>> -> memref<80xi32, #tpu.memory_space<vmem>>
      %dma_wait3A_151 = arith.constant 0 : i32
      %dma_wait3A_152 = arith.constant 0 : i32
      %dma_wait3A_153 = tpu.memref_slice %arg12[%dma_wait3A_151, %dma_wait3A_152] : memref<10112x128xf32, #tpu.memory_space<vmem_shared>> -> memref<10112x128xf32, #tpu.memory_space<vmem_shared>>
      tpu.wait_indirect_dma semaphore(%run_scoped3A_141 : memref<!tpu.dma_semaphore, #tpu.memory_space<semaphore_mem>>) src(%arg11 : memref<80x128xf32, #tpu.memory_space<vmem>>) dst(%dma_wait3A_153 : memref<10112x128xf32, #tpu.memory_space<vmem_shared>>)
      tpu.yield
    }) : () -> ()
    %dma_wait3A_122 = arith.constant 5040 : i32
    %dma_wait3A_123 = tpu.memref_slice %arg7[%dma_wait3A_122] : memref<5120xi32, #tpu.memory_space<vmem>> -> memref<80xi32, #tpu.memory_space<vmem>>
    %dma_wait3A_124 = arith.constant 0 : i32
    %dma_wait3A_125 = arith.constant 0 : i32
    %dma_wait3A_126 = tpu.memref_slice %arg2[%dma_wait3A_124, %dma_wait3A_125] : memref<20000x128xf32, #tpu.memory_space<hbm>> -> memref<20000x128xf32, #tpu.memory_space<hbm>>
    tpu.wait_indirect_dma semaphore(%arg13 : memref<!tpu.dma_semaphore, #tpu.memory_space<semaphore_mem>>) src(%dma_wait3A_126 : memref<20000x128xf32, #tpu.memory_space<hbm>>) dst(%arg9 : memref<80x128xf32, #tpu.memory_space<vmem>>)
    %run_scoped3A_127 = arith.constant 63 : i32
    "tpu.region"() ({
      %run_scoped3A_141 = tpu.sem_alloc : memref<!tpu.dma_semaphore, #tpu.memory_space<semaphore_mem>>
      %dma_start3A_142 = arith.constant 0 : i32
      %dma_start3A_143 = tpu.memref_slice %arg8[%run_scoped3A_127, %dma_start3A_142] : memref<64x80xi32, #tpu.memory_space<vmem>> -> memref<1x80xi32, #tpu.memory_space<vmem>>
      %dma_start3A_144 = tpu.memref_squeeze %dma_start3A_143 : memref<1x80xi32, #tpu.memory_space<vmem>> -> memref<80xi32, #tpu.memory_space<vmem>>
      %dma_start3A_145 = arith.constant 0 : i32
      %dma_start3A_146 = arith.constant 0 : i32
      %dma_start3A_147 = tpu.memref_slice %arg12[%dma_start3A_145, %dma_start3A_146] : memref<10112x128xf32, #tpu.memory_space<vmem_shared>> -> memref<10112x128xf32, #tpu.memory_space<vmem_shared>>
      tpu.enqueue_indirect_dma source(%arg9 : memref<80x128xf32, #tpu.memory_space<vmem>>) target(%dma_start3A_147 : memref<10112x128xf32, #tpu.memory_space<vmem_shared>>) offsets(%dma_start3A_144 : memref<80xi32, #tpu.memory_space<vmem>>) semaphore(%run_scoped3A_141 : memref<!tpu.dma_semaphore, #tpu.memory_space<semaphore_mem>>) {add = true}
      %dma_wait3A_148 = arith.constant 0 : i32
      %dma_wait3A_149 = tpu.memref_slice %arg8[%run_scoped3A_127, %dma_wait3A_148] : memref<64x80xi32, #tpu.memory_space<vmem>> -> memref<1x80xi32, #tpu.memory_space<vmem>>
      %dma_wait3A_150 = tpu.memref_squeeze %dma_wait3A_149 : memref<1x80xi32, #tpu.memory_space<vmem>> -> memref<80xi32, #tpu.memory_space<vmem>>
      %dma_wait3A_151 = arith.constant 0 : i32
      %dma_wait3A_152 = arith.constant 0 : i32
      %dma_wait3A_153 = tpu.memref_slice %arg12[%dma_wait3A_151, %dma_wait3A_152] : memref<10112x128xf32, #tpu.memory_space<vmem_shared>> -> memref<10112x128xf32, #tpu.memory_space<vmem_shared>>
      tpu.wait_indirect_dma semaphore(%run_scoped3A_141 : memref<!tpu.dma_semaphore, #tpu.memory_space<semaphore_mem>>) src(%arg9 : memref<80x128xf32, #tpu.memory_space<vmem>>) dst(%dma_wait3A_153 : memref<10112x128xf32, #tpu.memory_space<vmem_shared>>)
      tpu.yield
    }) : () -> ()
    %barrier3A_128 = arith.constant 0 : index
    tpu.barrier barrier_id(%barrier3A_128)
    %add3A_129 = arith.constant 0 : i32
    %add3A_130 = arith.addi %add3A_129, %arg0 : i32
    %dma_start3A_131 = arith.constant 0 : i32
    %dma_start3A_132 = tpu.memref_slice %arg6[%add3A_130, %mul3A_0, %dma_start3A_131] : memref<2x10112x128xf32, #tpu.memory_space<hbm>> -> memref<1x632x128xf32, #tpu.memory_space<hbm>>
    %dma_start3A_133 = tpu.memref_squeeze %dma_start3A_132 : memref<1x632x128xf32, #tpu.memory_space<hbm>> -> memref<632x128xf32, #tpu.memory_space<hbm>>
    %dma_start3A_134 = arith.constant 0 : i32
    %dma_start3A_135 = tpu.memref_slice %arg12[%mul3A_0, %dma_start3A_134] : memref<10112x128xf32, #tpu.memory_space<vmem_shared>> -> memref<632x128xf32, #tpu.memory_space<vmem_shared>>
    tpu.enqueue_dma source(%dma_start3A_135 : memref<632x128xf32, #tpu.memory_space<vmem_shared>>) target(%dma_start3A_133 : memref<632x128xf32, #tpu.memory_space<hbm>>) target_semaphore(%arg18 : memref<!tpu.dma_semaphore, #tpu.memory_space<semaphore_mem>>)
    %dma_wait3A_136 = arith.constant 0 : i32
    %dma_wait3A_137 = tpu.memref_slice %arg6[%add3A_130, %mul3A_0, %dma_wait3A_136] : memref<2x10112x128xf32, #tpu.memory_space<hbm>> -> memref<1x632x128xf32, #tpu.memory_space<hbm>>
    %dma_wait3A_138 = tpu.memref_squeeze %dma_wait3A_137 : memref<1x632x128xf32, #tpu.memory_space<hbm>> -> memref<632x128xf32, #tpu.memory_space<hbm>>
    %dma_wait3A_139 = arith.constant 0 : i32
    %dma_wait3A_140 = tpu.memref_slice %arg12[%mul3A_0, %dma_wait3A_139] : memref<10112x128xf32, #tpu.memory_space<vmem_shared>> -> memref<632x128xf32, #tpu.memory_space<vmem_shared>>
    tpu.wait_dma2 semaphore(%arg18 : memref<!tpu.dma_semaphore, #tpu.memory_space<semaphore_mem>>) src(%dma_wait3A_140 : memref<632x128xf32, #tpu.memory_space<vmem_shared>>) dst(%dma_wait3A_138 : memref<632x128xf32, #tpu.memory_space<hbm>>)
    return
  }
}

#map = affine_map<(d0, d1) -> (0, 0)>
#map1 = affine_map<(d0, d1) -> (0)>
#map2 = affine_map<(d0, d1) -> (0, 0, 0, 0)>
#map3 = affine_map<(d0, d1) -> (0, 0, 0)>
module attributes {stable_mosaic.version = 14 : i64} {
  func.func @seg(%arg0: i32, %arg1: i32, %arg2: memref<40000x128xf32, #tpu.memory_space<hbm>>, %arg3: memref<655360xi32, #tpu.memory_space<hbm>>, %arg4: memref<2x16x128x80xi32, #tpu.memory_space<hbm>>, %arg5: memref<10112x128xf32, #tpu.memory_space<hbm>>, %arg6: memref<4x10112x128xf32, #tpu.memory_space<hbm>>, %arg7: memref<5120xi32, #tpu.memory_space<vmem>>, %arg8: memref<64x80xi32, #tpu.memory_space<vmem>>, %arg9: memref<80x128xf32, #tpu.memory_space<vmem>>, %arg10: memref<80x128xf32, #tpu.memory_space<vmem>>, %arg11: memref<80x128xf32, #tpu.memory_space<vmem>>, %arg12: memref<10112x128xf32, #tpu.memory_space<vmem_shared>>, %arg13: memref<!tpu.dma_semaphore, #tpu.memory_space<semaphore_mem>>, %arg14: memref<!tpu.dma_semaphore, #tpu.memory_space<semaphore_mem>>, %arg15: memref<!tpu.dma_semaphore, #tpu.memory_space<semaphore_mem>>, %arg16: memref<!tpu.dma_semaphore, #tpu.memory_space<semaphore_mem>>, %arg17: memref<!tpu.dma_semaphore, #tpu.memory_space<semaphore_mem>>, %arg18: memref<!tpu.dma_semaphore, #tpu.memory_space<semaphore_mem>>, %arg19: memref<!tpu.dma_semaphore, #tpu.memory_space<semaphore_mem>>) attributes {dimension_semantics = [#tpu.dimension_semantics<core_parallel>, #tpu.dimension_semantics<subcore_parallel>], iteration_bounds = array<i64: 2, 16>, scalar_prefetch = 0 : i64, scratch_operands = 13 : i64, tpu.core_type = #tpu.core_type<sc_vector_subcore>, window_params = [{transform_indices = #map}, {transform_indices = #map1}, {transform_indices = #map2}, {transform_indices = #map}, {transform_indices = #map3}]} {
    %mul3A = arith.constant 632 : i32
    %mul3A_0 = arith.muli %arg1, %mul3A : i32
    %run_scoped3A = arith.constant 1 : i32
    "tpu.region"() ({
      %run_scoped3A_304 = tpu.sem_alloc : memref<!tpu.dma_semaphore, #tpu.memory_space<semaphore_mem>>
      %dma_start3A_305 = arith.constant 0 : i32
      %dma_start3A_306 = arith.constant 0 : i32
      %dma_start3A_307 = tpu.memref_slice %arg4[%run_scoped3A, %arg1, %dma_start3A_305, %dma_start3A_306] : memref<2x16x128x80xi32, #tpu.memory_space<hbm>> -> memref<1x1x64x80xi32, #tpu.memory_space<hbm>>
      %dma_start3A_308 = tpu.memref_squeeze %dma_start3A_307 : memref<1x1x64x80xi32, #tpu.memory_space<hbm>> -> memref<64x80xi32, #tpu.memory_space<hbm>>
      %dma_start3A_309 = arith.constant 0 : i32
      %dma_start3A_310 = arith.constant 0 : i32
      %dma_start3A_311 = tpu.memref_slice %arg4[%run_scoped3A, %arg1, %dma_start3A_309, %dma_start3A_310] : memref<2x16x128x80xi32, #tpu.memory_space<hbm>> -> memref<1x1x64x80xi32, #tpu.memory_space<hbm>>
      %dma_start3A_312 = tpu.memref_squeeze %dma_start3A_311 : memref<1x1x64x80xi32, #tpu.memory_space<hbm>> -> memref<64x80xi32, #tpu.memory_space<hbm>>
      tpu.enqueue_dma source(%dma_start3A_312 : memref<64x80xi32, #tpu.memory_space<hbm>>) target(%arg8 : memref<64x80xi32, #tpu.memory_space<vmem>>) target_semaphore(%run_scoped3A_304 : memref<!tpu.dma_semaphore, #tpu.memory_space<semaphore_mem>>)
      %dma_wait3A_313 = arith.constant 0 : i32
      %dma_wait3A_314 = arith.constant 0 : i32
      %dma_wait3A_315 = tpu.memref_slice %arg4[%run_scoped3A, %arg1, %dma_wait3A_313, %dma_wait3A_314] : memref<2x16x128x80xi32, #tpu.memory_space<hbm>> -> memref<1x1x64x80xi32, #tpu.memory_space<hbm>>
      %dma_wait3A_316 = tpu.memref_squeeze %dma_wait3A_315 : memref<1x1x64x80xi32, #tpu.memory_space<hbm>> -> memref<64x80xi32, #tpu.memory_space<hbm>>
      %dma_wait3A_317 = arith.constant 0 : i32
      %dma_wait3A_318 = arith.constant 0 : i32
      %dma_wait3A_319 = tpu.memref_slice %arg4[%run_scoped3A, %arg1, %dma_wait3A_317, %dma_wait3A_318] : memref<2x16x128x80xi32, #tpu.memory_space<hbm>> -> memref<1x1x64x80xi32, #tpu.memory_space<hbm>>
      %dma_wait3A_320 = tpu.memref_squeeze %dma_wait3A_319 : memref<1x1x64x80xi32, #tpu.memory_space<hbm>> -> memref<64x80xi32, #tpu.memory_space<hbm>>
      tpu.wait_dma2 semaphore(%run_scoped3A_304 : memref<!tpu.dma_semaphore, #tpu.memory_space<semaphore_mem>>) src(%dma_wait3A_320 : memref<64x80xi32, #tpu.memory_space<hbm>>) dst(%arg8 : memref<64x80xi32, #tpu.memory_space<vmem>>)
      tpu.yield
    }) : () -> ()
    %add3A = arith.constant 0 : i32
    %add3A_1 = arith.addi %add3A, %arg0 : i32
    %mul3A_2 = arith.constant 163840 : i32
    %mul3A_3 = arith.muli %add3A_1, %mul3A_2 : i32
    %mul3A_4 = arith.constant 10240 : i32
    %mul3A_5 = arith.muli %arg1, %mul3A_4 : i32
    %add3A_6 = arith.addi %mul3A_3, %mul3A_5 : i32
    %dma_start3A = tpu.memref_slice %arg3[%add3A_6] : memref<655360xi32, #tpu.memory_space<hbm>> -> memref<5120xi32, #tpu.memory_space<hbm>>
    %dma_start3A_7 = tpu.memref_slice %arg3[%add3A_6] : memref<655360xi32, #tpu.memory_space<hbm>> -> memref<5120xi32, #tpu.memory_space<hbm>>
    tpu.enqueue_dma source(%dma_start3A_7 : memref<5120xi32, #tpu.memory_space<hbm>>) target(%arg7 : memref<5120xi32, #tpu.memory_space<vmem>>) target_semaphore(%arg17 : memref<!tpu.dma_semaphore, #tpu.memory_space<semaphore_mem>>)
    %dma_start3A_8 = arith.constant 0 : i32
    %dma_start3A_9 = tpu.memref_slice %arg12[%mul3A_0, %dma_start3A_8] : memref<10112x128xf32, #tpu.memory_space<vmem_shared>> -> memref<632x128xf32, #tpu.memory_space<vmem_shared>>
    %dma_start3A_10 = arith.constant 0 : i32
    %dma_start3A_11 = tpu.memref_slice %arg5[%mul3A_0, %dma_start3A_10] : memref<10112x128xf32, #tpu.memory_space<hbm>> -> memref<632x128xf32, #tpu.memory_space<hbm>>
    tpu.enqueue_dma source(%dma_start3A_11 : memref<632x128xf32, #tpu.memory_space<hbm>>) target(%dma_start3A_9 : memref<632x128xf32, #tpu.memory_space<vmem_shared>>) target_semaphore(%arg16 : memref<!tpu.dma_semaphore, #tpu.memory_space<semaphore_mem>>)
    %dma_wait3A = tpu.memref_slice %arg3[%add3A_6] : memref<655360xi32, #tpu.memory_space<hbm>> -> memref<5120xi32, #tpu.memory_space<hbm>>
    %dma_wait3A_12 = tpu.memref_slice %arg3[%add3A_6] : memref<655360xi32, #tpu.memory_space<hbm>> -> memref<5120xi32, #tpu.memory_space<hbm>>
    tpu.wait_dma2 semaphore(%arg17 : memref<!tpu.dma_semaphore, #tpu.memory_space<semaphore_mem>>) src(%dma_wait3A_12 : memref<5120xi32, #tpu.memory_space<hbm>>) dst(%arg7 : memref<5120xi32, #tpu.memory_space<vmem>>)
    %dma_wait3A_13 = arith.constant 0 : i32
    %dma_wait3A_14 = tpu.memref_slice %arg12[%mul3A_0, %dma_wait3A_13] : memref<10112x128xf32, #tpu.memory_space<vmem_shared>> -> memref<632x128xf32, #tpu.memory_space<vmem_shared>>
    %dma_wait3A_15 = arith.constant 0 : i32
    %dma_wait3A_16 = tpu.memref_slice %arg5[%mul3A_0, %dma_wait3A_15] : memref<10112x128xf32, #tpu.memory_space<hbm>> -> memref<632x128xf32, #tpu.memory_space<hbm>>
    tpu.wait_dma2 semaphore(%arg16 : memref<!tpu.dma_semaphore, #tpu.memory_space<semaphore_mem>>) src(%dma_wait3A_16 : memref<632x128xf32, #tpu.memory_space<hbm>>) dst(%dma_wait3A_14 : memref<632x128xf32, #tpu.memory_space<vmem_shared>>)
    %barrier3A = arith.constant 0 : index
    tpu.barrier barrier_id(%barrier3A)
    %dma_start3A_17 = arith.constant 0 : i32
    %dma_start3A_18 = tpu.memref_slice %arg7[%dma_start3A_17] : memref<5120xi32, #tpu.memory_space<vmem>> -> memref<80xi32, #tpu.memory_space<vmem>>
    %dma_start3A_19 = arith.constant 0 : i32
    %dma_start3A_20 = arith.constant 0 : i32
    %dma_start3A_21 = tpu.memref_slice %arg2[%dma_start3A_19, %dma_start3A_20] : memref<40000x128xf32, #tpu.memory_space<hbm>> -> memref<40000x128xf32, #tpu.memory_space<hbm>>
    tpu.enqueue_indirect_dma source(%dma_start3A_21 : memref<40000x128xf32, #tpu.memory_space<hbm>>) target(%arg9 : memref<80x128xf32, #tpu.memory_space<vmem>>) offsets(%dma_start3A_18 : memref<80xi32, #tpu.memory_space<vmem>>) semaphore(%arg13 : memref<!tpu.dma_semaphore, #tpu.memory_space<semaphore_mem>>)
    %dma_start3A_22 = arith.constant 80 : i32
    %dma_start3A_23 = tpu.memref_slice %arg7[%dma_start3A_22] : memref<5120xi32, #tpu.memory_space<vmem>> -> memref<80xi32, #tpu.memory_space<vmem>>
    %dma_start3A_24 = arith.constant 0 : i32
    %dma_start3A_25 = arith.constant 0 : i32
    %dma_start3A_26 = tpu.memref_slice %arg2[%dma_start3A_24, %dma_start3A_25] : memref<40000x128xf32, #tpu.memory_space<hbm>> -> memref<40000x128xf32, #tpu.memory_space<hbm>>
    tpu.enqueue_indirect_dma source(%dma_start3A_26 : memref<40000x128xf32, #tpu.memory_space<hbm>>) target(%arg10 : memref<80x128xf32, #tpu.memory_space<vmem>>) offsets(%dma_start3A_23 : memref<80xi32, #tpu.memory_space<vmem>>) semaphore(%arg14 : memref<!tpu.dma_semaphore, #tpu.memory_space<semaphore_mem>>)
    %dma_start3A_27 = arith.constant 160 : i32
    %dma_start3A_28 = tpu.memref_slice %arg7[%dma_start3A_27] : memref<5120xi32, #tpu.memory_space<vmem>> -> memref<80xi32, #tpu.memory_space<vmem>>
    %dma_start3A_29 = arith.constant 0 : i32
    %dma_start3A_30 = arith.constant 0 : i32
    %dma_start3A_31 = tpu.memref_slice %arg2[%dma_start3A_29, %dma_start3A_30] : memref<40000x128xf32, #tpu.memory_space<hbm>> -> memref<40000x128xf32, #tpu.memory_space<hbm>>
    tpu.enqueue_indirect_dma source(%dma_start3A_31 : memref<40000x128xf32, #tpu.memory_space<hbm>>) target(%arg11 : memref<80x128xf32, #tpu.memory_space<vmem>>) offsets(%dma_start3A_28 : memref<80xi32, #tpu.memory_space<vmem>>) semaphore(%arg15 : memref<!tpu.dma_semaphore, #tpu.memory_space<semaphore_mem>>)
    %scan3A = arith.constant 0 : i32
    %scan3A_32 = arith.constant 0 : i32
    %scan3A_33 = arith.constant 20 : i32
    %scan3A_34 = arith.addi %scan3A_32, %scan3A_33 : i32
    %scan3A_35 = arith.constant 1 : i32
    %scan3A_36 = scf.for %scan3A_304 = %scan3A_32 to %scan3A_34 step %scan3A_35 iter_args(%scan3A_305 = %scan3A) -> (i32)  : i32 {
      %mul3A_306 = arith.constant 3 : i32
      %mul3A_307 = arith.muli %mul3A_306, %scan3A_304 : i32
      %add3A_308 = arith.constant 0 : i32
      %add3A_309 = arith.addi %mul3A_307, %add3A_308 : i32
      %mul3A_310 = arith.constant 80 : i32
      %mul3A_311 = arith.muli %add3A_309, %mul3A_310 : i32
      %dma_wait3A_312 = tpu.memref_slice %arg7[%mul3A_311] : memref<5120xi32, #tpu.memory_space<vmem>> -> memref<80xi32, #tpu.memory_space<vmem>>
      %dma_wait3A_313 = arith.constant 0 : i32
      %dma_wait3A_314 = arith.constant 0 : i32
      %dma_wait3A_315 = tpu.memref_slice %arg2[%dma_wait3A_313, %dma_wait3A_314] : memref<40000x128xf32, #tpu.memory_space<hbm>> -> memref<40000x128xf32, #tpu.memory_space<hbm>>
      tpu.wait_indirect_dma semaphore(%arg13 : memref<!tpu.dma_semaphore, #tpu.memory_space<semaphore_mem>>) src(%dma_wait3A_315 : memref<40000x128xf32, #tpu.memory_space<hbm>>) dst(%arg9 : memref<80x128xf32, #tpu.memory_space<vmem>>)
      %add3A_316 = arith.constant 0 : i32
      %add3A_317 = arith.addi %mul3A_307, %add3A_316 : i32
      "tpu.region"() ({
        %run_scoped3A_369 = tpu.sem_alloc : memref<!tpu.dma_semaphore, #tpu.memory_space<semaphore_mem>>
        %dma_start3A_370 = arith.constant 0 : i32
        %dma_start3A_371 = tpu.memref_slice %arg8[%add3A_317, %dma_start3A_370] : memref<64x80xi32, #tpu.memory_space<vmem>> -> memref<1x80xi32, #tpu.memory_space<vmem>>
        %dma_start3A_372 = tpu.memref_squeeze %dma_start3A_371 : memref<1x80xi32, #tpu.memory_space<vmem>> -> memref<80xi32, #tpu.memory_space<vmem>>
        %dma_start3A_373 = arith.constant 0 : i32
        %dma_start3A_374 = arith.constant 0 : i32
        %dma_start3A_375 = tpu.memref_slice %arg12[%dma_start3A_373, %dma_start3A_374] : memref<10112x128xf32, #tpu.memory_space<vmem_shared>> -> memref<10112x128xf32, #tpu.memory_space<vmem_shared>>
        tpu.enqueue_indirect_dma source(%arg9 : memref<80x128xf32, #tpu.memory_space<vmem>>) target(%dma_start3A_375 : memref<10112x128xf32, #tpu.memory_space<vmem_shared>>) offsets(%dma_start3A_372 : memref<80xi32, #tpu.memory_space<vmem>>) semaphore(%run_scoped3A_369 : memref<!tpu.dma_semaphore, #tpu.memory_space<semaphore_mem>>) {add = true}
        %dma_wait3A_376 = arith.constant 0 : i32
        %dma_wait3A_377 = tpu.memref_slice %arg8[%add3A_317, %dma_wait3A_376] : memref<64x80xi32, #tpu.memory_space<vmem>> -> memref<1x80xi32, #tpu.memory_space<vmem>>
        %dma_wait3A_378 = tpu.memref_squeeze %dma_wait3A_377 : memref<1x80xi32, #tpu.memory_space<vmem>> -> memref<80xi32, #tpu.memory_space<vmem>>
        %dma_wait3A_379 = arith.constant 0 : i32
        %dma_wait3A_380 = arith.constant 0 : i32
        %dma_wait3A_381 = tpu.memref_slice %arg12[%dma_wait3A_379, %dma_wait3A_380] : memref<10112x128xf32, #tpu.memory_space<vmem_shared>> -> memref<10112x128xf32, #tpu.memory_space<vmem_shared>>
        tpu.wait_indirect_dma semaphore(%run_scoped3A_369 : memref<!tpu.dma_semaphore, #tpu.memory_space<semaphore_mem>>) src(%arg9 : memref<80x128xf32, #tpu.memory_space<vmem>>) dst(%dma_wait3A_381 : memref<10112x128xf32, #tpu.memory_space<vmem_shared>>)
        tpu.yield
      }) : () -> ()
      %add3A_318 = arith.constant 3 : i32
      %add3A_319 = arith.addi %mul3A_307, %add3A_318 : i32
      %add3A_320 = arith.constant 0 : i32
      %add3A_321 = arith.addi %add3A_319, %add3A_320 : i32
      %mul3A_322 = arith.constant 80 : i32
      %mul3A_323 = arith.muli %add3A_321, %mul3A_322 : i32
      %dma_start3A_324 = tpu.memref_slice %arg7[%mul3A_323] : memref<5120xi32, #tpu.memory_space<vmem>> -> memref<80xi32, #tpu.memory_space<vmem>>
      %dma_start3A_325 = arith.constant 0 : i32
      %dma_start3A_326 = arith.constant 0 : i32
      %dma_start3A_327 = tpu.memref_slice %arg2[%dma_start3A_325, %dma_start3A_326] : memref<40000x128xf32, #tpu.memory_space<hbm>> -> memref<40000x128xf32, #tpu.memory_space<hbm>>
      tpu.enqueue_indirect_dma source(%dma_start3A_327 : memref<40000x128xf32, #tpu.memory_space<hbm>>) target(%arg9 : memref<80x128xf32, #tpu.memory_space<vmem>>) offsets(%dma_start3A_324 : memref<80xi32, #tpu.memory_space<vmem>>) semaphore(%arg13 : memref<!tpu.dma_semaphore, #tpu.memory_space<semaphore_mem>>)
      %add3A_328 = arith.constant 1 : i32
      %add3A_329 = arith.addi %mul3A_307, %add3A_328 : i32
      %mul3A_330 = arith.constant 80 : i32
      %mul3A_331 = arith.muli %add3A_329, %mul3A_330 : i32
      %dma_wait3A_332 = tpu.memref_slice %arg7[%mul3A_331] : memref<5120xi32, #tpu.memory_space<vmem>> -> memref<80xi32, #tpu.memory_space<vmem>>
      %dma_wait3A_333 = arith.constant 0 : i32
      %dma_wait3A_334 = arith.constant 0 : i32
      %dma_wait3A_335 = tpu.memref_slice %arg2[%dma_wait3A_333, %dma_wait3A_334] : memref<40000x128xf32, #tpu.memory_space<hbm>> -> memref<40000x128xf32, #tpu.memory_space<hbm>>
      tpu.wait_indirect_dma semaphore(%arg14 : memref<!tpu.dma_semaphore, #tpu.memory_space<semaphore_mem>>) src(%dma_wait3A_335 : memref<40000x128xf32, #tpu.memory_space<hbm>>) dst(%arg10 : memref<80x128xf32, #tpu.memory_space<vmem>>)
      %add3A_336 = arith.constant 1 : i32
      %add3A_337 = arith.addi %mul3A_307, %add3A_336 : i32
      "tpu.region"() ({
        %run_scoped3A_369 = tpu.sem_alloc : memref<!tpu.dma_semaphore, #tpu.memory_space<semaphore_mem>>
        %dma_start3A_370 = arith.constant 0 : i32
        %dma_start3A_371 = tpu.memref_slice %arg8[%add3A_337, %dma_start3A_370] : memref<64x80xi32, #tpu.memory_space<vmem>> -> memref<1x80xi32, #tpu.memory_space<vmem>>
        %dma_start3A_372 = tpu.memref_squeeze %dma_start3A_371 : memref<1x80xi32, #tpu.memory_space<vmem>> -> memref<80xi32, #tpu.memory_space<vmem>>
        %dma_start3A_373 = arith.constant 0 : i32
        %dma_start3A_374 = arith.constant 0 : i32
        %dma_start3A_375 = tpu.memref_slice %arg12[%dma_start3A_373, %dma_start3A_374] : memref<10112x128xf32, #tpu.memory_space<vmem_shared>> -> memref<10112x128xf32, #tpu.memory_space<vmem_shared>>
        tpu.enqueue_indirect_dma source(%arg10 : memref<80x128xf32, #tpu.memory_space<vmem>>) target(%dma_start3A_375 : memref<10112x128xf32, #tpu.memory_space<vmem_shared>>) offsets(%dma_start3A_372 : memref<80xi32, #tpu.memory_space<vmem>>) semaphore(%run_scoped3A_369 : memref<!tpu.dma_semaphore, #tpu.memory_space<semaphore_mem>>) {add = true}
        %dma_wait3A_376 = arith.constant 0 : i32
        %dma_wait3A_377 = tpu.memref_slice %arg8[%add3A_337, %dma_wait3A_376] : memref<64x80xi32, #tpu.memory_space<vmem>> -> memref<1x80xi32, #tpu.memory_space<vmem>>
        %dma_wait3A_378 = tpu.memref_squeeze %dma_wait3A_377 : memref<1x80xi32, #tpu.memory_space<vmem>> -> memref<80xi32, #tpu.memory_space<vmem>>
        %dma_wait3A_379 = arith.constant 0 : i32
        %dma_wait3A_380 = arith.constant 0 : i32
        %dma_wait3A_381 = tpu.memref_slice %arg12[%dma_wait3A_379, %dma_wait3A_380] : memref<10112x128xf32, #tpu.memory_space<vmem_shared>> -> memref<10112x128xf32, #tpu.memory_space<vmem_shared>>
        tpu.wait_indirect_dma semaphore(%run_scoped3A_369 : memref<!tpu.dma_semaphore, #tpu.memory_space<semaphore_mem>>) src(%arg10 : memref<80x128xf32, #tpu.memory_space<vmem>>) dst(%dma_wait3A_381 : memref<10112x128xf32, #tpu.memory_space<vmem_shared>>)
        tpu.yield
      }) : () -> ()
      %add3A_338 = arith.constant 3 : i32
      %add3A_339 = arith.addi %mul3A_307, %add3A_338 : i32
      %add3A_340 = arith.constant 1 : i32
      %add3A_341 = arith.addi %add3A_339, %add3A_340 : i32
      %mul3A_342 = arith.constant 80 : i32
      %mul3A_343 = arith.muli %add3A_341, %mul3A_342 : i32
      %dma_start3A_344 = tpu.memref_slice %arg7[%mul3A_343] : memref<5120xi32, #tpu.memory_space<vmem>> -> memref<80xi32, #tpu.memory_space<vmem>>
      %dma_start3A_345 = arith.constant 0 : i32
      %dma_start3A_346 = arith.constant 0 : i32
      %dma_start3A_347 = tpu.memref_slice %arg2[%dma_start3A_345, %dma_start3A_346] : memref<40000x128xf32, #tpu.memory_space<hbm>> -> memref<40000x128xf32, #tpu.memory_space<hbm>>
      tpu.enqueue_indirect_dma source(%dma_start3A_347 : memref<40000x128xf32, #tpu.memory_space<hbm>>) target(%arg10 : memref<80x128xf32, #tpu.memory_space<vmem>>) offsets(%dma_start3A_344 : memref<80xi32, #tpu.memory_space<vmem>>) semaphore(%arg14 : memref<!tpu.dma_semaphore, #tpu.memory_space<semaphore_mem>>)
      %add3A_348 = arith.constant 2 : i32
      %add3A_349 = arith.addi %mul3A_307, %add3A_348 : i32
      %mul3A_350 = arith.constant 80 : i32
      %mul3A_351 = arith.muli %add3A_349, %mul3A_350 : i32
      %dma_wait3A_352 = tpu.memref_slice %arg7[%mul3A_351] : memref<5120xi32, #tpu.memory_space<vmem>> -> memref<80xi32, #tpu.memory_space<vmem>>
      %dma_wait3A_353 = arith.constant 0 : i32
      %dma_wait3A_354 = arith.constant 0 : i32
      %dma_wait3A_355 = tpu.memref_slice %arg2[%dma_wait3A_353, %dma_wait3A_354] : memref<40000x128xf32, #tpu.memory_space<hbm>> -> memref<40000x128xf32, #tpu.memory_space<hbm>>
      tpu.wait_indirect_dma semaphore(%arg15 : memref<!tpu.dma_semaphore, #tpu.memory_space<semaphore_mem>>) src(%dma_wait3A_355 : memref<40000x128xf32, #tpu.memory_space<hbm>>) dst(%arg11 : memref<80x128xf32, #tpu.memory_space<vmem>>)
      %add3A_356 = arith.constant 2 : i32
      %add3A_357 = arith.addi %mul3A_307, %add3A_356 : i32
      "tpu.region"() ({
        %run_scoped3A_369 = tpu.sem_alloc : memref<!tpu.dma_semaphore, #tpu.memory_space<semaphore_mem>>
        %dma_start3A_370 = arith.constant 0 : i32
        %dma_start3A_371 = tpu.memref_slice %arg8[%add3A_357, %dma_start3A_370] : memref<64x80xi32, #tpu.memory_space<vmem>> -> memref<1x80xi32, #tpu.memory_space<vmem>>
        %dma_start3A_372 = tpu.memref_squeeze %dma_start3A_371 : memref<1x80xi32, #tpu.memory_space<vmem>> -> memref<80xi32, #tpu.memory_space<vmem>>
        %dma_start3A_373 = arith.constant 0 : i32
        %dma_start3A_374 = arith.constant 0 : i32
        %dma_start3A_375 = tpu.memref_slice %arg12[%dma_start3A_373, %dma_start3A_374] : memref<10112x128xf32, #tpu.memory_space<vmem_shared>> -> memref<10112x128xf32, #tpu.memory_space<vmem_shared>>
        tpu.enqueue_indirect_dma source(%arg11 : memref<80x128xf32, #tpu.memory_space<vmem>>) target(%dma_start3A_375 : memref<10112x128xf32, #tpu.memory_space<vmem_shared>>) offsets(%dma_start3A_372 : memref<80xi32, #tpu.memory_space<vmem>>) semaphore(%run_scoped3A_369 : memref<!tpu.dma_semaphore, #tpu.memory_space<semaphore_mem>>) {add = true}
        %dma_wait3A_376 = arith.constant 0 : i32
        %dma_wait3A_377 = tpu.memref_slice %arg8[%add3A_357, %dma_wait3A_376] : memref<64x80xi32, #tpu.memory_space<vmem>> -> memref<1x80xi32, #tpu.memory_space<vmem>>
        %dma_wait3A_378 = tpu.memref_squeeze %dma_wait3A_377 : memref<1x80xi32, #tpu.memory_space<vmem>> -> memref<80xi32, #tpu.memory_space<vmem>>
        %dma_wait3A_379 = arith.constant 0 : i32
        %dma_wait3A_380 = arith.constant 0 : i32
        %dma_wait3A_381 = tpu.memref_slice %arg12[%dma_wait3A_379, %dma_wait3A_380] : memref<10112x128xf32, #tpu.memory_space<vmem_shared>> -> memref<10112x128xf32, #tpu.memory_space<vmem_shared>>
        tpu.wait_indirect_dma semaphore(%run_scoped3A_369 : memref<!tpu.dma_semaphore, #tpu.memory_space<semaphore_mem>>) src(%arg11 : memref<80x128xf32, #tpu.memory_space<vmem>>) dst(%dma_wait3A_381 : memref<10112x128xf32, #tpu.memory_space<vmem_shared>>)
        tpu.yield
      }) : () -> ()
      %add3A_358 = arith.constant 3 : i32
      %add3A_359 = arith.addi %mul3A_307, %add3A_358 : i32
      %add3A_360 = arith.constant 2 : i32
      %add3A_361 = arith.addi %add3A_359, %add3A_360 : i32
      %mul3A_362 = arith.constant 80 : i32
      %mul3A_363 = arith.muli %add3A_361, %mul3A_362 : i32
      %dma_start3A_364 = tpu.memref_slice %arg7[%mul3A_363] : memref<5120xi32, #tpu.memory_space<vmem>> -> memref<80xi32, #tpu.memory_space<vmem>>
      %dma_start3A_365 = arith.constant 0 : i32
      %dma_start3A_366 = arith.constant 0 : i32
      %dma_start3A_367 = tpu.memref_slice %arg2[%dma_start3A_365, %dma_start3A_366] : memref<40000x128xf32, #tpu.memory_space<hbm>> -> memref<40000x128xf32, #tpu.memory_space<hbm>>
      tpu.enqueue_indirect_dma source(%dma_start3A_367 : memref<40000x128xf32, #tpu.memory_space<hbm>>) target(%arg11 : memref<80x128xf32, #tpu.memory_space<vmem>>) offsets(%dma_start3A_364 : memref<80xi32, #tpu.memory_space<vmem>>) semaphore(%arg15 : memref<!tpu.dma_semaphore, #tpu.memory_space<semaphore_mem>>)
      %scan3A_368 = arith.constant 0 : i32
      scf.yield %scan3A_368 : i32
    }
    %scan3A_37 = arith.constant 20 : i32
    %dma_wait3A_38 = arith.constant 4800 : i32
    %dma_wait3A_39 = tpu.memref_slice %arg7[%dma_wait3A_38] : memref<5120xi32, #tpu.memory_space<vmem>> -> memref<80xi32, #tpu.memory_space<vmem>>
    %dma_wait3A_40 = arith.constant 0 : i32
    %dma_wait3A_41 = arith.constant 0 : i32
    %dma_wait3A_42 = tpu.memref_slice %arg2[%dma_wait3A_40, %dma_wait3A_41] : memref<40000x128xf32, #tpu.memory_space<hbm>> -> memref<40000x128xf32, #tpu.memory_space<hbm>>
    tpu.wait_indirect_dma semaphore(%arg13 : memref<!tpu.dma_semaphore, #tpu.memory_space<semaphore_mem>>) src(%dma_wait3A_42 : memref<40000x128xf32, #tpu.memory_space<hbm>>) dst(%arg9 : memref<80x128xf32, #tpu.memory_space<vmem>>)
    %run_scoped3A_43 = arith.constant 60 : i32
    "tpu.region"() ({
      %run_scoped3A_304 = tpu.sem_alloc : memref<!tpu.dma_semaphore, #tpu.memory_space<semaphore_mem>>
      %dma_start3A_305 = arith.constant 0 : i32
      %dma_start3A_306 = tpu.memref_slice %arg8[%run_scoped3A_43, %dma_start3A_305] : memref<64x80xi32, #tpu.memory_space<vmem>> -> memref<1x80xi32, #tpu.memory_space<vmem>>
      %dma_start3A_307 = tpu.memref_squeeze %dma_start3A_306 : memref<1x80xi32, #tpu.memory_space<vmem>> -> memref<80xi32, #tpu.memory_space<vmem>>
      %dma_start3A_308 = arith.constant 0 : i32
      %dma_start3A_309 = arith.constant 0 : i32
      %dma_start3A_310 = tpu.memref_slice %arg12[%dma_start3A_308, %dma_start3A_309] : memref<10112x128xf32, #tpu.memory_space<vmem_shared>> -> memref<10112x128xf32, #tpu.memory_space<vmem_shared>>
      tpu.enqueue_indirect_dma source(%arg9 : memref<80x128xf32, #tpu.memory_space<vmem>>) target(%dma_start3A_310 : memref<10112x128xf32, #tpu.memory_space<vmem_shared>>) offsets(%dma_start3A_307 : memref<80xi32, #tpu.memory_space<vmem>>) semaphore(%run_scoped3A_304 : memref<!tpu.dma_semaphore, #tpu.memory_space<semaphore_mem>>) {add = true}
      %dma_wait3A_311 = arith.constant 0 : i32
      %dma_wait3A_312 = tpu.memref_slice %arg8[%run_scoped3A_43, %dma_wait3A_311] : memref<64x80xi32, #tpu.memory_space<vmem>> -> memref<1x80xi32, #tpu.memory_space<vmem>>
      %dma_wait3A_313 = tpu.memref_squeeze %dma_wait3A_312 : memref<1x80xi32, #tpu.memory_space<vmem>> -> memref<80xi32, #tpu.memory_space<vmem>>
      %dma_wait3A_314 = arith.constant 0 : i32
      %dma_wait3A_315 = arith.constant 0 : i32
      %dma_wait3A_316 = tpu.memref_slice %arg12[%dma_wait3A_314, %dma_wait3A_315] : memref<10112x128xf32, #tpu.memory_space<vmem_shared>> -> memref<10112x128xf32, #tpu.memory_space<vmem_shared>>
      tpu.wait_indirect_dma semaphore(%run_scoped3A_304 : memref<!tpu.dma_semaphore, #tpu.memory_space<semaphore_mem>>) src(%arg9 : memref<80x128xf32, #tpu.memory_space<vmem>>) dst(%dma_wait3A_316 : memref<10112x128xf32, #tpu.memory_space<vmem_shared>>)
      tpu.yield
    }) : () -> ()
    %dma_start3A_44 = arith.constant 5040 : i32
    %dma_start3A_45 = tpu.memref_slice %arg7[%dma_start3A_44] : memref<5120xi32, #tpu.memory_space<vmem>> -> memref<80xi32, #tpu.memory_space<vmem>>
    %dma_start3A_46 = arith.constant 0 : i32
    %dma_start3A_47 = arith.constant 0 : i32
    %dma_start3A_48 = tpu.memref_slice %arg2[%dma_start3A_46, %dma_start3A_47] : memref<40000x128xf32, #tpu.memory_space<hbm>> -> memref<40000x128xf32, #tpu.memory_space<hbm>>
    tpu.enqueue_indirect_dma source(%dma_start3A_48 : memref<40000x128xf32, #tpu.memory_space<hbm>>) target(%arg9 : memref<80x128xf32, #tpu.memory_space<vmem>>) offsets(%dma_start3A_45 : memref<80xi32, #tpu.memory_space<vmem>>) semaphore(%arg13 : memref<!tpu.dma_semaphore, #tpu.memory_space<semaphore_mem>>)
    %dma_wait3A_49 = arith.constant 4880 : i32
    %dma_wait3A_50 = tpu.memref_slice %arg7[%dma_wait3A_49] : memref<5120xi32, #tpu.memory_space<vmem>> -> memref<80xi32, #tpu.memory_space<vmem>>
    %dma_wait3A_51 = arith.constant 0 : i32
    %dma_wait3A_52 = arith.constant 0 : i32
    %dma_wait3A_53 = tpu.memref_slice %arg2[%dma_wait3A_51, %dma_wait3A_52] : memref<40000x128xf32, #tpu.memory_space<hbm>> -> memref<40000x128xf32, #tpu.memory_space<hbm>>
    tpu.wait_indirect_dma semaphore(%arg14 : memref<!tpu.dma_semaphore, #tpu.memory_space<semaphore_mem>>) src(%dma_wait3A_53 : memref<40000x128xf32, #tpu.memory_space<hbm>>) dst(%arg10 : memref<80x128xf32, #tpu.memory_space<vmem>>)
    %run_scoped3A_54 = arith.constant 61 : i32
    "tpu.region"() ({
      %run_scoped3A_304 = tpu.sem_alloc : memref<!tpu.dma_semaphore, #tpu.memory_space<semaphore_mem>>
      %dma_start3A_305 = arith.constant 0 : i32
      %dma_start3A_306 = tpu.memref_slice %arg8[%run_scoped3A_54, %dma_start3A_305] : memref<64x80xi32, #tpu.memory_space<vmem>> -> memref<1x80xi32, #tpu.memory_space<vmem>>
      %dma_start3A_307 = tpu.memref_squeeze %dma_start3A_306 : memref<1x80xi32, #tpu.memory_space<vmem>> -> memref<80xi32, #tpu.memory_space<vmem>>
      %dma_start3A_308 = arith.constant 0 : i32
      %dma_start3A_309 = arith.constant 0 : i32
      %dma_start3A_310 = tpu.memref_slice %arg12[%dma_start3A_308, %dma_start3A_309] : memref<10112x128xf32, #tpu.memory_space<vmem_shared>> -> memref<10112x128xf32, #tpu.memory_space<vmem_shared>>
      tpu.enqueue_indirect_dma source(%arg10 : memref<80x128xf32, #tpu.memory_space<vmem>>) target(%dma_start3A_310 : memref<10112x128xf32, #tpu.memory_space<vmem_shared>>) offsets(%dma_start3A_307 : memref<80xi32, #tpu.memory_space<vmem>>) semaphore(%run_scoped3A_304 : memref<!tpu.dma_semaphore, #tpu.memory_space<semaphore_mem>>) {add = true}
      %dma_wait3A_311 = arith.constant 0 : i32
      %dma_wait3A_312 = tpu.memref_slice %arg8[%run_scoped3A_54, %dma_wait3A_311] : memref<64x80xi32, #tpu.memory_space<vmem>> -> memref<1x80xi32, #tpu.memory_space<vmem>>
      %dma_wait3A_313 = tpu.memref_squeeze %dma_wait3A_312 : memref<1x80xi32, #tpu.memory_space<vmem>> -> memref<80xi32, #tpu.memory_space<vmem>>
      %dma_wait3A_314 = arith.constant 0 : i32
      %dma_wait3A_315 = arith.constant 0 : i32
      %dma_wait3A_316 = tpu.memref_slice %arg12[%dma_wait3A_314, %dma_wait3A_315] : memref<10112x128xf32, #tpu.memory_space<vmem_shared>> -> memref<10112x128xf32, #tpu.memory_space<vmem_shared>>
      tpu.wait_indirect_dma semaphore(%run_scoped3A_304 : memref<!tpu.dma_semaphore, #tpu.memory_space<semaphore_mem>>) src(%arg10 : memref<80x128xf32, #tpu.memory_space<vmem>>) dst(%dma_wait3A_316 : memref<10112x128xf32, #tpu.memory_space<vmem_shared>>)
      tpu.yield
    }) : () -> ()
    %dma_wait3A_55 = arith.constant 4960 : i32
    %dma_wait3A_56 = tpu.memref_slice %arg7[%dma_wait3A_55] : memref<5120xi32, #tpu.memory_space<vmem>> -> memref<80xi32, #tpu.memory_space<vmem>>
    %dma_wait3A_57 = arith.constant 0 : i32
    %dma_wait3A_58 = arith.constant 0 : i32
    %dma_wait3A_59 = tpu.memref_slice %arg2[%dma_wait3A_57, %dma_wait3A_58] : memref<40000x128xf32, #tpu.memory_space<hbm>> -> memref<40000x128xf32, #tpu.memory_space<hbm>>
    tpu.wait_indirect_dma semaphore(%arg15 : memref<!tpu.dma_semaphore, #tpu.memory_space<semaphore_mem>>) src(%dma_wait3A_59 : memref<40000x128xf32, #tpu.memory_space<hbm>>) dst(%arg11 : memref<80x128xf32, #tpu.memory_space<vmem>>)
    %run_scoped3A_60 = arith.constant 62 : i32
    "tpu.region"() ({
      %run_scoped3A_304 = tpu.sem_alloc : memref<!tpu.dma_semaphore, #tpu.memory_space<semaphore_mem>>
      %dma_start3A_305 = arith.constant 0 : i32
      %dma_start3A_306 = tpu.memref_slice %arg8[%run_scoped3A_60, %dma_start3A_305] : memref<64x80xi32, #tpu.memory_space<vmem>> -> memref<1x80xi32, #tpu.memory_space<vmem>>
      %dma_start3A_307 = tpu.memref_squeeze %dma_start3A_306 : memref<1x80xi32, #tpu.memory_space<vmem>> -> memref<80xi32, #tpu.memory_space<vmem>>
      %dma_start3A_308 = arith.constant 0 : i32
      %dma_start3A_309 = arith.constant 0 : i32
      %dma_start3A_310 = tpu.memref_slice %arg12[%dma_start3A_308, %dma_start3A_309] : memref<10112x128xf32, #tpu.memory_space<vmem_shared>> -> memref<10112x128xf32, #tpu.memory_space<vmem_shared>>
      tpu.enqueue_indirect_dma source(%arg11 : memref<80x128xf32, #tpu.memory_space<vmem>>) target(%dma_start3A_310 : memref<10112x128xf32, #tpu.memory_space<vmem_shared>>) offsets(%dma_start3A_307 : memref<80xi32, #tpu.memory_space<vmem>>) semaphore(%run_scoped3A_304 : memref<!tpu.dma_semaphore, #tpu.memory_space<semaphore_mem>>) {add = true}
      %dma_wait3A_311 = arith.constant 0 : i32
      %dma_wait3A_312 = tpu.memref_slice %arg8[%run_scoped3A_60, %dma_wait3A_311] : memref<64x80xi32, #tpu.memory_space<vmem>> -> memref<1x80xi32, #tpu.memory_space<vmem>>
      %dma_wait3A_313 = tpu.memref_squeeze %dma_wait3A_312 : memref<1x80xi32, #tpu.memory_space<vmem>> -> memref<80xi32, #tpu.memory_space<vmem>>
      %dma_wait3A_314 = arith.constant 0 : i32
      %dma_wait3A_315 = arith.constant 0 : i32
      %dma_wait3A_316 = tpu.memref_slice %arg12[%dma_wait3A_314, %dma_wait3A_315] : memref<10112x128xf32, #tpu.memory_space<vmem_shared>> -> memref<10112x128xf32, #tpu.memory_space<vmem_shared>>
      tpu.wait_indirect_dma semaphore(%run_scoped3A_304 : memref<!tpu.dma_semaphore, #tpu.memory_space<semaphore_mem>>) src(%arg11 : memref<80x128xf32, #tpu.memory_space<vmem>>) dst(%dma_wait3A_316 : memref<10112x128xf32, #tpu.memory_space<vmem_shared>>)
      tpu.yield
    }) : () -> ()
    %dma_wait3A_61 = arith.constant 5040 : i32
    %dma_wait3A_62 = tpu.memref_slice %arg7[%dma_wait3A_61] : memref<5120xi32, #tpu.memory_space<vmem>> -> memref<80xi32, #tpu.memory_space<vmem>>
    %dma_wait3A_63 = arith.constant 0 : i32
    %dma_wait3A_64 = arith.constant 0 : i32
    %dma_wait3A_65 = tpu.memref_slice %arg2[%dma_wait3A_63, %dma_wait3A_64] : memref<40000x128xf32, #tpu.memory_space<hbm>> -> memref<40000x128xf32, #tpu.memory_space<hbm>>
    tpu.wait_indirect_dma semaphore(%arg13 : memref<!tpu.dma_semaphore, #tpu.memory_space<semaphore_mem>>) src(%dma_wait3A_65 : memref<40000x128xf32, #tpu.memory_space<hbm>>) dst(%arg9 : memref<80x128xf32, #tpu.memory_space<vmem>>)
    %run_scoped3A_66 = arith.constant 63 : i32
    "tpu.region"() ({
      %run_scoped3A_304 = tpu.sem_alloc : memref<!tpu.dma_semaphore, #tpu.memory_space<semaphore_mem>>
      %dma_start3A_305 = arith.constant 0 : i32
      %dma_start3A_306 = tpu.memref_slice %arg8[%run_scoped3A_66, %dma_start3A_305] : memref<64x80xi32, #tpu.memory_space<vmem>> -> memref<1x80xi32, #tpu.memory_space<vmem>>
      %dma_start3A_307 = tpu.memref_squeeze %dma_start3A_306 : memref<1x80xi32, #tpu.memory_space<vmem>> -> memref<80xi32, #tpu.memory_space<vmem>>
      %dma_start3A_308 = arith.constant 0 : i32
      %dma_start3A_309 = arith.constant 0 : i32
      %dma_start3A_310 = tpu.memref_slice %arg12[%dma_start3A_308, %dma_start3A_309] : memref<10112x128xf32, #tpu.memory_space<vmem_shared>> -> memref<10112x128xf32, #tpu.memory_space<vmem_shared>>
      tpu.enqueue_indirect_dma source(%arg9 : memref<80x128xf32, #tpu.memory_space<vmem>>) target(%dma_start3A_310 : memref<10112x128xf32, #tpu.memory_space<vmem_shared>>) offsets(%dma_start3A_307 : memref<80xi32, #tpu.memory_space<vmem>>) semaphore(%run_scoped3A_304 : memref<!tpu.dma_semaphore, #tpu.memory_space<semaphore_mem>>) {add = true}
      %dma_wait3A_311 = arith.constant 0 : i32
      %dma_wait3A_312 = tpu.memref_slice %arg8[%run_scoped3A_66, %dma_wait3A_311] : memref<64x80xi32, #tpu.memory_space<vmem>> -> memref<1x80xi32, #tpu.memory_space<vmem>>
      %dma_wait3A_313 = tpu.memref_squeeze %dma_wait3A_312 : memref<1x80xi32, #tpu.memory_space<vmem>> -> memref<80xi32, #tpu.memory_space<vmem>>
      %dma_wait3A_314 = arith.constant 0 : i32
      %dma_wait3A_315 = arith.constant 0 : i32
      %dma_wait3A_316 = tpu.memref_slice %arg12[%dma_wait3A_314, %dma_wait3A_315] : memref<10112x128xf32, #tpu.memory_space<vmem_shared>> -> memref<10112x128xf32, #tpu.memory_space<vmem_shared>>
      tpu.wait_indirect_dma semaphore(%run_scoped3A_304 : memref<!tpu.dma_semaphore, #tpu.memory_space<semaphore_mem>>) src(%arg9 : memref<80x128xf32, #tpu.memory_space<vmem>>) dst(%dma_wait3A_316 : memref<10112x128xf32, #tpu.memory_space<vmem_shared>>)
      tpu.yield
    }) : () -> ()
    %add3A_67 = arith.constant 0 : i32
    %add3A_68 = arith.addi %add3A_67, %arg0 : i32
    %mul3A_69 = arith.constant 163840 : i32
    %mul3A_70 = arith.muli %add3A_68, %mul3A_69 : i32
    %mul3A_71 = arith.constant 10240 : i32
    %mul3A_72 = arith.muli %arg1, %mul3A_71 : i32
    %add3A_73 = arith.addi %mul3A_70, %mul3A_72 : i32
    %add3A_74 = arith.constant 5120 : i32
    %add3A_75 = arith.addi %add3A_73, %add3A_74 : i32
    "tpu.region"() ({
      %run_scoped3A_304 = tpu.sem_alloc : memref<!tpu.dma_semaphore, #tpu.memory_space<semaphore_mem>>
      %dma_start3A_305 = tpu.memref_slice %arg3[%add3A_75] : memref<655360xi32, #tpu.memory_space<hbm>> -> memref<5120xi32, #tpu.memory_space<hbm>>
      %dma_start3A_306 = tpu.memref_slice %arg3[%add3A_75] : memref<655360xi32, #tpu.memory_space<hbm>> -> memref<5120xi32, #tpu.memory_space<hbm>>
      tpu.enqueue_dma source(%dma_start3A_306 : memref<5120xi32, #tpu.memory_space<hbm>>) target(%arg7 : memref<5120xi32, #tpu.memory_space<vmem>>) target_semaphore(%run_scoped3A_304 : memref<!tpu.dma_semaphore, #tpu.memory_space<semaphore_mem>>)
      %dma_wait3A_307 = tpu.memref_slice %arg3[%add3A_75] : memref<655360xi32, #tpu.memory_space<hbm>> -> memref<5120xi32, #tpu.memory_space<hbm>>
      %dma_wait3A_308 = tpu.memref_slice %arg3[%add3A_75] : memref<655360xi32, #tpu.memory_space<hbm>> -> memref<5120xi32, #tpu.memory_space<hbm>>
      tpu.wait_dma2 semaphore(%run_scoped3A_304 : memref<!tpu.dma_semaphore, #tpu.memory_space<semaphore_mem>>) src(%dma_wait3A_308 : memref<5120xi32, #tpu.memory_space<hbm>>) dst(%arg7 : memref<5120xi32, #tpu.memory_space<vmem>>)
      tpu.yield
    }) : () -> ()
    %run_scoped3A_76 = arith.constant 1 : i32
    "tpu.region"() ({
      %run_scoped3A_304 = tpu.sem_alloc : memref<!tpu.dma_semaphore, #tpu.memory_space<semaphore_mem>>
      %dma_start3A_305 = arith.constant 64 : i32
      %dma_start3A_306 = arith.constant 0 : i32
      %dma_start3A_307 = tpu.memref_slice %arg4[%run_scoped3A_76, %arg1, %dma_start3A_305, %dma_start3A_306] : memref<2x16x128x80xi32, #tpu.memory_space<hbm>> -> memref<1x1x64x80xi32, #tpu.memory_space<hbm>>
      %dma_start3A_308 = tpu.memref_squeeze %dma_start3A_307 : memref<1x1x64x80xi32, #tpu.memory_space<hbm>> -> memref<64x80xi32, #tpu.memory_space<hbm>>
      %dma_start3A_309 = arith.constant 64 : i32
      %dma_start3A_310 = arith.constant 0 : i32
      %dma_start3A_311 = tpu.memref_slice %arg4[%run_scoped3A_76, %arg1, %dma_start3A_309, %dma_start3A_310] : memref<2x16x128x80xi32, #tpu.memory_space<hbm>> -> memref<1x1x64x80xi32, #tpu.memory_space<hbm>>
      %dma_start3A_312 = tpu.memref_squeeze %dma_start3A_311 : memref<1x1x64x80xi32, #tpu.memory_space<hbm>> -> memref<64x80xi32, #tpu.memory_space<hbm>>
      tpu.enqueue_dma source(%dma_start3A_312 : memref<64x80xi32, #tpu.memory_space<hbm>>) target(%arg8 : memref<64x80xi32, #tpu.memory_space<vmem>>) target_semaphore(%run_scoped3A_304 : memref<!tpu.dma_semaphore, #tpu.memory_space<semaphore_mem>>)
      %dma_wait3A_313 = arith.constant 64 : i32
      %dma_wait3A_314 = arith.constant 0 : i32
      %dma_wait3A_315 = tpu.memref_slice %arg4[%run_scoped3A_76, %arg1, %dma_wait3A_313, %dma_wait3A_314] : memref<2x16x128x80xi32, #tpu.memory_space<hbm>> -> memref<1x1x64x80xi32, #tpu.memory_space<hbm>>
      %dma_wait3A_316 = tpu.memref_squeeze %dma_wait3A_315 : memref<1x1x64x80xi32, #tpu.memory_space<hbm>> -> memref<64x80xi32, #tpu.memory_space<hbm>>
      %dma_wait3A_317 = arith.constant 64 : i32
      %dma_wait3A_318 = arith.constant 0 : i32
      %dma_wait3A_319 = tpu.memref_slice %arg4[%run_scoped3A_76, %arg1, %dma_wait3A_317, %dma_wait3A_318] : memref<2x16x128x80xi32, #tpu.memory_space<hbm>> -> memref<1x1x64x80xi32, #tpu.memory_space<hbm>>
      %dma_wait3A_320 = tpu.memref_squeeze %dma_wait3A_319 : memref<1x1x64x80xi32, #tpu.memory_space<hbm>> -> memref<64x80xi32, #tpu.memory_space<hbm>>
      tpu.wait_dma2 semaphore(%run_scoped3A_304 : memref<!tpu.dma_semaphore, #tpu.memory_space<semaphore_mem>>) src(%dma_wait3A_320 : memref<64x80xi32, #tpu.memory_space<hbm>>) dst(%arg8 : memref<64x80xi32, #tpu.memory_space<vmem>>)
      tpu.yield
    }) : () -> ()
    %dma_start3A_77 = arith.constant 0 : i32
    %dma_start3A_78 = tpu.memref_slice %arg7[%dma_start3A_77] : memref<5120xi32, #tpu.memory_space<vmem>> -> memref<80xi32, #tpu.memory_space<vmem>>
    %dma_start3A_79 = arith.constant 0 : i32
    %dma_start3A_80 = arith.constant 0 : i32
    %dma_start3A_81 = tpu.memref_slice %arg2[%dma_start3A_79, %dma_start3A_80] : memref<40000x128xf32, #tpu.memory_space<hbm>> -> memref<40000x128xf32, #tpu.memory_space<hbm>>
    tpu.enqueue_indirect_dma source(%dma_start3A_81 : memref<40000x128xf32, #tpu.memory_space<hbm>>) target(%arg9 : memref<80x128xf32, #tpu.memory_space<vmem>>) offsets(%dma_start3A_78 : memref<80xi32, #tpu.memory_space<vmem>>) semaphore(%arg13 : memref<!tpu.dma_semaphore, #tpu.memory_space<semaphore_mem>>)
    %dma_start3A_82 = arith.constant 80 : i32
    %dma_start3A_83 = tpu.memref_slice %arg7[%dma_start3A_82] : memref<5120xi32, #tpu.memory_space<vmem>> -> memref<80xi32, #tpu.memory_space<vmem>>
    %dma_start3A_84 = arith.constant 0 : i32
    %dma_start3A_85 = arith.constant 0 : i32
    %dma_start3A_86 = tpu.memref_slice %arg2[%dma_start3A_84, %dma_start3A_85] : memref<40000x128xf32, #tpu.memory_space<hbm>> -> memref<40000x128xf32, #tpu.memory_space<hbm>>
    tpu.enqueue_indirect_dma source(%dma_start3A_86 : memref<40000x128xf32, #tpu.memory_space<hbm>>) target(%arg10 : memref<80x128xf32, #tpu.memory_space<vmem>>) offsets(%dma_start3A_83 : memref<80xi32, #tpu.memory_space<vmem>>) semaphore(%arg14 : memref<!tpu.dma_semaphore, #tpu.memory_space<semaphore_mem>>)
    %dma_start3A_87 = arith.constant 160 : i32
    %dma_start3A_88 = tpu.memref_slice %arg7[%dma_start3A_87] : memref<5120xi32, #tpu.memory_space<vmem>> -> memref<80xi32, #tpu.memory_space<vmem>>
    %dma_start3A_89 = arith.constant 0 : i32
    %dma_start3A_90 = arith.constant 0 : i32
    %dma_start3A_91 = tpu.memref_slice %arg2[%dma_start3A_89, %dma_start3A_90] : memref<40000x128xf32, #tpu.memory_space<hbm>> -> memref<40000x128xf32, #tpu.memory_space<hbm>>
    tpu.enqueue_indirect_dma source(%dma_start3A_91 : memref<40000x128xf32, #tpu.memory_space<hbm>>) target(%arg11 : memref<80x128xf32, #tpu.memory_space<vmem>>) offsets(%dma_start3A_88 : memref<80xi32, #tpu.memory_space<vmem>>) semaphore(%arg15 : memref<!tpu.dma_semaphore, #tpu.memory_space<semaphore_mem>>)
    %scan3A_92 = arith.constant 0 : i32
    %scan3A_93 = arith.constant 0 : i32
    %scan3A_94 = arith.constant 20 : i32
    %scan3A_95 = arith.addi %scan3A_93, %scan3A_94 : i32
    %scan3A_96 = arith.constant 1 : i32
    %scan3A_97 = scf.for %scan3A_304 = %scan3A_93 to %scan3A_95 step %scan3A_96 iter_args(%scan3A_305 = %scan3A_92) -> (i32)  : i32 {
      %mul3A_306 = arith.constant 3 : i32
      %mul3A_307 = arith.muli %mul3A_306, %scan3A_304 : i32
      %add3A_308 = arith.constant 0 : i32
      %add3A_309 = arith.addi %mul3A_307, %add3A_308 : i32
      %mul3A_310 = arith.constant 80 : i32
      %mul3A_311 = arith.muli %add3A_309, %mul3A_310 : i32
      %dma_wait3A_312 = tpu.memref_slice %arg7[%mul3A_311] : memref<5120xi32, #tpu.memory_space<vmem>> -> memref<80xi32, #tpu.memory_space<vmem>>
      %dma_wait3A_313 = arith.constant 0 : i32
      %dma_wait3A_314 = arith.constant 0 : i32
      %dma_wait3A_315 = tpu.memref_slice %arg2[%dma_wait3A_313, %dma_wait3A_314] : memref<40000x128xf32, #tpu.memory_space<hbm>> -> memref<40000x128xf32, #tpu.memory_space<hbm>>
      tpu.wait_indirect_dma semaphore(%arg13 : memref<!tpu.dma_semaphore, #tpu.memory_space<semaphore_mem>>) src(%dma_wait3A_315 : memref<40000x128xf32, #tpu.memory_space<hbm>>) dst(%arg9 : memref<80x128xf32, #tpu.memory_space<vmem>>)
      %add3A_316 = arith.constant 0 : i32
      %add3A_317 = arith.addi %mul3A_307, %add3A_316 : i32
      "tpu.region"() ({
        %run_scoped3A_369 = tpu.sem_alloc : memref<!tpu.dma_semaphore, #tpu.memory_space<semaphore_mem>>
        %dma_start3A_370 = arith.constant 0 : i32
        %dma_start3A_371 = tpu.memref_slice %arg8[%add3A_317, %dma_start3A_370] : memref<64x80xi32, #tpu.memory_space<vmem>> -> memref<1x80xi32, #tpu.memory_space<vmem>>
        %dma_start3A_372 = tpu.memref_squeeze %dma_start3A_371 : memref<1x80xi32, #tpu.memory_space<vmem>> -> memref<80xi32, #tpu.memory_space<vmem>>
        %dma_start3A_373 = arith.constant 0 : i32
        %dma_start3A_374 = arith.constant 0 : i32
        %dma_start3A_375 = tpu.memref_slice %arg12[%dma_start3A_373, %dma_start3A_374] : memref<10112x128xf32, #tpu.memory_space<vmem_shared>> -> memref<10112x128xf32, #tpu.memory_space<vmem_shared>>
        tpu.enqueue_indirect_dma source(%arg9 : memref<80x128xf32, #tpu.memory_space<vmem>>) target(%dma_start3A_375 : memref<10112x128xf32, #tpu.memory_space<vmem_shared>>) offsets(%dma_start3A_372 : memref<80xi32, #tpu.memory_space<vmem>>) semaphore(%run_scoped3A_369 : memref<!tpu.dma_semaphore, #tpu.memory_space<semaphore_mem>>) {add = true}
        %dma_wait3A_376 = arith.constant 0 : i32
        %dma_wait3A_377 = tpu.memref_slice %arg8[%add3A_317, %dma_wait3A_376] : memref<64x80xi32, #tpu.memory_space<vmem>> -> memref<1x80xi32, #tpu.memory_space<vmem>>
        %dma_wait3A_378 = tpu.memref_squeeze %dma_wait3A_377 : memref<1x80xi32, #tpu.memory_space<vmem>> -> memref<80xi32, #tpu.memory_space<vmem>>
        %dma_wait3A_379 = arith.constant 0 : i32
        %dma_wait3A_380 = arith.constant 0 : i32
        %dma_wait3A_381 = tpu.memref_slice %arg12[%dma_wait3A_379, %dma_wait3A_380] : memref<10112x128xf32, #tpu.memory_space<vmem_shared>> -> memref<10112x128xf32, #tpu.memory_space<vmem_shared>>
        tpu.wait_indirect_dma semaphore(%run_scoped3A_369 : memref<!tpu.dma_semaphore, #tpu.memory_space<semaphore_mem>>) src(%arg9 : memref<80x128xf32, #tpu.memory_space<vmem>>) dst(%dma_wait3A_381 : memref<10112x128xf32, #tpu.memory_space<vmem_shared>>)
        tpu.yield
      }) : () -> ()
      %add3A_318 = arith.constant 3 : i32
      %add3A_319 = arith.addi %mul3A_307, %add3A_318 : i32
      %add3A_320 = arith.constant 0 : i32
      %add3A_321 = arith.addi %add3A_319, %add3A_320 : i32
      %mul3A_322 = arith.constant 80 : i32
      %mul3A_323 = arith.muli %add3A_321, %mul3A_322 : i32
      %dma_start3A_324 = tpu.memref_slice %arg7[%mul3A_323] : memref<5120xi32, #tpu.memory_space<vmem>> -> memref<80xi32, #tpu.memory_space<vmem>>
      %dma_start3A_325 = arith.constant 0 : i32
      %dma_start3A_326 = arith.constant 0 : i32
      %dma_start3A_327 = tpu.memref_slice %arg2[%dma_start3A_325, %dma_start3A_326] : memref<40000x128xf32, #tpu.memory_space<hbm>> -> memref<40000x128xf32, #tpu.memory_space<hbm>>
      tpu.enqueue_indirect_dma source(%dma_start3A_327 : memref<40000x128xf32, #tpu.memory_space<hbm>>) target(%arg9 : memref<80x128xf32, #tpu.memory_space<vmem>>) offsets(%dma_start3A_324 : memref<80xi32, #tpu.memory_space<vmem>>) semaphore(%arg13 : memref<!tpu.dma_semaphore, #tpu.memory_space<semaphore_mem>>)
      %add3A_328 = arith.constant 1 : i32
      %add3A_329 = arith.addi %mul3A_307, %add3A_328 : i32
      %mul3A_330 = arith.constant 80 : i32
      %mul3A_331 = arith.muli %add3A_329, %mul3A_330 : i32
      %dma_wait3A_332 = tpu.memref_slice %arg7[%mul3A_331] : memref<5120xi32, #tpu.memory_space<vmem>> -> memref<80xi32, #tpu.memory_space<vmem>>
      %dma_wait3A_333 = arith.constant 0 : i32
      %dma_wait3A_334 = arith.constant 0 : i32
      %dma_wait3A_335 = tpu.memref_slice %arg2[%dma_wait3A_333, %dma_wait3A_334] : memref<40000x128xf32, #tpu.memory_space<hbm>> -> memref<40000x128xf32, #tpu.memory_space<hbm>>
      tpu.wait_indirect_dma semaphore(%arg14 : memref<!tpu.dma_semaphore, #tpu.memory_space<semaphore_mem>>) src(%dma_wait3A_335 : memref<40000x128xf32, #tpu.memory_space<hbm>>) dst(%arg10 : memref<80x128xf32, #tpu.memory_space<vmem>>)
      %add3A_336 = arith.constant 1 : i32
      %add3A_337 = arith.addi %mul3A_307, %add3A_336 : i32
      "tpu.region"() ({
        %run_scoped3A_369 = tpu.sem_alloc : memref<!tpu.dma_semaphore, #tpu.memory_space<semaphore_mem>>
        %dma_start3A_370 = arith.constant 0 : i32
        %dma_start3A_371 = tpu.memref_slice %arg8[%add3A_337, %dma_start3A_370] : memref<64x80xi32, #tpu.memory_space<vmem>> -> memref<1x80xi32, #tpu.memory_space<vmem>>
        %dma_start3A_372 = tpu.memref_squeeze %dma_start3A_371 : memref<1x80xi32, #tpu.memory_space<vmem>> -> memref<80xi32, #tpu.memory_space<vmem>>
        %dma_start3A_373 = arith.constant 0 : i32
        %dma_start3A_374 = arith.constant 0 : i32
        %dma_start3A_375 = tpu.memref_slice %arg12[%dma_start3A_373, %dma_start3A_374] : memref<10112x128xf32, #tpu.memory_space<vmem_shared>> -> memref<10112x128xf32, #tpu.memory_space<vmem_shared>>
        tpu.enqueue_indirect_dma source(%arg10 : memref<80x128xf32, #tpu.memory_space<vmem>>) target(%dma_start3A_375 : memref<10112x128xf32, #tpu.memory_space<vmem_shared>>) offsets(%dma_start3A_372 : memref<80xi32, #tpu.memory_space<vmem>>) semaphore(%run_scoped3A_369 : memref<!tpu.dma_semaphore, #tpu.memory_space<semaphore_mem>>) {add = true}
        %dma_wait3A_376 = arith.constant 0 : i32
        %dma_wait3A_377 = tpu.memref_slice %arg8[%add3A_337, %dma_wait3A_376] : memref<64x80xi32, #tpu.memory_space<vmem>> -> memref<1x80xi32, #tpu.memory_space<vmem>>
        %dma_wait3A_378 = tpu.memref_squeeze %dma_wait3A_377 : memref<1x80xi32, #tpu.memory_space<vmem>> -> memref<80xi32, #tpu.memory_space<vmem>>
        %dma_wait3A_379 = arith.constant 0 : i32
        %dma_wait3A_380 = arith.constant 0 : i32
        %dma_wait3A_381 = tpu.memref_slice %arg12[%dma_wait3A_379, %dma_wait3A_380] : memref<10112x128xf32, #tpu.memory_space<vmem_shared>> -> memref<10112x128xf32, #tpu.memory_space<vmem_shared>>
        tpu.wait_indirect_dma semaphore(%run_scoped3A_369 : memref<!tpu.dma_semaphore, #tpu.memory_space<semaphore_mem>>) src(%arg10 : memref<80x128xf32, #tpu.memory_space<vmem>>) dst(%dma_wait3A_381 : memref<10112x128xf32, #tpu.memory_space<vmem_shared>>)
        tpu.yield
      }) : () -> ()
      %add3A_338 = arith.constant 3 : i32
      %add3A_339 = arith.addi %mul3A_307, %add3A_338 : i32
      %add3A_340 = arith.constant 1 : i32
      %add3A_341 = arith.addi %add3A_339, %add3A_340 : i32
      %mul3A_342 = arith.constant 80 : i32
      %mul3A_343 = arith.muli %add3A_341, %mul3A_342 : i32
      %dma_start3A_344 = tpu.memref_slice %arg7[%mul3A_343] : memref<5120xi32, #tpu.memory_space<vmem>> -> memref<80xi32, #tpu.memory_space<vmem>>
      %dma_start3A_345 = arith.constant 0 : i32
      %dma_start3A_346 = arith.constant 0 : i32
      %dma_start3A_347 = tpu.memref_slice %arg2[%dma_start3A_345, %dma_start3A_346] : memref<40000x128xf32, #tpu.memory_space<hbm>> -> memref<40000x128xf32, #tpu.memory_space<hbm>>
      tpu.enqueue_indirect_dma source(%dma_start3A_347 : memref<40000x128xf32, #tpu.memory_space<hbm>>) target(%arg10 : memref<80x128xf32, #tpu.memory_space<vmem>>) offsets(%dma_start3A_344 : memref<80xi32, #tpu.memory_space<vmem>>) semaphore(%arg14 : memref<!tpu.dma_semaphore, #tpu.memory_space<semaphore_mem>>)
      %add3A_348 = arith.constant 2 : i32
      %add3A_349 = arith.addi %mul3A_307, %add3A_348 : i32
      %mul3A_350 = arith.constant 80 : i32
      %mul3A_351 = arith.muli %add3A_349, %mul3A_350 : i32
      %dma_wait3A_352 = tpu.memref_slice %arg7[%mul3A_351] : memref<5120xi32, #tpu.memory_space<vmem>> -> memref<80xi32, #tpu.memory_space<vmem>>
      %dma_wait3A_353 = arith.constant 0 : i32
      %dma_wait3A_354 = arith.constant 0 : i32
      %dma_wait3A_355 = tpu.memref_slice %arg2[%dma_wait3A_353, %dma_wait3A_354] : memref<40000x128xf32, #tpu.memory_space<hbm>> -> memref<40000x128xf32, #tpu.memory_space<hbm>>
      tpu.wait_indirect_dma semaphore(%arg15 : memref<!tpu.dma_semaphore, #tpu.memory_space<semaphore_mem>>) src(%dma_wait3A_355 : memref<40000x128xf32, #tpu.memory_space<hbm>>) dst(%arg11 : memref<80x128xf32, #tpu.memory_space<vmem>>)
      %add3A_356 = arith.constant 2 : i32
      %add3A_357 = arith.addi %mul3A_307, %add3A_356 : i32
      "tpu.region"() ({
        %run_scoped3A_369 = tpu.sem_alloc : memref<!tpu.dma_semaphore, #tpu.memory_space<semaphore_mem>>
        %dma_start3A_370 = arith.constant 0 : i32
        %dma_start3A_371 = tpu.memref_slice %arg8[%add3A_357, %dma_start3A_370] : memref<64x80xi32, #tpu.memory_space<vmem>> -> memref<1x80xi32, #tpu.memory_space<vmem>>
        %dma_start3A_372 = tpu.memref_squeeze %dma_start3A_371 : memref<1x80xi32, #tpu.memory_space<vmem>> -> memref<80xi32, #tpu.memory_space<vmem>>
        %dma_start3A_373 = arith.constant 0 : i32
        %dma_start3A_374 = arith.constant 0 : i32
        %dma_start3A_375 = tpu.memref_slice %arg12[%dma_start3A_373, %dma_start3A_374] : memref<10112x128xf32, #tpu.memory_space<vmem_shared>> -> memref<10112x128xf32, #tpu.memory_space<vmem_shared>>
        tpu.enqueue_indirect_dma source(%arg11 : memref<80x128xf32, #tpu.memory_space<vmem>>) target(%dma_start3A_375 : memref<10112x128xf32, #tpu.memory_space<vmem_shared>>) offsets(%dma_start3A_372 : memref<80xi32, #tpu.memory_space<vmem>>) semaphore(%run_scoped3A_369 : memref<!tpu.dma_semaphore, #tpu.memory_space<semaphore_mem>>) {add = true}
        %dma_wait3A_376 = arith.constant 0 : i32
        %dma_wait3A_377 = tpu.memref_slice %arg8[%add3A_357, %dma_wait3A_376] : memref<64x80xi32, #tpu.memory_space<vmem>> -> memref<1x80xi32, #tpu.memory_space<vmem>>
        %dma_wait3A_378 = tpu.memref_squeeze %dma_wait3A_377 : memref<1x80xi32, #tpu.memory_space<vmem>> -> memref<80xi32, #tpu.memory_space<vmem>>
        %dma_wait3A_379 = arith.constant 0 : i32
        %dma_wait3A_380 = arith.constant 0 : i32
        %dma_wait3A_381 = tpu.memref_slice %arg12[%dma_wait3A_379, %dma_wait3A_380] : memref<10112x128xf32, #tpu.memory_space<vmem_shared>> -> memref<10112x128xf32, #tpu.memory_space<vmem_shared>>
        tpu.wait_indirect_dma semaphore(%run_scoped3A_369 : memref<!tpu.dma_semaphore, #tpu.memory_space<semaphore_mem>>) src(%arg11 : memref<80x128xf32, #tpu.memory_space<vmem>>) dst(%dma_wait3A_381 : memref<10112x128xf32, #tpu.memory_space<vmem_shared>>)
        tpu.yield
      }) : () -> ()
      %add3A_358 = arith.constant 3 : i32
      %add3A_359 = arith.addi %mul3A_307, %add3A_358 : i32
      %add3A_360 = arith.constant 2 : i32
      %add3A_361 = arith.addi %add3A_359, %add3A_360 : i32
      %mul3A_362 = arith.constant 80 : i32
      %mul3A_363 = arith.muli %add3A_361, %mul3A_362 : i32
      %dma_start3A_364 = tpu.memref_slice %arg7[%mul3A_363] : memref<5120xi32, #tpu.memory_space<vmem>> -> memref<80xi32, #tpu.memory_space<vmem>>
      %dma_start3A_365 = arith.constant 0 : i32
      %dma_start3A_366 = arith.constant 0 : i32
      %dma_start3A_367 = tpu.memref_slice %arg2[%dma_start3A_365, %dma_start3A_366] : memref<40000x128xf32, #tpu.memory_space<hbm>> -> memref<40000x128xf32, #tpu.memory_space<hbm>>
      tpu.enqueue_indirect_dma source(%dma_start3A_367 : memref<40000x128xf32, #tpu.memory_space<hbm>>) target(%arg11 : memref<80x128xf32, #tpu.memory_space<vmem>>) offsets(%dma_start3A_364 : memref<80xi32, #tpu.memory_space<vmem>>) semaphore(%arg15 : memref<!tpu.dma_semaphore, #tpu.memory_space<semaphore_mem>>)
      %scan3A_368 = arith.constant 0 : i32
      scf.yield %scan3A_368 : i32
    }
    %scan3A_98 = arith.constant 20 : i32
    %dma_wait3A_99 = arith.constant 4800 : i32
    %dma_wait3A_100 = tpu.memref_slice %arg7[%dma_wait3A_99] : memref<5120xi32, #tpu.memory_space<vmem>> -> memref<80xi32, #tpu.memory_space<vmem>>
    %dma_wait3A_101 = arith.constant 0 : i32
    %dma_wait3A_102 = arith.constant 0 : i32
    %dma_wait3A_103 = tpu.memref_slice %arg2[%dma_wait3A_101, %dma_wait3A_102] : memref<40000x128xf32, #tpu.memory_space<hbm>> -> memref<40000x128xf32, #tpu.memory_space<hbm>>
    tpu.wait_indirect_dma semaphore(%arg13 : memref<!tpu.dma_semaphore, #tpu.memory_space<semaphore_mem>>) src(%dma_wait3A_103 : memref<40000x128xf32, #tpu.memory_space<hbm>>) dst(%arg9 : memref<80x128xf32, #tpu.memory_space<vmem>>)
    %run_scoped3A_104 = arith.constant 60 : i32
    "tpu.region"() ({
      %run_scoped3A_304 = tpu.sem_alloc : memref<!tpu.dma_semaphore, #tpu.memory_space<semaphore_mem>>
      %dma_start3A_305 = arith.constant 0 : i32
      %dma_start3A_306 = tpu.memref_slice %arg8[%run_scoped3A_104, %dma_start3A_305] : memref<64x80xi32, #tpu.memory_space<vmem>> -> memref<1x80xi32, #tpu.memory_space<vmem>>
      %dma_start3A_307 = tpu.memref_squeeze %dma_start3A_306 : memref<1x80xi32, #tpu.memory_space<vmem>> -> memref<80xi32, #tpu.memory_space<vmem>>
      %dma_start3A_308 = arith.constant 0 : i32
      %dma_start3A_309 = arith.constant 0 : i32
      %dma_start3A_310 = tpu.memref_slice %arg12[%dma_start3A_308, %dma_start3A_309] : memref<10112x128xf32, #tpu.memory_space<vmem_shared>> -> memref<10112x128xf32, #tpu.memory_space<vmem_shared>>
      tpu.enqueue_indirect_dma source(%arg9 : memref<80x128xf32, #tpu.memory_space<vmem>>) target(%dma_start3A_310 : memref<10112x128xf32, #tpu.memory_space<vmem_shared>>) offsets(%dma_start3A_307 : memref<80xi32, #tpu.memory_space<vmem>>) semaphore(%run_scoped3A_304 : memref<!tpu.dma_semaphore, #tpu.memory_space<semaphore_mem>>) {add = true}
      %dma_wait3A_311 = arith.constant 0 : i32
      %dma_wait3A_312 = tpu.memref_slice %arg8[%run_scoped3A_104, %dma_wait3A_311] : memref<64x80xi32, #tpu.memory_space<vmem>> -> memref<1x80xi32, #tpu.memory_space<vmem>>
      %dma_wait3A_313 = tpu.memref_squeeze %dma_wait3A_312 : memref<1x80xi32, #tpu.memory_space<vmem>> -> memref<80xi32, #tpu.memory_space<vmem>>
      %dma_wait3A_314 = arith.constant 0 : i32
      %dma_wait3A_315 = arith.constant 0 : i32
      %dma_wait3A_316 = tpu.memref_slice %arg12[%dma_wait3A_314, %dma_wait3A_315] : memref<10112x128xf32, #tpu.memory_space<vmem_shared>> -> memref<10112x128xf32, #tpu.memory_space<vmem_shared>>
      tpu.wait_indirect_dma semaphore(%run_scoped3A_304 : memref<!tpu.dma_semaphore, #tpu.memory_space<semaphore_mem>>) src(%arg9 : memref<80x128xf32, #tpu.memory_space<vmem>>) dst(%dma_wait3A_316 : memref<10112x128xf32, #tpu.memory_space<vmem_shared>>)
      tpu.yield
    }) : () -> ()
    %dma_start3A_105 = arith.constant 5040 : i32
    %dma_start3A_106 = tpu.memref_slice %arg7[%dma_start3A_105] : memref<5120xi32, #tpu.memory_space<vmem>> -> memref<80xi32, #tpu.memory_space<vmem>>
    %dma_start3A_107 = arith.constant 0 : i32
    %dma_start3A_108 = arith.constant 0 : i32
    %dma_start3A_109 = tpu.memref_slice %arg2[%dma_start3A_107, %dma_start3A_108] : memref<40000x128xf32, #tpu.memory_space<hbm>> -> memref<40000x128xf32, #tpu.memory_space<hbm>>
    tpu.enqueue_indirect_dma source(%dma_start3A_109 : memref<40000x128xf32, #tpu.memory_space<hbm>>) target(%arg9 : memref<80x128xf32, #tpu.memory_space<vmem>>) offsets(%dma_start3A_106 : memref<80xi32, #tpu.memory_space<vmem>>) semaphore(%arg13 : memref<!tpu.dma_semaphore, #tpu.memory_space<semaphore_mem>>)
    %dma_wait3A_110 = arith.constant 4880 : i32
    %dma_wait3A_111 = tpu.memref_slice %arg7[%dma_wait3A_110] : memref<5120xi32, #tpu.memory_space<vmem>> -> memref<80xi32, #tpu.memory_space<vmem>>
    %dma_wait3A_112 = arith.constant 0 : i32
    %dma_wait3A_113 = arith.constant 0 : i32
    %dma_wait3A_114 = tpu.memref_slice %arg2[%dma_wait3A_112, %dma_wait3A_113] : memref<40000x128xf32, #tpu.memory_space<hbm>> -> memref<40000x128xf32, #tpu.memory_space<hbm>>
    tpu.wait_indirect_dma semaphore(%arg14 : memref<!tpu.dma_semaphore, #tpu.memory_space<semaphore_mem>>) src(%dma_wait3A_114 : memref<40000x128xf32, #tpu.memory_space<hbm>>) dst(%arg10 : memref<80x128xf32, #tpu.memory_space<vmem>>)
    %run_scoped3A_115 = arith.constant 61 : i32
    "tpu.region"() ({
      %run_scoped3A_304 = tpu.sem_alloc : memref<!tpu.dma_semaphore, #tpu.memory_space<semaphore_mem>>
      %dma_start3A_305 = arith.constant 0 : i32
      %dma_start3A_306 = tpu.memref_slice %arg8[%run_scoped3A_115, %dma_start3A_305] : memref<64x80xi32, #tpu.memory_space<vmem>> -> memref<1x80xi32, #tpu.memory_space<vmem>>
      %dma_start3A_307 = tpu.memref_squeeze %dma_start3A_306 : memref<1x80xi32, #tpu.memory_space<vmem>> -> memref<80xi32, #tpu.memory_space<vmem>>
      %dma_start3A_308 = arith.constant 0 : i32
      %dma_start3A_309 = arith.constant 0 : i32
      %dma_start3A_310 = tpu.memref_slice %arg12[%dma_start3A_308, %dma_start3A_309] : memref<10112x128xf32, #tpu.memory_space<vmem_shared>> -> memref<10112x128xf32, #tpu.memory_space<vmem_shared>>
      tpu.enqueue_indirect_dma source(%arg10 : memref<80x128xf32, #tpu.memory_space<vmem>>) target(%dma_start3A_310 : memref<10112x128xf32, #tpu.memory_space<vmem_shared>>) offsets(%dma_start3A_307 : memref<80xi32, #tpu.memory_space<vmem>>) semaphore(%run_scoped3A_304 : memref<!tpu.dma_semaphore, #tpu.memory_space<semaphore_mem>>) {add = true}
      %dma_wait3A_311 = arith.constant 0 : i32
      %dma_wait3A_312 = tpu.memref_slice %arg8[%run_scoped3A_115, %dma_wait3A_311] : memref<64x80xi32, #tpu.memory_space<vmem>> -> memref<1x80xi32, #tpu.memory_space<vmem>>
      %dma_wait3A_313 = tpu.memref_squeeze %dma_wait3A_312 : memref<1x80xi32, #tpu.memory_space<vmem>> -> memref<80xi32, #tpu.memory_space<vmem>>
      %dma_wait3A_314 = arith.constant 0 : i32
      %dma_wait3A_315 = arith.constant 0 : i32
      %dma_wait3A_316 = tpu.memref_slice %arg12[%dma_wait3A_314, %dma_wait3A_315] : memref<10112x128xf32, #tpu.memory_space<vmem_shared>> -> memref<10112x128xf32, #tpu.memory_space<vmem_shared>>
      tpu.wait_indirect_dma semaphore(%run_scoped3A_304 : memref<!tpu.dma_semaphore, #tpu.memory_space<semaphore_mem>>) src(%arg10 : memref<80x128xf32, #tpu.memory_space<vmem>>) dst(%dma_wait3A_316 : memref<10112x128xf32, #tpu.memory_space<vmem_shared>>)
      tpu.yield
    }) : () -> ()
    %dma_wait3A_116 = arith.constant 4960 : i32
    %dma_wait3A_117 = tpu.memref_slice %arg7[%dma_wait3A_116] : memref<5120xi32, #tpu.memory_space<vmem>> -> memref<80xi32, #tpu.memory_space<vmem>>
    %dma_wait3A_118 = arith.constant 0 : i32
    %dma_wait3A_119 = arith.constant 0 : i32
    %dma_wait3A_120 = tpu.memref_slice %arg2[%dma_wait3A_118, %dma_wait3A_119] : memref<40000x128xf32, #tpu.memory_space<hbm>> -> memref<40000x128xf32, #tpu.memory_space<hbm>>
    tpu.wait_indirect_dma semaphore(%arg15 : memref<!tpu.dma_semaphore, #tpu.memory_space<semaphore_mem>>) src(%dma_wait3A_120 : memref<40000x128xf32, #tpu.memory_space<hbm>>) dst(%arg11 : memref<80x128xf32, #tpu.memory_space<vmem>>)
    %run_scoped3A_121 = arith.constant 62 : i32
    "tpu.region"() ({
      %run_scoped3A_304 = tpu.sem_alloc : memref<!tpu.dma_semaphore, #tpu.memory_space<semaphore_mem>>
      %dma_start3A_305 = arith.constant 0 : i32
      %dma_start3A_306 = tpu.memref_slice %arg8[%run_scoped3A_121, %dma_start3A_305] : memref<64x80xi32, #tpu.memory_space<vmem>> -> memref<1x80xi32, #tpu.memory_space<vmem>>
      %dma_start3A_307 = tpu.memref_squeeze %dma_start3A_306 : memref<1x80xi32, #tpu.memory_space<vmem>> -> memref<80xi32, #tpu.memory_space<vmem>>
      %dma_start3A_308 = arith.constant 0 : i32
      %dma_start3A_309 = arith.constant 0 : i32
      %dma_start3A_310 = tpu.memref_slice %arg12[%dma_start3A_308, %dma_start3A_309] : memref<10112x128xf32, #tpu.memory_space<vmem_shared>> -> memref<10112x128xf32, #tpu.memory_space<vmem_shared>>
      tpu.enqueue_indirect_dma source(%arg11 : memref<80x128xf32, #tpu.memory_space<vmem>>) target(%dma_start3A_310 : memref<10112x128xf32, #tpu.memory_space<vmem_shared>>) offsets(%dma_start3A_307 : memref<80xi32, #tpu.memory_space<vmem>>) semaphore(%run_scoped3A_304 : memref<!tpu.dma_semaphore, #tpu.memory_space<semaphore_mem>>) {add = true}
      %dma_wait3A_311 = arith.constant 0 : i32
      %dma_wait3A_312 = tpu.memref_slice %arg8[%run_scoped3A_121, %dma_wait3A_311] : memref<64x80xi32, #tpu.memory_space<vmem>> -> memref<1x80xi32, #tpu.memory_space<vmem>>
      %dma_wait3A_313 = tpu.memref_squeeze %dma_wait3A_312 : memref<1x80xi32, #tpu.memory_space<vmem>> -> memref<80xi32, #tpu.memory_space<vmem>>
      %dma_wait3A_314 = arith.constant 0 : i32
      %dma_wait3A_315 = arith.constant 0 : i32
      %dma_wait3A_316 = tpu.memref_slice %arg12[%dma_wait3A_314, %dma_wait3A_315] : memref<10112x128xf32, #tpu.memory_space<vmem_shared>> -> memref<10112x128xf32, #tpu.memory_space<vmem_shared>>
      tpu.wait_indirect_dma semaphore(%run_scoped3A_304 : memref<!tpu.dma_semaphore, #tpu.memory_space<semaphore_mem>>) src(%arg11 : memref<80x128xf32, #tpu.memory_space<vmem>>) dst(%dma_wait3A_316 : memref<10112x128xf32, #tpu.memory_space<vmem_shared>>)
      tpu.yield
    }) : () -> ()
    %dma_wait3A_122 = arith.constant 5040 : i32
    %dma_wait3A_123 = tpu.memref_slice %arg7[%dma_wait3A_122] : memref<5120xi32, #tpu.memory_space<vmem>> -> memref<80xi32, #tpu.memory_space<vmem>>
    %dma_wait3A_124 = arith.constant 0 : i32
    %dma_wait3A_125 = arith.constant 0 : i32
    %dma_wait3A_126 = tpu.memref_slice %arg2[%dma_wait3A_124, %dma_wait3A_125] : memref<40000x128xf32, #tpu.memory_space<hbm>> -> memref<40000x128xf32, #tpu.memory_space<hbm>>
    tpu.wait_indirect_dma semaphore(%arg13 : memref<!tpu.dma_semaphore, #tpu.memory_space<semaphore_mem>>) src(%dma_wait3A_126 : memref<40000x128xf32, #tpu.memory_space<hbm>>) dst(%arg9 : memref<80x128xf32, #tpu.memory_space<vmem>>)
    %run_scoped3A_127 = arith.constant 63 : i32
    "tpu.region"() ({
      %run_scoped3A_304 = tpu.sem_alloc : memref<!tpu.dma_semaphore, #tpu.memory_space<semaphore_mem>>
      %dma_start3A_305 = arith.constant 0 : i32
      %dma_start3A_306 = tpu.memref_slice %arg8[%run_scoped3A_127, %dma_start3A_305] : memref<64x80xi32, #tpu.memory_space<vmem>> -> memref<1x80xi32, #tpu.memory_space<vmem>>
      %dma_start3A_307 = tpu.memref_squeeze %dma_start3A_306 : memref<1x80xi32, #tpu.memory_space<vmem>> -> memref<80xi32, #tpu.memory_space<vmem>>
      %dma_start3A_308 = arith.constant 0 : i32
      %dma_start3A_309 = arith.constant 0 : i32
      %dma_start3A_310 = tpu.memref_slice %arg12[%dma_start3A_308, %dma_start3A_309] : memref<10112x128xf32, #tpu.memory_space<vmem_shared>> -> memref<10112x128xf32, #tpu.memory_space<vmem_shared>>
      tpu.enqueue_indirect_dma source(%arg9 : memref<80x128xf32, #tpu.memory_space<vmem>>) target(%dma_start3A_310 : memref<10112x128xf32, #tpu.memory_space<vmem_shared>>) offsets(%dma_start3A_307 : memref<80xi32, #tpu.memory_space<vmem>>) semaphore(%run_scoped3A_304 : memref<!tpu.dma_semaphore, #tpu.memory_space<semaphore_mem>>) {add = true}
      %dma_wait3A_311 = arith.constant 0 : i32
      %dma_wait3A_312 = tpu.memref_slice %arg8[%run_scoped3A_127, %dma_wait3A_311] : memref<64x80xi32, #tpu.memory_space<vmem>> -> memref<1x80xi32, #tpu.memory_space<vmem>>
      %dma_wait3A_313 = tpu.memref_squeeze %dma_wait3A_312 : memref<1x80xi32, #tpu.memory_space<vmem>> -> memref<80xi32, #tpu.memory_space<vmem>>
      %dma_wait3A_314 = arith.constant 0 : i32
      %dma_wait3A_315 = arith.constant 0 : i32
      %dma_wait3A_316 = tpu.memref_slice %arg12[%dma_wait3A_314, %dma_wait3A_315] : memref<10112x128xf32, #tpu.memory_space<vmem_shared>> -> memref<10112x128xf32, #tpu.memory_space<vmem_shared>>
      tpu.wait_indirect_dma semaphore(%run_scoped3A_304 : memref<!tpu.dma_semaphore, #tpu.memory_space<semaphore_mem>>) src(%arg9 : memref<80x128xf32, #tpu.memory_space<vmem>>) dst(%dma_wait3A_316 : memref<10112x128xf32, #tpu.memory_space<vmem_shared>>)
      tpu.yield
    }) : () -> ()
    %add3A_128 = arith.constant 2 : i32
    %add3A_129 = arith.addi %add3A_128, %arg0 : i32
    %mul3A_130 = arith.constant 163840 : i32
    %mul3A_131 = arith.muli %add3A_129, %mul3A_130 : i32
    %mul3A_132 = arith.constant 10240 : i32
    %mul3A_133 = arith.muli %arg1, %mul3A_132 : i32
    %add3A_134 = arith.addi %mul3A_131, %mul3A_133 : i32
    %dma_start3A_135 = tpu.memref_slice %arg3[%add3A_134] : memref<655360xi32, #tpu.memory_space<hbm>> -> memref<5120xi32, #tpu.memory_space<hbm>>
    %dma_start3A_136 = tpu.memref_slice %arg3[%add3A_134] : memref<655360xi32, #tpu.memory_space<hbm>> -> memref<5120xi32, #tpu.memory_space<hbm>>
    tpu.enqueue_dma source(%dma_start3A_136 : memref<5120xi32, #tpu.memory_space<hbm>>) target(%arg7 : memref<5120xi32, #tpu.memory_space<vmem>>) target_semaphore(%arg17 : memref<!tpu.dma_semaphore, #tpu.memory_space<semaphore_mem>>)
    %dma_start3A_137 = arith.constant 1 : i32
    %dma_start3A_138 = arith.constant 0 : i32
    %dma_start3A_139 = arith.constant 0 : i32
    %dma_start3A_140 = tpu.memref_slice %arg4[%dma_start3A_137, %arg1, %dma_start3A_138, %dma_start3A_139] : memref<2x16x128x80xi32, #tpu.memory_space<hbm>> -> memref<1x1x64x80xi32, #tpu.memory_space<hbm>>
    %dma_start3A_141 = tpu.memref_squeeze %dma_start3A_140 : memref<1x1x64x80xi32, #tpu.memory_space<hbm>> -> memref<64x80xi32, #tpu.memory_space<hbm>>
    %dma_start3A_142 = arith.constant 0 : i32
    %dma_start3A_143 = arith.constant 0 : i32
    %dma_start3A_144 = tpu.memref_slice %arg4[%dma_start3A_137, %arg1, %dma_start3A_142, %dma_start3A_143] : memref<2x16x128x80xi32, #tpu.memory_space<hbm>> -> memref<1x1x64x80xi32, #tpu.memory_space<hbm>>
    %dma_start3A_145 = tpu.memref_squeeze %dma_start3A_144 : memref<1x1x64x80xi32, #tpu.memory_space<hbm>> -> memref<64x80xi32, #tpu.memory_space<hbm>>
    tpu.enqueue_dma source(%dma_start3A_145 : memref<64x80xi32, #tpu.memory_space<hbm>>) target(%arg8 : memref<64x80xi32, #tpu.memory_space<vmem>>) target_semaphore(%arg19 : memref<!tpu.dma_semaphore, #tpu.memory_space<semaphore_mem>>)
    %barrier3A_146 = arith.constant 0 : index
    tpu.barrier barrier_id(%barrier3A_146)
    %add3A_147 = arith.constant 0 : i32
    %add3A_148 = arith.addi %add3A_147, %arg0 : i32
    %dma_start3A_149 = arith.constant 0 : i32
    %dma_start3A_150 = tpu.memref_slice %arg6[%add3A_148, %mul3A_0, %dma_start3A_149] : memref<4x10112x128xf32, #tpu.memory_space<hbm>> -> memref<1x632x128xf32, #tpu.memory_space<hbm>>
    %dma_start3A_151 = tpu.memref_squeeze %dma_start3A_150 : memref<1x632x128xf32, #tpu.memory_space<hbm>> -> memref<632x128xf32, #tpu.memory_space<hbm>>
    %dma_start3A_152 = arith.constant 0 : i32
    %dma_start3A_153 = tpu.memref_slice %arg12[%mul3A_0, %dma_start3A_152] : memref<10112x128xf32, #tpu.memory_space<vmem_shared>> -> memref<632x128xf32, #tpu.memory_space<vmem_shared>>
    tpu.enqueue_dma source(%dma_start3A_153 : memref<632x128xf32, #tpu.memory_space<vmem_shared>>) target(%dma_start3A_151 : memref<632x128xf32, #tpu.memory_space<hbm>>) target_semaphore(%arg18 : memref<!tpu.dma_semaphore, #tpu.memory_space<semaphore_mem>>)
    %dma_wait3A_154 = tpu.memref_slice %arg3[%add3A_134] : memref<655360xi32, #tpu.memory_space<hbm>> -> memref<5120xi32, #tpu.memory_space<hbm>>
    %dma_wait3A_155 = tpu.memref_slice %arg3[%add3A_134] : memref<655360xi32, #tpu.memory_space<hbm>> -> memref<5120xi32, #tpu.memory_space<hbm>>
    tpu.wait_dma2 semaphore(%arg17 : memref<!tpu.dma_semaphore, #tpu.memory_space<semaphore_mem>>) src(%dma_wait3A_155 : memref<5120xi32, #tpu.memory_space<hbm>>) dst(%arg7 : memref<5120xi32, #tpu.memory_space<vmem>>)
    %dma_start3A_156 = arith.constant 0 : i32
    %dma_start3A_157 = tpu.memref_slice %arg7[%dma_start3A_156] : memref<5120xi32, #tpu.memory_space<vmem>> -> memref<80xi32, #tpu.memory_space<vmem>>
    %dma_start3A_158 = arith.constant 0 : i32
    %dma_start3A_159 = arith.constant 0 : i32
    %dma_start3A_160 = tpu.memref_slice %arg2[%dma_start3A_158, %dma_start3A_159] : memref<40000x128xf32, #tpu.memory_space<hbm>> -> memref<40000x128xf32, #tpu.memory_space<hbm>>
    tpu.enqueue_indirect_dma source(%dma_start3A_160 : memref<40000x128xf32, #tpu.memory_space<hbm>>) target(%arg9 : memref<80x128xf32, #tpu.memory_space<vmem>>) offsets(%dma_start3A_157 : memref<80xi32, #tpu.memory_space<vmem>>) semaphore(%arg13 : memref<!tpu.dma_semaphore, #tpu.memory_space<semaphore_mem>>)
    %dma_start3A_161 = arith.constant 80 : i32
    %dma_start3A_162 = tpu.memref_slice %arg7[%dma_start3A_161] : memref<5120xi32, #tpu.memory_space<vmem>> -> memref<80xi32, #tpu.memory_space<vmem>>
    %dma_start3A_163 = arith.constant 0 : i32
    %dma_start3A_164 = arith.constant 0 : i32
    %dma_start3A_165 = tpu.memref_slice %arg2[%dma_start3A_163, %dma_start3A_164] : memref<40000x128xf32, #tpu.memory_space<hbm>> -> memref<40000x128xf32, #tpu.memory_space<hbm>>
    tpu.enqueue_indirect_dma source(%dma_start3A_165 : memref<40000x128xf32, #tpu.memory_space<hbm>>) target(%arg10 : memref<80x128xf32, #tpu.memory_space<vmem>>) offsets(%dma_start3A_162 : memref<80xi32, #tpu.memory_space<vmem>>) semaphore(%arg14 : memref<!tpu.dma_semaphore, #tpu.memory_space<semaphore_mem>>)
    %dma_start3A_166 = arith.constant 160 : i32
    %dma_start3A_167 = tpu.memref_slice %arg7[%dma_start3A_166] : memref<5120xi32, #tpu.memory_space<vmem>> -> memref<80xi32, #tpu.memory_space<vmem>>
    %dma_start3A_168 = arith.constant 0 : i32
    %dma_start3A_169 = arith.constant 0 : i32
    %dma_start3A_170 = tpu.memref_slice %arg2[%dma_start3A_168, %dma_start3A_169] : memref<40000x128xf32, #tpu.memory_space<hbm>> -> memref<40000x128xf32, #tpu.memory_space<hbm>>
    tpu.enqueue_indirect_dma source(%dma_start3A_170 : memref<40000x128xf32, #tpu.memory_space<hbm>>) target(%arg11 : memref<80x128xf32, #tpu.memory_space<vmem>>) offsets(%dma_start3A_167 : memref<80xi32, #tpu.memory_space<vmem>>) semaphore(%arg15 : memref<!tpu.dma_semaphore, #tpu.memory_space<semaphore_mem>>)
    %dma_wait3A_171 = arith.constant 1 : i32
    %dma_wait3A_172 = arith.constant 0 : i32
    %dma_wait3A_173 = arith.constant 0 : i32
    %dma_wait3A_174 = tpu.memref_slice %arg4[%dma_wait3A_171, %arg1, %dma_wait3A_172, %dma_wait3A_173] : memref<2x16x128x80xi32, #tpu.memory_space<hbm>> -> memref<1x1x64x80xi32, #tpu.memory_space<hbm>>
    %dma_wait3A_175 = tpu.memref_squeeze %dma_wait3A_174 : memref<1x1x64x80xi32, #tpu.memory_space<hbm>> -> memref<64x80xi32, #tpu.memory_space<hbm>>
    %dma_wait3A_176 = arith.constant 0 : i32
    %dma_wait3A_177 = arith.constant 0 : i32
    %dma_wait3A_178 = tpu.memref_slice %arg4[%dma_wait3A_171, %arg1, %dma_wait3A_176, %dma_wait3A_177] : memref<2x16x128x80xi32, #tpu.memory_space<hbm>> -> memref<1x1x64x80xi32, #tpu.memory_space<hbm>>
    %dma_wait3A_179 = tpu.memref_squeeze %dma_wait3A_178 : memref<1x1x64x80xi32, #tpu.memory_space<hbm>> -> memref<64x80xi32, #tpu.memory_space<hbm>>
    tpu.wait_dma2 semaphore(%arg19 : memref<!tpu.dma_semaphore, #tpu.memory_space<semaphore_mem>>) src(%dma_wait3A_179 : memref<64x80xi32, #tpu.memory_space<hbm>>) dst(%arg8 : memref<64x80xi32, #tpu.memory_space<vmem>>)
    %dma_wait3A_180 = arith.constant 0 : i32
    %dma_wait3A_181 = tpu.memref_slice %arg6[%add3A_148, %mul3A_0, %dma_wait3A_180] : memref<4x10112x128xf32, #tpu.memory_space<hbm>> -> memref<1x632x128xf32, #tpu.memory_space<hbm>>
    %dma_wait3A_182 = tpu.memref_squeeze %dma_wait3A_181 : memref<1x632x128xf32, #tpu.memory_space<hbm>> -> memref<632x128xf32, #tpu.memory_space<hbm>>
    %dma_wait3A_183 = arith.constant 0 : i32
    %dma_wait3A_184 = tpu.memref_slice %arg12[%mul3A_0, %dma_wait3A_183] : memref<10112x128xf32, #tpu.memory_space<vmem_shared>> -> memref<632x128xf32, #tpu.memory_space<vmem_shared>>
    tpu.wait_dma2 semaphore(%arg18 : memref<!tpu.dma_semaphore, #tpu.memory_space<semaphore_mem>>) src(%dma_wait3A_184 : memref<632x128xf32, #tpu.memory_space<vmem_shared>>) dst(%dma_wait3A_182 : memref<632x128xf32, #tpu.memory_space<hbm>>)
    %dma_start3A_185 = arith.constant 0 : i32
    %dma_start3A_186 = tpu.memref_slice %arg12[%mul3A_0, %dma_start3A_185] : memref<10112x128xf32, #tpu.memory_space<vmem_shared>> -> memref<632x128xf32, #tpu.memory_space<vmem_shared>>
    %dma_start3A_187 = arith.constant 0 : i32
    %dma_start3A_188 = tpu.memref_slice %arg5[%mul3A_0, %dma_start3A_187] : memref<10112x128xf32, #tpu.memory_space<hbm>> -> memref<632x128xf32, #tpu.memory_space<hbm>>
    tpu.enqueue_dma source(%dma_start3A_188 : memref<632x128xf32, #tpu.memory_space<hbm>>) target(%dma_start3A_186 : memref<632x128xf32, #tpu.memory_space<vmem_shared>>) target_semaphore(%arg16 : memref<!tpu.dma_semaphore, #tpu.memory_space<semaphore_mem>>)
    %dma_wait3A_189 = arith.constant 0 : i32
    %dma_wait3A_190 = tpu.memref_slice %arg12[%mul3A_0, %dma_wait3A_189] : memref<10112x128xf32, #tpu.memory_space<vmem_shared>> -> memref<632x128xf32, #tpu.memory_space<vmem_shared>>
    %dma_wait3A_191 = arith.constant 0 : i32
    %dma_wait3A_192 = tpu.memref_slice %arg5[%mul3A_0, %dma_wait3A_191] : memref<10112x128xf32, #tpu.memory_space<hbm>> -> memref<632x128xf32, #tpu.memory_space<hbm>>
    tpu.wait_dma2 semaphore(%arg16 : memref<!tpu.dma_semaphore, #tpu.memory_space<semaphore_mem>>) src(%dma_wait3A_192 : memref<632x128xf32, #tpu.memory_space<hbm>>) dst(%dma_wait3A_190 : memref<632x128xf32, #tpu.memory_space<vmem_shared>>)
    %barrier3A_193 = arith.constant 0 : index
    tpu.barrier barrier_id(%barrier3A_193)
    %scan3A_194 = arith.constant 0 : i32
    %scan3A_195 = arith.constant 0 : i32
    %scan3A_196 = arith.constant 20 : i32
    %scan3A_197 = arith.addi %scan3A_195, %scan3A_196 : i32
    %scan3A_198 = arith.constant 1 : i32
    %scan3A_199 = scf.for %scan3A_304 = %scan3A_195 to %scan3A_197 step %scan3A_198 iter_args(%scan3A_305 = %scan3A_194) -> (i32)  : i32 {
      %mul3A_306 = arith.constant 3 : i32
      %mul3A_307 = arith.muli %mul3A_306, %scan3A_304 : i32
      %add3A_308 = arith.constant 0 : i32
      %add3A_309 = arith.addi %mul3A_307, %add3A_308 : i32
      %mul3A_310 = arith.constant 80 : i32
      %mul3A_311 = arith.muli %add3A_309, %mul3A_310 : i32
      %dma_wait3A_312 = tpu.memref_slice %arg7[%mul3A_311] : memref<5120xi32, #tpu.memory_space<vmem>> -> memref<80xi32, #tpu.memory_space<vmem>>
      %dma_wait3A_313 = arith.constant 0 : i32
      %dma_wait3A_314 = arith.constant 0 : i32
      %dma_wait3A_315 = tpu.memref_slice %arg2[%dma_wait3A_313, %dma_wait3A_314] : memref<40000x128xf32, #tpu.memory_space<hbm>> -> memref<40000x128xf32, #tpu.memory_space<hbm>>
      tpu.wait_indirect_dma semaphore(%arg13 : memref<!tpu.dma_semaphore, #tpu.memory_space<semaphore_mem>>) src(%dma_wait3A_315 : memref<40000x128xf32, #tpu.memory_space<hbm>>) dst(%arg9 : memref<80x128xf32, #tpu.memory_space<vmem>>)
      %add3A_316 = arith.constant 0 : i32
      %add3A_317 = arith.addi %mul3A_307, %add3A_316 : i32
      "tpu.region"() ({
        %run_scoped3A_369 = tpu.sem_alloc : memref<!tpu.dma_semaphore, #tpu.memory_space<semaphore_mem>>
        %dma_start3A_370 = arith.constant 0 : i32
        %dma_start3A_371 = tpu.memref_slice %arg8[%add3A_317, %dma_start3A_370] : memref<64x80xi32, #tpu.memory_space<vmem>> -> memref<1x80xi32, #tpu.memory_space<vmem>>
        %dma_start3A_372 = tpu.memref_squeeze %dma_start3A_371 : memref<1x80xi32, #tpu.memory_space<vmem>> -> memref<80xi32, #tpu.memory_space<vmem>>
        %dma_start3A_373 = arith.constant 0 : i32
        %dma_start3A_374 = arith.constant 0 : i32
        %dma_start3A_375 = tpu.memref_slice %arg12[%dma_start3A_373, %dma_start3A_374] : memref<10112x128xf32, #tpu.memory_space<vmem_shared>> -> memref<10112x128xf32, #tpu.memory_space<vmem_shared>>
        tpu.enqueue_indirect_dma source(%arg9 : memref<80x128xf32, #tpu.memory_space<vmem>>) target(%dma_start3A_375 : memref<10112x128xf32, #tpu.memory_space<vmem_shared>>) offsets(%dma_start3A_372 : memref<80xi32, #tpu.memory_space<vmem>>) semaphore(%run_scoped3A_369 : memref<!tpu.dma_semaphore, #tpu.memory_space<semaphore_mem>>) {add = true}
        %dma_wait3A_376 = arith.constant 0 : i32
        %dma_wait3A_377 = tpu.memref_slice %arg8[%add3A_317, %dma_wait3A_376] : memref<64x80xi32, #tpu.memory_space<vmem>> -> memref<1x80xi32, #tpu.memory_space<vmem>>
        %dma_wait3A_378 = tpu.memref_squeeze %dma_wait3A_377 : memref<1x80xi32, #tpu.memory_space<vmem>> -> memref<80xi32, #tpu.memory_space<vmem>>
        %dma_wait3A_379 = arith.constant 0 : i32
        %dma_wait3A_380 = arith.constant 0 : i32
        %dma_wait3A_381 = tpu.memref_slice %arg12[%dma_wait3A_379, %dma_wait3A_380] : memref<10112x128xf32, #tpu.memory_space<vmem_shared>> -> memref<10112x128xf32, #tpu.memory_space<vmem_shared>>
        tpu.wait_indirect_dma semaphore(%run_scoped3A_369 : memref<!tpu.dma_semaphore, #tpu.memory_space<semaphore_mem>>) src(%arg9 : memref<80x128xf32, #tpu.memory_space<vmem>>) dst(%dma_wait3A_381 : memref<10112x128xf32, #tpu.memory_space<vmem_shared>>)
        tpu.yield
      }) : () -> ()
      %add3A_318 = arith.constant 3 : i32
      %add3A_319 = arith.addi %mul3A_307, %add3A_318 : i32
      %add3A_320 = arith.constant 0 : i32
      %add3A_321 = arith.addi %add3A_319, %add3A_320 : i32
      %mul3A_322 = arith.constant 80 : i32
      %mul3A_323 = arith.muli %add3A_321, %mul3A_322 : i32
      %dma_start3A_324 = tpu.memref_slice %arg7[%mul3A_323] : memref<5120xi32, #tpu.memory_space<vmem>> -> memref<80xi32, #tpu.memory_space<vmem>>
      %dma_start3A_325 = arith.constant 0 : i32
      %dma_start3A_326 = arith.constant 0 : i32
      %dma_start3A_327 = tpu.memref_slice %arg2[%dma_start3A_325, %dma_start3A_326] : memref<40000x128xf32, #tpu.memory_space<hbm>> -> memref<40000x128xf32, #tpu.memory_space<hbm>>
      tpu.enqueue_indirect_dma source(%dma_start3A_327 : memref<40000x128xf32, #tpu.memory_space<hbm>>) target(%arg9 : memref<80x128xf32, #tpu.memory_space<vmem>>) offsets(%dma_start3A_324 : memref<80xi32, #tpu.memory_space<vmem>>) semaphore(%arg13 : memref<!tpu.dma_semaphore, #tpu.memory_space<semaphore_mem>>)
      %add3A_328 = arith.constant 1 : i32
      %add3A_329 = arith.addi %mul3A_307, %add3A_328 : i32
      %mul3A_330 = arith.constant 80 : i32
      %mul3A_331 = arith.muli %add3A_329, %mul3A_330 : i32
      %dma_wait3A_332 = tpu.memref_slice %arg7[%mul3A_331] : memref<5120xi32, #tpu.memory_space<vmem>> -> memref<80xi32, #tpu.memory_space<vmem>>
      %dma_wait3A_333 = arith.constant 0 : i32
      %dma_wait3A_334 = arith.constant 0 : i32
      %dma_wait3A_335 = tpu.memref_slice %arg2[%dma_wait3A_333, %dma_wait3A_334] : memref<40000x128xf32, #tpu.memory_space<hbm>> -> memref<40000x128xf32, #tpu.memory_space<hbm>>
      tpu.wait_indirect_dma semaphore(%arg14 : memref<!tpu.dma_semaphore, #tpu.memory_space<semaphore_mem>>) src(%dma_wait3A_335 : memref<40000x128xf32, #tpu.memory_space<hbm>>) dst(%arg10 : memref<80x128xf32, #tpu.memory_space<vmem>>)
      %add3A_336 = arith.constant 1 : i32
      %add3A_337 = arith.addi %mul3A_307, %add3A_336 : i32
      "tpu.region"() ({
        %run_scoped3A_369 = tpu.sem_alloc : memref<!tpu.dma_semaphore, #tpu.memory_space<semaphore_mem>>
        %dma_start3A_370 = arith.constant 0 : i32
        %dma_start3A_371 = tpu.memref_slice %arg8[%add3A_337, %dma_start3A_370] : memref<64x80xi32, #tpu.memory_space<vmem>> -> memref<1x80xi32, #tpu.memory_space<vmem>>
        %dma_start3A_372 = tpu.memref_squeeze %dma_start3A_371 : memref<1x80xi32, #tpu.memory_space<vmem>> -> memref<80xi32, #tpu.memory_space<vmem>>
        %dma_start3A_373 = arith.constant 0 : i32
        %dma_start3A_374 = arith.constant 0 : i32
        %dma_start3A_375 = tpu.memref_slice %arg12[%dma_start3A_373, %dma_start3A_374] : memref<10112x128xf32, #tpu.memory_space<vmem_shared>> -> memref<10112x128xf32, #tpu.memory_space<vmem_shared>>
        tpu.enqueue_indirect_dma source(%arg10 : memref<80x128xf32, #tpu.memory_space<vmem>>) target(%dma_start3A_375 : memref<10112x128xf32, #tpu.memory_space<vmem_shared>>) offsets(%dma_start3A_372 : memref<80xi32, #tpu.memory_space<vmem>>) semaphore(%run_scoped3A_369 : memref<!tpu.dma_semaphore, #tpu.memory_space<semaphore_mem>>) {add = true}
        %dma_wait3A_376 = arith.constant 0 : i32
        %dma_wait3A_377 = tpu.memref_slice %arg8[%add3A_337, %dma_wait3A_376] : memref<64x80xi32, #tpu.memory_space<vmem>> -> memref<1x80xi32, #tpu.memory_space<vmem>>
        %dma_wait3A_378 = tpu.memref_squeeze %dma_wait3A_377 : memref<1x80xi32, #tpu.memory_space<vmem>> -> memref<80xi32, #tpu.memory_space<vmem>>
        %dma_wait3A_379 = arith.constant 0 : i32
        %dma_wait3A_380 = arith.constant 0 : i32
        %dma_wait3A_381 = tpu.memref_slice %arg12[%dma_wait3A_379, %dma_wait3A_380] : memref<10112x128xf32, #tpu.memory_space<vmem_shared>> -> memref<10112x128xf32, #tpu.memory_space<vmem_shared>>
        tpu.wait_indirect_dma semaphore(%run_scoped3A_369 : memref<!tpu.dma_semaphore, #tpu.memory_space<semaphore_mem>>) src(%arg10 : memref<80x128xf32, #tpu.memory_space<vmem>>) dst(%dma_wait3A_381 : memref<10112x128xf32, #tpu.memory_space<vmem_shared>>)
        tpu.yield
      }) : () -> ()
      %add3A_338 = arith.constant 3 : i32
      %add3A_339 = arith.addi %mul3A_307, %add3A_338 : i32
      %add3A_340 = arith.constant 1 : i32
      %add3A_341 = arith.addi %add3A_339, %add3A_340 : i32
      %mul3A_342 = arith.constant 80 : i32
      %mul3A_343 = arith.muli %add3A_341, %mul3A_342 : i32
      %dma_start3A_344 = tpu.memref_slice %arg7[%mul3A_343] : memref<5120xi32, #tpu.memory_space<vmem>> -> memref<80xi32, #tpu.memory_space<vmem>>
      %dma_start3A_345 = arith.constant 0 : i32
      %dma_start3A_346 = arith.constant 0 : i32
      %dma_start3A_347 = tpu.memref_slice %arg2[%dma_start3A_345, %dma_start3A_346] : memref<40000x128xf32, #tpu.memory_space<hbm>> -> memref<40000x128xf32, #tpu.memory_space<hbm>>
      tpu.enqueue_indirect_dma source(%dma_start3A_347 : memref<40000x128xf32, #tpu.memory_space<hbm>>) target(%arg10 : memref<80x128xf32, #tpu.memory_space<vmem>>) offsets(%dma_start3A_344 : memref<80xi32, #tpu.memory_space<vmem>>) semaphore(%arg14 : memref<!tpu.dma_semaphore, #tpu.memory_space<semaphore_mem>>)
      %add3A_348 = arith.constant 2 : i32
      %add3A_349 = arith.addi %mul3A_307, %add3A_348 : i32
      %mul3A_350 = arith.constant 80 : i32
      %mul3A_351 = arith.muli %add3A_349, %mul3A_350 : i32
      %dma_wait3A_352 = tpu.memref_slice %arg7[%mul3A_351] : memref<5120xi32, #tpu.memory_space<vmem>> -> memref<80xi32, #tpu.memory_space<vmem>>
      %dma_wait3A_353 = arith.constant 0 : i32
      %dma_wait3A_354 = arith.constant 0 : i32
      %dma_wait3A_355 = tpu.memref_slice %arg2[%dma_wait3A_353, %dma_wait3A_354] : memref<40000x128xf32, #tpu.memory_space<hbm>> -> memref<40000x128xf32, #tpu.memory_space<hbm>>
      tpu.wait_indirect_dma semaphore(%arg15 : memref<!tpu.dma_semaphore, #tpu.memory_space<semaphore_mem>>) src(%dma_wait3A_355 : memref<40000x128xf32, #tpu.memory_space<hbm>>) dst(%arg11 : memref<80x128xf32, #tpu.memory_space<vmem>>)
      %add3A_356 = arith.constant 2 : i32
      %add3A_357 = arith.addi %mul3A_307, %add3A_356 : i32
      "tpu.region"() ({
        %run_scoped3A_369 = tpu.sem_alloc : memref<!tpu.dma_semaphore, #tpu.memory_space<semaphore_mem>>
        %dma_start3A_370 = arith.constant 0 : i32
        %dma_start3A_371 = tpu.memref_slice %arg8[%add3A_357, %dma_start3A_370] : memref<64x80xi32, #tpu.memory_space<vmem>> -> memref<1x80xi32, #tpu.memory_space<vmem>>
        %dma_start3A_372 = tpu.memref_squeeze %dma_start3A_371 : memref<1x80xi32, #tpu.memory_space<vmem>> -> memref<80xi32, #tpu.memory_space<vmem>>
        %dma_start3A_373 = arith.constant 0 : i32
        %dma_start3A_374 = arith.constant 0 : i32
        %dma_start3A_375 = tpu.memref_slice %arg12[%dma_start3A_373, %dma_start3A_374] : memref<10112x128xf32, #tpu.memory_space<vmem_shared>> -> memref<10112x128xf32, #tpu.memory_space<vmem_shared>>
        tpu.enqueue_indirect_dma source(%arg11 : memref<80x128xf32, #tpu.memory_space<vmem>>) target(%dma_start3A_375 : memref<10112x128xf32, #tpu.memory_space<vmem_shared>>) offsets(%dma_start3A_372 : memref<80xi32, #tpu.memory_space<vmem>>) semaphore(%run_scoped3A_369 : memref<!tpu.dma_semaphore, #tpu.memory_space<semaphore_mem>>) {add = true}
        %dma_wait3A_376 = arith.constant 0 : i32
        %dma_wait3A_377 = tpu.memref_slice %arg8[%add3A_357, %dma_wait3A_376] : memref<64x80xi32, #tpu.memory_space<vmem>> -> memref<1x80xi32, #tpu.memory_space<vmem>>
        %dma_wait3A_378 = tpu.memref_squeeze %dma_wait3A_377 : memref<1x80xi32, #tpu.memory_space<vmem>> -> memref<80xi32, #tpu.memory_space<vmem>>
        %dma_wait3A_379 = arith.constant 0 : i32
        %dma_wait3A_380 = arith.constant 0 : i32
        %dma_wait3A_381 = tpu.memref_slice %arg12[%dma_wait3A_379, %dma_wait3A_380] : memref<10112x128xf32, #tpu.memory_space<vmem_shared>> -> memref<10112x128xf32, #tpu.memory_space<vmem_shared>>
        tpu.wait_indirect_dma semaphore(%run_scoped3A_369 : memref<!tpu.dma_semaphore, #tpu.memory_space<semaphore_mem>>) src(%arg11 : memref<80x128xf32, #tpu.memory_space<vmem>>) dst(%dma_wait3A_381 : memref<10112x128xf32, #tpu.memory_space<vmem_shared>>)
        tpu.yield
      }) : () -> ()
      %add3A_358 = arith.constant 3 : i32
      %add3A_359 = arith.addi %mul3A_307, %add3A_358 : i32
      %add3A_360 = arith.constant 2 : i32
      %add3A_361 = arith.addi %add3A_359, %add3A_360 : i32
      %mul3A_362 = arith.constant 80 : i32
      %mul3A_363 = arith.muli %add3A_361, %mul3A_362 : i32
      %dma_start3A_364 = tpu.memref_slice %arg7[%mul3A_363] : memref<5120xi32, #tpu.memory_space<vmem>> -> memref<80xi32, #tpu.memory_space<vmem>>
      %dma_start3A_365 = arith.constant 0 : i32
      %dma_start3A_366 = arith.constant 0 : i32
      %dma_start3A_367 = tpu.memref_slice %arg2[%dma_start3A_365, %dma_start3A_366] : memref<40000x128xf32, #tpu.memory_space<hbm>> -> memref<40000x128xf32, #tpu.memory_space<hbm>>
      tpu.enqueue_indirect_dma source(%dma_start3A_367 : memref<40000x128xf32, #tpu.memory_space<hbm>>) target(%arg11 : memref<80x128xf32, #tpu.memory_space<vmem>>) offsets(%dma_start3A_364 : memref<80xi32, #tpu.memory_space<vmem>>) semaphore(%arg15 : memref<!tpu.dma_semaphore, #tpu.memory_space<semaphore_mem>>)
      %scan3A_368 = arith.constant 0 : i32
      scf.yield %scan3A_368 : i32
    }
    %scan3A_200 = arith.constant 20 : i32
    %dma_wait3A_201 = arith.constant 4800 : i32
    %dma_wait3A_202 = tpu.memref_slice %arg7[%dma_wait3A_201] : memref<5120xi32, #tpu.memory_space<vmem>> -> memref<80xi32, #tpu.memory_space<vmem>>
    %dma_wait3A_203 = arith.constant 0 : i32
    %dma_wait3A_204 = arith.constant 0 : i32
    %dma_wait3A_205 = tpu.memref_slice %arg2[%dma_wait3A_203, %dma_wait3A_204] : memref<40000x128xf32, #tpu.memory_space<hbm>> -> memref<40000x128xf32, #tpu.memory_space<hbm>>
    tpu.wait_indirect_dma semaphore(%arg13 : memref<!tpu.dma_semaphore, #tpu.memory_space<semaphore_mem>>) src(%dma_wait3A_205 : memref<40000x128xf32, #tpu.memory_space<hbm>>) dst(%arg9 : memref<80x128xf32, #tpu.memory_space<vmem>>)
    %run_scoped3A_206 = arith.constant 60 : i32
    "tpu.region"() ({
      %run_scoped3A_304 = tpu.sem_alloc : memref<!tpu.dma_semaphore, #tpu.memory_space<semaphore_mem>>
      %dma_start3A_305 = arith.constant 0 : i32
      %dma_start3A_306 = tpu.memref_slice %arg8[%run_scoped3A_206, %dma_start3A_305] : memref<64x80xi32, #tpu.memory_space<vmem>> -> memref<1x80xi32, #tpu.memory_space<vmem>>
      %dma_start3A_307 = tpu.memref_squeeze %dma_start3A_306 : memref<1x80xi32, #tpu.memory_space<vmem>> -> memref<80xi32, #tpu.memory_space<vmem>>
      %dma_start3A_308 = arith.constant 0 : i32
      %dma_start3A_309 = arith.constant 0 : i32
      %dma_start3A_310 = tpu.memref_slice %arg12[%dma_start3A_308, %dma_start3A_309] : memref<10112x128xf32, #tpu.memory_space<vmem_shared>> -> memref<10112x128xf32, #tpu.memory_space<vmem_shared>>
      tpu.enqueue_indirect_dma source(%arg9 : memref<80x128xf32, #tpu.memory_space<vmem>>) target(%dma_start3A_310 : memref<10112x128xf32, #tpu.memory_space<vmem_shared>>) offsets(%dma_start3A_307 : memref<80xi32, #tpu.memory_space<vmem>>) semaphore(%run_scoped3A_304 : memref<!tpu.dma_semaphore, #tpu.memory_space<semaphore_mem>>) {add = true}
      %dma_wait3A_311 = arith.constant 0 : i32
      %dma_wait3A_312 = tpu.memref_slice %arg8[%run_scoped3A_206, %dma_wait3A_311] : memref<64x80xi32, #tpu.memory_space<vmem>> -> memref<1x80xi32, #tpu.memory_space<vmem>>
      %dma_wait3A_313 = tpu.memref_squeeze %dma_wait3A_312 : memref<1x80xi32, #tpu.memory_space<vmem>> -> memref<80xi32, #tpu.memory_space<vmem>>
      %dma_wait3A_314 = arith.constant 0 : i32
      %dma_wait3A_315 = arith.constant 0 : i32
      %dma_wait3A_316 = tpu.memref_slice %arg12[%dma_wait3A_314, %dma_wait3A_315] : memref<10112x128xf32, #tpu.memory_space<vmem_shared>> -> memref<10112x128xf32, #tpu.memory_space<vmem_shared>>
      tpu.wait_indirect_dma semaphore(%run_scoped3A_304 : memref<!tpu.dma_semaphore, #tpu.memory_space<semaphore_mem>>) src(%arg9 : memref<80x128xf32, #tpu.memory_space<vmem>>) dst(%dma_wait3A_316 : memref<10112x128xf32, #tpu.memory_space<vmem_shared>>)
      tpu.yield
    }) : () -> ()
    %dma_start3A_207 = arith.constant 5040 : i32
    %dma_start3A_208 = tpu.memref_slice %arg7[%dma_start3A_207] : memref<5120xi32, #tpu.memory_space<vmem>> -> memref<80xi32, #tpu.memory_space<vmem>>
    %dma_start3A_209 = arith.constant 0 : i32
    %dma_start3A_210 = arith.constant 0 : i32
    %dma_start3A_211 = tpu.memref_slice %arg2[%dma_start3A_209, %dma_start3A_210] : memref<40000x128xf32, #tpu.memory_space<hbm>> -> memref<40000x128xf32, #tpu.memory_space<hbm>>
    tpu.enqueue_indirect_dma source(%dma_start3A_211 : memref<40000x128xf32, #tpu.memory_space<hbm>>) target(%arg9 : memref<80x128xf32, #tpu.memory_space<vmem>>) offsets(%dma_start3A_208 : memref<80xi32, #tpu.memory_space<vmem>>) semaphore(%arg13 : memref<!tpu.dma_semaphore, #tpu.memory_space<semaphore_mem>>)
    %dma_wait3A_212 = arith.constant 4880 : i32
    %dma_wait3A_213 = tpu.memref_slice %arg7[%dma_wait3A_212] : memref<5120xi32, #tpu.memory_space<vmem>> -> memref<80xi32, #tpu.memory_space<vmem>>
    %dma_wait3A_214 = arith.constant 0 : i32
    %dma_wait3A_215 = arith.constant 0 : i32
    %dma_wait3A_216 = tpu.memref_slice %arg2[%dma_wait3A_214, %dma_wait3A_215] : memref<40000x128xf32, #tpu.memory_space<hbm>> -> memref<40000x128xf32, #tpu.memory_space<hbm>>
    tpu.wait_indirect_dma semaphore(%arg14 : memref<!tpu.dma_semaphore, #tpu.memory_space<semaphore_mem>>) src(%dma_wait3A_216 : memref<40000x128xf32, #tpu.memory_space<hbm>>) dst(%arg10 : memref<80x128xf32, #tpu.memory_space<vmem>>)
    %run_scoped3A_217 = arith.constant 61 : i32
    "tpu.region"() ({
      %run_scoped3A_304 = tpu.sem_alloc : memref<!tpu.dma_semaphore, #tpu.memory_space<semaphore_mem>>
      %dma_start3A_305 = arith.constant 0 : i32
      %dma_start3A_306 = tpu.memref_slice %arg8[%run_scoped3A_217, %dma_start3A_305] : memref<64x80xi32, #tpu.memory_space<vmem>> -> memref<1x80xi32, #tpu.memory_space<vmem>>
      %dma_start3A_307 = tpu.memref_squeeze %dma_start3A_306 : memref<1x80xi32, #tpu.memory_space<vmem>> -> memref<80xi32, #tpu.memory_space<vmem>>
      %dma_start3A_308 = arith.constant 0 : i32
      %dma_start3A_309 = arith.constant 0 : i32
      %dma_start3A_310 = tpu.memref_slice %arg12[%dma_start3A_308, %dma_start3A_309] : memref<10112x128xf32, #tpu.memory_space<vmem_shared>> -> memref<10112x128xf32, #tpu.memory_space<vmem_shared>>
      tpu.enqueue_indirect_dma source(%arg10 : memref<80x128xf32, #tpu.memory_space<vmem>>) target(%dma_start3A_310 : memref<10112x128xf32, #tpu.memory_space<vmem_shared>>) offsets(%dma_start3A_307 : memref<80xi32, #tpu.memory_space<vmem>>) semaphore(%run_scoped3A_304 : memref<!tpu.dma_semaphore, #tpu.memory_space<semaphore_mem>>) {add = true}
      %dma_wait3A_311 = arith.constant 0 : i32
      %dma_wait3A_312 = tpu.memref_slice %arg8[%run_scoped3A_217, %dma_wait3A_311] : memref<64x80xi32, #tpu.memory_space<vmem>> -> memref<1x80xi32, #tpu.memory_space<vmem>>
      %dma_wait3A_313 = tpu.memref_squeeze %dma_wait3A_312 : memref<1x80xi32, #tpu.memory_space<vmem>> -> memref<80xi32, #tpu.memory_space<vmem>>
      %dma_wait3A_314 = arith.constant 0 : i32
      %dma_wait3A_315 = arith.constant 0 : i32
      %dma_wait3A_316 = tpu.memref_slice %arg12[%dma_wait3A_314, %dma_wait3A_315] : memref<10112x128xf32, #tpu.memory_space<vmem_shared>> -> memref<10112x128xf32, #tpu.memory_space<vmem_shared>>
      tpu.wait_indirect_dma semaphore(%run_scoped3A_304 : memref<!tpu.dma_semaphore, #tpu.memory_space<semaphore_mem>>) src(%arg10 : memref<80x128xf32, #tpu.memory_space<vmem>>) dst(%dma_wait3A_316 : memref<10112x128xf32, #tpu.memory_space<vmem_shared>>)
      tpu.yield
    }) : () -> ()
    %dma_wait3A_218 = arith.constant 4960 : i32
    %dma_wait3A_219 = tpu.memref_slice %arg7[%dma_wait3A_218] : memref<5120xi32, #tpu.memory_space<vmem>> -> memref<80xi32, #tpu.memory_space<vmem>>
    %dma_wait3A_220 = arith.constant 0 : i32
    %dma_wait3A_221 = arith.constant 0 : i32
    %dma_wait3A_222 = tpu.memref_slice %arg2[%dma_wait3A_220, %dma_wait3A_221] : memref<40000x128xf32, #tpu.memory_space<hbm>> -> memref<40000x128xf32, #tpu.memory_space<hbm>>
    tpu.wait_indirect_dma semaphore(%arg15 : memref<!tpu.dma_semaphore, #tpu.memory_space<semaphore_mem>>) src(%dma_wait3A_222 : memref<40000x128xf32, #tpu.memory_space<hbm>>) dst(%arg11 : memref<80x128xf32, #tpu.memory_space<vmem>>)
    %run_scoped3A_223 = arith.constant 62 : i32
    "tpu.region"() ({
      %run_scoped3A_304 = tpu.sem_alloc : memref<!tpu.dma_semaphore, #tpu.memory_space<semaphore_mem>>
      %dma_start3A_305 = arith.constant 0 : i32
      %dma_start3A_306 = tpu.memref_slice %arg8[%run_scoped3A_223, %dma_start3A_305] : memref<64x80xi32, #tpu.memory_space<vmem>> -> memref<1x80xi32, #tpu.memory_space<vmem>>
      %dma_start3A_307 = tpu.memref_squeeze %dma_start3A_306 : memref<1x80xi32, #tpu.memory_space<vmem>> -> memref<80xi32, #tpu.memory_space<vmem>>
      %dma_start3A_308 = arith.constant 0 : i32
      %dma_start3A_309 = arith.constant 0 : i32
      %dma_start3A_310 = tpu.memref_slice %arg12[%dma_start3A_308, %dma_start3A_309] : memref<10112x128xf32, #tpu.memory_space<vmem_shared>> -> memref<10112x128xf32, #tpu.memory_space<vmem_shared>>
      tpu.enqueue_indirect_dma source(%arg11 : memref<80x128xf32, #tpu.memory_space<vmem>>) target(%dma_start3A_310 : memref<10112x128xf32, #tpu.memory_space<vmem_shared>>) offsets(%dma_start3A_307 : memref<80xi32, #tpu.memory_space<vmem>>) semaphore(%run_scoped3A_304 : memref<!tpu.dma_semaphore, #tpu.memory_space<semaphore_mem>>) {add = true}
      %dma_wait3A_311 = arith.constant 0 : i32
      %dma_wait3A_312 = tpu.memref_slice %arg8[%run_scoped3A_223, %dma_wait3A_311] : memref<64x80xi32, #tpu.memory_space<vmem>> -> memref<1x80xi32, #tpu.memory_space<vmem>>
      %dma_wait3A_313 = tpu.memref_squeeze %dma_wait3A_312 : memref<1x80xi32, #tpu.memory_space<vmem>> -> memref<80xi32, #tpu.memory_space<vmem>>
      %dma_wait3A_314 = arith.constant 0 : i32
      %dma_wait3A_315 = arith.constant 0 : i32
      %dma_wait3A_316 = tpu.memref_slice %arg12[%dma_wait3A_314, %dma_wait3A_315] : memref<10112x128xf32, #tpu.memory_space<vmem_shared>> -> memref<10112x128xf32, #tpu.memory_space<vmem_shared>>
      tpu.wait_indirect_dma semaphore(%run_scoped3A_304 : memref<!tpu.dma_semaphore, #tpu.memory_space<semaphore_mem>>) src(%arg11 : memref<80x128xf32, #tpu.memory_space<vmem>>) dst(%dma_wait3A_316 : memref<10112x128xf32, #tpu.memory_space<vmem_shared>>)
      tpu.yield
    }) : () -> ()
    %dma_wait3A_224 = arith.constant 5040 : i32
    %dma_wait3A_225 = tpu.memref_slice %arg7[%dma_wait3A_224] : memref<5120xi32, #tpu.memory_space<vmem>> -> memref<80xi32, #tpu.memory_space<vmem>>
    %dma_wait3A_226 = arith.constant 0 : i32
    %dma_wait3A_227 = arith.constant 0 : i32
    %dma_wait3A_228 = tpu.memref_slice %arg2[%dma_wait3A_226, %dma_wait3A_227] : memref<40000x128xf32, #tpu.memory_space<hbm>> -> memref<40000x128xf32, #tpu.memory_space<hbm>>
    tpu.wait_indirect_dma semaphore(%arg13 : memref<!tpu.dma_semaphore, #tpu.memory_space<semaphore_mem>>) src(%dma_wait3A_228 : memref<40000x128xf32, #tpu.memory_space<hbm>>) dst(%arg9 : memref<80x128xf32, #tpu.memory_space<vmem>>)
    %run_scoped3A_229 = arith.constant 63 : i32
    "tpu.region"() ({
      %run_scoped3A_304 = tpu.sem_alloc : memref<!tpu.dma_semaphore, #tpu.memory_space<semaphore_mem>>
      %dma_start3A_305 = arith.constant 0 : i32
      %dma_start3A_306 = tpu.memref_slice %arg8[%run_scoped3A_229, %dma_start3A_305] : memref<64x80xi32, #tpu.memory_space<vmem>> -> memref<1x80xi32, #tpu.memory_space<vmem>>
      %dma_start3A_307 = tpu.memref_squeeze %dma_start3A_306 : memref<1x80xi32, #tpu.memory_space<vmem>> -> memref<80xi32, #tpu.memory_space<vmem>>
      %dma_start3A_308 = arith.constant 0 : i32
      %dma_start3A_309 = arith.constant 0 : i32
      %dma_start3A_310 = tpu.memref_slice %arg12[%dma_start3A_308, %dma_start3A_309] : memref<10112x128xf32, #tpu.memory_space<vmem_shared>> -> memref<10112x128xf32, #tpu.memory_space<vmem_shared>>
      tpu.enqueue_indirect_dma source(%arg9 : memref<80x128xf32, #tpu.memory_space<vmem>>) target(%dma_start3A_310 : memref<10112x128xf32, #tpu.memory_space<vmem_shared>>) offsets(%dma_start3A_307 : memref<80xi32, #tpu.memory_space<vmem>>) semaphore(%run_scoped3A_304 : memref<!tpu.dma_semaphore, #tpu.memory_space<semaphore_mem>>) {add = true}
      %dma_wait3A_311 = arith.constant 0 : i32
      %dma_wait3A_312 = tpu.memref_slice %arg8[%run_scoped3A_229, %dma_wait3A_311] : memref<64x80xi32, #tpu.memory_space<vmem>> -> memref<1x80xi32, #tpu.memory_space<vmem>>
      %dma_wait3A_313 = tpu.memref_squeeze %dma_wait3A_312 : memref<1x80xi32, #tpu.memory_space<vmem>> -> memref<80xi32, #tpu.memory_space<vmem>>
      %dma_wait3A_314 = arith.constant 0 : i32
      %dma_wait3A_315 = arith.constant 0 : i32
      %dma_wait3A_316 = tpu.memref_slice %arg12[%dma_wait3A_314, %dma_wait3A_315] : memref<10112x128xf32, #tpu.memory_space<vmem_shared>> -> memref<10112x128xf32, #tpu.memory_space<vmem_shared>>
      tpu.wait_indirect_dma semaphore(%run_scoped3A_304 : memref<!tpu.dma_semaphore, #tpu.memory_space<semaphore_mem>>) src(%arg9 : memref<80x128xf32, #tpu.memory_space<vmem>>) dst(%dma_wait3A_316 : memref<10112x128xf32, #tpu.memory_space<vmem_shared>>)
      tpu.yield
    }) : () -> ()
    %add3A_230 = arith.constant 2 : i32
    %add3A_231 = arith.addi %add3A_230, %arg0 : i32
    %mul3A_232 = arith.constant 163840 : i32
    %mul3A_233 = arith.muli %add3A_231, %mul3A_232 : i32
    %mul3A_234 = arith.constant 10240 : i32
    %mul3A_235 = arith.muli %arg1, %mul3A_234 : i32
    %add3A_236 = arith.addi %mul3A_233, %mul3A_235 : i32
    %add3A_237 = arith.constant 5120 : i32
    %add3A_238 = arith.addi %add3A_236, %add3A_237 : i32
    "tpu.region"() ({
      %run_scoped3A_304 = tpu.sem_alloc : memref<!tpu.dma_semaphore, #tpu.memory_space<semaphore_mem>>
      %dma_start3A_305 = tpu.memref_slice %arg3[%add3A_238] : memref<655360xi32, #tpu.memory_space<hbm>> -> memref<5120xi32, #tpu.memory_space<hbm>>
      %dma_start3A_306 = tpu.memref_slice %arg3[%add3A_238] : memref<655360xi32, #tpu.memory_space<hbm>> -> memref<5120xi32, #tpu.memory_space<hbm>>
      tpu.enqueue_dma source(%dma_start3A_306 : memref<5120xi32, #tpu.memory_space<hbm>>) target(%arg7 : memref<5120xi32, #tpu.memory_space<vmem>>) target_semaphore(%run_scoped3A_304 : memref<!tpu.dma_semaphore, #tpu.memory_space<semaphore_mem>>)
      %dma_wait3A_307 = tpu.memref_slice %arg3[%add3A_238] : memref<655360xi32, #tpu.memory_space<hbm>> -> memref<5120xi32, #tpu.memory_space<hbm>>
      %dma_wait3A_308 = tpu.memref_slice %arg3[%add3A_238] : memref<655360xi32, #tpu.memory_space<hbm>> -> memref<5120xi32, #tpu.memory_space<hbm>>
      tpu.wait_dma2 semaphore(%run_scoped3A_304 : memref<!tpu.dma_semaphore, #tpu.memory_space<semaphore_mem>>) src(%dma_wait3A_308 : memref<5120xi32, #tpu.memory_space<hbm>>) dst(%arg7 : memref<5120xi32, #tpu.memory_space<vmem>>)
      tpu.yield
    }) : () -> ()
    %run_scoped3A_239 = arith.constant 1 : i32
    "tpu.region"() ({
      %run_scoped3A_304 = tpu.sem_alloc : memref<!tpu.dma_semaphore, #tpu.memory_space<semaphore_mem>>
      %dma_start3A_305 = arith.constant 64 : i32
      %dma_start3A_306 = arith.constant 0 : i32
      %dma_start3A_307 = tpu.memref_slice %arg4[%run_scoped3A_239, %arg1, %dma_start3A_305, %dma_start3A_306] : memref<2x16x128x80xi32, #tpu.memory_space<hbm>> -> memref<1x1x64x80xi32, #tpu.memory_space<hbm>>
      %dma_start3A_308 = tpu.memref_squeeze %dma_start3A_307 : memref<1x1x64x80xi32, #tpu.memory_space<hbm>> -> memref<64x80xi32, #tpu.memory_space<hbm>>
      %dma_start3A_309 = arith.constant 64 : i32
      %dma_start3A_310 = arith.constant 0 : i32
      %dma_start3A_311 = tpu.memref_slice %arg4[%run_scoped3A_239, %arg1, %dma_start3A_309, %dma_start3A_310] : memref<2x16x128x80xi32, #tpu.memory_space<hbm>> -> memref<1x1x64x80xi32, #tpu.memory_space<hbm>>
      %dma_start3A_312 = tpu.memref_squeeze %dma_start3A_311 : memref<1x1x64x80xi32, #tpu.memory_space<hbm>> -> memref<64x80xi32, #tpu.memory_space<hbm>>
      tpu.enqueue_dma source(%dma_start3A_312 : memref<64x80xi32, #tpu.memory_space<hbm>>) target(%arg8 : memref<64x80xi32, #tpu.memory_space<vmem>>) target_semaphore(%run_scoped3A_304 : memref<!tpu.dma_semaphore, #tpu.memory_space<semaphore_mem>>)
      %dma_wait3A_313 = arith.constant 64 : i32
      %dma_wait3A_314 = arith.constant 0 : i32
      %dma_wait3A_315 = tpu.memref_slice %arg4[%run_scoped3A_239, %arg1, %dma_wait3A_313, %dma_wait3A_314] : memref<2x16x128x80xi32, #tpu.memory_space<hbm>> -> memref<1x1x64x80xi32, #tpu.memory_space<hbm>>
      %dma_wait3A_316 = tpu.memref_squeeze %dma_wait3A_315 : memref<1x1x64x80xi32, #tpu.memory_space<hbm>> -> memref<64x80xi32, #tpu.memory_space<hbm>>
      %dma_wait3A_317 = arith.constant 64 : i32
      %dma_wait3A_318 = arith.constant 0 : i32
      %dma_wait3A_319 = tpu.memref_slice %arg4[%run_scoped3A_239, %arg1, %dma_wait3A_317, %dma_wait3A_318] : memref<2x16x128x80xi32, #tpu.memory_space<hbm>> -> memref<1x1x64x80xi32, #tpu.memory_space<hbm>>
      %dma_wait3A_320 = tpu.memref_squeeze %dma_wait3A_319 : memref<1x1x64x80xi32, #tpu.memory_space<hbm>> -> memref<64x80xi32, #tpu.memory_space<hbm>>
      tpu.wait_dma2 semaphore(%run_scoped3A_304 : memref<!tpu.dma_semaphore, #tpu.memory_space<semaphore_mem>>) src(%dma_wait3A_320 : memref<64x80xi32, #tpu.memory_space<hbm>>) dst(%arg8 : memref<64x80xi32, #tpu.memory_space<vmem>>)
      tpu.yield
    }) : () -> ()
    %dma_start3A_240 = arith.constant 0 : i32
    %dma_start3A_241 = tpu.memref_slice %arg7[%dma_start3A_240] : memref<5120xi32, #tpu.memory_space<vmem>> -> memref<80xi32, #tpu.memory_space<vmem>>
    %dma_start3A_242 = arith.constant 0 : i32
    %dma_start3A_243 = arith.constant 0 : i32
    %dma_start3A_244 = tpu.memref_slice %arg2[%dma_start3A_242, %dma_start3A_243] : memref<40000x128xf32, #tpu.memory_space<hbm>> -> memref<40000x128xf32, #tpu.memory_space<hbm>>
    tpu.enqueue_indirect_dma source(%dma_start3A_244 : memref<40000x128xf32, #tpu.memory_space<hbm>>) target(%arg9 : memref<80x128xf32, #tpu.memory_space<vmem>>) offsets(%dma_start3A_241 : memref<80xi32, #tpu.memory_space<vmem>>) semaphore(%arg13 : memref<!tpu.dma_semaphore, #tpu.memory_space<semaphore_mem>>)
    %dma_start3A_245 = arith.constant 80 : i32
    %dma_start3A_246 = tpu.memref_slice %arg7[%dma_start3A_245] : memref<5120xi32, #tpu.memory_space<vmem>> -> memref<80xi32, #tpu.memory_space<vmem>>
    %dma_start3A_247 = arith.constant 0 : i32
    %dma_start3A_248 = arith.constant 0 : i32
    %dma_start3A_249 = tpu.memref_slice %arg2[%dma_start3A_247, %dma_start3A_248] : memref<40000x128xf32, #tpu.memory_space<hbm>> -> memref<40000x128xf32, #tpu.memory_space<hbm>>
    tpu.enqueue_indirect_dma source(%dma_start3A_249 : memref<40000x128xf32, #tpu.memory_space<hbm>>) target(%arg10 : memref<80x128xf32, #tpu.memory_space<vmem>>) offsets(%dma_start3A_246 : memref<80xi32, #tpu.memory_space<vmem>>) semaphore(%arg14 : memref<!tpu.dma_semaphore, #tpu.memory_space<semaphore_mem>>)
    %dma_start3A_250 = arith.constant 160 : i32
    %dma_start3A_251 = tpu.memref_slice %arg7[%dma_start3A_250] : memref<5120xi32, #tpu.memory_space<vmem>> -> memref<80xi32, #tpu.memory_space<vmem>>
    %dma_start3A_252 = arith.constant 0 : i32
    %dma_start3A_253 = arith.constant 0 : i32
    %dma_start3A_254 = tpu.memref_slice %arg2[%dma_start3A_252, %dma_start3A_253] : memref<40000x128xf32, #tpu.memory_space<hbm>> -> memref<40000x128xf32, #tpu.memory_space<hbm>>
    tpu.enqueue_indirect_dma source(%dma_start3A_254 : memref<40000x128xf32, #tpu.memory_space<hbm>>) target(%arg11 : memref<80x128xf32, #tpu.memory_space<vmem>>) offsets(%dma_start3A_251 : memref<80xi32, #tpu.memory_space<vmem>>) semaphore(%arg15 : memref<!tpu.dma_semaphore, #tpu.memory_space<semaphore_mem>>)
    %scan3A_255 = arith.constant 0 : i32
    %scan3A_256 = arith.constant 0 : i32
    %scan3A_257 = arith.constant 20 : i32
    %scan3A_258 = arith.addi %scan3A_256, %scan3A_257 : i32
    %scan3A_259 = arith.constant 1 : i32
    %scan3A_260 = scf.for %scan3A_304 = %scan3A_256 to %scan3A_258 step %scan3A_259 iter_args(%scan3A_305 = %scan3A_255) -> (i32)  : i32 {
      %mul3A_306 = arith.constant 3 : i32
      %mul3A_307 = arith.muli %mul3A_306, %scan3A_304 : i32
      %add3A_308 = arith.constant 0 : i32
      %add3A_309 = arith.addi %mul3A_307, %add3A_308 : i32
      %mul3A_310 = arith.constant 80 : i32
      %mul3A_311 = arith.muli %add3A_309, %mul3A_310 : i32
      %dma_wait3A_312 = tpu.memref_slice %arg7[%mul3A_311] : memref<5120xi32, #tpu.memory_space<vmem>> -> memref<80xi32, #tpu.memory_space<vmem>>
      %dma_wait3A_313 = arith.constant 0 : i32
      %dma_wait3A_314 = arith.constant 0 : i32
      %dma_wait3A_315 = tpu.memref_slice %arg2[%dma_wait3A_313, %dma_wait3A_314] : memref<40000x128xf32, #tpu.memory_space<hbm>> -> memref<40000x128xf32, #tpu.memory_space<hbm>>
      tpu.wait_indirect_dma semaphore(%arg13 : memref<!tpu.dma_semaphore, #tpu.memory_space<semaphore_mem>>) src(%dma_wait3A_315 : memref<40000x128xf32, #tpu.memory_space<hbm>>) dst(%arg9 : memref<80x128xf32, #tpu.memory_space<vmem>>)
      %add3A_316 = arith.constant 0 : i32
      %add3A_317 = arith.addi %mul3A_307, %add3A_316 : i32
      "tpu.region"() ({
        %run_scoped3A_369 = tpu.sem_alloc : memref<!tpu.dma_semaphore, #tpu.memory_space<semaphore_mem>>
        %dma_start3A_370 = arith.constant 0 : i32
        %dma_start3A_371 = tpu.memref_slice %arg8[%add3A_317, %dma_start3A_370] : memref<64x80xi32, #tpu.memory_space<vmem>> -> memref<1x80xi32, #tpu.memory_space<vmem>>
        %dma_start3A_372 = tpu.memref_squeeze %dma_start3A_371 : memref<1x80xi32, #tpu.memory_space<vmem>> -> memref<80xi32, #tpu.memory_space<vmem>>
        %dma_start3A_373 = arith.constant 0 : i32
        %dma_start3A_374 = arith.constant 0 : i32
        %dma_start3A_375 = tpu.memref_slice %arg12[%dma_start3A_373, %dma_start3A_374] : memref<10112x128xf32, #tpu.memory_space<vmem_shared>> -> memref<10112x128xf32, #tpu.memory_space<vmem_shared>>
        tpu.enqueue_indirect_dma source(%arg9 : memref<80x128xf32, #tpu.memory_space<vmem>>) target(%dma_start3A_375 : memref<10112x128xf32, #tpu.memory_space<vmem_shared>>) offsets(%dma_start3A_372 : memref<80xi32, #tpu.memory_space<vmem>>) semaphore(%run_scoped3A_369 : memref<!tpu.dma_semaphore, #tpu.memory_space<semaphore_mem>>) {add = true}
        %dma_wait3A_376 = arith.constant 0 : i32
        %dma_wait3A_377 = tpu.memref_slice %arg8[%add3A_317, %dma_wait3A_376] : memref<64x80xi32, #tpu.memory_space<vmem>> -> memref<1x80xi32, #tpu.memory_space<vmem>>
        %dma_wait3A_378 = tpu.memref_squeeze %dma_wait3A_377 : memref<1x80xi32, #tpu.memory_space<vmem>> -> memref<80xi32, #tpu.memory_space<vmem>>
        %dma_wait3A_379 = arith.constant 0 : i32
        %dma_wait3A_380 = arith.constant 0 : i32
        %dma_wait3A_381 = tpu.memref_slice %arg12[%dma_wait3A_379, %dma_wait3A_380] : memref<10112x128xf32, #tpu.memory_space<vmem_shared>> -> memref<10112x128xf32, #tpu.memory_space<vmem_shared>>
        tpu.wait_indirect_dma semaphore(%run_scoped3A_369 : memref<!tpu.dma_semaphore, #tpu.memory_space<semaphore_mem>>) src(%arg9 : memref<80x128xf32, #tpu.memory_space<vmem>>) dst(%dma_wait3A_381 : memref<10112x128xf32, #tpu.memory_space<vmem_shared>>)
        tpu.yield
      }) : () -> ()
      %add3A_318 = arith.constant 3 : i32
      %add3A_319 = arith.addi %mul3A_307, %add3A_318 : i32
      %add3A_320 = arith.constant 0 : i32
      %add3A_321 = arith.addi %add3A_319, %add3A_320 : i32
      %mul3A_322 = arith.constant 80 : i32
      %mul3A_323 = arith.muli %add3A_321, %mul3A_322 : i32
      %dma_start3A_324 = tpu.memref_slice %arg7[%mul3A_323] : memref<5120xi32, #tpu.memory_space<vmem>> -> memref<80xi32, #tpu.memory_space<vmem>>
      %dma_start3A_325 = arith.constant 0 : i32
      %dma_start3A_326 = arith.constant 0 : i32
      %dma_start3A_327 = tpu.memref_slice %arg2[%dma_start3A_325, %dma_start3A_326] : memref<40000x128xf32, #tpu.memory_space<hbm>> -> memref<40000x128xf32, #tpu.memory_space<hbm>>
      tpu.enqueue_indirect_dma source(%dma_start3A_327 : memref<40000x128xf32, #tpu.memory_space<hbm>>) target(%arg9 : memref<80x128xf32, #tpu.memory_space<vmem>>) offsets(%dma_start3A_324 : memref<80xi32, #tpu.memory_space<vmem>>) semaphore(%arg13 : memref<!tpu.dma_semaphore, #tpu.memory_space<semaphore_mem>>)
      %add3A_328 = arith.constant 1 : i32
      %add3A_329 = arith.addi %mul3A_307, %add3A_328 : i32
      %mul3A_330 = arith.constant 80 : i32
      %mul3A_331 = arith.muli %add3A_329, %mul3A_330 : i32
      %dma_wait3A_332 = tpu.memref_slice %arg7[%mul3A_331] : memref<5120xi32, #tpu.memory_space<vmem>> -> memref<80xi32, #tpu.memory_space<vmem>>
      %dma_wait3A_333 = arith.constant 0 : i32
      %dma_wait3A_334 = arith.constant 0 : i32
      %dma_wait3A_335 = tpu.memref_slice %arg2[%dma_wait3A_333, %dma_wait3A_334] : memref<40000x128xf32, #tpu.memory_space<hbm>> -> memref<40000x128xf32, #tpu.memory_space<hbm>>
      tpu.wait_indirect_dma semaphore(%arg14 : memref<!tpu.dma_semaphore, #tpu.memory_space<semaphore_mem>>) src(%dma_wait3A_335 : memref<40000x128xf32, #tpu.memory_space<hbm>>) dst(%arg10 : memref<80x128xf32, #tpu.memory_space<vmem>>)
      %add3A_336 = arith.constant 1 : i32
      %add3A_337 = arith.addi %mul3A_307, %add3A_336 : i32
      "tpu.region"() ({
        %run_scoped3A_369 = tpu.sem_alloc : memref<!tpu.dma_semaphore, #tpu.memory_space<semaphore_mem>>
        %dma_start3A_370 = arith.constant 0 : i32
        %dma_start3A_371 = tpu.memref_slice %arg8[%add3A_337, %dma_start3A_370] : memref<64x80xi32, #tpu.memory_space<vmem>> -> memref<1x80xi32, #tpu.memory_space<vmem>>
        %dma_start3A_372 = tpu.memref_squeeze %dma_start3A_371 : memref<1x80xi32, #tpu.memory_space<vmem>> -> memref<80xi32, #tpu.memory_space<vmem>>
        %dma_start3A_373 = arith.constant 0 : i32
        %dma_start3A_374 = arith.constant 0 : i32
        %dma_start3A_375 = tpu.memref_slice %arg12[%dma_start3A_373, %dma_start3A_374] : memref<10112x128xf32, #tpu.memory_space<vmem_shared>> -> memref<10112x128xf32, #tpu.memory_space<vmem_shared>>
        tpu.enqueue_indirect_dma source(%arg10 : memref<80x128xf32, #tpu.memory_space<vmem>>) target(%dma_start3A_375 : memref<10112x128xf32, #tpu.memory_space<vmem_shared>>) offsets(%dma_start3A_372 : memref<80xi32, #tpu.memory_space<vmem>>) semaphore(%run_scoped3A_369 : memref<!tpu.dma_semaphore, #tpu.memory_space<semaphore_mem>>) {add = true}
        %dma_wait3A_376 = arith.constant 0 : i32
        %dma_wait3A_377 = tpu.memref_slice %arg8[%add3A_337, %dma_wait3A_376] : memref<64x80xi32, #tpu.memory_space<vmem>> -> memref<1x80xi32, #tpu.memory_space<vmem>>
        %dma_wait3A_378 = tpu.memref_squeeze %dma_wait3A_377 : memref<1x80xi32, #tpu.memory_space<vmem>> -> memref<80xi32, #tpu.memory_space<vmem>>
        %dma_wait3A_379 = arith.constant 0 : i32
        %dma_wait3A_380 = arith.constant 0 : i32
        %dma_wait3A_381 = tpu.memref_slice %arg12[%dma_wait3A_379, %dma_wait3A_380] : memref<10112x128xf32, #tpu.memory_space<vmem_shared>> -> memref<10112x128xf32, #tpu.memory_space<vmem_shared>>
        tpu.wait_indirect_dma semaphore(%run_scoped3A_369 : memref<!tpu.dma_semaphore, #tpu.memory_space<semaphore_mem>>) src(%arg10 : memref<80x128xf32, #tpu.memory_space<vmem>>) dst(%dma_wait3A_381 : memref<10112x128xf32, #tpu.memory_space<vmem_shared>>)
        tpu.yield
      }) : () -> ()
      %add3A_338 = arith.constant 3 : i32
      %add3A_339 = arith.addi %mul3A_307, %add3A_338 : i32
      %add3A_340 = arith.constant 1 : i32
      %add3A_341 = arith.addi %add3A_339, %add3A_340 : i32
      %mul3A_342 = arith.constant 80 : i32
      %mul3A_343 = arith.muli %add3A_341, %mul3A_342 : i32
      %dma_start3A_344 = tpu.memref_slice %arg7[%mul3A_343] : memref<5120xi32, #tpu.memory_space<vmem>> -> memref<80xi32, #tpu.memory_space<vmem>>
      %dma_start3A_345 = arith.constant 0 : i32
      %dma_start3A_346 = arith.constant 0 : i32
      %dma_start3A_347 = tpu.memref_slice %arg2[%dma_start3A_345, %dma_start3A_346] : memref<40000x128xf32, #tpu.memory_space<hbm>> -> memref<40000x128xf32, #tpu.memory_space<hbm>>
      tpu.enqueue_indirect_dma source(%dma_start3A_347 : memref<40000x128xf32, #tpu.memory_space<hbm>>) target(%arg10 : memref<80x128xf32, #tpu.memory_space<vmem>>) offsets(%dma_start3A_344 : memref<80xi32, #tpu.memory_space<vmem>>) semaphore(%arg14 : memref<!tpu.dma_semaphore, #tpu.memory_space<semaphore_mem>>)
      %add3A_348 = arith.constant 2 : i32
      %add3A_349 = arith.addi %mul3A_307, %add3A_348 : i32
      %mul3A_350 = arith.constant 80 : i32
      %mul3A_351 = arith.muli %add3A_349, %mul3A_350 : i32
      %dma_wait3A_352 = tpu.memref_slice %arg7[%mul3A_351] : memref<5120xi32, #tpu.memory_space<vmem>> -> memref<80xi32, #tpu.memory_space<vmem>>
      %dma_wait3A_353 = arith.constant 0 : i32
      %dma_wait3A_354 = arith.constant 0 : i32
      %dma_wait3A_355 = tpu.memref_slice %arg2[%dma_wait3A_353, %dma_wait3A_354] : memref<40000x128xf32, #tpu.memory_space<hbm>> -> memref<40000x128xf32, #tpu.memory_space<hbm>>
      tpu.wait_indirect_dma semaphore(%arg15 : memref<!tpu.dma_semaphore, #tpu.memory_space<semaphore_mem>>) src(%dma_wait3A_355 : memref<40000x128xf32, #tpu.memory_space<hbm>>) dst(%arg11 : memref<80x128xf32, #tpu.memory_space<vmem>>)
      %add3A_356 = arith.constant 2 : i32
      %add3A_357 = arith.addi %mul3A_307, %add3A_356 : i32
      "tpu.region"() ({
        %run_scoped3A_369 = tpu.sem_alloc : memref<!tpu.dma_semaphore, #tpu.memory_space<semaphore_mem>>
        %dma_start3A_370 = arith.constant 0 : i32
        %dma_start3A_371 = tpu.memref_slice %arg8[%add3A_357, %dma_start3A_370] : memref<64x80xi32, #tpu.memory_space<vmem>> -> memref<1x80xi32, #tpu.memory_space<vmem>>
        %dma_start3A_372 = tpu.memref_squeeze %dma_start3A_371 : memref<1x80xi32, #tpu.memory_space<vmem>> -> memref<80xi32, #tpu.memory_space<vmem>>
        %dma_start3A_373 = arith.constant 0 : i32
        %dma_start3A_374 = arith.constant 0 : i32
        %dma_start3A_375 = tpu.memref_slice %arg12[%dma_start3A_373, %dma_start3A_374] : memref<10112x128xf32, #tpu.memory_space<vmem_shared>> -> memref<10112x128xf32, #tpu.memory_space<vmem_shared>>
        tpu.enqueue_indirect_dma source(%arg11 : memref<80x128xf32, #tpu.memory_space<vmem>>) target(%dma_start3A_375 : memref<10112x128xf32, #tpu.memory_space<vmem_shared>>) offsets(%dma_start3A_372 : memref<80xi32, #tpu.memory_space<vmem>>) semaphore(%run_scoped3A_369 : memref<!tpu.dma_semaphore, #tpu.memory_space<semaphore_mem>>) {add = true}
        %dma_wait3A_376 = arith.constant 0 : i32
        %dma_wait3A_377 = tpu.memref_slice %arg8[%add3A_357, %dma_wait3A_376] : memref<64x80xi32, #tpu.memory_space<vmem>> -> memref<1x80xi32, #tpu.memory_space<vmem>>
        %dma_wait3A_378 = tpu.memref_squeeze %dma_wait3A_377 : memref<1x80xi32, #tpu.memory_space<vmem>> -> memref<80xi32, #tpu.memory_space<vmem>>
        %dma_wait3A_379 = arith.constant 0 : i32
        %dma_wait3A_380 = arith.constant 0 : i32
        %dma_wait3A_381 = tpu.memref_slice %arg12[%dma_wait3A_379, %dma_wait3A_380] : memref<10112x128xf32, #tpu.memory_space<vmem_shared>> -> memref<10112x128xf32, #tpu.memory_space<vmem_shared>>
        tpu.wait_indirect_dma semaphore(%run_scoped3A_369 : memref<!tpu.dma_semaphore, #tpu.memory_space<semaphore_mem>>) src(%arg11 : memref<80x128xf32, #tpu.memory_space<vmem>>) dst(%dma_wait3A_381 : memref<10112x128xf32, #tpu.memory_space<vmem_shared>>)
        tpu.yield
      }) : () -> ()
      %add3A_358 = arith.constant 3 : i32
      %add3A_359 = arith.addi %mul3A_307, %add3A_358 : i32
      %add3A_360 = arith.constant 2 : i32
      %add3A_361 = arith.addi %add3A_359, %add3A_360 : i32
      %mul3A_362 = arith.constant 80 : i32
      %mul3A_363 = arith.muli %add3A_361, %mul3A_362 : i32
      %dma_start3A_364 = tpu.memref_slice %arg7[%mul3A_363] : memref<5120xi32, #tpu.memory_space<vmem>> -> memref<80xi32, #tpu.memory_space<vmem>>
      %dma_start3A_365 = arith.constant 0 : i32
      %dma_start3A_366 = arith.constant 0 : i32
      %dma_start3A_367 = tpu.memref_slice %arg2[%dma_start3A_365, %dma_start3A_366] : memref<40000x128xf32, #tpu.memory_space<hbm>> -> memref<40000x128xf32, #tpu.memory_space<hbm>>
      tpu.enqueue_indirect_dma source(%dma_start3A_367 : memref<40000x128xf32, #tpu.memory_space<hbm>>) target(%arg11 : memref<80x128xf32, #tpu.memory_space<vmem>>) offsets(%dma_start3A_364 : memref<80xi32, #tpu.memory_space<vmem>>) semaphore(%arg15 : memref<!tpu.dma_semaphore, #tpu.memory_space<semaphore_mem>>)
      %scan3A_368 = arith.constant 0 : i32
      scf.yield %scan3A_368 : i32
    }
    %scan3A_261 = arith.constant 20 : i32
    %dma_wait3A_262 = arith.constant 4800 : i32
    %dma_wait3A_263 = tpu.memref_slice %arg7[%dma_wait3A_262] : memref<5120xi32, #tpu.memory_space<vmem>> -> memref<80xi32, #tpu.memory_space<vmem>>
    %dma_wait3A_264 = arith.constant 0 : i32
    %dma_wait3A_265 = arith.constant 0 : i32
    %dma_wait3A_266 = tpu.memref_slice %arg2[%dma_wait3A_264, %dma_wait3A_265] : memref<40000x128xf32, #tpu.memory_space<hbm>> -> memref<40000x128xf32, #tpu.memory_space<hbm>>
    tpu.wait_indirect_dma semaphore(%arg13 : memref<!tpu.dma_semaphore, #tpu.memory_space<semaphore_mem>>) src(%dma_wait3A_266 : memref<40000x128xf32, #tpu.memory_space<hbm>>) dst(%arg9 : memref<80x128xf32, #tpu.memory_space<vmem>>)
    %run_scoped3A_267 = arith.constant 60 : i32
    "tpu.region"() ({
      %run_scoped3A_304 = tpu.sem_alloc : memref<!tpu.dma_semaphore, #tpu.memory_space<semaphore_mem>>
      %dma_start3A_305 = arith.constant 0 : i32
      %dma_start3A_306 = tpu.memref_slice %arg8[%run_scoped3A_267, %dma_start3A_305] : memref<64x80xi32, #tpu.memory_space<vmem>> -> memref<1x80xi32, #tpu.memory_space<vmem>>
      %dma_start3A_307 = tpu.memref_squeeze %dma_start3A_306 : memref<1x80xi32, #tpu.memory_space<vmem>> -> memref<80xi32, #tpu.memory_space<vmem>>
      %dma_start3A_308 = arith.constant 0 : i32
      %dma_start3A_309 = arith.constant 0 : i32
      %dma_start3A_310 = tpu.memref_slice %arg12[%dma_start3A_308, %dma_start3A_309] : memref<10112x128xf32, #tpu.memory_space<vmem_shared>> -> memref<10112x128xf32, #tpu.memory_space<vmem_shared>>
      tpu.enqueue_indirect_dma source(%arg9 : memref<80x128xf32, #tpu.memory_space<vmem>>) target(%dma_start3A_310 : memref<10112x128xf32, #tpu.memory_space<vmem_shared>>) offsets(%dma_start3A_307 : memref<80xi32, #tpu.memory_space<vmem>>) semaphore(%run_scoped3A_304 : memref<!tpu.dma_semaphore, #tpu.memory_space<semaphore_mem>>) {add = true}
      %dma_wait3A_311 = arith.constant 0 : i32
      %dma_wait3A_312 = tpu.memref_slice %arg8[%run_scoped3A_267, %dma_wait3A_311] : memref<64x80xi32, #tpu.memory_space<vmem>> -> memref<1x80xi32, #tpu.memory_space<vmem>>
      %dma_wait3A_313 = tpu.memref_squeeze %dma_wait3A_312 : memref<1x80xi32, #tpu.memory_space<vmem>> -> memref<80xi32, #tpu.memory_space<vmem>>
      %dma_wait3A_314 = arith.constant 0 : i32
      %dma_wait3A_315 = arith.constant 0 : i32
      %dma_wait3A_316 = tpu.memref_slice %arg12[%dma_wait3A_314, %dma_wait3A_315] : memref<10112x128xf32, #tpu.memory_space<vmem_shared>> -> memref<10112x128xf32, #tpu.memory_space<vmem_shared>>
      tpu.wait_indirect_dma semaphore(%run_scoped3A_304 : memref<!tpu.dma_semaphore, #tpu.memory_space<semaphore_mem>>) src(%arg9 : memref<80x128xf32, #tpu.memory_space<vmem>>) dst(%dma_wait3A_316 : memref<10112x128xf32, #tpu.memory_space<vmem_shared>>)
      tpu.yield
    }) : () -> ()
    %dma_start3A_268 = arith.constant 5040 : i32
    %dma_start3A_269 = tpu.memref_slice %arg7[%dma_start3A_268] : memref<5120xi32, #tpu.memory_space<vmem>> -> memref<80xi32, #tpu.memory_space<vmem>>
    %dma_start3A_270 = arith.constant 0 : i32
    %dma_start3A_271 = arith.constant 0 : i32
    %dma_start3A_272 = tpu.memref_slice %arg2[%dma_start3A_270, %dma_start3A_271] : memref<40000x128xf32, #tpu.memory_space<hbm>> -> memref<40000x128xf32, #tpu.memory_space<hbm>>
    tpu.enqueue_indirect_dma source(%dma_start3A_272 : memref<40000x128xf32, #tpu.memory_space<hbm>>) target(%arg9 : memref<80x128xf32, #tpu.memory_space<vmem>>) offsets(%dma_start3A_269 : memref<80xi32, #tpu.memory_space<vmem>>) semaphore(%arg13 : memref<!tpu.dma_semaphore, #tpu.memory_space<semaphore_mem>>)
    %dma_wait3A_273 = arith.constant 4880 : i32
    %dma_wait3A_274 = tpu.memref_slice %arg7[%dma_wait3A_273] : memref<5120xi32, #tpu.memory_space<vmem>> -> memref<80xi32, #tpu.memory_space<vmem>>
    %dma_wait3A_275 = arith.constant 0 : i32
    %dma_wait3A_276 = arith.constant 0 : i32
    %dma_wait3A_277 = tpu.memref_slice %arg2[%dma_wait3A_275, %dma_wait3A_276] : memref<40000x128xf32, #tpu.memory_space<hbm>> -> memref<40000x128xf32, #tpu.memory_space<hbm>>
    tpu.wait_indirect_dma semaphore(%arg14 : memref<!tpu.dma_semaphore, #tpu.memory_space<semaphore_mem>>) src(%dma_wait3A_277 : memref<40000x128xf32, #tpu.memory_space<hbm>>) dst(%arg10 : memref<80x128xf32, #tpu.memory_space<vmem>>)
    %run_scoped3A_278 = arith.constant 61 : i32
    "tpu.region"() ({
      %run_scoped3A_304 = tpu.sem_alloc : memref<!tpu.dma_semaphore, #tpu.memory_space<semaphore_mem>>
      %dma_start3A_305 = arith.constant 0 : i32
      %dma_start3A_306 = tpu.memref_slice %arg8[%run_scoped3A_278, %dma_start3A_305] : memref<64x80xi32, #tpu.memory_space<vmem>> -> memref<1x80xi32, #tpu.memory_space<vmem>>
      %dma_start3A_307 = tpu.memref_squeeze %dma_start3A_306 : memref<1x80xi32, #tpu.memory_space<vmem>> -> memref<80xi32, #tpu.memory_space<vmem>>
      %dma_start3A_308 = arith.constant 0 : i32
      %dma_start3A_309 = arith.constant 0 : i32
      %dma_start3A_310 = tpu.memref_slice %arg12[%dma_start3A_308, %dma_start3A_309] : memref<10112x128xf32, #tpu.memory_space<vmem_shared>> -> memref<10112x128xf32, #tpu.memory_space<vmem_shared>>
      tpu.enqueue_indirect_dma source(%arg10 : memref<80x128xf32, #tpu.memory_space<vmem>>) target(%dma_start3A_310 : memref<10112x128xf32, #tpu.memory_space<vmem_shared>>) offsets(%dma_start3A_307 : memref<80xi32, #tpu.memory_space<vmem>>) semaphore(%run_scoped3A_304 : memref<!tpu.dma_semaphore, #tpu.memory_space<semaphore_mem>>) {add = true}
      %dma_wait3A_311 = arith.constant 0 : i32
      %dma_wait3A_312 = tpu.memref_slice %arg8[%run_scoped3A_278, %dma_wait3A_311] : memref<64x80xi32, #tpu.memory_space<vmem>> -> memref<1x80xi32, #tpu.memory_space<vmem>>
      %dma_wait3A_313 = tpu.memref_squeeze %dma_wait3A_312 : memref<1x80xi32, #tpu.memory_space<vmem>> -> memref<80xi32, #tpu.memory_space<vmem>>
      %dma_wait3A_314 = arith.constant 0 : i32
      %dma_wait3A_315 = arith.constant 0 : i32
      %dma_wait3A_316 = tpu.memref_slice %arg12[%dma_wait3A_314, %dma_wait3A_315] : memref<10112x128xf32, #tpu.memory_space<vmem_shared>> -> memref<10112x128xf32, #tpu.memory_space<vmem_shared>>
      tpu.wait_indirect_dma semaphore(%run_scoped3A_304 : memref<!tpu.dma_semaphore, #tpu.memory_space<semaphore_mem>>) src(%arg10 : memref<80x128xf32, #tpu.memory_space<vmem>>) dst(%dma_wait3A_316 : memref<10112x128xf32, #tpu.memory_space<vmem_shared>>)
      tpu.yield
    }) : () -> ()
    %dma_wait3A_279 = arith.constant 4960 : i32
    %dma_wait3A_280 = tpu.memref_slice %arg7[%dma_wait3A_279] : memref<5120xi32, #tpu.memory_space<vmem>> -> memref<80xi32, #tpu.memory_space<vmem>>
    %dma_wait3A_281 = arith.constant 0 : i32
    %dma_wait3A_282 = arith.constant 0 : i32
    %dma_wait3A_283 = tpu.memref_slice %arg2[%dma_wait3A_281, %dma_wait3A_282] : memref<40000x128xf32, #tpu.memory_space<hbm>> -> memref<40000x128xf32, #tpu.memory_space<hbm>>
    tpu.wait_indirect_dma semaphore(%arg15 : memref<!tpu.dma_semaphore, #tpu.memory_space<semaphore_mem>>) src(%dma_wait3A_283 : memref<40000x128xf32, #tpu.memory_space<hbm>>) dst(%arg11 : memref<80x128xf32, #tpu.memory_space<vmem>>)
    %run_scoped3A_284 = arith.constant 62 : i32
    "tpu.region"() ({
      %run_scoped3A_304 = tpu.sem_alloc : memref<!tpu.dma_semaphore, #tpu.memory_space<semaphore_mem>>
      %dma_start3A_305 = arith.constant 0 : i32
      %dma_start3A_306 = tpu.memref_slice %arg8[%run_scoped3A_284, %dma_start3A_305] : memref<64x80xi32, #tpu.memory_space<vmem>> -> memref<1x80xi32, #tpu.memory_space<vmem>>
      %dma_start3A_307 = tpu.memref_squeeze %dma_start3A_306 : memref<1x80xi32, #tpu.memory_space<vmem>> -> memref<80xi32, #tpu.memory_space<vmem>>
      %dma_start3A_308 = arith.constant 0 : i32
      %dma_start3A_309 = arith.constant 0 : i32
      %dma_start3A_310 = tpu.memref_slice %arg12[%dma_start3A_308, %dma_start3A_309] : memref<10112x128xf32, #tpu.memory_space<vmem_shared>> -> memref<10112x128xf32, #tpu.memory_space<vmem_shared>>
      tpu.enqueue_indirect_dma source(%arg11 : memref<80x128xf32, #tpu.memory_space<vmem>>) target(%dma_start3A_310 : memref<10112x128xf32, #tpu.memory_space<vmem_shared>>) offsets(%dma_start3A_307 : memref<80xi32, #tpu.memory_space<vmem>>) semaphore(%run_scoped3A_304 : memref<!tpu.dma_semaphore, #tpu.memory_space<semaphore_mem>>) {add = true}
      %dma_wait3A_311 = arith.constant 0 : i32
      %dma_wait3A_312 = tpu.memref_slice %arg8[%run_scoped3A_284, %dma_wait3A_311] : memref<64x80xi32, #tpu.memory_space<vmem>> -> memref<1x80xi32, #tpu.memory_space<vmem>>
      %dma_wait3A_313 = tpu.memref_squeeze %dma_wait3A_312 : memref<1x80xi32, #tpu.memory_space<vmem>> -> memref<80xi32, #tpu.memory_space<vmem>>
      %dma_wait3A_314 = arith.constant 0 : i32
      %dma_wait3A_315 = arith.constant 0 : i32
      %dma_wait3A_316 = tpu.memref_slice %arg12[%dma_wait3A_314, %dma_wait3A_315] : memref<10112x128xf32, #tpu.memory_space<vmem_shared>> -> memref<10112x128xf32, #tpu.memory_space<vmem_shared>>
      tpu.wait_indirect_dma semaphore(%run_scoped3A_304 : memref<!tpu.dma_semaphore, #tpu.memory_space<semaphore_mem>>) src(%arg11 : memref<80x128xf32, #tpu.memory_space<vmem>>) dst(%dma_wait3A_316 : memref<10112x128xf32, #tpu.memory_space<vmem_shared>>)
      tpu.yield
    }) : () -> ()
    %dma_wait3A_285 = arith.constant 5040 : i32
    %dma_wait3A_286 = tpu.memref_slice %arg7[%dma_wait3A_285] : memref<5120xi32, #tpu.memory_space<vmem>> -> memref<80xi32, #tpu.memory_space<vmem>>
    %dma_wait3A_287 = arith.constant 0 : i32
    %dma_wait3A_288 = arith.constant 0 : i32
    %dma_wait3A_289 = tpu.memref_slice %arg2[%dma_wait3A_287, %dma_wait3A_288] : memref<40000x128xf32, #tpu.memory_space<hbm>> -> memref<40000x128xf32, #tpu.memory_space<hbm>>
    tpu.wait_indirect_dma semaphore(%arg13 : memref<!tpu.dma_semaphore, #tpu.memory_space<semaphore_mem>>) src(%dma_wait3A_289 : memref<40000x128xf32, #tpu.memory_space<hbm>>) dst(%arg9 : memref<80x128xf32, #tpu.memory_space<vmem>>)
    %run_scoped3A_290 = arith.constant 63 : i32
    "tpu.region"() ({
      %run_scoped3A_304 = tpu.sem_alloc : memref<!tpu.dma_semaphore, #tpu.memory_space<semaphore_mem>>
      %dma_start3A_305 = arith.constant 0 : i32
      %dma_start3A_306 = tpu.memref_slice %arg8[%run_scoped3A_290, %dma_start3A_305] : memref<64x80xi32, #tpu.memory_space<vmem>> -> memref<1x80xi32, #tpu.memory_space<vmem>>
      %dma_start3A_307 = tpu.memref_squeeze %dma_start3A_306 : memref<1x80xi32, #tpu.memory_space<vmem>> -> memref<80xi32, #tpu.memory_space<vmem>>
      %dma_start3A_308 = arith.constant 0 : i32
      %dma_start3A_309 = arith.constant 0 : i32
      %dma_start3A_310 = tpu.memref_slice %arg12[%dma_start3A_308, %dma_start3A_309] : memref<10112x128xf32, #tpu.memory_space<vmem_shared>> -> memref<10112x128xf32, #tpu.memory_space<vmem_shared>>
      tpu.enqueue_indirect_dma source(%arg9 : memref<80x128xf32, #tpu.memory_space<vmem>>) target(%dma_start3A_310 : memref<10112x128xf32, #tpu.memory_space<vmem_shared>>) offsets(%dma_start3A_307 : memref<80xi32, #tpu.memory_space<vmem>>) semaphore(%run_scoped3A_304 : memref<!tpu.dma_semaphore, #tpu.memory_space<semaphore_mem>>) {add = true}
      %dma_wait3A_311 = arith.constant 0 : i32
      %dma_wait3A_312 = tpu.memref_slice %arg8[%run_scoped3A_290, %dma_wait3A_311] : memref<64x80xi32, #tpu.memory_space<vmem>> -> memref<1x80xi32, #tpu.memory_space<vmem>>
      %dma_wait3A_313 = tpu.memref_squeeze %dma_wait3A_312 : memref<1x80xi32, #tpu.memory_space<vmem>> -> memref<80xi32, #tpu.memory_space<vmem>>
      %dma_wait3A_314 = arith.constant 0 : i32
      %dma_wait3A_315 = arith.constant 0 : i32
      %dma_wait3A_316 = tpu.memref_slice %arg12[%dma_wait3A_314, %dma_wait3A_315] : memref<10112x128xf32, #tpu.memory_space<vmem_shared>> -> memref<10112x128xf32, #tpu.memory_space<vmem_shared>>
      tpu.wait_indirect_dma semaphore(%run_scoped3A_304 : memref<!tpu.dma_semaphore, #tpu.memory_space<semaphore_mem>>) src(%arg9 : memref<80x128xf32, #tpu.memory_space<vmem>>) dst(%dma_wait3A_316 : memref<10112x128xf32, #tpu.memory_space<vmem_shared>>)
      tpu.yield
    }) : () -> ()
    %barrier3A_291 = arith.constant 0 : index
    tpu.barrier barrier_id(%barrier3A_291)
    %add3A_292 = arith.constant 2 : i32
    %add3A_293 = arith.addi %add3A_292, %arg0 : i32
    %dma_start3A_294 = arith.constant 0 : i32
    %dma_start3A_295 = tpu.memref_slice %arg6[%add3A_293, %mul3A_0, %dma_start3A_294] : memref<4x10112x128xf32, #tpu.memory_space<hbm>> -> memref<1x632x128xf32, #tpu.memory_space<hbm>>
    %dma_start3A_296 = tpu.memref_squeeze %dma_start3A_295 : memref<1x632x128xf32, #tpu.memory_space<hbm>> -> memref<632x128xf32, #tpu.memory_space<hbm>>
    %dma_start3A_297 = arith.constant 0 : i32
    %dma_start3A_298 = tpu.memref_slice %arg12[%mul3A_0, %dma_start3A_297] : memref<10112x128xf32, #tpu.memory_space<vmem_shared>> -> memref<632x128xf32, #tpu.memory_space<vmem_shared>>
    tpu.enqueue_dma source(%dma_start3A_298 : memref<632x128xf32, #tpu.memory_space<vmem_shared>>) target(%dma_start3A_296 : memref<632x128xf32, #tpu.memory_space<hbm>>) target_semaphore(%arg18 : memref<!tpu.dma_semaphore, #tpu.memory_space<semaphore_mem>>)
    %dma_wait3A_299 = arith.constant 0 : i32
    %dma_wait3A_300 = tpu.memref_slice %arg6[%add3A_293, %mul3A_0, %dma_wait3A_299] : memref<4x10112x128xf32, #tpu.memory_space<hbm>> -> memref<1x632x128xf32, #tpu.memory_space<hbm>>
    %dma_wait3A_301 = tpu.memref_squeeze %dma_wait3A_300 : memref<1x632x128xf32, #tpu.memory_space<hbm>> -> memref<632x128xf32, #tpu.memory_space<hbm>>
    %dma_wait3A_302 = arith.constant 0 : i32
    %dma_wait3A_303 = tpu.memref_slice %arg12[%mul3A_0, %dma_wait3A_302] : memref<10112x128xf32, #tpu.memory_space<vmem_shared>> -> memref<632x128xf32, #tpu.memory_space<vmem_shared>>
    tpu.wait_dma2 semaphore(%arg18 : memref<!tpu.dma_semaphore, #tpu.memory_space<semaphore_mem>>) src(%dma_wait3A_303 : memref<632x128xf32, #tpu.memory_space<vmem_shared>>) dst(%dma_wait3A_301 : memref<632x128xf32, #tpu.memory_space<hbm>>)
    return
  }
}

#map = affine_map<(d0, d1) -> (0, 0)>
#map1 = affine_map<(d0, d1) -> (0)>
#map2 = affine_map<(d0, d1) -> (0, 0, 0, 0)>
#map3 = affine_map<(d0, d1) -> (0, 0, 0)>
module attributes {stable_mosaic.version = 14 : i64} {
  func.func @seg(%arg0: i32, %arg1: i32, %arg2: memref<40000x128xf32, #tpu.memory_space<hbm>>, %arg3: memref<655360xi32, #tpu.memory_space<hbm>>, %arg4: memref<2x16x128x80xi32, #tpu.memory_space<hbm>>, %arg5: memref<10112x128xf32, #tpu.memory_space<hbm>>, %arg6: memref<4x10112x128xf32, #tpu.memory_space<hbm>>, %arg7: memref<5120xi32, #tpu.memory_space<vmem>>, %arg8: memref<64x80xi32, #tpu.memory_space<vmem>>, %arg9: memref<80x128xf32, #tpu.memory_space<vmem>>, %arg10: memref<80x128xf32, #tpu.memory_space<vmem>>, %arg11: memref<80x128xf32, #tpu.memory_space<vmem>>, %arg12: memref<10112x128xf32, #tpu.memory_space<vmem_shared>>, %arg13: memref<!tpu.dma_semaphore, #tpu.memory_space<semaphore_mem>>, %arg14: memref<!tpu.dma_semaphore, #tpu.memory_space<semaphore_mem>>, %arg15: memref<!tpu.dma_semaphore, #tpu.memory_space<semaphore_mem>>, %arg16: memref<!tpu.dma_semaphore, #tpu.memory_space<semaphore_mem>>, %arg17: memref<!tpu.dma_semaphore, #tpu.memory_space<semaphore_mem>>, %arg18: memref<!tpu.dma_semaphore, #tpu.memory_space<semaphore_mem>>, %arg19: memref<!tpu.dma_semaphore, #tpu.memory_space<semaphore_mem>>) attributes {dimension_semantics = [#tpu.dimension_semantics<core_parallel>, #tpu.dimension_semantics<subcore_parallel>], iteration_bounds = array<i64: 2, 16>, scalar_prefetch = 0 : i64, scratch_operands = 13 : i64, tpu.core_type = #tpu.core_type<sc_vector_subcore>, window_params = [{transform_indices = #map}, {transform_indices = #map1}, {transform_indices = #map2}, {transform_indices = #map}, {transform_indices = #map3}]} {
    %mul3A = arith.constant 632 : i32
    %mul3A_0 = arith.muli %arg1, %mul3A : i32
    %run_scoped3A = arith.constant 1 : i32
    "tpu.region"() ({
      %run_scoped3A_304 = tpu.sem_alloc : memref<!tpu.dma_semaphore, #tpu.memory_space<semaphore_mem>>
      %dma_start3A_305 = arith.constant 0 : i32
      %dma_start3A_306 = arith.constant 0 : i32
      %dma_start3A_307 = tpu.memref_slice %arg4[%run_scoped3A, %arg1, %dma_start3A_305, %dma_start3A_306] : memref<2x16x128x80xi32, #tpu.memory_space<hbm>> -> memref<1x1x64x80xi32, #tpu.memory_space<hbm>>
      %dma_start3A_308 = tpu.memref_squeeze %dma_start3A_307 : memref<1x1x64x80xi32, #tpu.memory_space<hbm>> -> memref<64x80xi32, #tpu.memory_space<hbm>>
      %dma_start3A_309 = arith.constant 0 : i32
      %dma_start3A_310 = arith.constant 0 : i32
      %dma_start3A_311 = tpu.memref_slice %arg4[%run_scoped3A, %arg1, %dma_start3A_309, %dma_start3A_310] : memref<2x16x128x80xi32, #tpu.memory_space<hbm>> -> memref<1x1x64x80xi32, #tpu.memory_space<hbm>>
      %dma_start3A_312 = tpu.memref_squeeze %dma_start3A_311 : memref<1x1x64x80xi32, #tpu.memory_space<hbm>> -> memref<64x80xi32, #tpu.memory_space<hbm>>
      tpu.enqueue_dma source(%dma_start3A_312 : memref<64x80xi32, #tpu.memory_space<hbm>>) target(%arg8 : memref<64x80xi32, #tpu.memory_space<vmem>>) target_semaphore(%run_scoped3A_304 : memref<!tpu.dma_semaphore, #tpu.memory_space<semaphore_mem>>)
      %dma_wait3A_313 = arith.constant 0 : i32
      %dma_wait3A_314 = arith.constant 0 : i32
      %dma_wait3A_315 = tpu.memref_slice %arg4[%run_scoped3A, %arg1, %dma_wait3A_313, %dma_wait3A_314] : memref<2x16x128x80xi32, #tpu.memory_space<hbm>> -> memref<1x1x64x80xi32, #tpu.memory_space<hbm>>
      %dma_wait3A_316 = tpu.memref_squeeze %dma_wait3A_315 : memref<1x1x64x80xi32, #tpu.memory_space<hbm>> -> memref<64x80xi32, #tpu.memory_space<hbm>>
      %dma_wait3A_317 = arith.constant 0 : i32
      %dma_wait3A_318 = arith.constant 0 : i32
      %dma_wait3A_319 = tpu.memref_slice %arg4[%run_scoped3A, %arg1, %dma_wait3A_317, %dma_wait3A_318] : memref<2x16x128x80xi32, #tpu.memory_space<hbm>> -> memref<1x1x64x80xi32, #tpu.memory_space<hbm>>
      %dma_wait3A_320 = tpu.memref_squeeze %dma_wait3A_319 : memref<1x1x64x80xi32, #tpu.memory_space<hbm>> -> memref<64x80xi32, #tpu.memory_space<hbm>>
      tpu.wait_dma2 semaphore(%run_scoped3A_304 : memref<!tpu.dma_semaphore, #tpu.memory_space<semaphore_mem>>) src(%dma_wait3A_320 : memref<64x80xi32, #tpu.memory_space<hbm>>) dst(%arg8 : memref<64x80xi32, #tpu.memory_space<vmem>>)
      tpu.yield
    }) : () -> ()
    %add3A = arith.constant 0 : i32
    %add3A_1 = arith.addi %add3A, %arg0 : i32
    %mul3A_2 = arith.constant 163840 : i32
    %mul3A_3 = arith.muli %add3A_1, %mul3A_2 : i32
    %mul3A_4 = arith.constant 10240 : i32
    %mul3A_5 = arith.muli %arg1, %mul3A_4 : i32
    %add3A_6 = arith.addi %mul3A_3, %mul3A_5 : i32
    %dma_start3A = tpu.memref_slice %arg3[%add3A_6] : memref<655360xi32, #tpu.memory_space<hbm>> -> memref<5120xi32, #tpu.memory_space<hbm>>
    %dma_start3A_7 = tpu.memref_slice %arg3[%add3A_6] : memref<655360xi32, #tpu.memory_space<hbm>> -> memref<5120xi32, #tpu.memory_space<hbm>>
    tpu.enqueue_dma source(%dma_start3A_7 : memref<5120xi32, #tpu.memory_space<hbm>>) target(%arg7 : memref<5120xi32, #tpu.memory_space<vmem>>) target_semaphore(%arg17 : memref<!tpu.dma_semaphore, #tpu.memory_space<semaphore_mem>>)
    %dma_start3A_8 = arith.constant 0 : i32
    %dma_start3A_9 = tpu.memref_slice %arg12[%mul3A_0, %dma_start3A_8] : memref<10112x128xf32, #tpu.memory_space<vmem_shared>> -> memref<632x128xf32, #tpu.memory_space<vmem_shared>>
    %dma_start3A_10 = arith.constant 0 : i32
    %dma_start3A_11 = tpu.memref_slice %arg5[%mul3A_0, %dma_start3A_10] : memref<10112x128xf32, #tpu.memory_space<hbm>> -> memref<632x128xf32, #tpu.memory_space<hbm>>
    tpu.enqueue_dma source(%dma_start3A_11 : memref<632x128xf32, #tpu.memory_space<hbm>>) target(%dma_start3A_9 : memref<632x128xf32, #tpu.memory_space<vmem_shared>>) target_semaphore(%arg16 : memref<!tpu.dma_semaphore, #tpu.memory_space<semaphore_mem>>)
    %dma_wait3A = tpu.memref_slice %arg3[%add3A_6] : memref<655360xi32, #tpu.memory_space<hbm>> -> memref<5120xi32, #tpu.memory_space<hbm>>
    %dma_wait3A_12 = tpu.memref_slice %arg3[%add3A_6] : memref<655360xi32, #tpu.memory_space<hbm>> -> memref<5120xi32, #tpu.memory_space<hbm>>
    tpu.wait_dma2 semaphore(%arg17 : memref<!tpu.dma_semaphore, #tpu.memory_space<semaphore_mem>>) src(%dma_wait3A_12 : memref<5120xi32, #tpu.memory_space<hbm>>) dst(%arg7 : memref<5120xi32, #tpu.memory_space<vmem>>)
    %dma_wait3A_13 = arith.constant 0 : i32
    %dma_wait3A_14 = tpu.memref_slice %arg12[%mul3A_0, %dma_wait3A_13] : memref<10112x128xf32, #tpu.memory_space<vmem_shared>> -> memref<632x128xf32, #tpu.memory_space<vmem_shared>>
    %dma_wait3A_15 = arith.constant 0 : i32
    %dma_wait3A_16 = tpu.memref_slice %arg5[%mul3A_0, %dma_wait3A_15] : memref<10112x128xf32, #tpu.memory_space<hbm>> -> memref<632x128xf32, #tpu.memory_space<hbm>>
    tpu.wait_dma2 semaphore(%arg16 : memref<!tpu.dma_semaphore, #tpu.memory_space<semaphore_mem>>) src(%dma_wait3A_16 : memref<632x128xf32, #tpu.memory_space<hbm>>) dst(%dma_wait3A_14 : memref<632x128xf32, #tpu.memory_space<vmem_shared>>)
    %barrier3A = arith.constant 0 : index
    tpu.barrier barrier_id(%barrier3A)
    %dma_start3A_17 = arith.constant 0 : i32
    %dma_start3A_18 = tpu.memref_slice %arg7[%dma_start3A_17] : memref<5120xi32, #tpu.memory_space<vmem>> -> memref<80xi32, #tpu.memory_space<vmem>>
    %dma_start3A_19 = arith.constant 0 : i32
    %dma_start3A_20 = arith.constant 0 : i32
    %dma_start3A_21 = tpu.memref_slice %arg2[%dma_start3A_19, %dma_start3A_20] : memref<40000x128xf32, #tpu.memory_space<hbm>> -> memref<40000x128xf32, #tpu.memory_space<hbm>>
    tpu.enqueue_indirect_dma source(%dma_start3A_21 : memref<40000x128xf32, #tpu.memory_space<hbm>>) target(%arg9 : memref<80x128xf32, #tpu.memory_space<vmem>>) offsets(%dma_start3A_18 : memref<80xi32, #tpu.memory_space<vmem>>) semaphore(%arg13 : memref<!tpu.dma_semaphore, #tpu.memory_space<semaphore_mem>>)
    %dma_start3A_22 = arith.constant 80 : i32
    %dma_start3A_23 = tpu.memref_slice %arg7[%dma_start3A_22] : memref<5120xi32, #tpu.memory_space<vmem>> -> memref<80xi32, #tpu.memory_space<vmem>>
    %dma_start3A_24 = arith.constant 0 : i32
    %dma_start3A_25 = arith.constant 0 : i32
    %dma_start3A_26 = tpu.memref_slice %arg2[%dma_start3A_24, %dma_start3A_25] : memref<40000x128xf32, #tpu.memory_space<hbm>> -> memref<40000x128xf32, #tpu.memory_space<hbm>>
    tpu.enqueue_indirect_dma source(%dma_start3A_26 : memref<40000x128xf32, #tpu.memory_space<hbm>>) target(%arg10 : memref<80x128xf32, #tpu.memory_space<vmem>>) offsets(%dma_start3A_23 : memref<80xi32, #tpu.memory_space<vmem>>) semaphore(%arg14 : memref<!tpu.dma_semaphore, #tpu.memory_space<semaphore_mem>>)
    %dma_start3A_27 = arith.constant 160 : i32
    %dma_start3A_28 = tpu.memref_slice %arg7[%dma_start3A_27] : memref<5120xi32, #tpu.memory_space<vmem>> -> memref<80xi32, #tpu.memory_space<vmem>>
    %dma_start3A_29 = arith.constant 0 : i32
    %dma_start3A_30 = arith.constant 0 : i32
    %dma_start3A_31 = tpu.memref_slice %arg2[%dma_start3A_29, %dma_start3A_30] : memref<40000x128xf32, #tpu.memory_space<hbm>> -> memref<40000x128xf32, #tpu.memory_space<hbm>>
    tpu.enqueue_indirect_dma source(%dma_start3A_31 : memref<40000x128xf32, #tpu.memory_space<hbm>>) target(%arg11 : memref<80x128xf32, #tpu.memory_space<vmem>>) offsets(%dma_start3A_28 : memref<80xi32, #tpu.memory_space<vmem>>) semaphore(%arg15 : memref<!tpu.dma_semaphore, #tpu.memory_space<semaphore_mem>>)
    %scan3A = arith.constant 0 : i32
    %scan3A_32 = arith.constant 0 : i32
    %scan3A_33 = arith.constant 20 : i32
    %scan3A_34 = arith.addi %scan3A_32, %scan3A_33 : i32
    %scan3A_35 = arith.constant 1 : i32
    %scan3A_36 = scf.for %scan3A_304 = %scan3A_32 to %scan3A_34 step %scan3A_35 iter_args(%scan3A_305 = %scan3A) -> (i32)  : i32 {
      %mul3A_306 = arith.constant 3 : i32
      %mul3A_307 = arith.muli %mul3A_306, %scan3A_304 : i32
      %add3A_308 = arith.constant 0 : i32
      %add3A_309 = arith.addi %mul3A_307, %add3A_308 : i32
      %mul3A_310 = arith.constant 80 : i32
      %mul3A_311 = arith.muli %add3A_309, %mul3A_310 : i32
      %dma_wait3A_312 = tpu.memref_slice %arg7[%mul3A_311] : memref<5120xi32, #tpu.memory_space<vmem>> -> memref<80xi32, #tpu.memory_space<vmem>>
      %dma_wait3A_313 = arith.constant 0 : i32
      %dma_wait3A_314 = arith.constant 0 : i32
      %dma_wait3A_315 = tpu.memref_slice %arg2[%dma_wait3A_313, %dma_wait3A_314] : memref<40000x128xf32, #tpu.memory_space<hbm>> -> memref<40000x128xf32, #tpu.memory_space<hbm>>
      tpu.wait_indirect_dma semaphore(%arg13 : memref<!tpu.dma_semaphore, #tpu.memory_space<semaphore_mem>>) src(%dma_wait3A_315 : memref<40000x128xf32, #tpu.memory_space<hbm>>) dst(%arg9 : memref<80x128xf32, #tpu.memory_space<vmem>>)
      %add3A_316 = arith.constant 0 : i32
      %add3A_317 = arith.addi %mul3A_307, %add3A_316 : i32
      "tpu.region"() ({
        %run_scoped3A_369 = tpu.sem_alloc : memref<!tpu.dma_semaphore, #tpu.memory_space<semaphore_mem>>
        %dma_start3A_370 = arith.constant 0 : i32
        %dma_start3A_371 = tpu.memref_slice %arg8[%add3A_317, %dma_start3A_370] : memref<64x80xi32, #tpu.memory_space<vmem>> -> memref<1x80xi32, #tpu.memory_space<vmem>>
        %dma_start3A_372 = tpu.memref_squeeze %dma_start3A_371 : memref<1x80xi32, #tpu.memory_space<vmem>> -> memref<80xi32, #tpu.memory_space<vmem>>
        %dma_start3A_373 = arith.constant 0 : i32
        %dma_start3A_374 = arith.constant 0 : i32
        %dma_start3A_375 = tpu.memref_slice %arg12[%dma_start3A_373, %dma_start3A_374] : memref<10112x128xf32, #tpu.memory_space<vmem_shared>> -> memref<10112x128xf32, #tpu.memory_space<vmem_shared>>
        tpu.enqueue_indirect_dma source(%arg9 : memref<80x128xf32, #tpu.memory_space<vmem>>) target(%dma_start3A_375 : memref<10112x128xf32, #tpu.memory_space<vmem_shared>>) offsets(%dma_start3A_372 : memref<80xi32, #tpu.memory_space<vmem>>) semaphore(%run_scoped3A_369 : memref<!tpu.dma_semaphore, #tpu.memory_space<semaphore_mem>>) {add = true}
        %dma_wait3A_376 = arith.constant 0 : i32
        %dma_wait3A_377 = tpu.memref_slice %arg8[%add3A_317, %dma_wait3A_376] : memref<64x80xi32, #tpu.memory_space<vmem>> -> memref<1x80xi32, #tpu.memory_space<vmem>>
        %dma_wait3A_378 = tpu.memref_squeeze %dma_wait3A_377 : memref<1x80xi32, #tpu.memory_space<vmem>> -> memref<80xi32, #tpu.memory_space<vmem>>
        %dma_wait3A_379 = arith.constant 0 : i32
        %dma_wait3A_380 = arith.constant 0 : i32
        %dma_wait3A_381 = tpu.memref_slice %arg12[%dma_wait3A_379, %dma_wait3A_380] : memref<10112x128xf32, #tpu.memory_space<vmem_shared>> -> memref<10112x128xf32, #tpu.memory_space<vmem_shared>>
        tpu.wait_indirect_dma semaphore(%run_scoped3A_369 : memref<!tpu.dma_semaphore, #tpu.memory_space<semaphore_mem>>) src(%arg9 : memref<80x128xf32, #tpu.memory_space<vmem>>) dst(%dma_wait3A_381 : memref<10112x128xf32, #tpu.memory_space<vmem_shared>>)
        tpu.yield
      }) : () -> ()
      %add3A_318 = arith.constant 3 : i32
      %add3A_319 = arith.addi %mul3A_307, %add3A_318 : i32
      %add3A_320 = arith.constant 0 : i32
      %add3A_321 = arith.addi %add3A_319, %add3A_320 : i32
      %mul3A_322 = arith.constant 80 : i32
      %mul3A_323 = arith.muli %add3A_321, %mul3A_322 : i32
      %dma_start3A_324 = tpu.memref_slice %arg7[%mul3A_323] : memref<5120xi32, #tpu.memory_space<vmem>> -> memref<80xi32, #tpu.memory_space<vmem>>
      %dma_start3A_325 = arith.constant 0 : i32
      %dma_start3A_326 = arith.constant 0 : i32
      %dma_start3A_327 = tpu.memref_slice %arg2[%dma_start3A_325, %dma_start3A_326] : memref<40000x128xf32, #tpu.memory_space<hbm>> -> memref<40000x128xf32, #tpu.memory_space<hbm>>
      tpu.enqueue_indirect_dma source(%dma_start3A_327 : memref<40000x128xf32, #tpu.memory_space<hbm>>) target(%arg9 : memref<80x128xf32, #tpu.memory_space<vmem>>) offsets(%dma_start3A_324 : memref<80xi32, #tpu.memory_space<vmem>>) semaphore(%arg13 : memref<!tpu.dma_semaphore, #tpu.memory_space<semaphore_mem>>)
      %add3A_328 = arith.constant 1 : i32
      %add3A_329 = arith.addi %mul3A_307, %add3A_328 : i32
      %mul3A_330 = arith.constant 80 : i32
      %mul3A_331 = arith.muli %add3A_329, %mul3A_330 : i32
      %dma_wait3A_332 = tpu.memref_slice %arg7[%mul3A_331] : memref<5120xi32, #tpu.memory_space<vmem>> -> memref<80xi32, #tpu.memory_space<vmem>>
      %dma_wait3A_333 = arith.constant 0 : i32
      %dma_wait3A_334 = arith.constant 0 : i32
      %dma_wait3A_335 = tpu.memref_slice %arg2[%dma_wait3A_333, %dma_wait3A_334] : memref<40000x128xf32, #tpu.memory_space<hbm>> -> memref<40000x128xf32, #tpu.memory_space<hbm>>
      tpu.wait_indirect_dma semaphore(%arg14 : memref<!tpu.dma_semaphore, #tpu.memory_space<semaphore_mem>>) src(%dma_wait3A_335 : memref<40000x128xf32, #tpu.memory_space<hbm>>) dst(%arg10 : memref<80x128xf32, #tpu.memory_space<vmem>>)
      %add3A_336 = arith.constant 1 : i32
      %add3A_337 = arith.addi %mul3A_307, %add3A_336 : i32
      "tpu.region"() ({
        %run_scoped3A_369 = tpu.sem_alloc : memref<!tpu.dma_semaphore, #tpu.memory_space<semaphore_mem>>
        %dma_start3A_370 = arith.constant 0 : i32
        %dma_start3A_371 = tpu.memref_slice %arg8[%add3A_337, %dma_start3A_370] : memref<64x80xi32, #tpu.memory_space<vmem>> -> memref<1x80xi32, #tpu.memory_space<vmem>>
        %dma_start3A_372 = tpu.memref_squeeze %dma_start3A_371 : memref<1x80xi32, #tpu.memory_space<vmem>> -> memref<80xi32, #tpu.memory_space<vmem>>
        %dma_start3A_373 = arith.constant 0 : i32
        %dma_start3A_374 = arith.constant 0 : i32
        %dma_start3A_375 = tpu.memref_slice %arg12[%dma_start3A_373, %dma_start3A_374] : memref<10112x128xf32, #tpu.memory_space<vmem_shared>> -> memref<10112x128xf32, #tpu.memory_space<vmem_shared>>
        tpu.enqueue_indirect_dma source(%arg10 : memref<80x128xf32, #tpu.memory_space<vmem>>) target(%dma_start3A_375 : memref<10112x128xf32, #tpu.memory_space<vmem_shared>>) offsets(%dma_start3A_372 : memref<80xi32, #tpu.memory_space<vmem>>) semaphore(%run_scoped3A_369 : memref<!tpu.dma_semaphore, #tpu.memory_space<semaphore_mem>>) {add = true}
        %dma_wait3A_376 = arith.constant 0 : i32
        %dma_wait3A_377 = tpu.memref_slice %arg8[%add3A_337, %dma_wait3A_376] : memref<64x80xi32, #tpu.memory_space<vmem>> -> memref<1x80xi32, #tpu.memory_space<vmem>>
        %dma_wait3A_378 = tpu.memref_squeeze %dma_wait3A_377 : memref<1x80xi32, #tpu.memory_space<vmem>> -> memref<80xi32, #tpu.memory_space<vmem>>
        %dma_wait3A_379 = arith.constant 0 : i32
        %dma_wait3A_380 = arith.constant 0 : i32
        %dma_wait3A_381 = tpu.memref_slice %arg12[%dma_wait3A_379, %dma_wait3A_380] : memref<10112x128xf32, #tpu.memory_space<vmem_shared>> -> memref<10112x128xf32, #tpu.memory_space<vmem_shared>>
        tpu.wait_indirect_dma semaphore(%run_scoped3A_369 : memref<!tpu.dma_semaphore, #tpu.memory_space<semaphore_mem>>) src(%arg10 : memref<80x128xf32, #tpu.memory_space<vmem>>) dst(%dma_wait3A_381 : memref<10112x128xf32, #tpu.memory_space<vmem_shared>>)
        tpu.yield
      }) : () -> ()
      %add3A_338 = arith.constant 3 : i32
      %add3A_339 = arith.addi %mul3A_307, %add3A_338 : i32
      %add3A_340 = arith.constant 1 : i32
      %add3A_341 = arith.addi %add3A_339, %add3A_340 : i32
      %mul3A_342 = arith.constant 80 : i32
      %mul3A_343 = arith.muli %add3A_341, %mul3A_342 : i32
      %dma_start3A_344 = tpu.memref_slice %arg7[%mul3A_343] : memref<5120xi32, #tpu.memory_space<vmem>> -> memref<80xi32, #tpu.memory_space<vmem>>
      %dma_start3A_345 = arith.constant 0 : i32
      %dma_start3A_346 = arith.constant 0 : i32
      %dma_start3A_347 = tpu.memref_slice %arg2[%dma_start3A_345, %dma_start3A_346] : memref<40000x128xf32, #tpu.memory_space<hbm>> -> memref<40000x128xf32, #tpu.memory_space<hbm>>
      tpu.enqueue_indirect_dma source(%dma_start3A_347 : memref<40000x128xf32, #tpu.memory_space<hbm>>) target(%arg10 : memref<80x128xf32, #tpu.memory_space<vmem>>) offsets(%dma_start3A_344 : memref<80xi32, #tpu.memory_space<vmem>>) semaphore(%arg14 : memref<!tpu.dma_semaphore, #tpu.memory_space<semaphore_mem>>)
      %add3A_348 = arith.constant 2 : i32
      %add3A_349 = arith.addi %mul3A_307, %add3A_348 : i32
      %mul3A_350 = arith.constant 80 : i32
      %mul3A_351 = arith.muli %add3A_349, %mul3A_350 : i32
      %dma_wait3A_352 = tpu.memref_slice %arg7[%mul3A_351] : memref<5120xi32, #tpu.memory_space<vmem>> -> memref<80xi32, #tpu.memory_space<vmem>>
      %dma_wait3A_353 = arith.constant 0 : i32
      %dma_wait3A_354 = arith.constant 0 : i32
      %dma_wait3A_355 = tpu.memref_slice %arg2[%dma_wait3A_353, %dma_wait3A_354] : memref<40000x128xf32, #tpu.memory_space<hbm>> -> memref<40000x128xf32, #tpu.memory_space<hbm>>
      tpu.wait_indirect_dma semaphore(%arg15 : memref<!tpu.dma_semaphore, #tpu.memory_space<semaphore_mem>>) src(%dma_wait3A_355 : memref<40000x128xf32, #tpu.memory_space<hbm>>) dst(%arg11 : memref<80x128xf32, #tpu.memory_space<vmem>>)
      %add3A_356 = arith.constant 2 : i32
      %add3A_357 = arith.addi %mul3A_307, %add3A_356 : i32
      "tpu.region"() ({
        %run_scoped3A_369 = tpu.sem_alloc : memref<!tpu.dma_semaphore, #tpu.memory_space<semaphore_mem>>
        %dma_start3A_370 = arith.constant 0 : i32
        %dma_start3A_371 = tpu.memref_slice %arg8[%add3A_357, %dma_start3A_370] : memref<64x80xi32, #tpu.memory_space<vmem>> -> memref<1x80xi32, #tpu.memory_space<vmem>>
        %dma_start3A_372 = tpu.memref_squeeze %dma_start3A_371 : memref<1x80xi32, #tpu.memory_space<vmem>> -> memref<80xi32, #tpu.memory_space<vmem>>
        %dma_start3A_373 = arith.constant 0 : i32
        %dma_start3A_374 = arith.constant 0 : i32
        %dma_start3A_375 = tpu.memref_slice %arg12[%dma_start3A_373, %dma_start3A_374] : memref<10112x128xf32, #tpu.memory_space<vmem_shared>> -> memref<10112x128xf32, #tpu.memory_space<vmem_shared>>
        tpu.enqueue_indirect_dma source(%arg11 : memref<80x128xf32, #tpu.memory_space<vmem>>) target(%dma_start3A_375 : memref<10112x128xf32, #tpu.memory_space<vmem_shared>>) offsets(%dma_start3A_372 : memref<80xi32, #tpu.memory_space<vmem>>) semaphore(%run_scoped3A_369 : memref<!tpu.dma_semaphore, #tpu.memory_space<semaphore_mem>>) {add = true}
        %dma_wait3A_376 = arith.constant 0 : i32
        %dma_wait3A_377 = tpu.memref_slice %arg8[%add3A_357, %dma_wait3A_376] : memref<64x80xi32, #tpu.memory_space<vmem>> -> memref<1x80xi32, #tpu.memory_space<vmem>>
        %dma_wait3A_378 = tpu.memref_squeeze %dma_wait3A_377 : memref<1x80xi32, #tpu.memory_space<vmem>> -> memref<80xi32, #tpu.memory_space<vmem>>
        %dma_wait3A_379 = arith.constant 0 : i32
        %dma_wait3A_380 = arith.constant 0 : i32
        %dma_wait3A_381 = tpu.memref_slice %arg12[%dma_wait3A_379, %dma_wait3A_380] : memref<10112x128xf32, #tpu.memory_space<vmem_shared>> -> memref<10112x128xf32, #tpu.memory_space<vmem_shared>>
        tpu.wait_indirect_dma semaphore(%run_scoped3A_369 : memref<!tpu.dma_semaphore, #tpu.memory_space<semaphore_mem>>) src(%arg11 : memref<80x128xf32, #tpu.memory_space<vmem>>) dst(%dma_wait3A_381 : memref<10112x128xf32, #tpu.memory_space<vmem_shared>>)
        tpu.yield
      }) : () -> ()
      %add3A_358 = arith.constant 3 : i32
      %add3A_359 = arith.addi %mul3A_307, %add3A_358 : i32
      %add3A_360 = arith.constant 2 : i32
      %add3A_361 = arith.addi %add3A_359, %add3A_360 : i32
      %mul3A_362 = arith.constant 80 : i32
      %mul3A_363 = arith.muli %add3A_361, %mul3A_362 : i32
      %dma_start3A_364 = tpu.memref_slice %arg7[%mul3A_363] : memref<5120xi32, #tpu.memory_space<vmem>> -> memref<80xi32, #tpu.memory_space<vmem>>
      %dma_start3A_365 = arith.constant 0 : i32
      %dma_start3A_366 = arith.constant 0 : i32
      %dma_start3A_367 = tpu.memref_slice %arg2[%dma_start3A_365, %dma_start3A_366] : memref<40000x128xf32, #tpu.memory_space<hbm>> -> memref<40000x128xf32, #tpu.memory_space<hbm>>
      tpu.enqueue_indirect_dma source(%dma_start3A_367 : memref<40000x128xf32, #tpu.memory_space<hbm>>) target(%arg11 : memref<80x128xf32, #tpu.memory_space<vmem>>) offsets(%dma_start3A_364 : memref<80xi32, #tpu.memory_space<vmem>>) semaphore(%arg15 : memref<!tpu.dma_semaphore, #tpu.memory_space<semaphore_mem>>)
      %scan3A_368 = arith.constant 0 : i32
      scf.yield %scan3A_368 : i32
    }
    %scan3A_37 = arith.constant 20 : i32
    %dma_wait3A_38 = arith.constant 4800 : i32
    %dma_wait3A_39 = tpu.memref_slice %arg7[%dma_wait3A_38] : memref<5120xi32, #tpu.memory_space<vmem>> -> memref<80xi32, #tpu.memory_space<vmem>>
    %dma_wait3A_40 = arith.constant 0 : i32
    %dma_wait3A_41 = arith.constant 0 : i32
    %dma_wait3A_42 = tpu.memref_slice %arg2[%dma_wait3A_40, %dma_wait3A_41] : memref<40000x128xf32, #tpu.memory_space<hbm>> -> memref<40000x128xf32, #tpu.memory_space<hbm>>
    tpu.wait_indirect_dma semaphore(%arg13 : memref<!tpu.dma_semaphore, #tpu.memory_space<semaphore_mem>>) src(%dma_wait3A_42 : memref<40000x128xf32, #tpu.memory_space<hbm>>) dst(%arg9 : memref<80x128xf32, #tpu.memory_space<vmem>>)
    %run_scoped3A_43 = arith.constant 60 : i32
    "tpu.region"() ({
      %run_scoped3A_304 = tpu.sem_alloc : memref<!tpu.dma_semaphore, #tpu.memory_space<semaphore_mem>>
      %dma_start3A_305 = arith.constant 0 : i32
      %dma_start3A_306 = tpu.memref_slice %arg8[%run_scoped3A_43, %dma_start3A_305] : memref<64x80xi32, #tpu.memory_space<vmem>> -> memref<1x80xi32, #tpu.memory_space<vmem>>
      %dma_start3A_307 = tpu.memref_squeeze %dma_start3A_306 : memref<1x80xi32, #tpu.memory_space<vmem>> -> memref<80xi32, #tpu.memory_space<vmem>>
      %dma_start3A_308 = arith.constant 0 : i32
      %dma_start3A_309 = arith.constant 0 : i32
      %dma_start3A_310 = tpu.memref_slice %arg12[%dma_start3A_308, %dma_start3A_309] : memref<10112x128xf32, #tpu.memory_space<vmem_shared>> -> memref<10112x128xf32, #tpu.memory_space<vmem_shared>>
      tpu.enqueue_indirect_dma source(%arg9 : memref<80x128xf32, #tpu.memory_space<vmem>>) target(%dma_start3A_310 : memref<10112x128xf32, #tpu.memory_space<vmem_shared>>) offsets(%dma_start3A_307 : memref<80xi32, #tpu.memory_space<vmem>>) semaphore(%run_scoped3A_304 : memref<!tpu.dma_semaphore, #tpu.memory_space<semaphore_mem>>) {add = true}
      %dma_wait3A_311 = arith.constant 0 : i32
      %dma_wait3A_312 = tpu.memref_slice %arg8[%run_scoped3A_43, %dma_wait3A_311] : memref<64x80xi32, #tpu.memory_space<vmem>> -> memref<1x80xi32, #tpu.memory_space<vmem>>
      %dma_wait3A_313 = tpu.memref_squeeze %dma_wait3A_312 : memref<1x80xi32, #tpu.memory_space<vmem>> -> memref<80xi32, #tpu.memory_space<vmem>>
      %dma_wait3A_314 = arith.constant 0 : i32
      %dma_wait3A_315 = arith.constant 0 : i32
      %dma_wait3A_316 = tpu.memref_slice %arg12[%dma_wait3A_314, %dma_wait3A_315] : memref<10112x128xf32, #tpu.memory_space<vmem_shared>> -> memref<10112x128xf32, #tpu.memory_space<vmem_shared>>
      tpu.wait_indirect_dma semaphore(%run_scoped3A_304 : memref<!tpu.dma_semaphore, #tpu.memory_space<semaphore_mem>>) src(%arg9 : memref<80x128xf32, #tpu.memory_space<vmem>>) dst(%dma_wait3A_316 : memref<10112x128xf32, #tpu.memory_space<vmem_shared>>)
      tpu.yield
    }) : () -> ()
    %dma_start3A_44 = arith.constant 5040 : i32
    %dma_start3A_45 = tpu.memref_slice %arg7[%dma_start3A_44] : memref<5120xi32, #tpu.memory_space<vmem>> -> memref<80xi32, #tpu.memory_space<vmem>>
    %dma_start3A_46 = arith.constant 0 : i32
    %dma_start3A_47 = arith.constant 0 : i32
    %dma_start3A_48 = tpu.memref_slice %arg2[%dma_start3A_46, %dma_start3A_47] : memref<40000x128xf32, #tpu.memory_space<hbm>> -> memref<40000x128xf32, #tpu.memory_space<hbm>>
    tpu.enqueue_indirect_dma source(%dma_start3A_48 : memref<40000x128xf32, #tpu.memory_space<hbm>>) target(%arg9 : memref<80x128xf32, #tpu.memory_space<vmem>>) offsets(%dma_start3A_45 : memref<80xi32, #tpu.memory_space<vmem>>) semaphore(%arg13 : memref<!tpu.dma_semaphore, #tpu.memory_space<semaphore_mem>>)
    %dma_wait3A_49 = arith.constant 4880 : i32
    %dma_wait3A_50 = tpu.memref_slice %arg7[%dma_wait3A_49] : memref<5120xi32, #tpu.memory_space<vmem>> -> memref<80xi32, #tpu.memory_space<vmem>>
    %dma_wait3A_51 = arith.constant 0 : i32
    %dma_wait3A_52 = arith.constant 0 : i32
    %dma_wait3A_53 = tpu.memref_slice %arg2[%dma_wait3A_51, %dma_wait3A_52] : memref<40000x128xf32, #tpu.memory_space<hbm>> -> memref<40000x128xf32, #tpu.memory_space<hbm>>
    tpu.wait_indirect_dma semaphore(%arg14 : memref<!tpu.dma_semaphore, #tpu.memory_space<semaphore_mem>>) src(%dma_wait3A_53 : memref<40000x128xf32, #tpu.memory_space<hbm>>) dst(%arg10 : memref<80x128xf32, #tpu.memory_space<vmem>>)
    %run_scoped3A_54 = arith.constant 61 : i32
    "tpu.region"() ({
      %run_scoped3A_304 = tpu.sem_alloc : memref<!tpu.dma_semaphore, #tpu.memory_space<semaphore_mem>>
      %dma_start3A_305 = arith.constant 0 : i32
      %dma_start3A_306 = tpu.memref_slice %arg8[%run_scoped3A_54, %dma_start3A_305] : memref<64x80xi32, #tpu.memory_space<vmem>> -> memref<1x80xi32, #tpu.memory_space<vmem>>
      %dma_start3A_307 = tpu.memref_squeeze %dma_start3A_306 : memref<1x80xi32, #tpu.memory_space<vmem>> -> memref<80xi32, #tpu.memory_space<vmem>>
      %dma_start3A_308 = arith.constant 0 : i32
      %dma_start3A_309 = arith.constant 0 : i32
      %dma_start3A_310 = tpu.memref_slice %arg12[%dma_start3A_308, %dma_start3A_309] : memref<10112x128xf32, #tpu.memory_space<vmem_shared>> -> memref<10112x128xf32, #tpu.memory_space<vmem_shared>>
      tpu.enqueue_indirect_dma source(%arg10 : memref<80x128xf32, #tpu.memory_space<vmem>>) target(%dma_start3A_310 : memref<10112x128xf32, #tpu.memory_space<vmem_shared>>) offsets(%dma_start3A_307 : memref<80xi32, #tpu.memory_space<vmem>>) semaphore(%run_scoped3A_304 : memref<!tpu.dma_semaphore, #tpu.memory_space<semaphore_mem>>) {add = true}
      %dma_wait3A_311 = arith.constant 0 : i32
      %dma_wait3A_312 = tpu.memref_slice %arg8[%run_scoped3A_54, %dma_wait3A_311] : memref<64x80xi32, #tpu.memory_space<vmem>> -> memref<1x80xi32, #tpu.memory_space<vmem>>
      %dma_wait3A_313 = tpu.memref_squeeze %dma_wait3A_312 : memref<1x80xi32, #tpu.memory_space<vmem>> -> memref<80xi32, #tpu.memory_space<vmem>>
      %dma_wait3A_314 = arith.constant 0 : i32
      %dma_wait3A_315 = arith.constant 0 : i32
      %dma_wait3A_316 = tpu.memref_slice %arg12[%dma_wait3A_314, %dma_wait3A_315] : memref<10112x128xf32, #tpu.memory_space<vmem_shared>> -> memref<10112x128xf32, #tpu.memory_space<vmem_shared>>
      tpu.wait_indirect_dma semaphore(%run_scoped3A_304 : memref<!tpu.dma_semaphore, #tpu.memory_space<semaphore_mem>>) src(%arg10 : memref<80x128xf32, #tpu.memory_space<vmem>>) dst(%dma_wait3A_316 : memref<10112x128xf32, #tpu.memory_space<vmem_shared>>)
      tpu.yield
    }) : () -> ()
    %dma_wait3A_55 = arith.constant 4960 : i32
    %dma_wait3A_56 = tpu.memref_slice %arg7[%dma_wait3A_55] : memref<5120xi32, #tpu.memory_space<vmem>> -> memref<80xi32, #tpu.memory_space<vmem>>
    %dma_wait3A_57 = arith.constant 0 : i32
    %dma_wait3A_58 = arith.constant 0 : i32
    %dma_wait3A_59 = tpu.memref_slice %arg2[%dma_wait3A_57, %dma_wait3A_58] : memref<40000x128xf32, #tpu.memory_space<hbm>> -> memref<40000x128xf32, #tpu.memory_space<hbm>>
    tpu.wait_indirect_dma semaphore(%arg15 : memref<!tpu.dma_semaphore, #tpu.memory_space<semaphore_mem>>) src(%dma_wait3A_59 : memref<40000x128xf32, #tpu.memory_space<hbm>>) dst(%arg11 : memref<80x128xf32, #tpu.memory_space<vmem>>)
    %run_scoped3A_60 = arith.constant 62 : i32
    "tpu.region"() ({
      %run_scoped3A_304 = tpu.sem_alloc : memref<!tpu.dma_semaphore, #tpu.memory_space<semaphore_mem>>
      %dma_start3A_305 = arith.constant 0 : i32
      %dma_start3A_306 = tpu.memref_slice %arg8[%run_scoped3A_60, %dma_start3A_305] : memref<64x80xi32, #tpu.memory_space<vmem>> -> memref<1x80xi32, #tpu.memory_space<vmem>>
      %dma_start3A_307 = tpu.memref_squeeze %dma_start3A_306 : memref<1x80xi32, #tpu.memory_space<vmem>> -> memref<80xi32, #tpu.memory_space<vmem>>
      %dma_start3A_308 = arith.constant 0 : i32
      %dma_start3A_309 = arith.constant 0 : i32
      %dma_start3A_310 = tpu.memref_slice %arg12[%dma_start3A_308, %dma_start3A_309] : memref<10112x128xf32, #tpu.memory_space<vmem_shared>> -> memref<10112x128xf32, #tpu.memory_space<vmem_shared>>
      tpu.enqueue_indirect_dma source(%arg11 : memref<80x128xf32, #tpu.memory_space<vmem>>) target(%dma_start3A_310 : memref<10112x128xf32, #tpu.memory_space<vmem_shared>>) offsets(%dma_start3A_307 : memref<80xi32, #tpu.memory_space<vmem>>) semaphore(%run_scoped3A_304 : memref<!tpu.dma_semaphore, #tpu.memory_space<semaphore_mem>>) {add = true}
      %dma_wait3A_311 = arith.constant 0 : i32
      %dma_wait3A_312 = tpu.memref_slice %arg8[%run_scoped3A_60, %dma_wait3A_311] : memref<64x80xi32, #tpu.memory_space<vmem>> -> memref<1x80xi32, #tpu.memory_space<vmem>>
      %dma_wait3A_313 = tpu.memref_squeeze %dma_wait3A_312 : memref<1x80xi32, #tpu.memory_space<vmem>> -> memref<80xi32, #tpu.memory_space<vmem>>
      %dma_wait3A_314 = arith.constant 0 : i32
      %dma_wait3A_315 = arith.constant 0 : i32
      %dma_wait3A_316 = tpu.memref_slice %arg12[%dma_wait3A_314, %dma_wait3A_315] : memref<10112x128xf32, #tpu.memory_space<vmem_shared>> -> memref<10112x128xf32, #tpu.memory_space<vmem_shared>>
      tpu.wait_indirect_dma semaphore(%run_scoped3A_304 : memref<!tpu.dma_semaphore, #tpu.memory_space<semaphore_mem>>) src(%arg11 : memref<80x128xf32, #tpu.memory_space<vmem>>) dst(%dma_wait3A_316 : memref<10112x128xf32, #tpu.memory_space<vmem_shared>>)
      tpu.yield
    }) : () -> ()
    %dma_wait3A_61 = arith.constant 5040 : i32
    %dma_wait3A_62 = tpu.memref_slice %arg7[%dma_wait3A_61] : memref<5120xi32, #tpu.memory_space<vmem>> -> memref<80xi32, #tpu.memory_space<vmem>>
    %dma_wait3A_63 = arith.constant 0 : i32
    %dma_wait3A_64 = arith.constant 0 : i32
    %dma_wait3A_65 = tpu.memref_slice %arg2[%dma_wait3A_63, %dma_wait3A_64] : memref<40000x128xf32, #tpu.memory_space<hbm>> -> memref<40000x128xf32, #tpu.memory_space<hbm>>
    tpu.wait_indirect_dma semaphore(%arg13 : memref<!tpu.dma_semaphore, #tpu.memory_space<semaphore_mem>>) src(%dma_wait3A_65 : memref<40000x128xf32, #tpu.memory_space<hbm>>) dst(%arg9 : memref<80x128xf32, #tpu.memory_space<vmem>>)
    %run_scoped3A_66 = arith.constant 63 : i32
    "tpu.region"() ({
      %run_scoped3A_304 = tpu.sem_alloc : memref<!tpu.dma_semaphore, #tpu.memory_space<semaphore_mem>>
      %dma_start3A_305 = arith.constant 0 : i32
      %dma_start3A_306 = tpu.memref_slice %arg8[%run_scoped3A_66, %dma_start3A_305] : memref<64x80xi32, #tpu.memory_space<vmem>> -> memref<1x80xi32, #tpu.memory_space<vmem>>
      %dma_start3A_307 = tpu.memref_squeeze %dma_start3A_306 : memref<1x80xi32, #tpu.memory_space<vmem>> -> memref<80xi32, #tpu.memory_space<vmem>>
      %dma_start3A_308 = arith.constant 0 : i32
      %dma_start3A_309 = arith.constant 0 : i32
      %dma_start3A_310 = tpu.memref_slice %arg12[%dma_start3A_308, %dma_start3A_309] : memref<10112x128xf32, #tpu.memory_space<vmem_shared>> -> memref<10112x128xf32, #tpu.memory_space<vmem_shared>>
      tpu.enqueue_indirect_dma source(%arg9 : memref<80x128xf32, #tpu.memory_space<vmem>>) target(%dma_start3A_310 : memref<10112x128xf32, #tpu.memory_space<vmem_shared>>) offsets(%dma_start3A_307 : memref<80xi32, #tpu.memory_space<vmem>>) semaphore(%run_scoped3A_304 : memref<!tpu.dma_semaphore, #tpu.memory_space<semaphore_mem>>) {add = true}
      %dma_wait3A_311 = arith.constant 0 : i32
      %dma_wait3A_312 = tpu.memref_slice %arg8[%run_scoped3A_66, %dma_wait3A_311] : memref<64x80xi32, #tpu.memory_space<vmem>> -> memref<1x80xi32, #tpu.memory_space<vmem>>
      %dma_wait3A_313 = tpu.memref_squeeze %dma_wait3A_312 : memref<1x80xi32, #tpu.memory_space<vmem>> -> memref<80xi32, #tpu.memory_space<vmem>>
      %dma_wait3A_314 = arith.constant 0 : i32
      %dma_wait3A_315 = arith.constant 0 : i32
      %dma_wait3A_316 = tpu.memref_slice %arg12[%dma_wait3A_314, %dma_wait3A_315] : memref<10112x128xf32, #tpu.memory_space<vmem_shared>> -> memref<10112x128xf32, #tpu.memory_space<vmem_shared>>
      tpu.wait_indirect_dma semaphore(%run_scoped3A_304 : memref<!tpu.dma_semaphore, #tpu.memory_space<semaphore_mem>>) src(%arg9 : memref<80x128xf32, #tpu.memory_space<vmem>>) dst(%dma_wait3A_316 : memref<10112x128xf32, #tpu.memory_space<vmem_shared>>)
      tpu.yield
    }) : () -> ()
    %add3A_67 = arith.constant 0 : i32
    %add3A_68 = arith.addi %add3A_67, %arg0 : i32
    %mul3A_69 = arith.constant 163840 : i32
    %mul3A_70 = arith.muli %add3A_68, %mul3A_69 : i32
    %mul3A_71 = arith.constant 10240 : i32
    %mul3A_72 = arith.muli %arg1, %mul3A_71 : i32
    %add3A_73 = arith.addi %mul3A_70, %mul3A_72 : i32
    %add3A_74 = arith.constant 5120 : i32
    %add3A_75 = arith.addi %add3A_73, %add3A_74 : i32
    "tpu.region"() ({
      %run_scoped3A_304 = tpu.sem_alloc : memref<!tpu.dma_semaphore, #tpu.memory_space<semaphore_mem>>
      %dma_start3A_305 = tpu.memref_slice %arg3[%add3A_75] : memref<655360xi32, #tpu.memory_space<hbm>> -> memref<5120xi32, #tpu.memory_space<hbm>>
      %dma_start3A_306 = tpu.memref_slice %arg3[%add3A_75] : memref<655360xi32, #tpu.memory_space<hbm>> -> memref<5120xi32, #tpu.memory_space<hbm>>
      tpu.enqueue_dma source(%dma_start3A_306 : memref<5120xi32, #tpu.memory_space<hbm>>) target(%arg7 : memref<5120xi32, #tpu.memory_space<vmem>>) target_semaphore(%run_scoped3A_304 : memref<!tpu.dma_semaphore, #tpu.memory_space<semaphore_mem>>)
      %dma_wait3A_307 = tpu.memref_slice %arg3[%add3A_75] : memref<655360xi32, #tpu.memory_space<hbm>> -> memref<5120xi32, #tpu.memory_space<hbm>>
      %dma_wait3A_308 = tpu.memref_slice %arg3[%add3A_75] : memref<655360xi32, #tpu.memory_space<hbm>> -> memref<5120xi32, #tpu.memory_space<hbm>>
      tpu.wait_dma2 semaphore(%run_scoped3A_304 : memref<!tpu.dma_semaphore, #tpu.memory_space<semaphore_mem>>) src(%dma_wait3A_308 : memref<5120xi32, #tpu.memory_space<hbm>>) dst(%arg7 : memref<5120xi32, #tpu.memory_space<vmem>>)
      tpu.yield
    }) : () -> ()
    %run_scoped3A_76 = arith.constant 1 : i32
    "tpu.region"() ({
      %run_scoped3A_304 = tpu.sem_alloc : memref<!tpu.dma_semaphore, #tpu.memory_space<semaphore_mem>>
      %dma_start3A_305 = arith.constant 64 : i32
      %dma_start3A_306 = arith.constant 0 : i32
      %dma_start3A_307 = tpu.memref_slice %arg4[%run_scoped3A_76, %arg1, %dma_start3A_305, %dma_start3A_306] : memref<2x16x128x80xi32, #tpu.memory_space<hbm>> -> memref<1x1x64x80xi32, #tpu.memory_space<hbm>>
      %dma_start3A_308 = tpu.memref_squeeze %dma_start3A_307 : memref<1x1x64x80xi32, #tpu.memory_space<hbm>> -> memref<64x80xi32, #tpu.memory_space<hbm>>
      %dma_start3A_309 = arith.constant 64 : i32
      %dma_start3A_310 = arith.constant 0 : i32
      %dma_start3A_311 = tpu.memref_slice %arg4[%run_scoped3A_76, %arg1, %dma_start3A_309, %dma_start3A_310] : memref<2x16x128x80xi32, #tpu.memory_space<hbm>> -> memref<1x1x64x80xi32, #tpu.memory_space<hbm>>
      %dma_start3A_312 = tpu.memref_squeeze %dma_start3A_311 : memref<1x1x64x80xi32, #tpu.memory_space<hbm>> -> memref<64x80xi32, #tpu.memory_space<hbm>>
      tpu.enqueue_dma source(%dma_start3A_312 : memref<64x80xi32, #tpu.memory_space<hbm>>) target(%arg8 : memref<64x80xi32, #tpu.memory_space<vmem>>) target_semaphore(%run_scoped3A_304 : memref<!tpu.dma_semaphore, #tpu.memory_space<semaphore_mem>>)
      %dma_wait3A_313 = arith.constant 64 : i32
      %dma_wait3A_314 = arith.constant 0 : i32
      %dma_wait3A_315 = tpu.memref_slice %arg4[%run_scoped3A_76, %arg1, %dma_wait3A_313, %dma_wait3A_314] : memref<2x16x128x80xi32, #tpu.memory_space<hbm>> -> memref<1x1x64x80xi32, #tpu.memory_space<hbm>>
      %dma_wait3A_316 = tpu.memref_squeeze %dma_wait3A_315 : memref<1x1x64x80xi32, #tpu.memory_space<hbm>> -> memref<64x80xi32, #tpu.memory_space<hbm>>
      %dma_wait3A_317 = arith.constant 64 : i32
      %dma_wait3A_318 = arith.constant 0 : i32
      %dma_wait3A_319 = tpu.memref_slice %arg4[%run_scoped3A_76, %arg1, %dma_wait3A_317, %dma_wait3A_318] : memref<2x16x128x80xi32, #tpu.memory_space<hbm>> -> memref<1x1x64x80xi32, #tpu.memory_space<hbm>>
      %dma_wait3A_320 = tpu.memref_squeeze %dma_wait3A_319 : memref<1x1x64x80xi32, #tpu.memory_space<hbm>> -> memref<64x80xi32, #tpu.memory_space<hbm>>
      tpu.wait_dma2 semaphore(%run_scoped3A_304 : memref<!tpu.dma_semaphore, #tpu.memory_space<semaphore_mem>>) src(%dma_wait3A_320 : memref<64x80xi32, #tpu.memory_space<hbm>>) dst(%arg8 : memref<64x80xi32, #tpu.memory_space<vmem>>)
      tpu.yield
    }) : () -> ()
    %dma_start3A_77 = arith.constant 0 : i32
    %dma_start3A_78 = tpu.memref_slice %arg7[%dma_start3A_77] : memref<5120xi32, #tpu.memory_space<vmem>> -> memref<80xi32, #tpu.memory_space<vmem>>
    %dma_start3A_79 = arith.constant 0 : i32
    %dma_start3A_80 = arith.constant 0 : i32
    %dma_start3A_81 = tpu.memref_slice %arg2[%dma_start3A_79, %dma_start3A_80] : memref<40000x128xf32, #tpu.memory_space<hbm>> -> memref<40000x128xf32, #tpu.memory_space<hbm>>
    tpu.enqueue_indirect_dma source(%dma_start3A_81 : memref<40000x128xf32, #tpu.memory_space<hbm>>) target(%arg9 : memref<80x128xf32, #tpu.memory_space<vmem>>) offsets(%dma_start3A_78 : memref<80xi32, #tpu.memory_space<vmem>>) semaphore(%arg13 : memref<!tpu.dma_semaphore, #tpu.memory_space<semaphore_mem>>)
    %dma_start3A_82 = arith.constant 80 : i32
    %dma_start3A_83 = tpu.memref_slice %arg7[%dma_start3A_82] : memref<5120xi32, #tpu.memory_space<vmem>> -> memref<80xi32, #tpu.memory_space<vmem>>
    %dma_start3A_84 = arith.constant 0 : i32
    %dma_start3A_85 = arith.constant 0 : i32
    %dma_start3A_86 = tpu.memref_slice %arg2[%dma_start3A_84, %dma_start3A_85] : memref<40000x128xf32, #tpu.memory_space<hbm>> -> memref<40000x128xf32, #tpu.memory_space<hbm>>
    tpu.enqueue_indirect_dma source(%dma_start3A_86 : memref<40000x128xf32, #tpu.memory_space<hbm>>) target(%arg10 : memref<80x128xf32, #tpu.memory_space<vmem>>) offsets(%dma_start3A_83 : memref<80xi32, #tpu.memory_space<vmem>>) semaphore(%arg14 : memref<!tpu.dma_semaphore, #tpu.memory_space<semaphore_mem>>)
    %dma_start3A_87 = arith.constant 160 : i32
    %dma_start3A_88 = tpu.memref_slice %arg7[%dma_start3A_87] : memref<5120xi32, #tpu.memory_space<vmem>> -> memref<80xi32, #tpu.memory_space<vmem>>
    %dma_start3A_89 = arith.constant 0 : i32
    %dma_start3A_90 = arith.constant 0 : i32
    %dma_start3A_91 = tpu.memref_slice %arg2[%dma_start3A_89, %dma_start3A_90] : memref<40000x128xf32, #tpu.memory_space<hbm>> -> memref<40000x128xf32, #tpu.memory_space<hbm>>
    tpu.enqueue_indirect_dma source(%dma_start3A_91 : memref<40000x128xf32, #tpu.memory_space<hbm>>) target(%arg11 : memref<80x128xf32, #tpu.memory_space<vmem>>) offsets(%dma_start3A_88 : memref<80xi32, #tpu.memory_space<vmem>>) semaphore(%arg15 : memref<!tpu.dma_semaphore, #tpu.memory_space<semaphore_mem>>)
    %scan3A_92 = arith.constant 0 : i32
    %scan3A_93 = arith.constant 0 : i32
    %scan3A_94 = arith.constant 20 : i32
    %scan3A_95 = arith.addi %scan3A_93, %scan3A_94 : i32
    %scan3A_96 = arith.constant 1 : i32
    %scan3A_97 = scf.for %scan3A_304 = %scan3A_93 to %scan3A_95 step %scan3A_96 iter_args(%scan3A_305 = %scan3A_92) -> (i32)  : i32 {
      %mul3A_306 = arith.constant 3 : i32
      %mul3A_307 = arith.muli %mul3A_306, %scan3A_304 : i32
      %add3A_308 = arith.constant 0 : i32
      %add3A_309 = arith.addi %mul3A_307, %add3A_308 : i32
      %mul3A_310 = arith.constant 80 : i32
      %mul3A_311 = arith.muli %add3A_309, %mul3A_310 : i32
      %dma_wait3A_312 = tpu.memref_slice %arg7[%mul3A_311] : memref<5120xi32, #tpu.memory_space<vmem>> -> memref<80xi32, #tpu.memory_space<vmem>>
      %dma_wait3A_313 = arith.constant 0 : i32
      %dma_wait3A_314 = arith.constant 0 : i32
      %dma_wait3A_315 = tpu.memref_slice %arg2[%dma_wait3A_313, %dma_wait3A_314] : memref<40000x128xf32, #tpu.memory_space<hbm>> -> memref<40000x128xf32, #tpu.memory_space<hbm>>
      tpu.wait_indirect_dma semaphore(%arg13 : memref<!tpu.dma_semaphore, #tpu.memory_space<semaphore_mem>>) src(%dma_wait3A_315 : memref<40000x128xf32, #tpu.memory_space<hbm>>) dst(%arg9 : memref<80x128xf32, #tpu.memory_space<vmem>>)
      %add3A_316 = arith.constant 0 : i32
      %add3A_317 = arith.addi %mul3A_307, %add3A_316 : i32
      "tpu.region"() ({
        %run_scoped3A_369 = tpu.sem_alloc : memref<!tpu.dma_semaphore, #tpu.memory_space<semaphore_mem>>
        %dma_start3A_370 = arith.constant 0 : i32
        %dma_start3A_371 = tpu.memref_slice %arg8[%add3A_317, %dma_start3A_370] : memref<64x80xi32, #tpu.memory_space<vmem>> -> memref<1x80xi32, #tpu.memory_space<vmem>>
        %dma_start3A_372 = tpu.memref_squeeze %dma_start3A_371 : memref<1x80xi32, #tpu.memory_space<vmem>> -> memref<80xi32, #tpu.memory_space<vmem>>
        %dma_start3A_373 = arith.constant 0 : i32
        %dma_start3A_374 = arith.constant 0 : i32
        %dma_start3A_375 = tpu.memref_slice %arg12[%dma_start3A_373, %dma_start3A_374] : memref<10112x128xf32, #tpu.memory_space<vmem_shared>> -> memref<10112x128xf32, #tpu.memory_space<vmem_shared>>
        tpu.enqueue_indirect_dma source(%arg9 : memref<80x128xf32, #tpu.memory_space<vmem>>) target(%dma_start3A_375 : memref<10112x128xf32, #tpu.memory_space<vmem_shared>>) offsets(%dma_start3A_372 : memref<80xi32, #tpu.memory_space<vmem>>) semaphore(%run_scoped3A_369 : memref<!tpu.dma_semaphore, #tpu.memory_space<semaphore_mem>>) {add = true}
        %dma_wait3A_376 = arith.constant 0 : i32
        %dma_wait3A_377 = tpu.memref_slice %arg8[%add3A_317, %dma_wait3A_376] : memref<64x80xi32, #tpu.memory_space<vmem>> -> memref<1x80xi32, #tpu.memory_space<vmem>>
        %dma_wait3A_378 = tpu.memref_squeeze %dma_wait3A_377 : memref<1x80xi32, #tpu.memory_space<vmem>> -> memref<80xi32, #tpu.memory_space<vmem>>
        %dma_wait3A_379 = arith.constant 0 : i32
        %dma_wait3A_380 = arith.constant 0 : i32
        %dma_wait3A_381 = tpu.memref_slice %arg12[%dma_wait3A_379, %dma_wait3A_380] : memref<10112x128xf32, #tpu.memory_space<vmem_shared>> -> memref<10112x128xf32, #tpu.memory_space<vmem_shared>>
        tpu.wait_indirect_dma semaphore(%run_scoped3A_369 : memref<!tpu.dma_semaphore, #tpu.memory_space<semaphore_mem>>) src(%arg9 : memref<80x128xf32, #tpu.memory_space<vmem>>) dst(%dma_wait3A_381 : memref<10112x128xf32, #tpu.memory_space<vmem_shared>>)
        tpu.yield
      }) : () -> ()
      %add3A_318 = arith.constant 3 : i32
      %add3A_319 = arith.addi %mul3A_307, %add3A_318 : i32
      %add3A_320 = arith.constant 0 : i32
      %add3A_321 = arith.addi %add3A_319, %add3A_320 : i32
      %mul3A_322 = arith.constant 80 : i32
      %mul3A_323 = arith.muli %add3A_321, %mul3A_322 : i32
      %dma_start3A_324 = tpu.memref_slice %arg7[%mul3A_323] : memref<5120xi32, #tpu.memory_space<vmem>> -> memref<80xi32, #tpu.memory_space<vmem>>
      %dma_start3A_325 = arith.constant 0 : i32
      %dma_start3A_326 = arith.constant 0 : i32
      %dma_start3A_327 = tpu.memref_slice %arg2[%dma_start3A_325, %dma_start3A_326] : memref<40000x128xf32, #tpu.memory_space<hbm>> -> memref<40000x128xf32, #tpu.memory_space<hbm>>
      tpu.enqueue_indirect_dma source(%dma_start3A_327 : memref<40000x128xf32, #tpu.memory_space<hbm>>) target(%arg9 : memref<80x128xf32, #tpu.memory_space<vmem>>) offsets(%dma_start3A_324 : memref<80xi32, #tpu.memory_space<vmem>>) semaphore(%arg13 : memref<!tpu.dma_semaphore, #tpu.memory_space<semaphore_mem>>)
      %add3A_328 = arith.constant 1 : i32
      %add3A_329 = arith.addi %mul3A_307, %add3A_328 : i32
      %mul3A_330 = arith.constant 80 : i32
      %mul3A_331 = arith.muli %add3A_329, %mul3A_330 : i32
      %dma_wait3A_332 = tpu.memref_slice %arg7[%mul3A_331] : memref<5120xi32, #tpu.memory_space<vmem>> -> memref<80xi32, #tpu.memory_space<vmem>>
      %dma_wait3A_333 = arith.constant 0 : i32
      %dma_wait3A_334 = arith.constant 0 : i32
      %dma_wait3A_335 = tpu.memref_slice %arg2[%dma_wait3A_333, %dma_wait3A_334] : memref<40000x128xf32, #tpu.memory_space<hbm>> -> memref<40000x128xf32, #tpu.memory_space<hbm>>
      tpu.wait_indirect_dma semaphore(%arg14 : memref<!tpu.dma_semaphore, #tpu.memory_space<semaphore_mem>>) src(%dma_wait3A_335 : memref<40000x128xf32, #tpu.memory_space<hbm>>) dst(%arg10 : memref<80x128xf32, #tpu.memory_space<vmem>>)
      %add3A_336 = arith.constant 1 : i32
      %add3A_337 = arith.addi %mul3A_307, %add3A_336 : i32
      "tpu.region"() ({
        %run_scoped3A_369 = tpu.sem_alloc : memref<!tpu.dma_semaphore, #tpu.memory_space<semaphore_mem>>
        %dma_start3A_370 = arith.constant 0 : i32
        %dma_start3A_371 = tpu.memref_slice %arg8[%add3A_337, %dma_start3A_370] : memref<64x80xi32, #tpu.memory_space<vmem>> -> memref<1x80xi32, #tpu.memory_space<vmem>>
        %dma_start3A_372 = tpu.memref_squeeze %dma_start3A_371 : memref<1x80xi32, #tpu.memory_space<vmem>> -> memref<80xi32, #tpu.memory_space<vmem>>
        %dma_start3A_373 = arith.constant 0 : i32
        %dma_start3A_374 = arith.constant 0 : i32
        %dma_start3A_375 = tpu.memref_slice %arg12[%dma_start3A_373, %dma_start3A_374] : memref<10112x128xf32, #tpu.memory_space<vmem_shared>> -> memref<10112x128xf32, #tpu.memory_space<vmem_shared>>
        tpu.enqueue_indirect_dma source(%arg10 : memref<80x128xf32, #tpu.memory_space<vmem>>) target(%dma_start3A_375 : memref<10112x128xf32, #tpu.memory_space<vmem_shared>>) offsets(%dma_start3A_372 : memref<80xi32, #tpu.memory_space<vmem>>) semaphore(%run_scoped3A_369 : memref<!tpu.dma_semaphore, #tpu.memory_space<semaphore_mem>>) {add = true}
        %dma_wait3A_376 = arith.constant 0 : i32
        %dma_wait3A_377 = tpu.memref_slice %arg8[%add3A_337, %dma_wait3A_376] : memref<64x80xi32, #tpu.memory_space<vmem>> -> memref<1x80xi32, #tpu.memory_space<vmem>>
        %dma_wait3A_378 = tpu.memref_squeeze %dma_wait3A_377 : memref<1x80xi32, #tpu.memory_space<vmem>> -> memref<80xi32, #tpu.memory_space<vmem>>
        %dma_wait3A_379 = arith.constant 0 : i32
        %dma_wait3A_380 = arith.constant 0 : i32
        %dma_wait3A_381 = tpu.memref_slice %arg12[%dma_wait3A_379, %dma_wait3A_380] : memref<10112x128xf32, #tpu.memory_space<vmem_shared>> -> memref<10112x128xf32, #tpu.memory_space<vmem_shared>>
        tpu.wait_indirect_dma semaphore(%run_scoped3A_369 : memref<!tpu.dma_semaphore, #tpu.memory_space<semaphore_mem>>) src(%arg10 : memref<80x128xf32, #tpu.memory_space<vmem>>) dst(%dma_wait3A_381 : memref<10112x128xf32, #tpu.memory_space<vmem_shared>>)
        tpu.yield
      }) : () -> ()
      %add3A_338 = arith.constant 3 : i32
      %add3A_339 = arith.addi %mul3A_307, %add3A_338 : i32
      %add3A_340 = arith.constant 1 : i32
      %add3A_341 = arith.addi %add3A_339, %add3A_340 : i32
      %mul3A_342 = arith.constant 80 : i32
      %mul3A_343 = arith.muli %add3A_341, %mul3A_342 : i32
      %dma_start3A_344 = tpu.memref_slice %arg7[%mul3A_343] : memref<5120xi32, #tpu.memory_space<vmem>> -> memref<80xi32, #tpu.memory_space<vmem>>
      %dma_start3A_345 = arith.constant 0 : i32
      %dma_start3A_346 = arith.constant 0 : i32
      %dma_start3A_347 = tpu.memref_slice %arg2[%dma_start3A_345, %dma_start3A_346] : memref<40000x128xf32, #tpu.memory_space<hbm>> -> memref<40000x128xf32, #tpu.memory_space<hbm>>
      tpu.enqueue_indirect_dma source(%dma_start3A_347 : memref<40000x128xf32, #tpu.memory_space<hbm>>) target(%arg10 : memref<80x128xf32, #tpu.memory_space<vmem>>) offsets(%dma_start3A_344 : memref<80xi32, #tpu.memory_space<vmem>>) semaphore(%arg14 : memref<!tpu.dma_semaphore, #tpu.memory_space<semaphore_mem>>)
      %add3A_348 = arith.constant 2 : i32
      %add3A_349 = arith.addi %mul3A_307, %add3A_348 : i32
      %mul3A_350 = arith.constant 80 : i32
      %mul3A_351 = arith.muli %add3A_349, %mul3A_350 : i32
      %dma_wait3A_352 = tpu.memref_slice %arg7[%mul3A_351] : memref<5120xi32, #tpu.memory_space<vmem>> -> memref<80xi32, #tpu.memory_space<vmem>>
      %dma_wait3A_353 = arith.constant 0 : i32
      %dma_wait3A_354 = arith.constant 0 : i32
      %dma_wait3A_355 = tpu.memref_slice %arg2[%dma_wait3A_353, %dma_wait3A_354] : memref<40000x128xf32, #tpu.memory_space<hbm>> -> memref<40000x128xf32, #tpu.memory_space<hbm>>
      tpu.wait_indirect_dma semaphore(%arg15 : memref<!tpu.dma_semaphore, #tpu.memory_space<semaphore_mem>>) src(%dma_wait3A_355 : memref<40000x128xf32, #tpu.memory_space<hbm>>) dst(%arg11 : memref<80x128xf32, #tpu.memory_space<vmem>>)
      %add3A_356 = arith.constant 2 : i32
      %add3A_357 = arith.addi %mul3A_307, %add3A_356 : i32
      "tpu.region"() ({
        %run_scoped3A_369 = tpu.sem_alloc : memref<!tpu.dma_semaphore, #tpu.memory_space<semaphore_mem>>
        %dma_start3A_370 = arith.constant 0 : i32
        %dma_start3A_371 = tpu.memref_slice %arg8[%add3A_357, %dma_start3A_370] : memref<64x80xi32, #tpu.memory_space<vmem>> -> memref<1x80xi32, #tpu.memory_space<vmem>>
        %dma_start3A_372 = tpu.memref_squeeze %dma_start3A_371 : memref<1x80xi32, #tpu.memory_space<vmem>> -> memref<80xi32, #tpu.memory_space<vmem>>
        %dma_start3A_373 = arith.constant 0 : i32
        %dma_start3A_374 = arith.constant 0 : i32
        %dma_start3A_375 = tpu.memref_slice %arg12[%dma_start3A_373, %dma_start3A_374] : memref<10112x128xf32, #tpu.memory_space<vmem_shared>> -> memref<10112x128xf32, #tpu.memory_space<vmem_shared>>
        tpu.enqueue_indirect_dma source(%arg11 : memref<80x128xf32, #tpu.memory_space<vmem>>) target(%dma_start3A_375 : memref<10112x128xf32, #tpu.memory_space<vmem_shared>>) offsets(%dma_start3A_372 : memref<80xi32, #tpu.memory_space<vmem>>) semaphore(%run_scoped3A_369 : memref<!tpu.dma_semaphore, #tpu.memory_space<semaphore_mem>>) {add = true}
        %dma_wait3A_376 = arith.constant 0 : i32
        %dma_wait3A_377 = tpu.memref_slice %arg8[%add3A_357, %dma_wait3A_376] : memref<64x80xi32, #tpu.memory_space<vmem>> -> memref<1x80xi32, #tpu.memory_space<vmem>>
        %dma_wait3A_378 = tpu.memref_squeeze %dma_wait3A_377 : memref<1x80xi32, #tpu.memory_space<vmem>> -> memref<80xi32, #tpu.memory_space<vmem>>
        %dma_wait3A_379 = arith.constant 0 : i32
        %dma_wait3A_380 = arith.constant 0 : i32
        %dma_wait3A_381 = tpu.memref_slice %arg12[%dma_wait3A_379, %dma_wait3A_380] : memref<10112x128xf32, #tpu.memory_space<vmem_shared>> -> memref<10112x128xf32, #tpu.memory_space<vmem_shared>>
        tpu.wait_indirect_dma semaphore(%run_scoped3A_369 : memref<!tpu.dma_semaphore, #tpu.memory_space<semaphore_mem>>) src(%arg11 : memref<80x128xf32, #tpu.memory_space<vmem>>) dst(%dma_wait3A_381 : memref<10112x128xf32, #tpu.memory_space<vmem_shared>>)
        tpu.yield
      }) : () -> ()
      %add3A_358 = arith.constant 3 : i32
      %add3A_359 = arith.addi %mul3A_307, %add3A_358 : i32
      %add3A_360 = arith.constant 2 : i32
      %add3A_361 = arith.addi %add3A_359, %add3A_360 : i32
      %mul3A_362 = arith.constant 80 : i32
      %mul3A_363 = arith.muli %add3A_361, %mul3A_362 : i32
      %dma_start3A_364 = tpu.memref_slice %arg7[%mul3A_363] : memref<5120xi32, #tpu.memory_space<vmem>> -> memref<80xi32, #tpu.memory_space<vmem>>
      %dma_start3A_365 = arith.constant 0 : i32
      %dma_start3A_366 = arith.constant 0 : i32
      %dma_start3A_367 = tpu.memref_slice %arg2[%dma_start3A_365, %dma_start3A_366] : memref<40000x128xf32, #tpu.memory_space<hbm>> -> memref<40000x128xf32, #tpu.memory_space<hbm>>
      tpu.enqueue_indirect_dma source(%dma_start3A_367 : memref<40000x128xf32, #tpu.memory_space<hbm>>) target(%arg11 : memref<80x128xf32, #tpu.memory_space<vmem>>) offsets(%dma_start3A_364 : memref<80xi32, #tpu.memory_space<vmem>>) semaphore(%arg15 : memref<!tpu.dma_semaphore, #tpu.memory_space<semaphore_mem>>)
      %scan3A_368 = arith.constant 0 : i32
      scf.yield %scan3A_368 : i32
    }
    %scan3A_98 = arith.constant 20 : i32
    %dma_wait3A_99 = arith.constant 4800 : i32
    %dma_wait3A_100 = tpu.memref_slice %arg7[%dma_wait3A_99] : memref<5120xi32, #tpu.memory_space<vmem>> -> memref<80xi32, #tpu.memory_space<vmem>>
    %dma_wait3A_101 = arith.constant 0 : i32
    %dma_wait3A_102 = arith.constant 0 : i32
    %dma_wait3A_103 = tpu.memref_slice %arg2[%dma_wait3A_101, %dma_wait3A_102] : memref<40000x128xf32, #tpu.memory_space<hbm>> -> memref<40000x128xf32, #tpu.memory_space<hbm>>
    tpu.wait_indirect_dma semaphore(%arg13 : memref<!tpu.dma_semaphore, #tpu.memory_space<semaphore_mem>>) src(%dma_wait3A_103 : memref<40000x128xf32, #tpu.memory_space<hbm>>) dst(%arg9 : memref<80x128xf32, #tpu.memory_space<vmem>>)
    %run_scoped3A_104 = arith.constant 60 : i32
    "tpu.region"() ({
      %run_scoped3A_304 = tpu.sem_alloc : memref<!tpu.dma_semaphore, #tpu.memory_space<semaphore_mem>>
      %dma_start3A_305 = arith.constant 0 : i32
      %dma_start3A_306 = tpu.memref_slice %arg8[%run_scoped3A_104, %dma_start3A_305] : memref<64x80xi32, #tpu.memory_space<vmem>> -> memref<1x80xi32, #tpu.memory_space<vmem>>
      %dma_start3A_307 = tpu.memref_squeeze %dma_start3A_306 : memref<1x80xi32, #tpu.memory_space<vmem>> -> memref<80xi32, #tpu.memory_space<vmem>>
      %dma_start3A_308 = arith.constant 0 : i32
      %dma_start3A_309 = arith.constant 0 : i32
      %dma_start3A_310 = tpu.memref_slice %arg12[%dma_start3A_308, %dma_start3A_309] : memref<10112x128xf32, #tpu.memory_space<vmem_shared>> -> memref<10112x128xf32, #tpu.memory_space<vmem_shared>>
      tpu.enqueue_indirect_dma source(%arg9 : memref<80x128xf32, #tpu.memory_space<vmem>>) target(%dma_start3A_310 : memref<10112x128xf32, #tpu.memory_space<vmem_shared>>) offsets(%dma_start3A_307 : memref<80xi32, #tpu.memory_space<vmem>>) semaphore(%run_scoped3A_304 : memref<!tpu.dma_semaphore, #tpu.memory_space<semaphore_mem>>) {add = true}
      %dma_wait3A_311 = arith.constant 0 : i32
      %dma_wait3A_312 = tpu.memref_slice %arg8[%run_scoped3A_104, %dma_wait3A_311] : memref<64x80xi32, #tpu.memory_space<vmem>> -> memref<1x80xi32, #tpu.memory_space<vmem>>
      %dma_wait3A_313 = tpu.memref_squeeze %dma_wait3A_312 : memref<1x80xi32, #tpu.memory_space<vmem>> -> memref<80xi32, #tpu.memory_space<vmem>>
      %dma_wait3A_314 = arith.constant 0 : i32
      %dma_wait3A_315 = arith.constant 0 : i32
      %dma_wait3A_316 = tpu.memref_slice %arg12[%dma_wait3A_314, %dma_wait3A_315] : memref<10112x128xf32, #tpu.memory_space<vmem_shared>> -> memref<10112x128xf32, #tpu.memory_space<vmem_shared>>
      tpu.wait_indirect_dma semaphore(%run_scoped3A_304 : memref<!tpu.dma_semaphore, #tpu.memory_space<semaphore_mem>>) src(%arg9 : memref<80x128xf32, #tpu.memory_space<vmem>>) dst(%dma_wait3A_316 : memref<10112x128xf32, #tpu.memory_space<vmem_shared>>)
      tpu.yield
    }) : () -> ()
    %dma_start3A_105 = arith.constant 5040 : i32
    %dma_start3A_106 = tpu.memref_slice %arg7[%dma_start3A_105] : memref<5120xi32, #tpu.memory_space<vmem>> -> memref<80xi32, #tpu.memory_space<vmem>>
    %dma_start3A_107 = arith.constant 0 : i32
    %dma_start3A_108 = arith.constant 0 : i32
    %dma_start3A_109 = tpu.memref_slice %arg2[%dma_start3A_107, %dma_start3A_108] : memref<40000x128xf32, #tpu.memory_space<hbm>> -> memref<40000x128xf32, #tpu.memory_space<hbm>>
    tpu.enqueue_indirect_dma source(%dma_start3A_109 : memref<40000x128xf32, #tpu.memory_space<hbm>>) target(%arg9 : memref<80x128xf32, #tpu.memory_space<vmem>>) offsets(%dma_start3A_106 : memref<80xi32, #tpu.memory_space<vmem>>) semaphore(%arg13 : memref<!tpu.dma_semaphore, #tpu.memory_space<semaphore_mem>>)
    %dma_wait3A_110 = arith.constant 4880 : i32
    %dma_wait3A_111 = tpu.memref_slice %arg7[%dma_wait3A_110] : memref<5120xi32, #tpu.memory_space<vmem>> -> memref<80xi32, #tpu.memory_space<vmem>>
    %dma_wait3A_112 = arith.constant 0 : i32
    %dma_wait3A_113 = arith.constant 0 : i32
    %dma_wait3A_114 = tpu.memref_slice %arg2[%dma_wait3A_112, %dma_wait3A_113] : memref<40000x128xf32, #tpu.memory_space<hbm>> -> memref<40000x128xf32, #tpu.memory_space<hbm>>
    tpu.wait_indirect_dma semaphore(%arg14 : memref<!tpu.dma_semaphore, #tpu.memory_space<semaphore_mem>>) src(%dma_wait3A_114 : memref<40000x128xf32, #tpu.memory_space<hbm>>) dst(%arg10 : memref<80x128xf32, #tpu.memory_space<vmem>>)
    %run_scoped3A_115 = arith.constant 61 : i32
    "tpu.region"() ({
      %run_scoped3A_304 = tpu.sem_alloc : memref<!tpu.dma_semaphore, #tpu.memory_space<semaphore_mem>>
      %dma_start3A_305 = arith.constant 0 : i32
      %dma_start3A_306 = tpu.memref_slice %arg8[%run_scoped3A_115, %dma_start3A_305] : memref<64x80xi32, #tpu.memory_space<vmem>> -> memref<1x80xi32, #tpu.memory_space<vmem>>
      %dma_start3A_307 = tpu.memref_squeeze %dma_start3A_306 : memref<1x80xi32, #tpu.memory_space<vmem>> -> memref<80xi32, #tpu.memory_space<vmem>>
      %dma_start3A_308 = arith.constant 0 : i32
      %dma_start3A_309 = arith.constant 0 : i32
      %dma_start3A_310 = tpu.memref_slice %arg12[%dma_start3A_308, %dma_start3A_309] : memref<10112x128xf32, #tpu.memory_space<vmem_shared>> -> memref<10112x128xf32, #tpu.memory_space<vmem_shared>>
      tpu.enqueue_indirect_dma source(%arg10 : memref<80x128xf32, #tpu.memory_space<vmem>>) target(%dma_start3A_310 : memref<10112x128xf32, #tpu.memory_space<vmem_shared>>) offsets(%dma_start3A_307 : memref<80xi32, #tpu.memory_space<vmem>>) semaphore(%run_scoped3A_304 : memref<!tpu.dma_semaphore, #tpu.memory_space<semaphore_mem>>) {add = true}
      %dma_wait3A_311 = arith.constant 0 : i32
      %dma_wait3A_312 = tpu.memref_slice %arg8[%run_scoped3A_115, %dma_wait3A_311] : memref<64x80xi32, #tpu.memory_space<vmem>> -> memref<1x80xi32, #tpu.memory_space<vmem>>
      %dma_wait3A_313 = tpu.memref_squeeze %dma_wait3A_312 : memref<1x80xi32, #tpu.memory_space<vmem>> -> memref<80xi32, #tpu.memory_space<vmem>>
      %dma_wait3A_314 = arith.constant 0 : i32
      %dma_wait3A_315 = arith.constant 0 : i32
      %dma_wait3A_316 = tpu.memref_slice %arg12[%dma_wait3A_314, %dma_wait3A_315] : memref<10112x128xf32, #tpu.memory_space<vmem_shared>> -> memref<10112x128xf32, #tpu.memory_space<vmem_shared>>
      tpu.wait_indirect_dma semaphore(%run_scoped3A_304 : memref<!tpu.dma_semaphore, #tpu.memory_space<semaphore_mem>>) src(%arg10 : memref<80x128xf32, #tpu.memory_space<vmem>>) dst(%dma_wait3A_316 : memref<10112x128xf32, #tpu.memory_space<vmem_shared>>)
      tpu.yield
    }) : () -> ()
    %dma_wait3A_116 = arith.constant 4960 : i32
    %dma_wait3A_117 = tpu.memref_slice %arg7[%dma_wait3A_116] : memref<5120xi32, #tpu.memory_space<vmem>> -> memref<80xi32, #tpu.memory_space<vmem>>
    %dma_wait3A_118 = arith.constant 0 : i32
    %dma_wait3A_119 = arith.constant 0 : i32
    %dma_wait3A_120 = tpu.memref_slice %arg2[%dma_wait3A_118, %dma_wait3A_119] : memref<40000x128xf32, #tpu.memory_space<hbm>> -> memref<40000x128xf32, #tpu.memory_space<hbm>>
    tpu.wait_indirect_dma semaphore(%arg15 : memref<!tpu.dma_semaphore, #tpu.memory_space<semaphore_mem>>) src(%dma_wait3A_120 : memref<40000x128xf32, #tpu.memory_space<hbm>>) dst(%arg11 : memref<80x128xf32, #tpu.memory_space<vmem>>)
    %run_scoped3A_121 = arith.constant 62 : i32
    "tpu.region"() ({
      %run_scoped3A_304 = tpu.sem_alloc : memref<!tpu.dma_semaphore, #tpu.memory_space<semaphore_mem>>
      %dma_start3A_305 = arith.constant 0 : i32
      %dma_start3A_306 = tpu.memref_slice %arg8[%run_scoped3A_121, %dma_start3A_305] : memref<64x80xi32, #tpu.memory_space<vmem>> -> memref<1x80xi32, #tpu.memory_space<vmem>>
      %dma_start3A_307 = tpu.memref_squeeze %dma_start3A_306 : memref<1x80xi32, #tpu.memory_space<vmem>> -> memref<80xi32, #tpu.memory_space<vmem>>
      %dma_start3A_308 = arith.constant 0 : i32
      %dma_start3A_309 = arith.constant 0 : i32
      %dma_start3A_310 = tpu.memref_slice %arg12[%dma_start3A_308, %dma_start3A_309] : memref<10112x128xf32, #tpu.memory_space<vmem_shared>> -> memref<10112x128xf32, #tpu.memory_space<vmem_shared>>
      tpu.enqueue_indirect_dma source(%arg11 : memref<80x128xf32, #tpu.memory_space<vmem>>) target(%dma_start3A_310 : memref<10112x128xf32, #tpu.memory_space<vmem_shared>>) offsets(%dma_start3A_307 : memref<80xi32, #tpu.memory_space<vmem>>) semaphore(%run_scoped3A_304 : memref<!tpu.dma_semaphore, #tpu.memory_space<semaphore_mem>>) {add = true}
      %dma_wait3A_311 = arith.constant 0 : i32
      %dma_wait3A_312 = tpu.memref_slice %arg8[%run_scoped3A_121, %dma_wait3A_311] : memref<64x80xi32, #tpu.memory_space<vmem>> -> memref<1x80xi32, #tpu.memory_space<vmem>>
      %dma_wait3A_313 = tpu.memref_squeeze %dma_wait3A_312 : memref<1x80xi32, #tpu.memory_space<vmem>> -> memref<80xi32, #tpu.memory_space<vmem>>
      %dma_wait3A_314 = arith.constant 0 : i32
      %dma_wait3A_315 = arith.constant 0 : i32
      %dma_wait3A_316 = tpu.memref_slice %arg12[%dma_wait3A_314, %dma_wait3A_315] : memref<10112x128xf32, #tpu.memory_space<vmem_shared>> -> memref<10112x128xf32, #tpu.memory_space<vmem_shared>>
      tpu.wait_indirect_dma semaphore(%run_scoped3A_304 : memref<!tpu.dma_semaphore, #tpu.memory_space<semaphore_mem>>) src(%arg11 : memref<80x128xf32, #tpu.memory_space<vmem>>) dst(%dma_wait3A_316 : memref<10112x128xf32, #tpu.memory_space<vmem_shared>>)
      tpu.yield
    }) : () -> ()
    %dma_wait3A_122 = arith.constant 5040 : i32
    %dma_wait3A_123 = tpu.memref_slice %arg7[%dma_wait3A_122] : memref<5120xi32, #tpu.memory_space<vmem>> -> memref<80xi32, #tpu.memory_space<vmem>>
    %dma_wait3A_124 = arith.constant 0 : i32
    %dma_wait3A_125 = arith.constant 0 : i32
    %dma_wait3A_126 = tpu.memref_slice %arg2[%dma_wait3A_124, %dma_wait3A_125] : memref<40000x128xf32, #tpu.memory_space<hbm>> -> memref<40000x128xf32, #tpu.memory_space<hbm>>
    tpu.wait_indirect_dma semaphore(%arg13 : memref<!tpu.dma_semaphore, #tpu.memory_space<semaphore_mem>>) src(%dma_wait3A_126 : memref<40000x128xf32, #tpu.memory_space<hbm>>) dst(%arg9 : memref<80x128xf32, #tpu.memory_space<vmem>>)
    %run_scoped3A_127 = arith.constant 63 : i32
    "tpu.region"() ({
      %run_scoped3A_304 = tpu.sem_alloc : memref<!tpu.dma_semaphore, #tpu.memory_space<semaphore_mem>>
      %dma_start3A_305 = arith.constant 0 : i32
      %dma_start3A_306 = tpu.memref_slice %arg8[%run_scoped3A_127, %dma_start3A_305] : memref<64x80xi32, #tpu.memory_space<vmem>> -> memref<1x80xi32, #tpu.memory_space<vmem>>
      %dma_start3A_307 = tpu.memref_squeeze %dma_start3A_306 : memref<1x80xi32, #tpu.memory_space<vmem>> -> memref<80xi32, #tpu.memory_space<vmem>>
      %dma_start3A_308 = arith.constant 0 : i32
      %dma_start3A_309 = arith.constant 0 : i32
      %dma_start3A_310 = tpu.memref_slice %arg12[%dma_start3A_308, %dma_start3A_309] : memref<10112x128xf32, #tpu.memory_space<vmem_shared>> -> memref<10112x128xf32, #tpu.memory_space<vmem_shared>>
      tpu.enqueue_indirect_dma source(%arg9 : memref<80x128xf32, #tpu.memory_space<vmem>>) target(%dma_start3A_310 : memref<10112x128xf32, #tpu.memory_space<vmem_shared>>) offsets(%dma_start3A_307 : memref<80xi32, #tpu.memory_space<vmem>>) semaphore(%run_scoped3A_304 : memref<!tpu.dma_semaphore, #tpu.memory_space<semaphore_mem>>) {add = true}
      %dma_wait3A_311 = arith.constant 0 : i32
      %dma_wait3A_312 = tpu.memref_slice %arg8[%run_scoped3A_127, %dma_wait3A_311] : memref<64x80xi32, #tpu.memory_space<vmem>> -> memref<1x80xi32, #tpu.memory_space<vmem>>
      %dma_wait3A_313 = tpu.memref_squeeze %dma_wait3A_312 : memref<1x80xi32, #tpu.memory_space<vmem>> -> memref<80xi32, #tpu.memory_space<vmem>>
      %dma_wait3A_314 = arith.constant 0 : i32
      %dma_wait3A_315 = arith.constant 0 : i32
      %dma_wait3A_316 = tpu.memref_slice %arg12[%dma_wait3A_314, %dma_wait3A_315] : memref<10112x128xf32, #tpu.memory_space<vmem_shared>> -> memref<10112x128xf32, #tpu.memory_space<vmem_shared>>
      tpu.wait_indirect_dma semaphore(%run_scoped3A_304 : memref<!tpu.dma_semaphore, #tpu.memory_space<semaphore_mem>>) src(%arg9 : memref<80x128xf32, #tpu.memory_space<vmem>>) dst(%dma_wait3A_316 : memref<10112x128xf32, #tpu.memory_space<vmem_shared>>)
      tpu.yield
    }) : () -> ()
    %add3A_128 = arith.constant 2 : i32
    %add3A_129 = arith.addi %add3A_128, %arg0 : i32
    %mul3A_130 = arith.constant 163840 : i32
    %mul3A_131 = arith.muli %add3A_129, %mul3A_130 : i32
    %mul3A_132 = arith.constant 10240 : i32
    %mul3A_133 = arith.muli %arg1, %mul3A_132 : i32
    %add3A_134 = arith.addi %mul3A_131, %mul3A_133 : i32
    %dma_start3A_135 = tpu.memref_slice %arg3[%add3A_134] : memref<655360xi32, #tpu.memory_space<hbm>> -> memref<5120xi32, #tpu.memory_space<hbm>>
    %dma_start3A_136 = tpu.memref_slice %arg3[%add3A_134] : memref<655360xi32, #tpu.memory_space<hbm>> -> memref<5120xi32, #tpu.memory_space<hbm>>
    tpu.enqueue_dma source(%dma_start3A_136 : memref<5120xi32, #tpu.memory_space<hbm>>) target(%arg7 : memref<5120xi32, #tpu.memory_space<vmem>>) target_semaphore(%arg17 : memref<!tpu.dma_semaphore, #tpu.memory_space<semaphore_mem>>)
    %dma_start3A_137 = arith.constant 1 : i32
    %dma_start3A_138 = arith.constant 0 : i32
    %dma_start3A_139 = arith.constant 0 : i32
    %dma_start3A_140 = tpu.memref_slice %arg4[%dma_start3A_137, %arg1, %dma_start3A_138, %dma_start3A_139] : memref<2x16x128x80xi32, #tpu.memory_space<hbm>> -> memref<1x1x64x80xi32, #tpu.memory_space<hbm>>
    %dma_start3A_141 = tpu.memref_squeeze %dma_start3A_140 : memref<1x1x64x80xi32, #tpu.memory_space<hbm>> -> memref<64x80xi32, #tpu.memory_space<hbm>>
    %dma_start3A_142 = arith.constant 0 : i32
    %dma_start3A_143 = arith.constant 0 : i32
    %dma_start3A_144 = tpu.memref_slice %arg4[%dma_start3A_137, %arg1, %dma_start3A_142, %dma_start3A_143] : memref<2x16x128x80xi32, #tpu.memory_space<hbm>> -> memref<1x1x64x80xi32, #tpu.memory_space<hbm>>
    %dma_start3A_145 = tpu.memref_squeeze %dma_start3A_144 : memref<1x1x64x80xi32, #tpu.memory_space<hbm>> -> memref<64x80xi32, #tpu.memory_space<hbm>>
    tpu.enqueue_dma source(%dma_start3A_145 : memref<64x80xi32, #tpu.memory_space<hbm>>) target(%arg8 : memref<64x80xi32, #tpu.memory_space<vmem>>) target_semaphore(%arg19 : memref<!tpu.dma_semaphore, #tpu.memory_space<semaphore_mem>>)
    %barrier3A_146 = arith.constant 0 : index
    tpu.barrier barrier_id(%barrier3A_146)
    %add3A_147 = arith.constant 0 : i32
    %add3A_148 = arith.addi %add3A_147, %arg0 : i32
    %dma_start3A_149 = arith.constant 0 : i32
    %dma_start3A_150 = tpu.memref_slice %arg6[%add3A_148, %mul3A_0, %dma_start3A_149] : memref<4x10112x128xf32, #tpu.memory_space<hbm>> -> memref<1x632x128xf32, #tpu.memory_space<hbm>>
    %dma_start3A_151 = tpu.memref_squeeze %dma_start3A_150 : memref<1x632x128xf32, #tpu.memory_space<hbm>> -> memref<632x128xf32, #tpu.memory_space<hbm>>
    %dma_start3A_152 = arith.constant 0 : i32
    %dma_start3A_153 = tpu.memref_slice %arg12[%mul3A_0, %dma_start3A_152] : memref<10112x128xf32, #tpu.memory_space<vmem_shared>> -> memref<632x128xf32, #tpu.memory_space<vmem_shared>>
    tpu.enqueue_dma source(%dma_start3A_153 : memref<632x128xf32, #tpu.memory_space<vmem_shared>>) target(%dma_start3A_151 : memref<632x128xf32, #tpu.memory_space<hbm>>) target_semaphore(%arg18 : memref<!tpu.dma_semaphore, #tpu.memory_space<semaphore_mem>>)
    %dma_wait3A_154 = tpu.memref_slice %arg3[%add3A_134] : memref<655360xi32, #tpu.memory_space<hbm>> -> memref<5120xi32, #tpu.memory_space<hbm>>
    %dma_wait3A_155 = tpu.memref_slice %arg3[%add3A_134] : memref<655360xi32, #tpu.memory_space<hbm>> -> memref<5120xi32, #tpu.memory_space<hbm>>
    tpu.wait_dma2 semaphore(%arg17 : memref<!tpu.dma_semaphore, #tpu.memory_space<semaphore_mem>>) src(%dma_wait3A_155 : memref<5120xi32, #tpu.memory_space<hbm>>) dst(%arg7 : memref<5120xi32, #tpu.memory_space<vmem>>)
    %dma_start3A_156 = arith.constant 0 : i32
    %dma_start3A_157 = tpu.memref_slice %arg7[%dma_start3A_156] : memref<5120xi32, #tpu.memory_space<vmem>> -> memref<80xi32, #tpu.memory_space<vmem>>
    %dma_start3A_158 = arith.constant 0 : i32
    %dma_start3A_159 = arith.constant 0 : i32
    %dma_start3A_160 = tpu.memref_slice %arg2[%dma_start3A_158, %dma_start3A_159] : memref<40000x128xf32, #tpu.memory_space<hbm>> -> memref<40000x128xf32, #tpu.memory_space<hbm>>
    tpu.enqueue_indirect_dma source(%dma_start3A_160 : memref<40000x128xf32, #tpu.memory_space<hbm>>) target(%arg9 : memref<80x128xf32, #tpu.memory_space<vmem>>) offsets(%dma_start3A_157 : memref<80xi32, #tpu.memory_space<vmem>>) semaphore(%arg13 : memref<!tpu.dma_semaphore, #tpu.memory_space<semaphore_mem>>)
    %dma_start3A_161 = arith.constant 80 : i32
    %dma_start3A_162 = tpu.memref_slice %arg7[%dma_start3A_161] : memref<5120xi32, #tpu.memory_space<vmem>> -> memref<80xi32, #tpu.memory_space<vmem>>
    %dma_start3A_163 = arith.constant 0 : i32
    %dma_start3A_164 = arith.constant 0 : i32
    %dma_start3A_165 = tpu.memref_slice %arg2[%dma_start3A_163, %dma_start3A_164] : memref<40000x128xf32, #tpu.memory_space<hbm>> -> memref<40000x128xf32, #tpu.memory_space<hbm>>
    tpu.enqueue_indirect_dma source(%dma_start3A_165 : memref<40000x128xf32, #tpu.memory_space<hbm>>) target(%arg10 : memref<80x128xf32, #tpu.memory_space<vmem>>) offsets(%dma_start3A_162 : memref<80xi32, #tpu.memory_space<vmem>>) semaphore(%arg14 : memref<!tpu.dma_semaphore, #tpu.memory_space<semaphore_mem>>)
    %dma_start3A_166 = arith.constant 160 : i32
    %dma_start3A_167 = tpu.memref_slice %arg7[%dma_start3A_166] : memref<5120xi32, #tpu.memory_space<vmem>> -> memref<80xi32, #tpu.memory_space<vmem>>
    %dma_start3A_168 = arith.constant 0 : i32
    %dma_start3A_169 = arith.constant 0 : i32
    %dma_start3A_170 = tpu.memref_slice %arg2[%dma_start3A_168, %dma_start3A_169] : memref<40000x128xf32, #tpu.memory_space<hbm>> -> memref<40000x128xf32, #tpu.memory_space<hbm>>
    tpu.enqueue_indirect_dma source(%dma_start3A_170 : memref<40000x128xf32, #tpu.memory_space<hbm>>) target(%arg11 : memref<80x128xf32, #tpu.memory_space<vmem>>) offsets(%dma_start3A_167 : memref<80xi32, #tpu.memory_space<vmem>>) semaphore(%arg15 : memref<!tpu.dma_semaphore, #tpu.memory_space<semaphore_mem>>)
    %dma_wait3A_171 = arith.constant 1 : i32
    %dma_wait3A_172 = arith.constant 0 : i32
    %dma_wait3A_173 = arith.constant 0 : i32
    %dma_wait3A_174 = tpu.memref_slice %arg4[%dma_wait3A_171, %arg1, %dma_wait3A_172, %dma_wait3A_173] : memref<2x16x128x80xi32, #tpu.memory_space<hbm>> -> memref<1x1x64x80xi32, #tpu.memory_space<hbm>>
    %dma_wait3A_175 = tpu.memref_squeeze %dma_wait3A_174 : memref<1x1x64x80xi32, #tpu.memory_space<hbm>> -> memref<64x80xi32, #tpu.memory_space<hbm>>
    %dma_wait3A_176 = arith.constant 0 : i32
    %dma_wait3A_177 = arith.constant 0 : i32
    %dma_wait3A_178 = tpu.memref_slice %arg4[%dma_wait3A_171, %arg1, %dma_wait3A_176, %dma_wait3A_177] : memref<2x16x128x80xi32, #tpu.memory_space<hbm>> -> memref<1x1x64x80xi32, #tpu.memory_space<hbm>>
    %dma_wait3A_179 = tpu.memref_squeeze %dma_wait3A_178 : memref<1x1x64x80xi32, #tpu.memory_space<hbm>> -> memref<64x80xi32, #tpu.memory_space<hbm>>
    tpu.wait_dma2 semaphore(%arg19 : memref<!tpu.dma_semaphore, #tpu.memory_space<semaphore_mem>>) src(%dma_wait3A_179 : memref<64x80xi32, #tpu.memory_space<hbm>>) dst(%arg8 : memref<64x80xi32, #tpu.memory_space<vmem>>)
    %dma_wait3A_180 = arith.constant 0 : i32
    %dma_wait3A_181 = tpu.memref_slice %arg6[%add3A_148, %mul3A_0, %dma_wait3A_180] : memref<4x10112x128xf32, #tpu.memory_space<hbm>> -> memref<1x632x128xf32, #tpu.memory_space<hbm>>
    %dma_wait3A_182 = tpu.memref_squeeze %dma_wait3A_181 : memref<1x632x128xf32, #tpu.memory_space<hbm>> -> memref<632x128xf32, #tpu.memory_space<hbm>>
    %dma_wait3A_183 = arith.constant 0 : i32
    %dma_wait3A_184 = tpu.memref_slice %arg12[%mul3A_0, %dma_wait3A_183] : memref<10112x128xf32, #tpu.memory_space<vmem_shared>> -> memref<632x128xf32, #tpu.memory_space<vmem_shared>>
    tpu.wait_dma2 semaphore(%arg18 : memref<!tpu.dma_semaphore, #tpu.memory_space<semaphore_mem>>) src(%dma_wait3A_184 : memref<632x128xf32, #tpu.memory_space<vmem_shared>>) dst(%dma_wait3A_182 : memref<632x128xf32, #tpu.memory_space<hbm>>)
    %dma_start3A_185 = arith.constant 0 : i32
    %dma_start3A_186 = tpu.memref_slice %arg12[%mul3A_0, %dma_start3A_185] : memref<10112x128xf32, #tpu.memory_space<vmem_shared>> -> memref<632x128xf32, #tpu.memory_space<vmem_shared>>
    %dma_start3A_187 = arith.constant 0 : i32
    %dma_start3A_188 = tpu.memref_slice %arg5[%mul3A_0, %dma_start3A_187] : memref<10112x128xf32, #tpu.memory_space<hbm>> -> memref<632x128xf32, #tpu.memory_space<hbm>>
    tpu.enqueue_dma source(%dma_start3A_188 : memref<632x128xf32, #tpu.memory_space<hbm>>) target(%dma_start3A_186 : memref<632x128xf32, #tpu.memory_space<vmem_shared>>) target_semaphore(%arg16 : memref<!tpu.dma_semaphore, #tpu.memory_space<semaphore_mem>>)
    %dma_wait3A_189 = arith.constant 0 : i32
    %dma_wait3A_190 = tpu.memref_slice %arg12[%mul3A_0, %dma_wait3A_189] : memref<10112x128xf32, #tpu.memory_space<vmem_shared>> -> memref<632x128xf32, #tpu.memory_space<vmem_shared>>
    %dma_wait3A_191 = arith.constant 0 : i32
    %dma_wait3A_192 = tpu.memref_slice %arg5[%mul3A_0, %dma_wait3A_191] : memref<10112x128xf32, #tpu.memory_space<hbm>> -> memref<632x128xf32, #tpu.memory_space<hbm>>
    tpu.wait_dma2 semaphore(%arg16 : memref<!tpu.dma_semaphore, #tpu.memory_space<semaphore_mem>>) src(%dma_wait3A_192 : memref<632x128xf32, #tpu.memory_space<hbm>>) dst(%dma_wait3A_190 : memref<632x128xf32, #tpu.memory_space<vmem_shared>>)
    %barrier3A_193 = arith.constant 0 : index
    tpu.barrier barrier_id(%barrier3A_193)
    %scan3A_194 = arith.constant 0 : i32
    %scan3A_195 = arith.constant 0 : i32
    %scan3A_196 = arith.constant 20 : i32
    %scan3A_197 = arith.addi %scan3A_195, %scan3A_196 : i32
    %scan3A_198 = arith.constant 1 : i32
    %scan3A_199 = scf.for %scan3A_304 = %scan3A_195 to %scan3A_197 step %scan3A_198 iter_args(%scan3A_305 = %scan3A_194) -> (i32)  : i32 {
      %mul3A_306 = arith.constant 3 : i32
      %mul3A_307 = arith.muli %mul3A_306, %scan3A_304 : i32
      %add3A_308 = arith.constant 0 : i32
      %add3A_309 = arith.addi %mul3A_307, %add3A_308 : i32
      %mul3A_310 = arith.constant 80 : i32
      %mul3A_311 = arith.muli %add3A_309, %mul3A_310 : i32
      %dma_wait3A_312 = tpu.memref_slice %arg7[%mul3A_311] : memref<5120xi32, #tpu.memory_space<vmem>> -> memref<80xi32, #tpu.memory_space<vmem>>
      %dma_wait3A_313 = arith.constant 0 : i32
      %dma_wait3A_314 = arith.constant 0 : i32
      %dma_wait3A_315 = tpu.memref_slice %arg2[%dma_wait3A_313, %dma_wait3A_314] : memref<40000x128xf32, #tpu.memory_space<hbm>> -> memref<40000x128xf32, #tpu.memory_space<hbm>>
      tpu.wait_indirect_dma semaphore(%arg13 : memref<!tpu.dma_semaphore, #tpu.memory_space<semaphore_mem>>) src(%dma_wait3A_315 : memref<40000x128xf32, #tpu.memory_space<hbm>>) dst(%arg9 : memref<80x128xf32, #tpu.memory_space<vmem>>)
      %add3A_316 = arith.constant 0 : i32
      %add3A_317 = arith.addi %mul3A_307, %add3A_316 : i32
      "tpu.region"() ({
        %run_scoped3A_369 = tpu.sem_alloc : memref<!tpu.dma_semaphore, #tpu.memory_space<semaphore_mem>>
        %dma_start3A_370 = arith.constant 0 : i32
        %dma_start3A_371 = tpu.memref_slice %arg8[%add3A_317, %dma_start3A_370] : memref<64x80xi32, #tpu.memory_space<vmem>> -> memref<1x80xi32, #tpu.memory_space<vmem>>
        %dma_start3A_372 = tpu.memref_squeeze %dma_start3A_371 : memref<1x80xi32, #tpu.memory_space<vmem>> -> memref<80xi32, #tpu.memory_space<vmem>>
        %dma_start3A_373 = arith.constant 0 : i32
        %dma_start3A_374 = arith.constant 0 : i32
        %dma_start3A_375 = tpu.memref_slice %arg12[%dma_start3A_373, %dma_start3A_374] : memref<10112x128xf32, #tpu.memory_space<vmem_shared>> -> memref<10112x128xf32, #tpu.memory_space<vmem_shared>>
        tpu.enqueue_indirect_dma source(%arg9 : memref<80x128xf32, #tpu.memory_space<vmem>>) target(%dma_start3A_375 : memref<10112x128xf32, #tpu.memory_space<vmem_shared>>) offsets(%dma_start3A_372 : memref<80xi32, #tpu.memory_space<vmem>>) semaphore(%run_scoped3A_369 : memref<!tpu.dma_semaphore, #tpu.memory_space<semaphore_mem>>) {add = true}
        %dma_wait3A_376 = arith.constant 0 : i32
        %dma_wait3A_377 = tpu.memref_slice %arg8[%add3A_317, %dma_wait3A_376] : memref<64x80xi32, #tpu.memory_space<vmem>> -> memref<1x80xi32, #tpu.memory_space<vmem>>
        %dma_wait3A_378 = tpu.memref_squeeze %dma_wait3A_377 : memref<1x80xi32, #tpu.memory_space<vmem>> -> memref<80xi32, #tpu.memory_space<vmem>>
        %dma_wait3A_379 = arith.constant 0 : i32
        %dma_wait3A_380 = arith.constant 0 : i32
        %dma_wait3A_381 = tpu.memref_slice %arg12[%dma_wait3A_379, %dma_wait3A_380] : memref<10112x128xf32, #tpu.memory_space<vmem_shared>> -> memref<10112x128xf32, #tpu.memory_space<vmem_shared>>
        tpu.wait_indirect_dma semaphore(%run_scoped3A_369 : memref<!tpu.dma_semaphore, #tpu.memory_space<semaphore_mem>>) src(%arg9 : memref<80x128xf32, #tpu.memory_space<vmem>>) dst(%dma_wait3A_381 : memref<10112x128xf32, #tpu.memory_space<vmem_shared>>)
        tpu.yield
      }) : () -> ()
      %add3A_318 = arith.constant 3 : i32
      %add3A_319 = arith.addi %mul3A_307, %add3A_318 : i32
      %add3A_320 = arith.constant 0 : i32
      %add3A_321 = arith.addi %add3A_319, %add3A_320 : i32
      %mul3A_322 = arith.constant 80 : i32
      %mul3A_323 = arith.muli %add3A_321, %mul3A_322 : i32
      %dma_start3A_324 = tpu.memref_slice %arg7[%mul3A_323] : memref<5120xi32, #tpu.memory_space<vmem>> -> memref<80xi32, #tpu.memory_space<vmem>>
      %dma_start3A_325 = arith.constant 0 : i32
      %dma_start3A_326 = arith.constant 0 : i32
      %dma_start3A_327 = tpu.memref_slice %arg2[%dma_start3A_325, %dma_start3A_326] : memref<40000x128xf32, #tpu.memory_space<hbm>> -> memref<40000x128xf32, #tpu.memory_space<hbm>>
      tpu.enqueue_indirect_dma source(%dma_start3A_327 : memref<40000x128xf32, #tpu.memory_space<hbm>>) target(%arg9 : memref<80x128xf32, #tpu.memory_space<vmem>>) offsets(%dma_start3A_324 : memref<80xi32, #tpu.memory_space<vmem>>) semaphore(%arg13 : memref<!tpu.dma_semaphore, #tpu.memory_space<semaphore_mem>>)
      %add3A_328 = arith.constant 1 : i32
      %add3A_329 = arith.addi %mul3A_307, %add3A_328 : i32
      %mul3A_330 = arith.constant 80 : i32
      %mul3A_331 = arith.muli %add3A_329, %mul3A_330 : i32
      %dma_wait3A_332 = tpu.memref_slice %arg7[%mul3A_331] : memref<5120xi32, #tpu.memory_space<vmem>> -> memref<80xi32, #tpu.memory_space<vmem>>
      %dma_wait3A_333 = arith.constant 0 : i32
      %dma_wait3A_334 = arith.constant 0 : i32
      %dma_wait3A_335 = tpu.memref_slice %arg2[%dma_wait3A_333, %dma_wait3A_334] : memref<40000x128xf32, #tpu.memory_space<hbm>> -> memref<40000x128xf32, #tpu.memory_space<hbm>>
      tpu.wait_indirect_dma semaphore(%arg14 : memref<!tpu.dma_semaphore, #tpu.memory_space<semaphore_mem>>) src(%dma_wait3A_335 : memref<40000x128xf32, #tpu.memory_space<hbm>>) dst(%arg10 : memref<80x128xf32, #tpu.memory_space<vmem>>)
      %add3A_336 = arith.constant 1 : i32
      %add3A_337 = arith.addi %mul3A_307, %add3A_336 : i32
      "tpu.region"() ({
        %run_scoped3A_369 = tpu.sem_alloc : memref<!tpu.dma_semaphore, #tpu.memory_space<semaphore_mem>>
        %dma_start3A_370 = arith.constant 0 : i32
        %dma_start3A_371 = tpu.memref_slice %arg8[%add3A_337, %dma_start3A_370] : memref<64x80xi32, #tpu.memory_space<vmem>> -> memref<1x80xi32, #tpu.memory_space<vmem>>
        %dma_start3A_372 = tpu.memref_squeeze %dma_start3A_371 : memref<1x80xi32, #tpu.memory_space<vmem>> -> memref<80xi32, #tpu.memory_space<vmem>>
        %dma_start3A_373 = arith.constant 0 : i32
        %dma_start3A_374 = arith.constant 0 : i32
        %dma_start3A_375 = tpu.memref_slice %arg12[%dma_start3A_373, %dma_start3A_374] : memref<10112x128xf32, #tpu.memory_space<vmem_shared>> -> memref<10112x128xf32, #tpu.memory_space<vmem_shared>>
        tpu.enqueue_indirect_dma source(%arg10 : memref<80x128xf32, #tpu.memory_space<vmem>>) target(%dma_start3A_375 : memref<10112x128xf32, #tpu.memory_space<vmem_shared>>) offsets(%dma_start3A_372 : memref<80xi32, #tpu.memory_space<vmem>>) semaphore(%run_scoped3A_369 : memref<!tpu.dma_semaphore, #tpu.memory_space<semaphore_mem>>) {add = true}
        %dma_wait3A_376 = arith.constant 0 : i32
        %dma_wait3A_377 = tpu.memref_slice %arg8[%add3A_337, %dma_wait3A_376] : memref<64x80xi32, #tpu.memory_space<vmem>> -> memref<1x80xi32, #tpu.memory_space<vmem>>
        %dma_wait3A_378 = tpu.memref_squeeze %dma_wait3A_377 : memref<1x80xi32, #tpu.memory_space<vmem>> -> memref<80xi32, #tpu.memory_space<vmem>>
        %dma_wait3A_379 = arith.constant 0 : i32
        %dma_wait3A_380 = arith.constant 0 : i32
        %dma_wait3A_381 = tpu.memref_slice %arg12[%dma_wait3A_379, %dma_wait3A_380] : memref<10112x128xf32, #tpu.memory_space<vmem_shared>> -> memref<10112x128xf32, #tpu.memory_space<vmem_shared>>
        tpu.wait_indirect_dma semaphore(%run_scoped3A_369 : memref<!tpu.dma_semaphore, #tpu.memory_space<semaphore_mem>>) src(%arg10 : memref<80x128xf32, #tpu.memory_space<vmem>>) dst(%dma_wait3A_381 : memref<10112x128xf32, #tpu.memory_space<vmem_shared>>)
        tpu.yield
      }) : () -> ()
      %add3A_338 = arith.constant 3 : i32
      %add3A_339 = arith.addi %mul3A_307, %add3A_338 : i32
      %add3A_340 = arith.constant 1 : i32
      %add3A_341 = arith.addi %add3A_339, %add3A_340 : i32
      %mul3A_342 = arith.constant 80 : i32
      %mul3A_343 = arith.muli %add3A_341, %mul3A_342 : i32
      %dma_start3A_344 = tpu.memref_slice %arg7[%mul3A_343] : memref<5120xi32, #tpu.memory_space<vmem>> -> memref<80xi32, #tpu.memory_space<vmem>>
      %dma_start3A_345 = arith.constant 0 : i32
      %dma_start3A_346 = arith.constant 0 : i32
      %dma_start3A_347 = tpu.memref_slice %arg2[%dma_start3A_345, %dma_start3A_346] : memref<40000x128xf32, #tpu.memory_space<hbm>> -> memref<40000x128xf32, #tpu.memory_space<hbm>>
      tpu.enqueue_indirect_dma source(%dma_start3A_347 : memref<40000x128xf32, #tpu.memory_space<hbm>>) target(%arg10 : memref<80x128xf32, #tpu.memory_space<vmem>>) offsets(%dma_start3A_344 : memref<80xi32, #tpu.memory_space<vmem>>) semaphore(%arg14 : memref<!tpu.dma_semaphore, #tpu.memory_space<semaphore_mem>>)
      %add3A_348 = arith.constant 2 : i32
      %add3A_349 = arith.addi %mul3A_307, %add3A_348 : i32
      %mul3A_350 = arith.constant 80 : i32
      %mul3A_351 = arith.muli %add3A_349, %mul3A_350 : i32
      %dma_wait3A_352 = tpu.memref_slice %arg7[%mul3A_351] : memref<5120xi32, #tpu.memory_space<vmem>> -> memref<80xi32, #tpu.memory_space<vmem>>
      %dma_wait3A_353 = arith.constant 0 : i32
      %dma_wait3A_354 = arith.constant 0 : i32
      %dma_wait3A_355 = tpu.memref_slice %arg2[%dma_wait3A_353, %dma_wait3A_354] : memref<40000x128xf32, #tpu.memory_space<hbm>> -> memref<40000x128xf32, #tpu.memory_space<hbm>>
      tpu.wait_indirect_dma semaphore(%arg15 : memref<!tpu.dma_semaphore, #tpu.memory_space<semaphore_mem>>) src(%dma_wait3A_355 : memref<40000x128xf32, #tpu.memory_space<hbm>>) dst(%arg11 : memref<80x128xf32, #tpu.memory_space<vmem>>)
      %add3A_356 = arith.constant 2 : i32
      %add3A_357 = arith.addi %mul3A_307, %add3A_356 : i32
      "tpu.region"() ({
        %run_scoped3A_369 = tpu.sem_alloc : memref<!tpu.dma_semaphore, #tpu.memory_space<semaphore_mem>>
        %dma_start3A_370 = arith.constant 0 : i32
        %dma_start3A_371 = tpu.memref_slice %arg8[%add3A_357, %dma_start3A_370] : memref<64x80xi32, #tpu.memory_space<vmem>> -> memref<1x80xi32, #tpu.memory_space<vmem>>
        %dma_start3A_372 = tpu.memref_squeeze %dma_start3A_371 : memref<1x80xi32, #tpu.memory_space<vmem>> -> memref<80xi32, #tpu.memory_space<vmem>>
        %dma_start3A_373 = arith.constant 0 : i32
        %dma_start3A_374 = arith.constant 0 : i32
        %dma_start3A_375 = tpu.memref_slice %arg12[%dma_start3A_373, %dma_start3A_374] : memref<10112x128xf32, #tpu.memory_space<vmem_shared>> -> memref<10112x128xf32, #tpu.memory_space<vmem_shared>>
        tpu.enqueue_indirect_dma source(%arg11 : memref<80x128xf32, #tpu.memory_space<vmem>>) target(%dma_start3A_375 : memref<10112x128xf32, #tpu.memory_space<vmem_shared>>) offsets(%dma_start3A_372 : memref<80xi32, #tpu.memory_space<vmem>>) semaphore(%run_scoped3A_369 : memref<!tpu.dma_semaphore, #tpu.memory_space<semaphore_mem>>) {add = true}
        %dma_wait3A_376 = arith.constant 0 : i32
        %dma_wait3A_377 = tpu.memref_slice %arg8[%add3A_357, %dma_wait3A_376] : memref<64x80xi32, #tpu.memory_space<vmem>> -> memref<1x80xi32, #tpu.memory_space<vmem>>
        %dma_wait3A_378 = tpu.memref_squeeze %dma_wait3A_377 : memref<1x80xi32, #tpu.memory_space<vmem>> -> memref<80xi32, #tpu.memory_space<vmem>>
        %dma_wait3A_379 = arith.constant 0 : i32
        %dma_wait3A_380 = arith.constant 0 : i32
        %dma_wait3A_381 = tpu.memref_slice %arg12[%dma_wait3A_379, %dma_wait3A_380] : memref<10112x128xf32, #tpu.memory_space<vmem_shared>> -> memref<10112x128xf32, #tpu.memory_space<vmem_shared>>
        tpu.wait_indirect_dma semaphore(%run_scoped3A_369 : memref<!tpu.dma_semaphore, #tpu.memory_space<semaphore_mem>>) src(%arg11 : memref<80x128xf32, #tpu.memory_space<vmem>>) dst(%dma_wait3A_381 : memref<10112x128xf32, #tpu.memory_space<vmem_shared>>)
        tpu.yield
      }) : () -> ()
      %add3A_358 = arith.constant 3 : i32
      %add3A_359 = arith.addi %mul3A_307, %add3A_358 : i32
      %add3A_360 = arith.constant 2 : i32
      %add3A_361 = arith.addi %add3A_359, %add3A_360 : i32
      %mul3A_362 = arith.constant 80 : i32
      %mul3A_363 = arith.muli %add3A_361, %mul3A_362 : i32
      %dma_start3A_364 = tpu.memref_slice %arg7[%mul3A_363] : memref<5120xi32, #tpu.memory_space<vmem>> -> memref<80xi32, #tpu.memory_space<vmem>>
      %dma_start3A_365 = arith.constant 0 : i32
      %dma_start3A_366 = arith.constant 0 : i32
      %dma_start3A_367 = tpu.memref_slice %arg2[%dma_start3A_365, %dma_start3A_366] : memref<40000x128xf32, #tpu.memory_space<hbm>> -> memref<40000x128xf32, #tpu.memory_space<hbm>>
      tpu.enqueue_indirect_dma source(%dma_start3A_367 : memref<40000x128xf32, #tpu.memory_space<hbm>>) target(%arg11 : memref<80x128xf32, #tpu.memory_space<vmem>>) offsets(%dma_start3A_364 : memref<80xi32, #tpu.memory_space<vmem>>) semaphore(%arg15 : memref<!tpu.dma_semaphore, #tpu.memory_space<semaphore_mem>>)
      %scan3A_368 = arith.constant 0 : i32
      scf.yield %scan3A_368 : i32
    }
    %scan3A_200 = arith.constant 20 : i32
    %dma_wait3A_201 = arith.constant 4800 : i32
    %dma_wait3A_202 = tpu.memref_slice %arg7[%dma_wait3A_201] : memref<5120xi32, #tpu.memory_space<vmem>> -> memref<80xi32, #tpu.memory_space<vmem>>
    %dma_wait3A_203 = arith.constant 0 : i32
    %dma_wait3A_204 = arith.constant 0 : i32
    %dma_wait3A_205 = tpu.memref_slice %arg2[%dma_wait3A_203, %dma_wait3A_204] : memref<40000x128xf32, #tpu.memory_space<hbm>> -> memref<40000x128xf32, #tpu.memory_space<hbm>>
    tpu.wait_indirect_dma semaphore(%arg13 : memref<!tpu.dma_semaphore, #tpu.memory_space<semaphore_mem>>) src(%dma_wait3A_205 : memref<40000x128xf32, #tpu.memory_space<hbm>>) dst(%arg9 : memref<80x128xf32, #tpu.memory_space<vmem>>)
    %run_scoped3A_206 = arith.constant 60 : i32
    "tpu.region"() ({
      %run_scoped3A_304 = tpu.sem_alloc : memref<!tpu.dma_semaphore, #tpu.memory_space<semaphore_mem>>
      %dma_start3A_305 = arith.constant 0 : i32
      %dma_start3A_306 = tpu.memref_slice %arg8[%run_scoped3A_206, %dma_start3A_305] : memref<64x80xi32, #tpu.memory_space<vmem>> -> memref<1x80xi32, #tpu.memory_space<vmem>>
      %dma_start3A_307 = tpu.memref_squeeze %dma_start3A_306 : memref<1x80xi32, #tpu.memory_space<vmem>> -> memref<80xi32, #tpu.memory_space<vmem>>
      %dma_start3A_308 = arith.constant 0 : i32
      %dma_start3A_309 = arith.constant 0 : i32
      %dma_start3A_310 = tpu.memref_slice %arg12[%dma_start3A_308, %dma_start3A_309] : memref<10112x128xf32, #tpu.memory_space<vmem_shared>> -> memref<10112x128xf32, #tpu.memory_space<vmem_shared>>
      tpu.enqueue_indirect_dma source(%arg9 : memref<80x128xf32, #tpu.memory_space<vmem>>) target(%dma_start3A_310 : memref<10112x128xf32, #tpu.memory_space<vmem_shared>>) offsets(%dma_start3A_307 : memref<80xi32, #tpu.memory_space<vmem>>) semaphore(%run_scoped3A_304 : memref<!tpu.dma_semaphore, #tpu.memory_space<semaphore_mem>>) {add = true}
      %dma_wait3A_311 = arith.constant 0 : i32
      %dma_wait3A_312 = tpu.memref_slice %arg8[%run_scoped3A_206, %dma_wait3A_311] : memref<64x80xi32, #tpu.memory_space<vmem>> -> memref<1x80xi32, #tpu.memory_space<vmem>>
      %dma_wait3A_313 = tpu.memref_squeeze %dma_wait3A_312 : memref<1x80xi32, #tpu.memory_space<vmem>> -> memref<80xi32, #tpu.memory_space<vmem>>
      %dma_wait3A_314 = arith.constant 0 : i32
      %dma_wait3A_315 = arith.constant 0 : i32
      %dma_wait3A_316 = tpu.memref_slice %arg12[%dma_wait3A_314, %dma_wait3A_315] : memref<10112x128xf32, #tpu.memory_space<vmem_shared>> -> memref<10112x128xf32, #tpu.memory_space<vmem_shared>>
      tpu.wait_indirect_dma semaphore(%run_scoped3A_304 : memref<!tpu.dma_semaphore, #tpu.memory_space<semaphore_mem>>) src(%arg9 : memref<80x128xf32, #tpu.memory_space<vmem>>) dst(%dma_wait3A_316 : memref<10112x128xf32, #tpu.memory_space<vmem_shared>>)
      tpu.yield
    }) : () -> ()
    %dma_start3A_207 = arith.constant 5040 : i32
    %dma_start3A_208 = tpu.memref_slice %arg7[%dma_start3A_207] : memref<5120xi32, #tpu.memory_space<vmem>> -> memref<80xi32, #tpu.memory_space<vmem>>
    %dma_start3A_209 = arith.constant 0 : i32
    %dma_start3A_210 = arith.constant 0 : i32
    %dma_start3A_211 = tpu.memref_slice %arg2[%dma_start3A_209, %dma_start3A_210] : memref<40000x128xf32, #tpu.memory_space<hbm>> -> memref<40000x128xf32, #tpu.memory_space<hbm>>
    tpu.enqueue_indirect_dma source(%dma_start3A_211 : memref<40000x128xf32, #tpu.memory_space<hbm>>) target(%arg9 : memref<80x128xf32, #tpu.memory_space<vmem>>) offsets(%dma_start3A_208 : memref<80xi32, #tpu.memory_space<vmem>>) semaphore(%arg13 : memref<!tpu.dma_semaphore, #tpu.memory_space<semaphore_mem>>)
    %dma_wait3A_212 = arith.constant 4880 : i32
    %dma_wait3A_213 = tpu.memref_slice %arg7[%dma_wait3A_212] : memref<5120xi32, #tpu.memory_space<vmem>> -> memref<80xi32, #tpu.memory_space<vmem>>
    %dma_wait3A_214 = arith.constant 0 : i32
    %dma_wait3A_215 = arith.constant 0 : i32
    %dma_wait3A_216 = tpu.memref_slice %arg2[%dma_wait3A_214, %dma_wait3A_215] : memref<40000x128xf32, #tpu.memory_space<hbm>> -> memref<40000x128xf32, #tpu.memory_space<hbm>>
    tpu.wait_indirect_dma semaphore(%arg14 : memref<!tpu.dma_semaphore, #tpu.memory_space<semaphore_mem>>) src(%dma_wait3A_216 : memref<40000x128xf32, #tpu.memory_space<hbm>>) dst(%arg10 : memref<80x128xf32, #tpu.memory_space<vmem>>)
    %run_scoped3A_217 = arith.constant 61 : i32
    "tpu.region"() ({
      %run_scoped3A_304 = tpu.sem_alloc : memref<!tpu.dma_semaphore, #tpu.memory_space<semaphore_mem>>
      %dma_start3A_305 = arith.constant 0 : i32
      %dma_start3A_306 = tpu.memref_slice %arg8[%run_scoped3A_217, %dma_start3A_305] : memref<64x80xi32, #tpu.memory_space<vmem>> -> memref<1x80xi32, #tpu.memory_space<vmem>>
      %dma_start3A_307 = tpu.memref_squeeze %dma_start3A_306 : memref<1x80xi32, #tpu.memory_space<vmem>> -> memref<80xi32, #tpu.memory_space<vmem>>
      %dma_start3A_308 = arith.constant 0 : i32
      %dma_start3A_309 = arith.constant 0 : i32
      %dma_start3A_310 = tpu.memref_slice %arg12[%dma_start3A_308, %dma_start3A_309] : memref<10112x128xf32, #tpu.memory_space<vmem_shared>> -> memref<10112x128xf32, #tpu.memory_space<vmem_shared>>
      tpu.enqueue_indirect_dma source(%arg10 : memref<80x128xf32, #tpu.memory_space<vmem>>) target(%dma_start3A_310 : memref<10112x128xf32, #tpu.memory_space<vmem_shared>>) offsets(%dma_start3A_307 : memref<80xi32, #tpu.memory_space<vmem>>) semaphore(%run_scoped3A_304 : memref<!tpu.dma_semaphore, #tpu.memory_space<semaphore_mem>>) {add = true}
      %dma_wait3A_311 = arith.constant 0 : i32
      %dma_wait3A_312 = tpu.memref_slice %arg8[%run_scoped3A_217, %dma_wait3A_311] : memref<64x80xi32, #tpu.memory_space<vmem>> -> memref<1x80xi32, #tpu.memory_space<vmem>>
      %dma_wait3A_313 = tpu.memref_squeeze %dma_wait3A_312 : memref<1x80xi32, #tpu.memory_space<vmem>> -> memref<80xi32, #tpu.memory_space<vmem>>
      %dma_wait3A_314 = arith.constant 0 : i32
      %dma_wait3A_315 = arith.constant 0 : i32
      %dma_wait3A_316 = tpu.memref_slice %arg12[%dma_wait3A_314, %dma_wait3A_315] : memref<10112x128xf32, #tpu.memory_space<vmem_shared>> -> memref<10112x128xf32, #tpu.memory_space<vmem_shared>>
      tpu.wait_indirect_dma semaphore(%run_scoped3A_304 : memref<!tpu.dma_semaphore, #tpu.memory_space<semaphore_mem>>) src(%arg10 : memref<80x128xf32, #tpu.memory_space<vmem>>) dst(%dma_wait3A_316 : memref<10112x128xf32, #tpu.memory_space<vmem_shared>>)
      tpu.yield
    }) : () -> ()
    %dma_wait3A_218 = arith.constant 4960 : i32
    %dma_wait3A_219 = tpu.memref_slice %arg7[%dma_wait3A_218] : memref<5120xi32, #tpu.memory_space<vmem>> -> memref<80xi32, #tpu.memory_space<vmem>>
    %dma_wait3A_220 = arith.constant 0 : i32
    %dma_wait3A_221 = arith.constant 0 : i32
    %dma_wait3A_222 = tpu.memref_slice %arg2[%dma_wait3A_220, %dma_wait3A_221] : memref<40000x128xf32, #tpu.memory_space<hbm>> -> memref<40000x128xf32, #tpu.memory_space<hbm>>
    tpu.wait_indirect_dma semaphore(%arg15 : memref<!tpu.dma_semaphore, #tpu.memory_space<semaphore_mem>>) src(%dma_wait3A_222 : memref<40000x128xf32, #tpu.memory_space<hbm>>) dst(%arg11 : memref<80x128xf32, #tpu.memory_space<vmem>>)
    %run_scoped3A_223 = arith.constant 62 : i32
    "tpu.region"() ({
      %run_scoped3A_304 = tpu.sem_alloc : memref<!tpu.dma_semaphore, #tpu.memory_space<semaphore_mem>>
      %dma_start3A_305 = arith.constant 0 : i32
      %dma_start3A_306 = tpu.memref_slice %arg8[%run_scoped3A_223, %dma_start3A_305] : memref<64x80xi32, #tpu.memory_space<vmem>> -> memref<1x80xi32, #tpu.memory_space<vmem>>
      %dma_start3A_307 = tpu.memref_squeeze %dma_start3A_306 : memref<1x80xi32, #tpu.memory_space<vmem>> -> memref<80xi32, #tpu.memory_space<vmem>>
      %dma_start3A_308 = arith.constant 0 : i32
      %dma_start3A_309 = arith.constant 0 : i32
      %dma_start3A_310 = tpu.memref_slice %arg12[%dma_start3A_308, %dma_start3A_309] : memref<10112x128xf32, #tpu.memory_space<vmem_shared>> -> memref<10112x128xf32, #tpu.memory_space<vmem_shared>>
      tpu.enqueue_indirect_dma source(%arg11 : memref<80x128xf32, #tpu.memory_space<vmem>>) target(%dma_start3A_310 : memref<10112x128xf32, #tpu.memory_space<vmem_shared>>) offsets(%dma_start3A_307 : memref<80xi32, #tpu.memory_space<vmem>>) semaphore(%run_scoped3A_304 : memref<!tpu.dma_semaphore, #tpu.memory_space<semaphore_mem>>) {add = true}
      %dma_wait3A_311 = arith.constant 0 : i32
      %dma_wait3A_312 = tpu.memref_slice %arg8[%run_scoped3A_223, %dma_wait3A_311] : memref<64x80xi32, #tpu.memory_space<vmem>> -> memref<1x80xi32, #tpu.memory_space<vmem>>
      %dma_wait3A_313 = tpu.memref_squeeze %dma_wait3A_312 : memref<1x80xi32, #tpu.memory_space<vmem>> -> memref<80xi32, #tpu.memory_space<vmem>>
      %dma_wait3A_314 = arith.constant 0 : i32
      %dma_wait3A_315 = arith.constant 0 : i32
      %dma_wait3A_316 = tpu.memref_slice %arg12[%dma_wait3A_314, %dma_wait3A_315] : memref<10112x128xf32, #tpu.memory_space<vmem_shared>> -> memref<10112x128xf32, #tpu.memory_space<vmem_shared>>
      tpu.wait_indirect_dma semaphore(%run_scoped3A_304 : memref<!tpu.dma_semaphore, #tpu.memory_space<semaphore_mem>>) src(%arg11 : memref<80x128xf32, #tpu.memory_space<vmem>>) dst(%dma_wait3A_316 : memref<10112x128xf32, #tpu.memory_space<vmem_shared>>)
      tpu.yield
    }) : () -> ()
    %dma_wait3A_224 = arith.constant 5040 : i32
    %dma_wait3A_225 = tpu.memref_slice %arg7[%dma_wait3A_224] : memref<5120xi32, #tpu.memory_space<vmem>> -> memref<80xi32, #tpu.memory_space<vmem>>
    %dma_wait3A_226 = arith.constant 0 : i32
    %dma_wait3A_227 = arith.constant 0 : i32
    %dma_wait3A_228 = tpu.memref_slice %arg2[%dma_wait3A_226, %dma_wait3A_227] : memref<40000x128xf32, #tpu.memory_space<hbm>> -> memref<40000x128xf32, #tpu.memory_space<hbm>>
    tpu.wait_indirect_dma semaphore(%arg13 : memref<!tpu.dma_semaphore, #tpu.memory_space<semaphore_mem>>) src(%dma_wait3A_228 : memref<40000x128xf32, #tpu.memory_space<hbm>>) dst(%arg9 : memref<80x128xf32, #tpu.memory_space<vmem>>)
    %run_scoped3A_229 = arith.constant 63 : i32
    "tpu.region"() ({
      %run_scoped3A_304 = tpu.sem_alloc : memref<!tpu.dma_semaphore, #tpu.memory_space<semaphore_mem>>
      %dma_start3A_305 = arith.constant 0 : i32
      %dma_start3A_306 = tpu.memref_slice %arg8[%run_scoped3A_229, %dma_start3A_305] : memref<64x80xi32, #tpu.memory_space<vmem>> -> memref<1x80xi32, #tpu.memory_space<vmem>>
      %dma_start3A_307 = tpu.memref_squeeze %dma_start3A_306 : memref<1x80xi32, #tpu.memory_space<vmem>> -> memref<80xi32, #tpu.memory_space<vmem>>
      %dma_start3A_308 = arith.constant 0 : i32
      %dma_start3A_309 = arith.constant 0 : i32
      %dma_start3A_310 = tpu.memref_slice %arg12[%dma_start3A_308, %dma_start3A_309] : memref<10112x128xf32, #tpu.memory_space<vmem_shared>> -> memref<10112x128xf32, #tpu.memory_space<vmem_shared>>
      tpu.enqueue_indirect_dma source(%arg9 : memref<80x128xf32, #tpu.memory_space<vmem>>) target(%dma_start3A_310 : memref<10112x128xf32, #tpu.memory_space<vmem_shared>>) offsets(%dma_start3A_307 : memref<80xi32, #tpu.memory_space<vmem>>) semaphore(%run_scoped3A_304 : memref<!tpu.dma_semaphore, #tpu.memory_space<semaphore_mem>>) {add = true}
      %dma_wait3A_311 = arith.constant 0 : i32
      %dma_wait3A_312 = tpu.memref_slice %arg8[%run_scoped3A_229, %dma_wait3A_311] : memref<64x80xi32, #tpu.memory_space<vmem>> -> memref<1x80xi32, #tpu.memory_space<vmem>>
      %dma_wait3A_313 = tpu.memref_squeeze %dma_wait3A_312 : memref<1x80xi32, #tpu.memory_space<vmem>> -> memref<80xi32, #tpu.memory_space<vmem>>
      %dma_wait3A_314 = arith.constant 0 : i32
      %dma_wait3A_315 = arith.constant 0 : i32
      %dma_wait3A_316 = tpu.memref_slice %arg12[%dma_wait3A_314, %dma_wait3A_315] : memref<10112x128xf32, #tpu.memory_space<vmem_shared>> -> memref<10112x128xf32, #tpu.memory_space<vmem_shared>>
      tpu.wait_indirect_dma semaphore(%run_scoped3A_304 : memref<!tpu.dma_semaphore, #tpu.memory_space<semaphore_mem>>) src(%arg9 : memref<80x128xf32, #tpu.memory_space<vmem>>) dst(%dma_wait3A_316 : memref<10112x128xf32, #tpu.memory_space<vmem_shared>>)
      tpu.yield
    }) : () -> ()
    %add3A_230 = arith.constant 2 : i32
    %add3A_231 = arith.addi %add3A_230, %arg0 : i32
    %mul3A_232 = arith.constant 163840 : i32
    %mul3A_233 = arith.muli %add3A_231, %mul3A_232 : i32
    %mul3A_234 = arith.constant 10240 : i32
    %mul3A_235 = arith.muli %arg1, %mul3A_234 : i32
    %add3A_236 = arith.addi %mul3A_233, %mul3A_235 : i32
    %add3A_237 = arith.constant 5120 : i32
    %add3A_238 = arith.addi %add3A_236, %add3A_237 : i32
    "tpu.region"() ({
      %run_scoped3A_304 = tpu.sem_alloc : memref<!tpu.dma_semaphore, #tpu.memory_space<semaphore_mem>>
      %dma_start3A_305 = tpu.memref_slice %arg3[%add3A_238] : memref<655360xi32, #tpu.memory_space<hbm>> -> memref<5120xi32, #tpu.memory_space<hbm>>
      %dma_start3A_306 = tpu.memref_slice %arg3[%add3A_238] : memref<655360xi32, #tpu.memory_space<hbm>> -> memref<5120xi32, #tpu.memory_space<hbm>>
      tpu.enqueue_dma source(%dma_start3A_306 : memref<5120xi32, #tpu.memory_space<hbm>>) target(%arg7 : memref<5120xi32, #tpu.memory_space<vmem>>) target_semaphore(%run_scoped3A_304 : memref<!tpu.dma_semaphore, #tpu.memory_space<semaphore_mem>>)
      %dma_wait3A_307 = tpu.memref_slice %arg3[%add3A_238] : memref<655360xi32, #tpu.memory_space<hbm>> -> memref<5120xi32, #tpu.memory_space<hbm>>
      %dma_wait3A_308 = tpu.memref_slice %arg3[%add3A_238] : memref<655360xi32, #tpu.memory_space<hbm>> -> memref<5120xi32, #tpu.memory_space<hbm>>
      tpu.wait_dma2 semaphore(%run_scoped3A_304 : memref<!tpu.dma_semaphore, #tpu.memory_space<semaphore_mem>>) src(%dma_wait3A_308 : memref<5120xi32, #tpu.memory_space<hbm>>) dst(%arg7 : memref<5120xi32, #tpu.memory_space<vmem>>)
      tpu.yield
    }) : () -> ()
    %run_scoped3A_239 = arith.constant 1 : i32
    "tpu.region"() ({
      %run_scoped3A_304 = tpu.sem_alloc : memref<!tpu.dma_semaphore, #tpu.memory_space<semaphore_mem>>
      %dma_start3A_305 = arith.constant 64 : i32
      %dma_start3A_306 = arith.constant 0 : i32
      %dma_start3A_307 = tpu.memref_slice %arg4[%run_scoped3A_239, %arg1, %dma_start3A_305, %dma_start3A_306] : memref<2x16x128x80xi32, #tpu.memory_space<hbm>> -> memref<1x1x64x80xi32, #tpu.memory_space<hbm>>
      %dma_start3A_308 = tpu.memref_squeeze %dma_start3A_307 : memref<1x1x64x80xi32, #tpu.memory_space<hbm>> -> memref<64x80xi32, #tpu.memory_space<hbm>>
      %dma_start3A_309 = arith.constant 64 : i32
      %dma_start3A_310 = arith.constant 0 : i32
      %dma_start3A_311 = tpu.memref_slice %arg4[%run_scoped3A_239, %arg1, %dma_start3A_309, %dma_start3A_310] : memref<2x16x128x80xi32, #tpu.memory_space<hbm>> -> memref<1x1x64x80xi32, #tpu.memory_space<hbm>>
      %dma_start3A_312 = tpu.memref_squeeze %dma_start3A_311 : memref<1x1x64x80xi32, #tpu.memory_space<hbm>> -> memref<64x80xi32, #tpu.memory_space<hbm>>
      tpu.enqueue_dma source(%dma_start3A_312 : memref<64x80xi32, #tpu.memory_space<hbm>>) target(%arg8 : memref<64x80xi32, #tpu.memory_space<vmem>>) target_semaphore(%run_scoped3A_304 : memref<!tpu.dma_semaphore, #tpu.memory_space<semaphore_mem>>)
      %dma_wait3A_313 = arith.constant 64 : i32
      %dma_wait3A_314 = arith.constant 0 : i32
      %dma_wait3A_315 = tpu.memref_slice %arg4[%run_scoped3A_239, %arg1, %dma_wait3A_313, %dma_wait3A_314] : memref<2x16x128x80xi32, #tpu.memory_space<hbm>> -> memref<1x1x64x80xi32, #tpu.memory_space<hbm>>
      %dma_wait3A_316 = tpu.memref_squeeze %dma_wait3A_315 : memref<1x1x64x80xi32, #tpu.memory_space<hbm>> -> memref<64x80xi32, #tpu.memory_space<hbm>>
      %dma_wait3A_317 = arith.constant 64 : i32
      %dma_wait3A_318 = arith.constant 0 : i32
      %dma_wait3A_319 = tpu.memref_slice %arg4[%run_scoped3A_239, %arg1, %dma_wait3A_317, %dma_wait3A_318] : memref<2x16x128x80xi32, #tpu.memory_space<hbm>> -> memref<1x1x64x80xi32, #tpu.memory_space<hbm>>
      %dma_wait3A_320 = tpu.memref_squeeze %dma_wait3A_319 : memref<1x1x64x80xi32, #tpu.memory_space<hbm>> -> memref<64x80xi32, #tpu.memory_space<hbm>>
      tpu.wait_dma2 semaphore(%run_scoped3A_304 : memref<!tpu.dma_semaphore, #tpu.memory_space<semaphore_mem>>) src(%dma_wait3A_320 : memref<64x80xi32, #tpu.memory_space<hbm>>) dst(%arg8 : memref<64x80xi32, #tpu.memory_space<vmem>>)
      tpu.yield
    }) : () -> ()
    %dma_start3A_240 = arith.constant 0 : i32
    %dma_start3A_241 = tpu.memref_slice %arg7[%dma_start3A_240] : memref<5120xi32, #tpu.memory_space<vmem>> -> memref<80xi32, #tpu.memory_space<vmem>>
    %dma_start3A_242 = arith.constant 0 : i32
    %dma_start3A_243 = arith.constant 0 : i32
    %dma_start3A_244 = tpu.memref_slice %arg2[%dma_start3A_242, %dma_start3A_243] : memref<40000x128xf32, #tpu.memory_space<hbm>> -> memref<40000x128xf32, #tpu.memory_space<hbm>>
    tpu.enqueue_indirect_dma source(%dma_start3A_244 : memref<40000x128xf32, #tpu.memory_space<hbm>>) target(%arg9 : memref<80x128xf32, #tpu.memory_space<vmem>>) offsets(%dma_start3A_241 : memref<80xi32, #tpu.memory_space<vmem>>) semaphore(%arg13 : memref<!tpu.dma_semaphore, #tpu.memory_space<semaphore_mem>>)
    %dma_start3A_245 = arith.constant 80 : i32
    %dma_start3A_246 = tpu.memref_slice %arg7[%dma_start3A_245] : memref<5120xi32, #tpu.memory_space<vmem>> -> memref<80xi32, #tpu.memory_space<vmem>>
    %dma_start3A_247 = arith.constant 0 : i32
    %dma_start3A_248 = arith.constant 0 : i32
    %dma_start3A_249 = tpu.memref_slice %arg2[%dma_start3A_247, %dma_start3A_248] : memref<40000x128xf32, #tpu.memory_space<hbm>> -> memref<40000x128xf32, #tpu.memory_space<hbm>>
    tpu.enqueue_indirect_dma source(%dma_start3A_249 : memref<40000x128xf32, #tpu.memory_space<hbm>>) target(%arg10 : memref<80x128xf32, #tpu.memory_space<vmem>>) offsets(%dma_start3A_246 : memref<80xi32, #tpu.memory_space<vmem>>) semaphore(%arg14 : memref<!tpu.dma_semaphore, #tpu.memory_space<semaphore_mem>>)
    %dma_start3A_250 = arith.constant 160 : i32
    %dma_start3A_251 = tpu.memref_slice %arg7[%dma_start3A_250] : memref<5120xi32, #tpu.memory_space<vmem>> -> memref<80xi32, #tpu.memory_space<vmem>>
    %dma_start3A_252 = arith.constant 0 : i32
    %dma_start3A_253 = arith.constant 0 : i32
    %dma_start3A_254 = tpu.memref_slice %arg2[%dma_start3A_252, %dma_start3A_253] : memref<40000x128xf32, #tpu.memory_space<hbm>> -> memref<40000x128xf32, #tpu.memory_space<hbm>>
    tpu.enqueue_indirect_dma source(%dma_start3A_254 : memref<40000x128xf32, #tpu.memory_space<hbm>>) target(%arg11 : memref<80x128xf32, #tpu.memory_space<vmem>>) offsets(%dma_start3A_251 : memref<80xi32, #tpu.memory_space<vmem>>) semaphore(%arg15 : memref<!tpu.dma_semaphore, #tpu.memory_space<semaphore_mem>>)
    %scan3A_255 = arith.constant 0 : i32
    %scan3A_256 = arith.constant 0 : i32
    %scan3A_257 = arith.constant 20 : i32
    %scan3A_258 = arith.addi %scan3A_256, %scan3A_257 : i32
    %scan3A_259 = arith.constant 1 : i32
    %scan3A_260 = scf.for %scan3A_304 = %scan3A_256 to %scan3A_258 step %scan3A_259 iter_args(%scan3A_305 = %scan3A_255) -> (i32)  : i32 {
      %mul3A_306 = arith.constant 3 : i32
      %mul3A_307 = arith.muli %mul3A_306, %scan3A_304 : i32
      %add3A_308 = arith.constant 0 : i32
      %add3A_309 = arith.addi %mul3A_307, %add3A_308 : i32
      %mul3A_310 = arith.constant 80 : i32
      %mul3A_311 = arith.muli %add3A_309, %mul3A_310 : i32
      %dma_wait3A_312 = tpu.memref_slice %arg7[%mul3A_311] : memref<5120xi32, #tpu.memory_space<vmem>> -> memref<80xi32, #tpu.memory_space<vmem>>
      %dma_wait3A_313 = arith.constant 0 : i32
      %dma_wait3A_314 = arith.constant 0 : i32
      %dma_wait3A_315 = tpu.memref_slice %arg2[%dma_wait3A_313, %dma_wait3A_314] : memref<40000x128xf32, #tpu.memory_space<hbm>> -> memref<40000x128xf32, #tpu.memory_space<hbm>>
      tpu.wait_indirect_dma semaphore(%arg13 : memref<!tpu.dma_semaphore, #tpu.memory_space<semaphore_mem>>) src(%dma_wait3A_315 : memref<40000x128xf32, #tpu.memory_space<hbm>>) dst(%arg9 : memref<80x128xf32, #tpu.memory_space<vmem>>)
      %add3A_316 = arith.constant 0 : i32
      %add3A_317 = arith.addi %mul3A_307, %add3A_316 : i32
      "tpu.region"() ({
        %run_scoped3A_369 = tpu.sem_alloc : memref<!tpu.dma_semaphore, #tpu.memory_space<semaphore_mem>>
        %dma_start3A_370 = arith.constant 0 : i32
        %dma_start3A_371 = tpu.memref_slice %arg8[%add3A_317, %dma_start3A_370] : memref<64x80xi32, #tpu.memory_space<vmem>> -> memref<1x80xi32, #tpu.memory_space<vmem>>
        %dma_start3A_372 = tpu.memref_squeeze %dma_start3A_371 : memref<1x80xi32, #tpu.memory_space<vmem>> -> memref<80xi32, #tpu.memory_space<vmem>>
        %dma_start3A_373 = arith.constant 0 : i32
        %dma_start3A_374 = arith.constant 0 : i32
        %dma_start3A_375 = tpu.memref_slice %arg12[%dma_start3A_373, %dma_start3A_374] : memref<10112x128xf32, #tpu.memory_space<vmem_shared>> -> memref<10112x128xf32, #tpu.memory_space<vmem_shared>>
        tpu.enqueue_indirect_dma source(%arg9 : memref<80x128xf32, #tpu.memory_space<vmem>>) target(%dma_start3A_375 : memref<10112x128xf32, #tpu.memory_space<vmem_shared>>) offsets(%dma_start3A_372 : memref<80xi32, #tpu.memory_space<vmem>>) semaphore(%run_scoped3A_369 : memref<!tpu.dma_semaphore, #tpu.memory_space<semaphore_mem>>) {add = true}
        %dma_wait3A_376 = arith.constant 0 : i32
        %dma_wait3A_377 = tpu.memref_slice %arg8[%add3A_317, %dma_wait3A_376] : memref<64x80xi32, #tpu.memory_space<vmem>> -> memref<1x80xi32, #tpu.memory_space<vmem>>
        %dma_wait3A_378 = tpu.memref_squeeze %dma_wait3A_377 : memref<1x80xi32, #tpu.memory_space<vmem>> -> memref<80xi32, #tpu.memory_space<vmem>>
        %dma_wait3A_379 = arith.constant 0 : i32
        %dma_wait3A_380 = arith.constant 0 : i32
        %dma_wait3A_381 = tpu.memref_slice %arg12[%dma_wait3A_379, %dma_wait3A_380] : memref<10112x128xf32, #tpu.memory_space<vmem_shared>> -> memref<10112x128xf32, #tpu.memory_space<vmem_shared>>
        tpu.wait_indirect_dma semaphore(%run_scoped3A_369 : memref<!tpu.dma_semaphore, #tpu.memory_space<semaphore_mem>>) src(%arg9 : memref<80x128xf32, #tpu.memory_space<vmem>>) dst(%dma_wait3A_381 : memref<10112x128xf32, #tpu.memory_space<vmem_shared>>)
        tpu.yield
      }) : () -> ()
      %add3A_318 = arith.constant 3 : i32
      %add3A_319 = arith.addi %mul3A_307, %add3A_318 : i32
      %add3A_320 = arith.constant 0 : i32
      %add3A_321 = arith.addi %add3A_319, %add3A_320 : i32
      %mul3A_322 = arith.constant 80 : i32
      %mul3A_323 = arith.muli %add3A_321, %mul3A_322 : i32
      %dma_start3A_324 = tpu.memref_slice %arg7[%mul3A_323] : memref<5120xi32, #tpu.memory_space<vmem>> -> memref<80xi32, #tpu.memory_space<vmem>>
      %dma_start3A_325 = arith.constant 0 : i32
      %dma_start3A_326 = arith.constant 0 : i32
      %dma_start3A_327 = tpu.memref_slice %arg2[%dma_start3A_325, %dma_start3A_326] : memref<40000x128xf32, #tpu.memory_space<hbm>> -> memref<40000x128xf32, #tpu.memory_space<hbm>>
      tpu.enqueue_indirect_dma source(%dma_start3A_327 : memref<40000x128xf32, #tpu.memory_space<hbm>>) target(%arg9 : memref<80x128xf32, #tpu.memory_space<vmem>>) offsets(%dma_start3A_324 : memref<80xi32, #tpu.memory_space<vmem>>) semaphore(%arg13 : memref<!tpu.dma_semaphore, #tpu.memory_space<semaphore_mem>>)
      %add3A_328 = arith.constant 1 : i32
      %add3A_329 = arith.addi %mul3A_307, %add3A_328 : i32
      %mul3A_330 = arith.constant 80 : i32
      %mul3A_331 = arith.muli %add3A_329, %mul3A_330 : i32
      %dma_wait3A_332 = tpu.memref_slice %arg7[%mul3A_331] : memref<5120xi32, #tpu.memory_space<vmem>> -> memref<80xi32, #tpu.memory_space<vmem>>
      %dma_wait3A_333 = arith.constant 0 : i32
      %dma_wait3A_334 = arith.constant 0 : i32
      %dma_wait3A_335 = tpu.memref_slice %arg2[%dma_wait3A_333, %dma_wait3A_334] : memref<40000x128xf32, #tpu.memory_space<hbm>> -> memref<40000x128xf32, #tpu.memory_space<hbm>>
      tpu.wait_indirect_dma semaphore(%arg14 : memref<!tpu.dma_semaphore, #tpu.memory_space<semaphore_mem>>) src(%dma_wait3A_335 : memref<40000x128xf32, #tpu.memory_space<hbm>>) dst(%arg10 : memref<80x128xf32, #tpu.memory_space<vmem>>)
      %add3A_336 = arith.constant 1 : i32
      %add3A_337 = arith.addi %mul3A_307, %add3A_336 : i32
      "tpu.region"() ({
        %run_scoped3A_369 = tpu.sem_alloc : memref<!tpu.dma_semaphore, #tpu.memory_space<semaphore_mem>>
        %dma_start3A_370 = arith.constant 0 : i32
        %dma_start3A_371 = tpu.memref_slice %arg8[%add3A_337, %dma_start3A_370] : memref<64x80xi32, #tpu.memory_space<vmem>> -> memref<1x80xi32, #tpu.memory_space<vmem>>
        %dma_start3A_372 = tpu.memref_squeeze %dma_start3A_371 : memref<1x80xi32, #tpu.memory_space<vmem>> -> memref<80xi32, #tpu.memory_space<vmem>>
        %dma_start3A_373 = arith.constant 0 : i32
        %dma_start3A_374 = arith.constant 0 : i32
        %dma_start3A_375 = tpu.memref_slice %arg12[%dma_start3A_373, %dma_start3A_374] : memref<10112x128xf32, #tpu.memory_space<vmem_shared>> -> memref<10112x128xf32, #tpu.memory_space<vmem_shared>>
        tpu.enqueue_indirect_dma source(%arg10 : memref<80x128xf32, #tpu.memory_space<vmem>>) target(%dma_start3A_375 : memref<10112x128xf32, #tpu.memory_space<vmem_shared>>) offsets(%dma_start3A_372 : memref<80xi32, #tpu.memory_space<vmem>>) semaphore(%run_scoped3A_369 : memref<!tpu.dma_semaphore, #tpu.memory_space<semaphore_mem>>) {add = true}
        %dma_wait3A_376 = arith.constant 0 : i32
        %dma_wait3A_377 = tpu.memref_slice %arg8[%add3A_337, %dma_wait3A_376] : memref<64x80xi32, #tpu.memory_space<vmem>> -> memref<1x80xi32, #tpu.memory_space<vmem>>
        %dma_wait3A_378 = tpu.memref_squeeze %dma_wait3A_377 : memref<1x80xi32, #tpu.memory_space<vmem>> -> memref<80xi32, #tpu.memory_space<vmem>>
        %dma_wait3A_379 = arith.constant 0 : i32
        %dma_wait3A_380 = arith.constant 0 : i32
        %dma_wait3A_381 = tpu.memref_slice %arg12[%dma_wait3A_379, %dma_wait3A_380] : memref<10112x128xf32, #tpu.memory_space<vmem_shared>> -> memref<10112x128xf32, #tpu.memory_space<vmem_shared>>
        tpu.wait_indirect_dma semaphore(%run_scoped3A_369 : memref<!tpu.dma_semaphore, #tpu.memory_space<semaphore_mem>>) src(%arg10 : memref<80x128xf32, #tpu.memory_space<vmem>>) dst(%dma_wait3A_381 : memref<10112x128xf32, #tpu.memory_space<vmem_shared>>)
        tpu.yield
      }) : () -> ()
      %add3A_338 = arith.constant 3 : i32
      %add3A_339 = arith.addi %mul3A_307, %add3A_338 : i32
      %add3A_340 = arith.constant 1 : i32
      %add3A_341 = arith.addi %add3A_339, %add3A_340 : i32
      %mul3A_342 = arith.constant 80 : i32
      %mul3A_343 = arith.muli %add3A_341, %mul3A_342 : i32
      %dma_start3A_344 = tpu.memref_slice %arg7[%mul3A_343] : memref<5120xi32, #tpu.memory_space<vmem>> -> memref<80xi32, #tpu.memory_space<vmem>>
      %dma_start3A_345 = arith.constant 0 : i32
      %dma_start3A_346 = arith.constant 0 : i32
      %dma_start3A_347 = tpu.memref_slice %arg2[%dma_start3A_345, %dma_start3A_346] : memref<40000x128xf32, #tpu.memory_space<hbm>> -> memref<40000x128xf32, #tpu.memory_space<hbm>>
      tpu.enqueue_indirect_dma source(%dma_start3A_347 : memref<40000x128xf32, #tpu.memory_space<hbm>>) target(%arg10 : memref<80x128xf32, #tpu.memory_space<vmem>>) offsets(%dma_start3A_344 : memref<80xi32, #tpu.memory_space<vmem>>) semaphore(%arg14 : memref<!tpu.dma_semaphore, #tpu.memory_space<semaphore_mem>>)
      %add3A_348 = arith.constant 2 : i32
      %add3A_349 = arith.addi %mul3A_307, %add3A_348 : i32
      %mul3A_350 = arith.constant 80 : i32
      %mul3A_351 = arith.muli %add3A_349, %mul3A_350 : i32
      %dma_wait3A_352 = tpu.memref_slice %arg7[%mul3A_351] : memref<5120xi32, #tpu.memory_space<vmem>> -> memref<80xi32, #tpu.memory_space<vmem>>
      %dma_wait3A_353 = arith.constant 0 : i32
      %dma_wait3A_354 = arith.constant 0 : i32
      %dma_wait3A_355 = tpu.memref_slice %arg2[%dma_wait3A_353, %dma_wait3A_354] : memref<40000x128xf32, #tpu.memory_space<hbm>> -> memref<40000x128xf32, #tpu.memory_space<hbm>>
      tpu.wait_indirect_dma semaphore(%arg15 : memref<!tpu.dma_semaphore, #tpu.memory_space<semaphore_mem>>) src(%dma_wait3A_355 : memref<40000x128xf32, #tpu.memory_space<hbm>>) dst(%arg11 : memref<80x128xf32, #tpu.memory_space<vmem>>)
      %add3A_356 = arith.constant 2 : i32
      %add3A_357 = arith.addi %mul3A_307, %add3A_356 : i32
      "tpu.region"() ({
        %run_scoped3A_369 = tpu.sem_alloc : memref<!tpu.dma_semaphore, #tpu.memory_space<semaphore_mem>>
        %dma_start3A_370 = arith.constant 0 : i32
        %dma_start3A_371 = tpu.memref_slice %arg8[%add3A_357, %dma_start3A_370] : memref<64x80xi32, #tpu.memory_space<vmem>> -> memref<1x80xi32, #tpu.memory_space<vmem>>
        %dma_start3A_372 = tpu.memref_squeeze %dma_start3A_371 : memref<1x80xi32, #tpu.memory_space<vmem>> -> memref<80xi32, #tpu.memory_space<vmem>>
        %dma_start3A_373 = arith.constant 0 : i32
        %dma_start3A_374 = arith.constant 0 : i32
        %dma_start3A_375 = tpu.memref_slice %arg12[%dma_start3A_373, %dma_start3A_374] : memref<10112x128xf32, #tpu.memory_space<vmem_shared>> -> memref<10112x128xf32, #tpu.memory_space<vmem_shared>>
        tpu.enqueue_indirect_dma source(%arg11 : memref<80x128xf32, #tpu.memory_space<vmem>>) target(%dma_start3A_375 : memref<10112x128xf32, #tpu.memory_space<vmem_shared>>) offsets(%dma_start3A_372 : memref<80xi32, #tpu.memory_space<vmem>>) semaphore(%run_scoped3A_369 : memref<!tpu.dma_semaphore, #tpu.memory_space<semaphore_mem>>) {add = true}
        %dma_wait3A_376 = arith.constant 0 : i32
        %dma_wait3A_377 = tpu.memref_slice %arg8[%add3A_357, %dma_wait3A_376] : memref<64x80xi32, #tpu.memory_space<vmem>> -> memref<1x80xi32, #tpu.memory_space<vmem>>
        %dma_wait3A_378 = tpu.memref_squeeze %dma_wait3A_377 : memref<1x80xi32, #tpu.memory_space<vmem>> -> memref<80xi32, #tpu.memory_space<vmem>>
        %dma_wait3A_379 = arith.constant 0 : i32
        %dma_wait3A_380 = arith.constant 0 : i32
        %dma_wait3A_381 = tpu.memref_slice %arg12[%dma_wait3A_379, %dma_wait3A_380] : memref<10112x128xf32, #tpu.memory_space<vmem_shared>> -> memref<10112x128xf32, #tpu.memory_space<vmem_shared>>
        tpu.wait_indirect_dma semaphore(%run_scoped3A_369 : memref<!tpu.dma_semaphore, #tpu.memory_space<semaphore_mem>>) src(%arg11 : memref<80x128xf32, #tpu.memory_space<vmem>>) dst(%dma_wait3A_381 : memref<10112x128xf32, #tpu.memory_space<vmem_shared>>)
        tpu.yield
      }) : () -> ()
      %add3A_358 = arith.constant 3 : i32
      %add3A_359 = arith.addi %mul3A_307, %add3A_358 : i32
      %add3A_360 = arith.constant 2 : i32
      %add3A_361 = arith.addi %add3A_359, %add3A_360 : i32
      %mul3A_362 = arith.constant 80 : i32
      %mul3A_363 = arith.muli %add3A_361, %mul3A_362 : i32
      %dma_start3A_364 = tpu.memref_slice %arg7[%mul3A_363] : memref<5120xi32, #tpu.memory_space<vmem>> -> memref<80xi32, #tpu.memory_space<vmem>>
      %dma_start3A_365 = arith.constant 0 : i32
      %dma_start3A_366 = arith.constant 0 : i32
      %dma_start3A_367 = tpu.memref_slice %arg2[%dma_start3A_365, %dma_start3A_366] : memref<40000x128xf32, #tpu.memory_space<hbm>> -> memref<40000x128xf32, #tpu.memory_space<hbm>>
      tpu.enqueue_indirect_dma source(%dma_start3A_367 : memref<40000x128xf32, #tpu.memory_space<hbm>>) target(%arg11 : memref<80x128xf32, #tpu.memory_space<vmem>>) offsets(%dma_start3A_364 : memref<80xi32, #tpu.memory_space<vmem>>) semaphore(%arg15 : memref<!tpu.dma_semaphore, #tpu.memory_space<semaphore_mem>>)
      %scan3A_368 = arith.constant 0 : i32
      scf.yield %scan3A_368 : i32
    }
    %scan3A_261 = arith.constant 20 : i32
    %dma_wait3A_262 = arith.constant 4800 : i32
    %dma_wait3A_263 = tpu.memref_slice %arg7[%dma_wait3A_262] : memref<5120xi32, #tpu.memory_space<vmem>> -> memref<80xi32, #tpu.memory_space<vmem>>
    %dma_wait3A_264 = arith.constant 0 : i32
    %dma_wait3A_265 = arith.constant 0 : i32
    %dma_wait3A_266 = tpu.memref_slice %arg2[%dma_wait3A_264, %dma_wait3A_265] : memref<40000x128xf32, #tpu.memory_space<hbm>> -> memref<40000x128xf32, #tpu.memory_space<hbm>>
    tpu.wait_indirect_dma semaphore(%arg13 : memref<!tpu.dma_semaphore, #tpu.memory_space<semaphore_mem>>) src(%dma_wait3A_266 : memref<40000x128xf32, #tpu.memory_space<hbm>>) dst(%arg9 : memref<80x128xf32, #tpu.memory_space<vmem>>)
    %run_scoped3A_267 = arith.constant 60 : i32
    "tpu.region"() ({
      %run_scoped3A_304 = tpu.sem_alloc : memref<!tpu.dma_semaphore, #tpu.memory_space<semaphore_mem>>
      %dma_start3A_305 = arith.constant 0 : i32
      %dma_start3A_306 = tpu.memref_slice %arg8[%run_scoped3A_267, %dma_start3A_305] : memref<64x80xi32, #tpu.memory_space<vmem>> -> memref<1x80xi32, #tpu.memory_space<vmem>>
      %dma_start3A_307 = tpu.memref_squeeze %dma_start3A_306 : memref<1x80xi32, #tpu.memory_space<vmem>> -> memref<80xi32, #tpu.memory_space<vmem>>
      %dma_start3A_308 = arith.constant 0 : i32
      %dma_start3A_309 = arith.constant 0 : i32
      %dma_start3A_310 = tpu.memref_slice %arg12[%dma_start3A_308, %dma_start3A_309] : memref<10112x128xf32, #tpu.memory_space<vmem_shared>> -> memref<10112x128xf32, #tpu.memory_space<vmem_shared>>
      tpu.enqueue_indirect_dma source(%arg9 : memref<80x128xf32, #tpu.memory_space<vmem>>) target(%dma_start3A_310 : memref<10112x128xf32, #tpu.memory_space<vmem_shared>>) offsets(%dma_start3A_307 : memref<80xi32, #tpu.memory_space<vmem>>) semaphore(%run_scoped3A_304 : memref<!tpu.dma_semaphore, #tpu.memory_space<semaphore_mem>>) {add = true}
      %dma_wait3A_311 = arith.constant 0 : i32
      %dma_wait3A_312 = tpu.memref_slice %arg8[%run_scoped3A_267, %dma_wait3A_311] : memref<64x80xi32, #tpu.memory_space<vmem>> -> memref<1x80xi32, #tpu.memory_space<vmem>>
      %dma_wait3A_313 = tpu.memref_squeeze %dma_wait3A_312 : memref<1x80xi32, #tpu.memory_space<vmem>> -> memref<80xi32, #tpu.memory_space<vmem>>
      %dma_wait3A_314 = arith.constant 0 : i32
      %dma_wait3A_315 = arith.constant 0 : i32
      %dma_wait3A_316 = tpu.memref_slice %arg12[%dma_wait3A_314, %dma_wait3A_315] : memref<10112x128xf32, #tpu.memory_space<vmem_shared>> -> memref<10112x128xf32, #tpu.memory_space<vmem_shared>>
      tpu.wait_indirect_dma semaphore(%run_scoped3A_304 : memref<!tpu.dma_semaphore, #tpu.memory_space<semaphore_mem>>) src(%arg9 : memref<80x128xf32, #tpu.memory_space<vmem>>) dst(%dma_wait3A_316 : memref<10112x128xf32, #tpu.memory_space<vmem_shared>>)
      tpu.yield
    }) : () -> ()
    %dma_start3A_268 = arith.constant 5040 : i32
    %dma_start3A_269 = tpu.memref_slice %arg7[%dma_start3A_268] : memref<5120xi32, #tpu.memory_space<vmem>> -> memref<80xi32, #tpu.memory_space<vmem>>
    %dma_start3A_270 = arith.constant 0 : i32
    %dma_start3A_271 = arith.constant 0 : i32
    %dma_start3A_272 = tpu.memref_slice %arg2[%dma_start3A_270, %dma_start3A_271] : memref<40000x128xf32, #tpu.memory_space<hbm>> -> memref<40000x128xf32, #tpu.memory_space<hbm>>
    tpu.enqueue_indirect_dma source(%dma_start3A_272 : memref<40000x128xf32, #tpu.memory_space<hbm>>) target(%arg9 : memref<80x128xf32, #tpu.memory_space<vmem>>) offsets(%dma_start3A_269 : memref<80xi32, #tpu.memory_space<vmem>>) semaphore(%arg13 : memref<!tpu.dma_semaphore, #tpu.memory_space<semaphore_mem>>)
    %dma_wait3A_273 = arith.constant 4880 : i32
    %dma_wait3A_274 = tpu.memref_slice %arg7[%dma_wait3A_273] : memref<5120xi32, #tpu.memory_space<vmem>> -> memref<80xi32, #tpu.memory_space<vmem>>
    %dma_wait3A_275 = arith.constant 0 : i32
    %dma_wait3A_276 = arith.constant 0 : i32
    %dma_wait3A_277 = tpu.memref_slice %arg2[%dma_wait3A_275, %dma_wait3A_276] : memref<40000x128xf32, #tpu.memory_space<hbm>> -> memref<40000x128xf32, #tpu.memory_space<hbm>>
    tpu.wait_indirect_dma semaphore(%arg14 : memref<!tpu.dma_semaphore, #tpu.memory_space<semaphore_mem>>) src(%dma_wait3A_277 : memref<40000x128xf32, #tpu.memory_space<hbm>>) dst(%arg10 : memref<80x128xf32, #tpu.memory_space<vmem>>)
    %run_scoped3A_278 = arith.constant 61 : i32
    "tpu.region"() ({
      %run_scoped3A_304 = tpu.sem_alloc : memref<!tpu.dma_semaphore, #tpu.memory_space<semaphore_mem>>
      %dma_start3A_305 = arith.constant 0 : i32
      %dma_start3A_306 = tpu.memref_slice %arg8[%run_scoped3A_278, %dma_start3A_305] : memref<64x80xi32, #tpu.memory_space<vmem>> -> memref<1x80xi32, #tpu.memory_space<vmem>>
      %dma_start3A_307 = tpu.memref_squeeze %dma_start3A_306 : memref<1x80xi32, #tpu.memory_space<vmem>> -> memref<80xi32, #tpu.memory_space<vmem>>
      %dma_start3A_308 = arith.constant 0 : i32
      %dma_start3A_309 = arith.constant 0 : i32
      %dma_start3A_310 = tpu.memref_slice %arg12[%dma_start3A_308, %dma_start3A_309] : memref<10112x128xf32, #tpu.memory_space<vmem_shared>> -> memref<10112x128xf32, #tpu.memory_space<vmem_shared>>
      tpu.enqueue_indirect_dma source(%arg10 : memref<80x128xf32, #tpu.memory_space<vmem>>) target(%dma_start3A_310 : memref<10112x128xf32, #tpu.memory_space<vmem_shared>>) offsets(%dma_start3A_307 : memref<80xi32, #tpu.memory_space<vmem>>) semaphore(%run_scoped3A_304 : memref<!tpu.dma_semaphore, #tpu.memory_space<semaphore_mem>>) {add = true}
      %dma_wait3A_311 = arith.constant 0 : i32
      %dma_wait3A_312 = tpu.memref_slice %arg8[%run_scoped3A_278, %dma_wait3A_311] : memref<64x80xi32, #tpu.memory_space<vmem>> -> memref<1x80xi32, #tpu.memory_space<vmem>>
      %dma_wait3A_313 = tpu.memref_squeeze %dma_wait3A_312 : memref<1x80xi32, #tpu.memory_space<vmem>> -> memref<80xi32, #tpu.memory_space<vmem>>
      %dma_wait3A_314 = arith.constant 0 : i32
      %dma_wait3A_315 = arith.constant 0 : i32
      %dma_wait3A_316 = tpu.memref_slice %arg12[%dma_wait3A_314, %dma_wait3A_315] : memref<10112x128xf32, #tpu.memory_space<vmem_shared>> -> memref<10112x128xf32, #tpu.memory_space<vmem_shared>>
      tpu.wait_indirect_dma semaphore(%run_scoped3A_304 : memref<!tpu.dma_semaphore, #tpu.memory_space<semaphore_mem>>) src(%arg10 : memref<80x128xf32, #tpu.memory_space<vmem>>) dst(%dma_wait3A_316 : memref<10112x128xf32, #tpu.memory_space<vmem_shared>>)
      tpu.yield
    }) : () -> ()
    %dma_wait3A_279 = arith.constant 4960 : i32
    %dma_wait3A_280 = tpu.memref_slice %arg7[%dma_wait3A_279] : memref<5120xi32, #tpu.memory_space<vmem>> -> memref<80xi32, #tpu.memory_space<vmem>>
    %dma_wait3A_281 = arith.constant 0 : i32
    %dma_wait3A_282 = arith.constant 0 : i32
    %dma_wait3A_283 = tpu.memref_slice %arg2[%dma_wait3A_281, %dma_wait3A_282] : memref<40000x128xf32, #tpu.memory_space<hbm>> -> memref<40000x128xf32, #tpu.memory_space<hbm>>
    tpu.wait_indirect_dma semaphore(%arg15 : memref<!tpu.dma_semaphore, #tpu.memory_space<semaphore_mem>>) src(%dma_wait3A_283 : memref<40000x128xf32, #tpu.memory_space<hbm>>) dst(%arg11 : memref<80x128xf32, #tpu.memory_space<vmem>>)
    %run_scoped3A_284 = arith.constant 62 : i32
    "tpu.region"() ({
      %run_scoped3A_304 = tpu.sem_alloc : memref<!tpu.dma_semaphore, #tpu.memory_space<semaphore_mem>>
      %dma_start3A_305 = arith.constant 0 : i32
      %dma_start3A_306 = tpu.memref_slice %arg8[%run_scoped3A_284, %dma_start3A_305] : memref<64x80xi32, #tpu.memory_space<vmem>> -> memref<1x80xi32, #tpu.memory_space<vmem>>
      %dma_start3A_307 = tpu.memref_squeeze %dma_start3A_306 : memref<1x80xi32, #tpu.memory_space<vmem>> -> memref<80xi32, #tpu.memory_space<vmem>>
      %dma_start3A_308 = arith.constant 0 : i32
      %dma_start3A_309 = arith.constant 0 : i32
      %dma_start3A_310 = tpu.memref_slice %arg12[%dma_start3A_308, %dma_start3A_309] : memref<10112x128xf32, #tpu.memory_space<vmem_shared>> -> memref<10112x128xf32, #tpu.memory_space<vmem_shared>>
      tpu.enqueue_indirect_dma source(%arg11 : memref<80x128xf32, #tpu.memory_space<vmem>>) target(%dma_start3A_310 : memref<10112x128xf32, #tpu.memory_space<vmem_shared>>) offsets(%dma_start3A_307 : memref<80xi32, #tpu.memory_space<vmem>>) semaphore(%run_scoped3A_304 : memref<!tpu.dma_semaphore, #tpu.memory_space<semaphore_mem>>) {add = true}
      %dma_wait3A_311 = arith.constant 0 : i32
      %dma_wait3A_312 = tpu.memref_slice %arg8[%run_scoped3A_284, %dma_wait3A_311] : memref<64x80xi32, #tpu.memory_space<vmem>> -> memref<1x80xi32, #tpu.memory_space<vmem>>
      %dma_wait3A_313 = tpu.memref_squeeze %dma_wait3A_312 : memref<1x80xi32, #tpu.memory_space<vmem>> -> memref<80xi32, #tpu.memory_space<vmem>>
      %dma_wait3A_314 = arith.constant 0 : i32
      %dma_wait3A_315 = arith.constant 0 : i32
      %dma_wait3A_316 = tpu.memref_slice %arg12[%dma_wait3A_314, %dma_wait3A_315] : memref<10112x128xf32, #tpu.memory_space<vmem_shared>> -> memref<10112x128xf32, #tpu.memory_space<vmem_shared>>
      tpu.wait_indirect_dma semaphore(%run_scoped3A_304 : memref<!tpu.dma_semaphore, #tpu.memory_space<semaphore_mem>>) src(%arg11 : memref<80x128xf32, #tpu.memory_space<vmem>>) dst(%dma_wait3A_316 : memref<10112x128xf32, #tpu.memory_space<vmem_shared>>)
      tpu.yield
    }) : () -> ()
    %dma_wait3A_285 = arith.constant 5040 : i32
    %dma_wait3A_286 = tpu.memref_slice %arg7[%dma_wait3A_285] : memref<5120xi32, #tpu.memory_space<vmem>> -> memref<80xi32, #tpu.memory_space<vmem>>
    %dma_wait3A_287 = arith.constant 0 : i32
    %dma_wait3A_288 = arith.constant 0 : i32
    %dma_wait3A_289 = tpu.memref_slice %arg2[%dma_wait3A_287, %dma_wait3A_288] : memref<40000x128xf32, #tpu.memory_space<hbm>> -> memref<40000x128xf32, #tpu.memory_space<hbm>>
    tpu.wait_indirect_dma semaphore(%arg13 : memref<!tpu.dma_semaphore, #tpu.memory_space<semaphore_mem>>) src(%dma_wait3A_289 : memref<40000x128xf32, #tpu.memory_space<hbm>>) dst(%arg9 : memref<80x128xf32, #tpu.memory_space<vmem>>)
    %run_scoped3A_290 = arith.constant 63 : i32
    "tpu.region"() ({
      %run_scoped3A_304 = tpu.sem_alloc : memref<!tpu.dma_semaphore, #tpu.memory_space<semaphore_mem>>
      %dma_start3A_305 = arith.constant 0 : i32
      %dma_start3A_306 = tpu.memref_slice %arg8[%run_scoped3A_290, %dma_start3A_305] : memref<64x80xi32, #tpu.memory_space<vmem>> -> memref<1x80xi32, #tpu.memory_space<vmem>>
      %dma_start3A_307 = tpu.memref_squeeze %dma_start3A_306 : memref<1x80xi32, #tpu.memory_space<vmem>> -> memref<80xi32, #tpu.memory_space<vmem>>
      %dma_start3A_308 = arith.constant 0 : i32
      %dma_start3A_309 = arith.constant 0 : i32
      %dma_start3A_310 = tpu.memref_slice %arg12[%dma_start3A_308, %dma_start3A_309] : memref<10112x128xf32, #tpu.memory_space<vmem_shared>> -> memref<10112x128xf32, #tpu.memory_space<vmem_shared>>
      tpu.enqueue_indirect_dma source(%arg9 : memref<80x128xf32, #tpu.memory_space<vmem>>) target(%dma_start3A_310 : memref<10112x128xf32, #tpu.memory_space<vmem_shared>>) offsets(%dma_start3A_307 : memref<80xi32, #tpu.memory_space<vmem>>) semaphore(%run_scoped3A_304 : memref<!tpu.dma_semaphore, #tpu.memory_space<semaphore_mem>>) {add = true}
      %dma_wait3A_311 = arith.constant 0 : i32
      %dma_wait3A_312 = tpu.memref_slice %arg8[%run_scoped3A_290, %dma_wait3A_311] : memref<64x80xi32, #tpu.memory_space<vmem>> -> memref<1x80xi32, #tpu.memory_space<vmem>>
      %dma_wait3A_313 = tpu.memref_squeeze %dma_wait3A_312 : memref<1x80xi32, #tpu.memory_space<vmem>> -> memref<80xi32, #tpu.memory_space<vmem>>
      %dma_wait3A_314 = arith.constant 0 : i32
      %dma_wait3A_315 = arith.constant 0 : i32
      %dma_wait3A_316 = tpu.memref_slice %arg12[%dma_wait3A_314, %dma_wait3A_315] : memref<10112x128xf32, #tpu.memory_space<vmem_shared>> -> memref<10112x128xf32, #tpu.memory_space<vmem_shared>>
      tpu.wait_indirect_dma semaphore(%run_scoped3A_304 : memref<!tpu.dma_semaphore, #tpu.memory_space<semaphore_mem>>) src(%arg9 : memref<80x128xf32, #tpu.memory_space<vmem>>) dst(%dma_wait3A_316 : memref<10112x128xf32, #tpu.memory_space<vmem_shared>>)
      tpu.yield
    }) : () -> ()
    %barrier3A_291 = arith.constant 0 : index
    tpu.barrier barrier_id(%barrier3A_291)
    %add3A_292 = arith.constant 2 : i32
    %add3A_293 = arith.addi %add3A_292, %arg0 : i32
    %dma_start3A_294 = arith.constant 0 : i32
    %dma_start3A_295 = tpu.memref_slice %arg6[%add3A_293, %mul3A_0, %dma_start3A_294] : memref<4x10112x128xf32, #tpu.memory_space<hbm>> -> memref<1x632x128xf32, #tpu.memory_space<hbm>>
    %dma_start3A_296 = tpu.memref_squeeze %dma_start3A_295 : memref<1x632x128xf32, #tpu.memory_space<hbm>> -> memref<632x128xf32, #tpu.memory_space<hbm>>
    %dma_start3A_297 = arith.constant 0 : i32
    %dma_start3A_298 = tpu.memref_slice %arg12[%mul3A_0, %dma_start3A_297] : memref<10112x128xf32, #tpu.memory_space<vmem_shared>> -> memref<632x128xf32, #tpu.memory_space<vmem_shared>>
    tpu.enqueue_dma source(%dma_start3A_298 : memref<632x128xf32, #tpu.memory_space<vmem_shared>>) target(%dma_start3A_296 : memref<632x128xf32, #tpu.memory_space<hbm>>) target_semaphore(%arg18 : memref<!tpu.dma_semaphore, #tpu.memory_space<semaphore_mem>>)
    %dma_wait3A_299 = arith.constant 0 : i32
    %dma_wait3A_300 = tpu.memref_slice %arg6[%add3A_293, %mul3A_0, %dma_wait3A_299] : memref<4x10112x128xf32, #tpu.memory_space<hbm>> -> memref<1x632x128xf32, #tpu.memory_space<hbm>>
    %dma_wait3A_301 = tpu.memref_squeeze %dma_wait3A_300 : memref<1x632x128xf32, #tpu.memory_space<hbm>> -> memref<632x128xf32, #tpu.memory_space<hbm>>
    %dma_wait3A_302 = arith.constant 0 : i32
    %dma_wait3A_303 = tpu.memref_slice %arg12[%mul3A_0, %dma_wait3A_302] : memref<10112x128xf32, #tpu.memory_space<vmem_shared>> -> memref<632x128xf32, #tpu.memory_space<vmem_shared>>
    tpu.wait_dma2 semaphore(%arg18 : memref<!tpu.dma_semaphore, #tpu.memory_space<semaphore_mem>>) src(%dma_wait3A_303 : memref<632x128xf32, #tpu.memory_space<vmem_shared>>) dst(%dma_wait3A_301 : memref<632x128xf32, #tpu.memory_space<hbm>>)
    return
  }
}

module attributes {stable_mosaic.version = 14 : i64} {
  func.func @body(%arg0: i32, %arg1: memref<2x2000x128xf32, #tpu.memory_space<vmem>>, %arg2: memref<2x2000x128xf32, #tpu.memory_space<vmem>>, %arg3: memref<256x512xf32, #tpu.memory_space<vmem>>, %arg4: memref<1x512xf32, #tpu.memory_space<vmem>>, %arg5: memref<512x512xf32, #tpu.memory_space<vmem>>, %arg6: memref<1x512xf32, #tpu.memory_space<vmem>>, %arg7: memref<4x2000x128xf32, #tpu.memory_space<vmem>>) attributes {dimension_semantics = [#tpu.dimension_semantics<arbitrary>], iteration_bounds = array<i64: 5>, scalar_prefetch = 0 : i64, scratch_operands = 0 : i64, tpu.core_type = #tpu.core_type<tc>, window_params = [{transform_indices = @transform_0, window_bounds = array<i64: 2, 2000, 128>}, {transform_indices = @transform_1, window_bounds = array<i64: 2, 2000, 128>}, {pipeline_mode = #tpu.pipeline_mode<synchronous>, transform_indices = @transform_2, window_bounds = array<i64: 256, 512>}, {pipeline_mode = #tpu.pipeline_mode<synchronous>, transform_indices = @transform_3, window_bounds = array<i64: 1, 512>}, {pipeline_mode = #tpu.pipeline_mode<synchronous>, transform_indices = @transform_4, window_bounds = array<i64: 512, 512>}, {pipeline_mode = #tpu.pipeline_mode<synchronous>, transform_indices = @transform_5, window_bounds = array<i64: 1, 512>}, {transform_indices = @transform_6, window_bounds = array<i64: 4, 2000, 128>}]} {
    %get3A = arith.constant 0 : index
    %get3A_0 = arith.constant 0 : index
    %get3A_1 = arith.constant 0 : index
    %get3A_2 = vector.load %arg1[%get3A, %get3A_0, %get3A_1] : memref<2x2000x128xf32, #tpu.memory_space<vmem>>, vector<1x2000x128xf32>
    %get3A_3 = vector.shape_cast %get3A_2 : vector<1x2000x128xf32> to vector<2000x128xf32>
    %get3A_4 = arith.constant 0 : index
    %get3A_5 = arith.constant 0 : index
    %get3A_6 = arith.constant 0 : index
    %get3A_7 = vector.load %arg2[%get3A_4, %get3A_5, %get3A_6] : memref<2x2000x128xf32, #tpu.memory_space<vmem>>, vector<1x2000x128xf32>
    %get3A_8 = vector.shape_cast %get3A_7 : vector<1x2000x128xf32> to vector<2000x128xf32>
    %add3A = arith.addf %get3A_3, %get3A_8 : vector<2000x128xf32>
    %get3A_9 = arith.constant 1 : index
    %get3A_10 = arith.constant 0 : index
    %get3A_11 = arith.constant 0 : index
    %get3A_12 = vector.load %arg1[%get3A_9, %get3A_10, %get3A_11] : memref<2x2000x128xf32, #tpu.memory_space<vmem>>, vector<1x2000x128xf32>
    %get3A_13 = vector.shape_cast %get3A_12 : vector<1x2000x128xf32> to vector<2000x128xf32>
    %get3A_14 = arith.constant 1 : index
    %get3A_15 = arith.constant 0 : index
    %get3A_16 = arith.constant 0 : index
    %get3A_17 = vector.load %arg2[%get3A_14, %get3A_15, %get3A_16] : memref<2x2000x128xf32, #tpu.memory_space<vmem>>, vector<1x2000x128xf32>
    %get3A_18 = vector.shape_cast %get3A_17 : vector<1x2000x128xf32> to vector<2000x128xf32>
    %add3A_19 = arith.addf %get3A_13, %get3A_18 : vector<2000x128xf32>
    %concatenate3A = tpu.concatenate %add3A, %add3A_19 in 1 : vector<2000x128xf32>, vector<2000x128xf32> -> vector<2000x256xf32>
    %get3A_20 = arith.constant 0 : index
    %get3A_21 = arith.constant 0 : index
    %get3A_22 = vector.load %arg3[%get3A_20, %get3A_21] : memref<256x512xf32, #tpu.memory_space<vmem>>, vector<256x512xf32>
    %dot_general3A = arith.constant dense<0.000000e+00> : vector<2000x512xf32>
    %dot_general3A_23 = tpu.matmul %concatenate3A, %get3A_22, %dot_general3A {dimension_numbers = #tpu.dot_dimension_numbers<[1], [0], [0], [1], [0, 0, 1, 1], [], []>, transpose_lhs_hint = false} : vector<2000x256xf32>, vector<256x512xf32>, vector<2000x512xf32> -> vector<2000x512xf32>
    %get3A_24 = arith.constant 0 : index
    %get3A_25 = arith.constant 0 : index
    %get3A_26 = vector.load %arg4[%get3A_24, %get3A_25] : memref<1x512xf32, #tpu.memory_space<vmem>>, vector<1x512xf32>
    %add3A_27 = vector.broadcast %get3A_26 : vector<1x512xf32> to vector<2000x512xf32>
    %add3A_28 = arith.addf %dot_general3A_23, %add3A_27 : vector<2000x512xf32>
    %max3A = arith.constant 0.000000e+00 : f32
    %max3A_29 = vector.broadcast %max3A : f32 to vector<2000x512xf32>
    %max3A_30 = arith.maximumf %add3A_28, %max3A_29 : vector<2000x512xf32>
    %get3A_31 = arith.constant 0 : index
    %get3A_32 = arith.constant 0 : index
    %get3A_33 = vector.load %arg5[%get3A_31, %get3A_32] : memref<512x512xf32, #tpu.memory_space<vmem>>, vector<512x512xf32>
    %dot_general3A_34 = arith.constant dense<0.000000e+00> : vector<2000x512xf32>
    %dot_general3A_35 = tpu.matmul %max3A_30, %get3A_33, %dot_general3A_34 {dimension_numbers = #tpu.dot_dimension_numbers<[1], [0], [0], [1], [0, 0, 1, 1], [], []>, transpose_lhs_hint = false} : vector<2000x512xf32>, vector<512x512xf32>, vector<2000x512xf32> -> vector<2000x512xf32>
    %get3A_36 = arith.constant 0 : index
    %get3A_37 = arith.constant 0 : index
    %get3A_38 = vector.load %arg6[%get3A_36, %get3A_37] : memref<1x512xf32, #tpu.memory_space<vmem>>, vector<1x512xf32>
    %add3A_39 = vector.broadcast %get3A_38 : vector<1x512xf32> to vector<2000x512xf32>
    %add3A_40 = arith.addf %dot_general3A_35, %add3A_39 : vector<2000x512xf32>
    %max3A_41 = arith.constant 0.000000e+00 : f32
    %max3A_42 = vector.broadcast %max3A_41 : f32 to vector<2000x512xf32>
    %max3A_43 = arith.maximumf %add3A_40, %max3A_42 : vector<2000x512xf32>
    %slice3A = vector.extract_strided_slice %max3A_43 {offsets = [0, 0], sizes = [2000, 128], strides = [1, 1]} : vector<2000x512xf32> to vector<2000x128xf32>
    %swap3A = arith.constant 0 : index
    %swap3A_44 = arith.constant 0 : index
    %swap3A_45 = arith.constant 0 : index
    %swap3A_46 = vector.load %arg7[%swap3A, %swap3A_44, %swap3A_45] : memref<4x2000x128xf32, #tpu.memory_space<vmem>>, vector<1x2000x128xf32>
    %swap3A_47 = vector.shape_cast %swap3A_46 : vector<1x2000x128xf32> to vector<2000x128xf32>
    %swap3A_48 = vector.shape_cast %slice3A : vector<2000x128xf32> to vector<1x2000x128xf32>
    tpu.vector_store %arg7[%swap3A, %swap3A_44, %swap3A_45], %swap3A_48 {strides = array<i32>} : memref<4x2000x128xf32, #tpu.memory_space<vmem>>, vector<1x2000x128xf32>,
    %slice3A_49 = vector.extract_strided_slice %max3A_43 {offsets = [0, 128], sizes = [2000, 128], strides = [1, 1]} : vector<2000x512xf32> to vector<2000x128xf32>
    %swap3A_50 = arith.constant 1 : index
    %swap3A_51 = arith.constant 0 : index
    %swap3A_52 = arith.constant 0 : index
    %swap3A_53 = vector.load %arg7[%swap3A_50, %swap3A_51, %swap3A_52] : memref<4x2000x128xf32, #tpu.memory_space<vmem>>, vector<1x2000x128xf32>
    %swap3A_54 = vector.shape_cast %swap3A_53 : vector<1x2000x128xf32> to vector<2000x128xf32>
    %swap3A_55 = vector.shape_cast %slice3A_49 : vector<2000x128xf32> to vector<1x2000x128xf32>
    tpu.vector_store %arg7[%swap3A_50, %swap3A_51, %swap3A_52], %swap3A_55 {strides = array<i32>} : memref<4x2000x128xf32, #tpu.memory_space<vmem>>, vector<1x2000x128xf32>,
    %slice3A_56 = vector.extract_strided_slice %max3A_43 {offsets = [0, 256], sizes = [2000, 128], strides = [1, 1]} : vector<2000x512xf32> to vector<2000x128xf32>
    %swap3A_57 = arith.constant 2 : index
    %swap3A_58 = arith.constant 0 : index
    %swap3A_59 = arith.constant 0 : index
    %swap3A_60 = vector.load %arg7[%swap3A_57, %swap3A_58, %swap3A_59] : memref<4x2000x128xf32, #tpu.memory_space<vmem>>, vector<1x2000x128xf32>
    %swap3A_61 = vector.shape_cast %swap3A_60 : vector<1x2000x128xf32> to vector<2000x128xf32>
    %swap3A_62 = vector.shape_cast %slice3A_56 : vector<2000x128xf32> to vector<1x2000x128xf32>
    tpu.vector_store %arg7[%swap3A_57, %swap3A_58, %swap3A_59], %swap3A_62 {strides = array<i32>} : memref<4x2000x128xf32, #tpu.memory_space<vmem>>, vector<1x2000x128xf32>,
    %slice3A_63 = vector.extract_strided_slice %max3A_43 {offsets = [0, 384], sizes = [2000, 128], strides = [1, 1]} : vector<2000x512xf32> to vector<2000x128xf32>
    %swap3A_64 = arith.constant 3 : index
    %swap3A_65 = arith.constant 0 : index
    %swap3A_66 = arith.constant 0 : index
    %swap3A_67 = vector.load %arg7[%swap3A_64, %swap3A_65, %swap3A_66] : memref<4x2000x128xf32, #tpu.memory_space<vmem>>, vector<1x2000x128xf32>
    %swap3A_68 = vector.shape_cast %swap3A_67 : vector<1x2000x128xf32> to vector<2000x128xf32>
    %swap3A_69 = vector.shape_cast %slice3A_63 : vector<2000x128xf32> to vector<1x2000x128xf32>
    tpu.vector_store %arg7[%swap3A_64, %swap3A_65, %swap3A_66], %swap3A_69 {strides = array<i32>} : memref<4x2000x128xf32, #tpu.memory_space<vmem>>, vector<1x2000x128xf32>,
    return
  }
  func.func @transform_0(%arg0: i32) -> (i32, i32, i32) {
    %c0_i32 = arith.constant 0 : i32
    %c0_i32_0 = arith.constant 0 : i32
    %c0_i32_1 = arith.constant 0 : i32
    return %c0_i32, %arg0, %c0_i32_0 : i32, i32, i32
  }
  func.func @transform_1(%arg0: i32) -> (i32, i32, i32) {
    %c0_i32 = arith.constant 0 : i32
    %c0_i32_0 = arith.constant 0 : i32
    %c0_i32_1 = arith.constant 0 : i32
    return %c0_i32, %arg0, %c0_i32_0 : i32, i32, i32
  }
  func.func @transform_2(%arg0: i32) -> (i32, i32) {
    %c0_i32 = arith.constant 0 : i32
    %c0_i32_0 = arith.constant 0 : i32
    %c0_i32_1 = arith.constant 0 : i32
    return %c0_i32, %c0_i32_0 : i32, i32
  }
  func.func @transform_3(%arg0: i32) -> (i32, i32) {
    %c0_i32 = arith.constant 0 : i32
    %c0_i32_0 = arith.constant 0 : i32
    %c0_i32_1 = arith.constant 0 : i32
    return %c0_i32, %c0_i32_0 : i32, i32
  }
  func.func @transform_4(%arg0: i32) -> (i32, i32) {
    %c0_i32 = arith.constant 0 : i32
    %c0_i32_0 = arith.constant 0 : i32
    %c0_i32_1 = arith.constant 0 : i32
    return %c0_i32, %c0_i32_0 : i32, i32
  }
  func.func @transform_5(%arg0: i32) -> (i32, i32) {
    %c0_i32 = arith.constant 0 : i32
    %c0_i32_0 = arith.constant 0 : i32
    %c0_i32_1 = arith.constant 0 : i32
    return %c0_i32, %c0_i32_0 : i32, i32
  }
  func.func @transform_6(%arg0: i32) -> (i32, i32, i32) {
    %c0_i32 = arith.constant 0 : i32
    %c0_i32_0 = arith.constant 0 : i32
    %c0_i32_1 = arith.constant 0 : i32
    return %c0_i32, %arg0, %c0_i32_0 : i32, i32, i32
  }
}

module attributes {stable_mosaic.version = 14 : i64} {
  func.func @body(%arg0: i32, %arg1: memref<4x2000x128xf32, #tpu.memory_space<vmem>>, %arg2: memref<4x2000x128xf32, #tpu.memory_space<vmem>>, %arg3: memref<512x512xf32, #tpu.memory_space<vmem>>, %arg4: memref<1x512xf32, #tpu.memory_space<vmem>>, %arg5: memref<512x512xf32, #tpu.memory_space<vmem>>, %arg6: memref<1x512xf32, #tpu.memory_space<vmem>>, %arg7: memref<4x2000x128xf32, #tpu.memory_space<vmem>>) attributes {dimension_semantics = [#tpu.dimension_semantics<arbitrary>], iteration_bounds = array<i64: 5>, scalar_prefetch = 0 : i64, scratch_operands = 0 : i64, tpu.core_type = #tpu.core_type<tc>, window_params = [{transform_indices = @transform_0, window_bounds = array<i64: 4, 2000, 128>}, {transform_indices = @transform_1, window_bounds = array<i64: 4, 2000, 128>}, {pipeline_mode = #tpu.pipeline_mode<synchronous>, transform_indices = @transform_2, window_bounds = array<i64: 512, 512>}, {pipeline_mode = #tpu.pipeline_mode<synchronous>, transform_indices = @transform_3, window_bounds = array<i64: 1, 512>}, {pipeline_mode = #tpu.pipeline_mode<synchronous>, transform_indices = @transform_4, window_bounds = array<i64: 512, 512>}, {pipeline_mode = #tpu.pipeline_mode<synchronous>, transform_indices = @transform_5, window_bounds = array<i64: 1, 512>}, {transform_indices = @transform_6, window_bounds = array<i64: 4, 2000, 128>}]} {
    %get3A = arith.constant 0 : index
    %get3A_0 = arith.constant 0 : index
    %get3A_1 = arith.constant 0 : index
    %get3A_2 = vector.load %arg1[%get3A, %get3A_0, %get3A_1] : memref<4x2000x128xf32, #tpu.memory_space<vmem>>, vector<1x2000x128xf32>
    %get3A_3 = vector.shape_cast %get3A_2 : vector<1x2000x128xf32> to vector<2000x128xf32>
    %get3A_4 = arith.constant 0 : index
    %get3A_5 = arith.constant 0 : index
    %get3A_6 = arith.constant 0 : index
    %get3A_7 = vector.load %arg2[%get3A_4, %get3A_5, %get3A_6] : memref<4x2000x128xf32, #tpu.memory_space<vmem>>, vector<1x2000x128xf32>
    %get3A_8 = vector.shape_cast %get3A_7 : vector<1x2000x128xf32> to vector<2000x128xf32>
    %add3A = arith.addf %get3A_3, %get3A_8 : vector<2000x128xf32>
    %get3A_9 = arith.constant 1 : index
    %get3A_10 = arith.constant 0 : index
    %get3A_11 = arith.constant 0 : index
    %get3A_12 = vector.load %arg1[%get3A_9, %get3A_10, %get3A_11] : memref<4x2000x128xf32, #tpu.memory_space<vmem>>, vector<1x2000x128xf32>
    %get3A_13 = vector.shape_cast %get3A_12 : vector<1x2000x128xf32> to vector<2000x128xf32>
    %get3A_14 = arith.constant 1 : index
    %get3A_15 = arith.constant 0 : index
    %get3A_16 = arith.constant 0 : index
    %get3A_17 = vector.load %arg2[%get3A_14, %get3A_15, %get3A_16] : memref<4x2000x128xf32, #tpu.memory_space<vmem>>, vector<1x2000x128xf32>
    %get3A_18 = vector.shape_cast %get3A_17 : vector<1x2000x128xf32> to vector<2000x128xf32>
    %add3A_19 = arith.addf %get3A_13, %get3A_18 : vector<2000x128xf32>
    %get3A_20 = arith.constant 2 : index
    %get3A_21 = arith.constant 0 : index
    %get3A_22 = arith.constant 0 : index
    %get3A_23 = vector.load %arg1[%get3A_20, %get3A_21, %get3A_22] : memref<4x2000x128xf32, #tpu.memory_space<vmem>>, vector<1x2000x128xf32>
    %get3A_24 = vector.shape_cast %get3A_23 : vector<1x2000x128xf32> to vector<2000x128xf32>
    %get3A_25 = arith.constant 2 : index
    %get3A_26 = arith.constant 0 : index
    %get3A_27 = arith.constant 0 : index
    %get3A_28 = vector.load %arg2[%get3A_25, %get3A_26, %get3A_27] : memref<4x2000x128xf32, #tpu.memory_space<vmem>>, vector<1x2000x128xf32>
    %get3A_29 = vector.shape_cast %get3A_28 : vector<1x2000x128xf32> to vector<2000x128xf32>
    %add3A_30 = arith.addf %get3A_24, %get3A_29 : vector<2000x128xf32>
    %get3A_31 = arith.constant 3 : index
    %get3A_32 = arith.constant 0 : index
    %get3A_33 = arith.constant 0 : index
    %get3A_34 = vector.load %arg1[%get3A_31, %get3A_32, %get3A_33] : memref<4x2000x128xf32, #tpu.memory_space<vmem>>, vector<1x2000x128xf32>
    %get3A_35 = vector.shape_cast %get3A_34 : vector<1x2000x128xf32> to vector<2000x128xf32>
    %get3A_36 = arith.constant 3 : index
    %get3A_37 = arith.constant 0 : index
    %get3A_38 = arith.constant 0 : index
    %get3A_39 = vector.load %arg2[%get3A_36, %get3A_37, %get3A_38] : memref<4x2000x128xf32, #tpu.memory_space<vmem>>, vector<1x2000x128xf32>
    %get3A_40 = vector.shape_cast %get3A_39 : vector<1x2000x128xf32> to vector<2000x128xf32>
    %add3A_41 = arith.addf %get3A_35, %get3A_40 : vector<2000x128xf32>
    %concatenate3A = tpu.concatenate %add3A, %add3A_19, %add3A_30, %add3A_41 in 1 : vector<2000x128xf32>, vector<2000x128xf32>, vector<2000x128xf32>, vector<2000x128xf32> -> vector<2000x512xf32>
    %get3A_42 = arith.constant 0 : index
    %get3A_43 = arith.constant 0 : index
    %get3A_44 = vector.load %arg3[%get3A_42, %get3A_43] : memref<512x512xf32, #tpu.memory_space<vmem>>, vector<512x512xf32>
    %dot_general3A = arith.constant dense<0.000000e+00> : vector<2000x512xf32>
    %dot_general3A_45 = tpu.matmul %concatenate3A, %get3A_44, %dot_general3A {dimension_numbers = #tpu.dot_dimension_numbers<[1], [0], [0], [1], [0, 0, 1, 1], [], []>, transpose_lhs_hint = false} : vector<2000x512xf32>, vector<512x512xf32>, vector<2000x512xf32> -> vector<2000x512xf32>
    %get3A_46 = arith.constant 0 : index
    %get3A_47 = arith.constant 0 : index
    %get3A_48 = vector.load %arg4[%get3A_46, %get3A_47] : memref<1x512xf32, #tpu.memory_space<vmem>>, vector<1x512xf32>
    %add3A_49 = vector.broadcast %get3A_48 : vector<1x512xf32> to vector<2000x512xf32>
    %add3A_50 = arith.addf %dot_general3A_45, %add3A_49 : vector<2000x512xf32>
    %max3A = arith.constant 0.000000e+00 : f32
    %max3A_51 = vector.broadcast %max3A : f32 to vector<2000x512xf32>
    %max3A_52 = arith.maximumf %add3A_50, %max3A_51 : vector<2000x512xf32>
    %get3A_53 = arith.constant 0 : index
    %get3A_54 = arith.constant 0 : index
    %get3A_55 = vector.load %arg5[%get3A_53, %get3A_54] : memref<512x512xf32, #tpu.memory_space<vmem>>, vector<512x512xf32>
    %dot_general3A_56 = arith.constant dense<0.000000e+00> : vector<2000x512xf32>
    %dot_general3A_57 = tpu.matmul %max3A_52, %get3A_55, %dot_general3A_56 {dimension_numbers = #tpu.dot_dimension_numbers<[1], [0], [0], [1], [0, 0, 1, 1], [], []>, transpose_lhs_hint = false} : vector<2000x512xf32>, vector<512x512xf32>, vector<2000x512xf32> -> vector<2000x512xf32>
    %get3A_58 = arith.constant 0 : index
    %get3A_59 = arith.constant 0 : index
    %get3A_60 = vector.load %arg6[%get3A_58, %get3A_59] : memref<1x512xf32, #tpu.memory_space<vmem>>, vector<1x512xf32>
    %add3A_61 = vector.broadcast %get3A_60 : vector<1x512xf32> to vector<2000x512xf32>
    %add3A_62 = arith.addf %dot_general3A_57, %add3A_61 : vector<2000x512xf32>
    %max3A_63 = arith.constant 0.000000e+00 : f32
    %max3A_64 = vector.broadcast %max3A_63 : f32 to vector<2000x512xf32>
    %max3A_65 = arith.maximumf %add3A_62, %max3A_64 : vector<2000x512xf32>
    %slice3A = vector.extract_strided_slice %max3A_65 {offsets = [0, 0], sizes = [2000, 128], strides = [1, 1]} : vector<2000x512xf32> to vector<2000x128xf32>
    %swap3A = arith.constant 0 : index
    %swap3A_66 = arith.constant 0 : index
    %swap3A_67 = arith.constant 0 : index
    %swap3A_68 = vector.load %arg7[%swap3A, %swap3A_66, %swap3A_67] : memref<4x2000x128xf32, #tpu.memory_space<vmem>>, vector<1x2000x128xf32>
    %swap3A_69 = vector.shape_cast %swap3A_68 : vector<1x2000x128xf32> to vector<2000x128xf32>
    %swap3A_70 = vector.shape_cast %slice3A : vector<2000x128xf32> to vector<1x2000x128xf32>
    tpu.vector_store %arg7[%swap3A, %swap3A_66, %swap3A_67], %swap3A_70 {strides = array<i32>} : memref<4x2000x128xf32, #tpu.memory_space<vmem>>, vector<1x2000x128xf32>,
    %slice3A_71 = vector.extract_strided_slice %max3A_65 {offsets = [0, 128], sizes = [2000, 128], strides = [1, 1]} : vector<2000x512xf32> to vector<2000x128xf32>
    %swap3A_72 = arith.constant 1 : index
    %swap3A_73 = arith.constant 0 : index
    %swap3A_74 = arith.constant 0 : index
    %swap3A_75 = vector.load %arg7[%swap3A_72, %swap3A_73, %swap3A_74] : memref<4x2000x128xf32, #tpu.memory_space<vmem>>, vector<1x2000x128xf32>
    %swap3A_76 = vector.shape_cast %swap3A_75 : vector<1x2000x128xf32> to vector<2000x128xf32>
    %swap3A_77 = vector.shape_cast %slice3A_71 : vector<2000x128xf32> to vector<1x2000x128xf32>
    tpu.vector_store %arg7[%swap3A_72, %swap3A_73, %swap3A_74], %swap3A_77 {strides = array<i32>} : memref<4x2000x128xf32, #tpu.memory_space<vmem>>, vector<1x2000x128xf32>,
    %slice3A_78 = vector.extract_strided_slice %max3A_65 {offsets = [0, 256], sizes = [2000, 128], strides = [1, 1]} : vector<2000x512xf32> to vector<2000x128xf32>
    %swap3A_79 = arith.constant 2 : index
    %swap3A_80 = arith.constant 0 : index
    %swap3A_81 = arith.constant 0 : index
    %swap3A_82 = vector.load %arg7[%swap3A_79, %swap3A_80, %swap3A_81] : memref<4x2000x128xf32, #tpu.memory_space<vmem>>, vector<1x2000x128xf32>
    %swap3A_83 = vector.shape_cast %swap3A_82 : vector<1x2000x128xf32> to vector<2000x128xf32>
    %swap3A_84 = vector.shape_cast %slice3A_78 : vector<2000x128xf32> to vector<1x2000x128xf32>
    tpu.vector_store %arg7[%swap3A_79, %swap3A_80, %swap3A_81], %swap3A_84 {strides = array<i32>} : memref<4x2000x128xf32, #tpu.memory_space<vmem>>, vector<1x2000x128xf32>,
    %slice3A_85 = vector.extract_strided_slice %max3A_65 {offsets = [0, 384], sizes = [2000, 128], strides = [1, 1]} : vector<2000x512xf32> to vector<2000x128xf32>
    %swap3A_86 = arith.constant 3 : index
    %swap3A_87 = arith.constant 0 : index
    %swap3A_88 = arith.constant 0 : index
    %swap3A_89 = vector.load %arg7[%swap3A_86, %swap3A_87, %swap3A_88] : memref<4x2000x128xf32, #tpu.memory_space<vmem>>, vector<1x2000x128xf32>
    %swap3A_90 = vector.shape_cast %swap3A_89 : vector<1x2000x128xf32> to vector<2000x128xf32>
    %swap3A_91 = vector.shape_cast %slice3A_85 : vector<2000x128xf32> to vector<1x2000x128xf32>
    tpu.vector_store %arg7[%swap3A_86, %swap3A_87, %swap3A_88], %swap3A_91 {strides = array<i32>} : memref<4x2000x128xf32, #tpu.memory_space<vmem>>, vector<1x2000x128xf32>,
    return
  }
  func.func @transform_0(%arg0: i32) -> (i32, i32, i32) {
    %c0_i32 = arith.constant 0 : i32
    %c0_i32_0 = arith.constant 0 : i32
    %c0_i32_1 = arith.constant 0 : i32
    return %c0_i32, %arg0, %c0_i32_0 : i32, i32, i32
  }
  func.func @transform_1(%arg0: i32) -> (i32, i32, i32) {
    %c0_i32 = arith.constant 0 : i32
    %c0_i32_0 = arith.constant 0 : i32
    %c0_i32_1 = arith.constant 0 : i32
    return %c0_i32, %arg0, %c0_i32_0 : i32, i32, i32
  }
  func.func @transform_2(%arg0: i32) -> (i32, i32) {
    %c0_i32 = arith.constant 0 : i32
    %c0_i32_0 = arith.constant 0 : i32
    %c0_i32_1 = arith.constant 0 : i32
    return %c0_i32, %c0_i32_0 : i32, i32
  }
  func.func @transform_3(%arg0: i32) -> (i32, i32) {
    %c0_i32 = arith.constant 0 : i32
    %c0_i32_0 = arith.constant 0 : i32
    %c0_i32_1 = arith.constant 0 : i32
    return %c0_i32, %c0_i32_0 : i32, i32
  }
  func.func @transform_4(%arg0: i32) -> (i32, i32) {
    %c0_i32 = arith.constant 0 : i32
    %c0_i32_0 = arith.constant 0 : i32
    %c0_i32_1 = arith.constant 0 : i32
    return %c0_i32, %c0_i32_0 : i32, i32
  }
  func.func @transform_5(%arg0: i32) -> (i32, i32) {
    %c0_i32 = arith.constant 0 : i32
    %c0_i32_0 = arith.constant 0 : i32
    %c0_i32_1 = arith.constant 0 : i32
    return %c0_i32, %c0_i32_0 : i32, i32
  }
  func.func @transform_6(%arg0: i32) -> (i32, i32, i32) {
    %c0_i32 = arith.constant 0 : i32
    %c0_i32_0 = arith.constant 0 : i32
    %c0_i32_1 = arith.constant 0 : i32
    return %c0_i32, %arg0, %c0_i32_0 : i32, i32, i32
  }
}

module attributes {stable_mosaic.version = 14 : i64} {
  func.func @_pool_body(%arg0: i32, %arg1: memref<1x1x2000xi32, #tpu.memory_space<vmem>>, %arg2: memref<4x2000x128xf32, #tpu.memory_space<vmem>>, %arg3: memref<512x128xf32, #tpu.memory_space<vmem>>, %arg4: memref<1x128xf32, #tpu.memory_space<vmem>>, %arg5: memref<64x128xf32, #tpu.memory_space<vmem>>, %arg6: memref<64x512xf32, #tpu.memory_space<vmem>>, %arg7: memref<64x128xf32, #tpu.memory_space<vmem>>) attributes {dimension_semantics = [#tpu.dimension_semantics<arbitrary>], iteration_bounds = array<i64: 5>, scalar_prefetch = 0 : i64, scratch_operands = 2 : i64, tpu.core_type = #tpu.core_type<tc>, window_params = [{transform_indices = @transform_0, window_bounds = array<i64: 1, 1, 2000>}, {transform_indices = @transform_1, window_bounds = array<i64: 4, 2000, 128>}, {pipeline_mode = #tpu.pipeline_mode<synchronous>, transform_indices = @transform_2, window_bounds = array<i64: 512, 128>}, {pipeline_mode = #tpu.pipeline_mode<synchronous>, transform_indices = @transform_3, window_bounds = array<i64: 1, 128>}, {pipeline_mode = #tpu.pipeline_mode<synchronous>, transform_indices = @transform_4, window_bounds = array<i64: 64, 128>}]} {
    %eq3A = arith.constant 0 : i32
    %eq3A_0 = arith.cmpi eq, %arg0, %eq3A : i32
    %convert_element_type3A = arith.extui %eq3A_0 : i1 to i32
    %cond3A = arith.constant 0 : i32
    %cond3A_1 = arith.cmpi ne, %convert_element_type3A, %cond3A : i32
    scf.if %cond3A_1 {
      %broadcast_in_dim3A_52 = arith.constant 0.000000e+00 : f32
      %broadcast_in_dim3A_53 = vector.broadcast %broadcast_in_dim3A_52 : f32 to vector<64x512xf32>
      %swap3A_54 = arith.constant 0 : index
      %swap3A_55 = arith.constant 0 : index
      %swap3A_56 = vector.load %arg6[%swap3A_54, %swap3A_55] : memref<64x512xf32, #tpu.memory_space<vmem>>, vector<64x512xf32>
      tpu.vector_store %arg6[%swap3A_54, %swap3A_55], %broadcast_in_dim3A_53 {strides = array<i32>} : memref<64x512xf32, #tpu.memory_space<vmem>>, vector<64x512xf32>,
      %broadcast_in_dim3A_57 = arith.constant 0.000000e+00 : f32
      %broadcast_in_dim3A_58 = vector.broadcast %broadcast_in_dim3A_57 : f32 to vector<64x128xf32>
      %swap3A_59 = arith.constant 0 : index
      %swap3A_60 = arith.constant 0 : index
      %swap3A_61 = vector.load %arg7[%swap3A_59, %swap3A_60] : memref<64x128xf32, #tpu.memory_space<vmem>>, vector<64x128xf32>
      tpu.vector_store %arg7[%swap3A_59, %swap3A_60], %broadcast_in_dim3A_58 {strides = array<i32>} : memref<64x128xf32, #tpu.memory_space<vmem>>, vector<64x128xf32>,
    } else {
    }
    %get3A = arith.constant 0 : index
    %get3A_2 = arith.constant 0 : index
    %get3A_3 = arith.constant 0 : index
    %get3A_4 = vector.load %arg1[%get3A, %get3A_2, %get3A_3] : memref<1x1x2000xi32, #tpu.memory_space<vmem>>, vector<1x1x2000xi32>
    %get3A_5 = vector.shape_cast %get3A_4 : vector<1x1x2000xi32> to vector<2000xi32>
    %iota3A = tpu.iota {dimensions = array<i32: 0>} : vector<64x2000xi32>
    %broadcast_in_dim3A = vector.shape_cast %get3A_5 : vector<2000xi32> to vector<1x2000xi32>
    %eq3A_6 = vector.broadcast %broadcast_in_dim3A : vector<1x2000xi32> to vector<64x2000xi32>
    %eq3A_7 = arith.cmpi eq, %iota3A, %eq3A_6 : vector<64x2000xi32>
    %convert_element_type3A_8 = arith.extui %eq3A_7 : vector<64x2000xi1> to vector<64x2000xi32>
    %convert_element_type3A_9 = arith.sitofp %convert_element_type3A_8 : vector<64x2000xi32> to vector<64x2000xf32>
    %get3A_10 = arith.constant 0 : index
    %get3A_11 = arith.constant 0 : index
    %get3A_12 = arith.constant 0 : index
    %get3A_13 = vector.load %arg2[%get3A_10, %get3A_11, %get3A_12] : memref<4x2000x128xf32, #tpu.memory_space<vmem>>, vector<1x2000x128xf32>
    %get3A_14 = vector.shape_cast %get3A_13 : vector<1x2000x128xf32> to vector<2000x128xf32>
    %get3A_15 = arith.constant 1 : index
    %get3A_16 = arith.constant 0 : index
    %get3A_17 = arith.constant 0 : index
    %get3A_18 = vector.load %arg2[%get3A_15, %get3A_16, %get3A_17] : memref<4x2000x128xf32, #tpu.memory_space<vmem>>, vector<1x2000x128xf32>
    %get3A_19 = vector.shape_cast %get3A_18 : vector<1x2000x128xf32> to vector<2000x128xf32>
    %get3A_20 = arith.constant 2 : index
    %get3A_21 = arith.constant 0 : index
    %get3A_22 = arith.constant 0 : index
    %get3A_23 = vector.load %arg2[%get3A_20, %get3A_21, %get3A_22] : memref<4x2000x128xf32, #tpu.memory_space<vmem>>, vector<1x2000x128xf32>
    %get3A_24 = vector.shape_cast %get3A_23 : vector<1x2000x128xf32> to vector<2000x128xf32>
    %get3A_25 = arith.constant 3 : index
    %get3A_26 = arith.constant 0 : index
    %get3A_27 = arith.constant 0 : index
    %get3A_28 = vector.load %arg2[%get3A_25, %get3A_26, %get3A_27] : memref<4x2000x128xf32, #tpu.memory_space<vmem>>, vector<1x2000x128xf32>
    %get3A_29 = vector.shape_cast %get3A_28 : vector<1x2000x128xf32> to vector<2000x128xf32>
    %concatenate3A = tpu.concatenate %get3A_14, %get3A_19, %get3A_24, %get3A_29 in 1 : vector<2000x128xf32>, vector<2000x128xf32>, vector<2000x128xf32>, vector<2000x128xf32> -> vector<2000x512xf32>
    %get3A_30 = arith.constant 0 : index
    %get3A_31 = arith.constant 0 : index
    %get3A_32 = vector.load %arg6[%get3A_30, %get3A_31] : memref<64x512xf32, #tpu.memory_space<vmem>>, vector<64x512xf32>
    %dot_general3A = arith.constant dense<0.000000e+00> : vector<64x512xf32>
    %dot_general3A_33 = tpu.matmul %convert_element_type3A_9, %concatenate3A, %dot_general3A {dimension_numbers = #tpu.dot_dimension_numbers<[1], [0], [0], [1], [0, 0, 1, 1], [], []>, transpose_lhs_hint = false} : vector<64x2000xf32>, vector<2000x512xf32>, vector<64x512xf32> -> vector<64x512xf32>
    %add3A = arith.addf %get3A_32, %dot_general3A_33 : vector<64x512xf32>
    %swap3A = arith.constant 0 : index
    %swap3A_34 = arith.constant 0 : index
    %swap3A_35 = vector.load %arg6[%swap3A, %swap3A_34] : memref<64x512xf32, #tpu.memory_space<vmem>>, vector<64x512xf32>
    tpu.vector_store %arg6[%swap3A, %swap3A_34], %add3A {strides = array<i32>} : memref<64x512xf32, #tpu.memory_space<vmem>>, vector<64x512xf32>,
    %get3A_36 = arith.constant 0 : index
    %get3A_37 = arith.constant 0 : index
    %get3A_38 = vector.load %arg7[%get3A_36, %get3A_37] : memref<64x128xf32, #tpu.memory_space<vmem>>, vector<64x128xf32>
    %broadcast_in_dim3A_39 = arith.constant 1.000000e+00 : f32
    %broadcast_in_dim3A_40 = vector.broadcast %broadcast_in_dim3A_39 : f32 to vector<2000x128xf32>
    %dot_general3A_41 = arith.constant dense<0.000000e+00> : vector<64x128xf32>
    %dot_general3A_42 = tpu.matmul %convert_element_type3A_9, %broadcast_in_dim3A_40, %dot_general3A_41 {dimension_numbers = #tpu.dot_dimension_numbers<[1], [0], [0], [1], [0, 0, 1, 1], [], []>, transpose_lhs_hint = false} : vector<64x2000xf32>, vector<2000x128xf32>, vector<64x128xf32> -> vector<64x128xf32>
    %add3A_43 = arith.addf %get3A_38, %dot_general3A_42 : vector<64x128xf32>
    %swap3A_44 = arith.constant 0 : index
    %swap3A_45 = arith.constant 0 : index
    %swap3A_46 = vector.load %arg7[%swap3A_44, %swap3A_45] : memref<64x128xf32, #tpu.memory_space<vmem>>, vector<64x128xf32>
    tpu.vector_store %arg7[%swap3A_44, %swap3A_45], %add3A_43 {strides = array<i32>} : memref<64x128xf32, #tpu.memory_space<vmem>>, vector<64x128xf32>,
    %eq3A_47 = arith.constant 4 : i32
    %eq3A_48 = arith.cmpi eq, %arg0, %eq3A_47 : i32
    %convert_element_type3A_49 = arith.extui %eq3A_48 : i1 to i32
    %cond3A_50 = arith.constant 0 : i32
    %cond3A_51 = arith.cmpi ne, %convert_element_type3A_49, %cond3A_50 : i32
    scf.if %cond3A_51 {
      %get3A_52 = arith.constant 0 : index
      %get3A_53 = arith.constant 0 : index
      %get3A_54 = vector.load %arg7[%get3A_52, %get3A_53] : memref<64x128xf32, #tpu.memory_space<vmem>>, vector<64x1xf32>
      %max3A = arith.constant 1.000000e+00 : f32
      %max3A_55 = vector.broadcast %max3A : f32 to vector<64x1xf32>
      %max3A_56 = arith.maximumf %get3A_54, %max3A_55 : vector<64x1xf32>
      %get3A_57 = arith.constant 0 : index
      %get3A_58 = arith.constant 0 : index
      %get3A_59 = vector.load %arg6[%get3A_57, %get3A_58] : memref<64x512xf32, #tpu.memory_space<vmem>>, vector<64x512xf32>
      %div3A = vector.broadcast %max3A_56 : vector<64x1xf32> to vector<64x512xf32>
      %div3A_60 = arith.divf %get3A_59, %div3A : vector<64x512xf32>
      %get3A_61 = arith.constant 0 : index
      %get3A_62 = arith.constant 0 : index
      %get3A_63 = vector.load %arg3[%get3A_61, %get3A_62] : memref<512x128xf32, #tpu.memory_space<vmem>>, vector<512x128xf32>
      %dot_general3A_64 = arith.constant dense<0.000000e+00> : vector<64x128xf32>
      %dot_general3A_65 = tpu.matmul %div3A_60, %get3A_63, %dot_general3A_64 {dimension_numbers = #tpu.dot_dimension_numbers<[1], [0], [0], [1], [0, 0, 1, 1], [], []>, transpose_lhs_hint = false} : vector<64x512xf32>, vector<512x128xf32>, vector<64x128xf32> -> vector<64x128xf32>
      %get3A_66 = arith.constant 0 : index
      %get3A_67 = arith.constant 0 : index
      %get3A_68 = vector.load %arg4[%get3A_66, %get3A_67] : memref<1x128xf32, #tpu.memory_space<vmem>>, vector<1x128xf32>
      %add3A_69 = vector.broadcast %get3A_68 : vector<1x128xf32> to vector<64x128xf32>
      %add3A_70 = arith.addf %dot_general3A_65, %add3A_69 : vector<64x128xf32>
      %swap3A_71 = arith.constant 0 : index
      %swap3A_72 = arith.constant 0 : index
      %swap3A_73 = vector.load %arg5[%swap3A_71, %swap3A_72] : memref<64x128xf32, #tpu.memory_space<vmem>>, vector<64x128xf32>
      tpu.vector_store %arg5[%swap3A_71, %swap3A_72], %add3A_70 {strides = array<i32>} : memref<64x128xf32, #tpu.memory_space<vmem>>, vector<64x128xf32>,
    } else {
    }
    return
  }
  func.func @transform_0(%arg0: i32) -> (i32, i32, i32) {
    %c0_i32 = arith.constant 0 : i32
    %c0_i32_0 = arith.constant 0 : i32
    %c0_i32_1 = arith.constant 0 : i32
    return %arg0, %c0_i32, %c0_i32_0 : i32, i32, i32
  }
  func.func @transform_1(%arg0: i32) -> (i32, i32, i32) {
    %c0_i32 = arith.constant 0 : i32
    %c0_i32_0 = arith.constant 0 : i32
    %c0_i32_1 = arith.constant 0 : i32
    return %c0_i32, %arg0, %c0_i32_0 : i32, i32, i32
  }
  func.func @transform_2(%arg0: i32) -> (i32, i32) {
    %c0_i32 = arith.constant 0 : i32
    %c0_i32_0 = arith.constant 0 : i32
    %c0_i32_1 = arith.constant 0 : i32
    return %c0_i32, %c0_i32_0 : i32, i32
  }
  func.func @transform_3(%arg0: i32) -> (i32, i32) {
    %c0_i32 = arith.constant 0 : i32
    %c0_i32_0 = arith.constant 0 : i32
    %c0_i32_1 = arith.constant 0 : i32
    return %c0_i32, %c0_i32_0 : i32, i32
  }
  func.func @transform_4(%arg0: i32) -> (i32, i32) {
    %c0_i32 = arith.constant 0 : i32
    %c0_i32_0 = arith.constant 0 : i32
    %c0_i32_1 = arith.constant 0 : i32
    return %c0_i32, %c0_i32_0 : i32, i32
  }
}

</mosaic_0001>

<sc_bundles>
// kernel: kernel.12.cloned.1.call-start
scs
__scs_entry_jumppad:
0x0: {  	(pc) =	sbr.rel $0x88, $3  }
0x1: {  	(tag) =	ssettag $0x0;
	lr =	simm.s32 $0x1  }
0x2: {  	[smem:$0x3F90] =	sst lr;
	_ =	strace $0xD0000000  }
0x3: {  	_ = 	snop  }
0x4: {  	_ = 	snop  }
0x5: {  	_ = 	snop  }
0x6: {  	_ = 	snop  }
0x7: {  	_ = 	snop  }
__scs_overlays_trampoline_lowered:
0x8: {  	[smem:$0x3F9F] =	sst s0  }
0x9: {  	[smem:$0x3FA0] =	sst s1  }
0xa: {  	[smem:$0x3FA1] =	sst s2  }
0xb: {  	[smem:$0x3FA2] =	sst s3  }
0xc: {  	[smem:$0x3FA3] =	sst s4  }
0xd: {  	[smem:$0x3FA4] =	sst s5  }
0xe: {  	[smem:$0x3FA5] =	sst s6  }
0xf: {  	[smem:$0x3FA6] =	sst s7  }
0x10: {  	[smem:$0x3FA7] =	sst s8  }
0x11: {  	[smem:$0x3FA8] =	sst s9;
	s0 =	simm.s32 @!p0 $0x0  }
0x12: {  	s1 =	sld [smem:$0x3F8E];
	s0 =	simm.s32 @p0 $0x1  }
0x13: {  	[smem:$0x3FA9] =	sst s0;
	s0 =	simm.s32 @!p1 $0x0  }
0x14: {  	s2 =	sld [smem:$0x3F8D];
	s0 =	simm.s32 @p1 $0x1  }
0x15: {  	[smem:$0x3FAA] =	sst s0;
	s0 =	simm.s32 @!p2 $0x0  }
0x16: {  	s3 =	sld [smem:$0x3FDB];
	s0 =	simm.s32 @p2 $0x1  }
0x17: {  	s4 =	simm.s32 $0x1BF5;
	[smem:$0x3FAC] =	sst s0  }
0x18: {  	s0 =	sld [smem:$0x3F8F];
	_ =	swait.ge [sflag:s4], $0x0  }
0x19: {  	s7 =	sld [smem:$0x3F90]  }
0x1a: {  	s8 =	sadd.s32 $0xFFFFE003, lr  }
0x1b: {  	s9 =	sadd.s32 $0xFFFFFEF7, lr;
	s5 =	simm.s32 $0xFFFFFFFF;
	p2 =	slt.u32 s8, $0xFFFFF086  }
0x1c: {  	p1 =	slt.u32 s9, $0xF7A;
	s5 =	simm.s32 @!p2 $0x0  }
0x1d: {  	s5 =	simm.s32 @p1 $0x1;
	p0 =	seq.s32 s7, s2  }
0x1e: {  	s7 =	smul.u32 @!p0 $0xF7A, s2;
	p2 =	seq.s32 @!p0 s5, $0x0  }
0x1f: {  	s9 =	smul.u32 $0xF7A, s1;
	s8 =	simm.s32 @!p0 $0x1BF5;
	p2 =	por !p2, p0  }
0x20: {  	[sflag:s8] =	ssyncset.s32 @!p0 $0xFFFFF086;
	s6 =	sadd.s32 @!p0 s3, s7;
	s7 =	simm.s32 @!p0 $0x108  }
0x21: {  	s3 =	sadd.s32 s3, s9;
	s6 =	sadd.s32 @!p0 $0x88, s6;
	s7 =	simm.s32 @p2 $0x1082  }
0x22: {  	[simem:s7], [sflag:s8] =	dma.local @!p0 [hbm:s6], $0xF7A  }
0x23: {  	s9 =	sor.u32 $0xD0000000, s2;
	s6 =	simm.s32 $0x108;
	_ =	swait.ge @!p0 [sflag:s8], $0x0  }
0x24: {  	s3 =	sadd.s32 $0x88, s3;
	s6 =	simm.s32 @!p1 $0x1082;
	[sflag:s4] =	ssyncset.s32 $0xFFFFF086  }
0x25: {  	[simem:s6], [sflag:s4] =	dma.local [hbm:s3], $0xF7A  }
0x26: {  	[smem:$0x3F90] =	sst s1;
	(tag) =	ssettag s2;
	_ =	strace s9  }
0x27: {  	s1 =	sld [smem:$0x3FA0]  }
0x28: {  	s2 =	sld [smem:$0x3FA1]  }
0x29: {  	s4 =	sld [smem:$0x3FA3]  }
0x2a: {  	p0 =	seq.s32 s5, $0x0;
	s5 =	sld [smem:$0x3FA4]  }
0x2b: {  	s6 =	sld [smem:$0x3FA5]  }
0x2c: {  	s7 =	sld [smem:$0x3FA6]  }
0x2d: {  	s3 =	simm.s32 $0x108;
	s8 =	sld [smem:$0x3FA7]  }
0x2e: {  	s3 =	simm.s32 @!p0 $0x1082;
	s9 =	sld [smem:$0x3FA8]  }
0x2f: {  	lr =	sadd.s32 s0, s3;
	s0 =	sld [smem:$0x3F9F]  }
0x30: {  	s3 =	sld [smem:$0x3FA2]  }
0x31: {  	[smem:$0x3FAB] =	sst s10  }
0x32: {  	s10 =	sld [smem:$0x3FA9];
	_ =	sdelay $0x3  }
0x33: {  	p0 =	seq.s32 s10, $0x1;
	s10 =	sld [smem:$0x3FAB];
	_ =	sdelay $0x3  }
0x34: {  	[smem:$0x3FAB] =	sst s10  }
0x35: {  	s10 =	sld [smem:$0x3FAA];
	_ =	sdelay $0x3  }
0x36: {  	p1 =	seq.s32 s10, $0x1;
	s10 =	sld [smem:$0x3FAB];
	_ =	sdelay $0x3  }
0x37: {  	[smem:$0x3FAB] =	sst s10  }
0x38: {  	s10 =	sld [smem:$0x3FAC]  }
0x39: {  	_ = 	snop;
	(pc) =	sbr.ind lr, $3  }
0x3a: {  	_ = 	snop  }
0x3b: {  	_ = 	snop  }
0x3c: {  	p2 =	seq.s32 s10, $0x1;
	s10 =	sld [smem:$0x3FAB]  }
0x3d: {  	_ =	shalt  }
0x3e: {  	_ =	shalt  }
0x3f: {  	_ =	shalt  }
0x40: {  	_ =	shalt  }
0x41: {  	_ =	shalt  }
0x42: {  	_ =	shalt  }
0x43: {  	_ =	shalt  }
0x44: {  	_ =	shalt  }
0x45: {  	_ =	shalt  }
0x46: {  	_ =	shalt  }
0x47: {  	_ =	shalt  }
0x48: {  	_ =	shalt  }
0x49: {  	_ =	shalt  }
0x4a: {  	_ =	shalt  }
0x4b: {  	_ =	shalt  }
0x4c: {  	_ =	shalt  }
0x4d: {  	_ =	shalt  }
0x4e: {  	_ =	shalt  }
0x4f: {  	_ =	shalt  }
0x50: {  	_ =	shalt  }
0x51: {  	_ =	shalt  }
0x52: {  	_ =	shalt  }
0x53: {  	_ =	shalt  }
0x54: {  	_ =	shalt  }
0x55: {  	_ =	shalt  }
0x56: {  	_ =	shalt  }
0x57: {  	_ =	shalt  }
0x58: {  	_ =	shalt  }
0x59: {  	_ =	shalt  }
0x5a: {  	_ =	shalt  }
0x5b: {  	_ =	shalt  }
0x5c: {  	_ =	shalt  }
0x5d: {  	_ =	shalt  }
0x5e: {  	_ =	shalt  }
0x5f: {  	_ =	shalt  }
0x60: {  	_ =	shalt  }
0x61: {  	_ =	shalt  }
0x62: {  	_ =	shalt  }
0x63: {  	_ =	shalt  }
0x64: {  	_ =	shalt  }
0x65: {  	_ =	shalt  }
0x66: {  	_ =	shalt  }
0x67: {  	_ =	shalt  }
0x68: {  	_ =	shalt  }
0x69: {  	_ =	shalt  }
0x6a: {  	_ =	shalt  }
0x6b: {  	_ =	shalt  }
0x6c: {  	_ =	shalt  }
0x6d: {  	_ =	shalt  }
0x6e: {  	_ =	shalt  }
0x6f: {  	_ =	shalt  }
0x70: {  	_ =	shalt  }
0x71: {  	_ =	shalt  }
0x72: {  	_ =	shalt  }
0x73: {  	_ =	shalt  }
0x74: {  	_ =	shalt  }
0x75: {  	_ =	shalt  }
0x76: {  	_ =	shalt  }
0x77: {  	_ =	shalt  }
0x78: {  	_ =	shalt  }
0x79: {  	_ =	shalt  }
0x7a: {  	_ =	shalt  }
0x7b: {  	_ =	shalt  }
0x7c: {  	_ =	shalt  }
0x7d: {  	_ =	shalt  }
0x7e: {  	_ =	shalt  }
0x7f: {  	_ =	shalt  }
0x80: {  	_ =	shalt  }
0x81: {  	_ =	shalt  }
0x82: {  	_ =	shalt  }
0x83: {  	_ =	shalt  }
0x84: {  	_ =	shalt  }
0x85: {  	_ =	shalt  }
0x86: {  	_ =	shalt  }
0x87: {  	_ =	shalt  }
.Lfunc_end0:
.L_simem_size_0:
called_computation.1_lowered:
.L_overlay_start_0:
0x88: {  	s2 =	sld [smem:$0x3FD9]  }
0x89: {  	s3 =	sld [smem:$0x3FFE];
	_ =	sdelay $0x1  }
0x8a: {  	s1 =	srdreg.scid  }
0x8b: {  	s0 =	sand.u32 $0x1, s1  }
0x8c: {  	s16 =	sshll.u32 s0, $0xA;
	s2 =	sadd.s32 s3, s2  }
0x8d: {  	s2 =	sadd.s32 s2, s16  }
0x8e: {  	[smem:$0x3FB7] =	sst s2  }
0x8f: {  	_ = 	snop  }
0x90: {  	(tm) =	ssettm $0x1  }
0x91: {  	s17 =	sld [smem:$0x3FFB];
	_ =	sdelay $0x3  }
0x92: {  	_ =	strace s17  }
0x93: {  	s2 =	sld [smem:$0x3FFC];
	_ =	sdelay $0x3  }
0x94: {  	_ =	strace s2  }
0x95: {  	s2 =	sld [smem:$0x3FFD];
	_ =	sdelay $0x3  }
0x96: {  	_ =	strace s2  }
0x97: {  	_ =	strace $0x8FFFFFFF  }
0x98: {  	s18 =	sld [smem:$0x3FDB];
	_ =	sdelay $0x1  }
0x99: {  	s19 =	simm.s32 $_scs_section_size  }
0x9a: {  	s4 =	simm.s32 $_size__tile_overlayer_lowered;
	s5 =	simm.s32 $_tile_overlayer_lowered  }
0x9b: {  	s22 =	simm.s32 $0x1BFF;
	s21 =	sshll.u32 s5, $0x1;
	s2 =	sadd.s32 s19, s18  }
0x9c: {  	s6 =	simm.s32 $0x0;
	s20 =	sshll.u32 s4, $0x1;
	s4 =	sadd.s32 s21, s2  }
0x9d: {  	[timem:s6], [sflag:s22] =	dma.local [hbm:s4], s20  }
0x9e: {  	_ =	swait.ge [sflag:s22], s20  }
0x9f: {  	s3 =	ssub.s32 $0x0, s20;
	[sflag:s22] =	ssyncset.done $0x0  }
0xa0: {  	[sflag:s22] =	ssyncadd.s32 s3;
	_ =	sdelay $0x1  }
0xa1: {  	s23 =	simm.s32 $0x1B8B  }
0xa2: {  	_ =	swait.ge [sflag:s23], $0x1  }
0xa3: {  	[sflag:s23] =	ssyncset.done $0x0  }
0xa4: {  	s25 =	simm.s32 $0x1B8E;
	s24 =	sld [smem:$0x3FFE];
	[sflag:s23] =	ssyncadd.s32 $0xFFFFFFFF  }
0xa5: {  	s26 =	simm.s32 $execute0_lowered;
	[smem:$0x3FD2] =	sst s25  }
0xa6: {  	s4 =	sshll.u32 s26, $0x1;
	_ =	strace $0x80000049;
	[dreg:$0x1] =	wrdreg $0xFFFFFFFF  }
0xa7: {  	s28 =	simm.s32 $_size_execute0_lowered;
	s2 =	sadd.s32 s2, s4;
	[dreg:$0x0] =	wrdreg $0x0  }
0xa8: {  	s4 =	sshll.u32 s28, $0x1;
	[dreg:$0x2] =	wrdreg s2  }
0xa9: {  	[dreg:$0x3] =	wrdreg s4  }
0xaa: {  	[dreg:$0x4] =	wrdreg $0xC0  }
0xab: {  	_ =	task [dreg:s6], $0x5FFFF  }
0xac: {  	[dreg:$0x1] =	wrdreg $0xFFFFFFFF  }
0xad: {  	[dreg:$0x0] =	wrdreg $0x60  }
0xae: {  	[dreg:$0x2] =	wrdreg s24  }
0xaf: {  	[dreg:$0x3] =	wrdreg $0xAC000  }
0xb0: {  	[dreg:$0x4] =	wrdreg $0x9  }
0xb1: {  	_ =	task.clear_ibuf [dreg:s6], $0x5FFFF;
	_ =	strace $0x90000049  }
0xb2: {  	s29 =	simm.s32 $0x9;
	_ =	strace $0x8000004B  }
0xb3: {  	_ =	swait.ge [sflag:s29], $0x1  }
0xb4: {  	[sflag:s29] =	ssyncadd.s32 $0xFFFFFFFF  }
0xb5: {  	_ =	strace $0x9000004B  }
0xb6: {  	_ =	sfence  }
0xb7: {  	s30 =	sld [smem:$0x0];
	_ =	sdelay $0x2  }
0xb8: {  	s31 =	sshll.u32 s1, $0xD;
	s1 =	sshrl.u32 s1, $0x2  }
0xb9: {  	s3 =	sand.u32 $0x4000, s31;
	s1 =	sadd.s32 s1, s30  }
0xba: {  	s0 =	sor.u32 s3, s0;
	s1 =	sshll.u32 s1, $0x11  }
0xbb: {  	s0 =	sor.u32 s1, s0  }
0xbc: {  	s0 =	sadd.s32 $0x8F2B, s0  }
0xbd: {  	[sflag:s0] =	ssyncadd.remote.s32 $0x1  }
0xbe: {  	_ =	sfence.sel $0xFFFF  }
0xbf: {  	[dreg:$0x0] =	wrdreg $0xFFFFFFFF;
	(pc) =	sbr.abs _section_cstart, $3  }
0xc0: {  	[dreg:$0x1] =	wrdreg $0xFFFFFFFF  }
0xc1: {  	_ =	task.clear_ibuf [dreg:s6], $0x2FFFF;
	_ =	strace $0x9FFFFFFF  }
0xc2: {  	(tm) =	ssettm $0x7FFFFFFF  }
0xc3: {  	_ =	shalt  }
tec
execute0_lowered:
.L_overlay_start_1:
0x0: {  	(tag) =	ssettag $0x1  }
0x1: {  	s0 =	rddreg [dreg:$0x0]  }
0x2: {  	s1 =	rddreg [dreg:$0x1];
	s2 =	simm.s32 $0x0;
	s16 =	stileid.u32  }
0x3: {  	s3 =	srdreg.scid;
	s28 =	simm.s32 $0x1;
	s29 =	simm.s32 $0x2  }
0x4: {  	s30 =	simm.s32 $0x3;
	s31 =	simm.s32 $0x3200;
	[smem:$0x7FF] =	sst s2  }
0x5: {  	s4 =	sadd.s32 $0xF6800, s0;
	s17 =	sadd.s32 $0xE2800, s0;
	s6 =	smul.u32 $0x13C00, s16  }
0x6: {  	s5 =	sshll.u32 s16, $0xB;
	s3 =	sand.u32 $0x1, s3;
	s11 =	smul.u32 $0x2800, s16  }
0x7: {  	s12 =	smul.u32 $0x4F000, s16;
	s26 =	sshll.u32 s16, $0x6;
	_ =	strace $0x8000004A  }
0x8: {  	s8 =	sadd.s32 s5, s0;
	s18 =	ssub.s32 $0x2, s3;
	s7 =	smul.u32 $0x28000, s3  }
0x9: {  	s13 =	sor.u32 $0x2, s3;
	s3 =	smul.u32 $0x13C000, s3;
	[dreg:$0xa] =	wrdreg s26  }
0xa: {  	s9 =	sshrl.u32 s6, $0x3;
	s10 =	sshrl.u32 s18, $0x1;
	s14 =	smul.u32 $0x28000, s13  }
0xb: {  	s5 =	sadd.s32 $0xBE00, s8;
	s19 =	sshrl.u32 s12, $0x2;
	s13 =	smul.u32 $0x13C000, s13  }
0xc: {  	s9 =	sadd.s32 s9, s0;
	s0 =	sadd.s32 $0x192C00, s0;
	s10 =	ssub.s32 s18, s10  }
0xd: {  	s7 =	sadd.s32 s11, s7;
	s12 =	sadd.s32 s19, s1;
	s3 =	sadd.s32 s6, s3  }
0xe: {  	s18 =	sor.u32 $0x1C04, s26;
	s26 =	simm.s32 $0x8400;
	s7 =	sshrl.u32 s7, $0x3  }
0xf: {  	s21 =	sadd.s32 s11, s14;
	s6 =	sadd.s32 s6, s13;
	s22 =	sshrl.u32 s3, $0x3  }
0x10: {  	s25 =	smax.u32 s10, $0x1;
	s19 =	sshrl.u32 s12, $0x3;
	s3 =	simm.s32 $0x3280  }
0x11: {  	s11 =	simm.s32 $0x3380;
	s13 =	simm.s32 $0x6;
	s14 =	simm.s32 $0x0  }
0x12: {  	s15 =	sadd.s32 s17, s7;
	s7 =	sadd.s32 $0x6C000, s9;
	s9 =	sadd.s32 $0xC200, s8  }
0x13: {  	s8 =	sshrl.u32 s21, $0x3;
	s23 =	sshrl.u32 s6, $0x3;
	s2 =	sadd.s32 s0, s22  }
0x14: {  	[dreg:$0x9] =	wrdreg s25;
	s21 =	simm.s32 $0x4;
	s22 =	simm.s32 $0x50  }
0x15: {  	s25 =	simm.s32 $0xA0;
	[dreg:$0x3] =	wrdreg s15;
	s20 =	sadd.s32 $0x280, s15  }
0x16: {  	s8 =	sadd.s32 s17, s8;
	[dreg:$0x6] =	wrdreg s2;
	s0 =	sadd.s32 s0, s23  }
0x17: {  	s15 =	simm.s32 $0x1400;
	s17 =	simm.s32 $0x8;
	[dreg:$0x4] =	wrdreg s20  }
0x18: {  	s23 =	simm.s32 $0x3400;
	[dreg:$0x5] =	wrdreg s8;
	s24 =	sadd.s32 $0x280, s8  }
0x19: {  	[dreg:$0x8] =	wrdreg s0;
	s20 =	simm.s32 $0x5;
	s0 =	simm.s32 $0x13B0  }
0x1a: {  	s8 =	simm.s32 $0x3300;
	[dreg:$0x7] =	wrdreg s24;
	s24 =	simm.s32 $0x5C00  }
.LBB2_1:
0x1b: {  	s2 =	simm.s32 $0x0  }
0x1c: {  	[tilespmem:s15], [sflag:$0x8] =	stream.linear.gather [hbm4b:s5+s2], $0x2000, $0x38;
	[tilespmem:$0x1E800] =	vst v63  }
0x1d: {  	_ =	swait.ge [sflag:s17], $0x2000  }
0x1e: {  	[sflag:s17] =	ssyncset.done $0x0  }
0x1f: {  	s6 =	rddreg [dreg:$0x3];
	[sflag:s17] =	ssyncadd.s32 $0xFFFFE000  }
0x20: {  	[tilespmem:s2], [sflag:$0x5] =	stream.linear.gather [hbm4b:s6+s2], $0x1400, $0x38;
	[tilespmem:$0x1E800] =	vst v63  }
0x21: {  	[spmem:s19], [sflag:s18] =	dma.local [hbm:s7], $0x2780  }
0x22: {  	_ =	swait.ge [sflag:s20], $0x1400  }
0x23: {  	[sflag:s20] =	ssyncset.done $0x0  }
0x24: {  	[sflag:s20] =	ssyncadd.s32 $0xFFFFEC00  }
0x25: {  	_ =	swait.ge [sflag:s21], $0x2780  }
0x26: {  	[sflag:s21] =	ssyncset.done $0x0  }
0x27: {  	[sflag:s21] =	ssyncadd.s32 $0xFFFFD880  }
0x28: {  	[bflag:$0x0] =	sbarrier.arrive $0xFFFF  }
0x29: {  	[tilespmem:s23], [sflag:$0x1] =	stream.indirect.gather [hbm4b:s4+s22], $0x80, s2, s22, $0xb8;
	[tilespmem:$0x1E800] =	vst v63  }
0x2a: {  	_ = 	snop  }
0x2b: {  	[tilespmem:s24], [sflag:$0x2] =	stream.indirect.gather [hbm4b:s4+s22], $0x80, s22, s22, $0xb8;
	[tilespmem:$0x1E800] =	vst v63  }
0x2c: {  	_ = 	snop  }
0x2d: {  	[tilespmem:s26], [sflag:$0x3] =	stream.indirect.gather [hbm4b:s4+s22], $0x80, s25, s22, $0xb8;
	[tilespmem:$0x1E800] =	vst v63  }
0x2e: {  	_ =	swait.ge [sflag:s28], $0x2800  }
0x2f: {  	[sflag:s28] =	ssyncset.done $0x0  }
0x30: {  	s16 =	simm.s32 $0x1400;
	[sflag:s28] =	ssyncadd.s32 $0xFFFFD800  }
0x31: {  	[spmem:s1] =	stream.indirect.scatter.add.f32 [tilespmem:s23], [sflag:$0x8], $0x80, s16, s22, $0xb8;
	[tilespmem:$0x1E800] =	vst v63  }
0x32: {  	_ =	swait.ge [sflag:s17], $0x2800  }
0x33: {  	[sflag:s17] =	ssyncset.done $0x0  }
0x34: {  	s6 =	simm.s32 $0xF0;
	[sflag:s17] =	ssyncadd.s32 $0xFFFFD800  }
0x35: {  	[tilespmem:s23], [sflag:$0x1] =	stream.indirect.gather [hbm4b:s4+s22], $0x80, s6, s22, $0xb8;
	[tilespmem:$0x1E800] =	vst v63  }
0x36: {  	_ =	swait.ge [sflag:s29], $0x2800  }
0x37: {  	[sflag:s29] =	ssyncset.done $0x0  }
0x38: {  	s10 =	simm.s32 $0x1480;
	[sflag:s29] =	ssyncadd.s32 $0xFFFFD800  }
0x39: {  	[spmem:s1] =	stream.indirect.scatter.add.f32 [tilespmem:s24], [sflag:$0x8], $0x80, s10, s22, $0xb8;
	[tilespmem:$0x1E800] =	vst v63  }
0x3a: {  	_ =	swait.ge [sflag:s17], $0x2800  }
0x3b: {  	[sflag:s17] =	ssyncset.done $0x0  }
0x3c: {  	s12 =	simm.s32 $0x140;
	[sflag:s17] =	ssyncadd.s32 $0xFFFFD800  }
0x3d: {  	[tilespmem:s24], [sflag:$0x2] =	stream.indirect.gather [hbm4b:s4+s22], $0x80, s12, s22, $0xb8;
	[tilespmem:$0x1E800] =	vst v63  }
0x3e: {  	_ =	swait.ge [sflag:s30], $0x2800  }
0x3f: {  	[sflag:s30] =	ssyncset.done $0x0  }
0x40: {  	s16 =	simm.s32 $0x1500;
	[sflag:s30] =	ssyncadd.s32 $0xFFFFD800  }
0x41: {  	[spmem:s1] =	stream.indirect.scatter.add.f32 [tilespmem:s26], [sflag:$0x8], $0x80, s16, s22, $0xb8;
	[tilespmem:$0x1E800] =	vst v63  }
0x42: {  	_ =	swait.ge [sflag:s17], $0x2800  }
0x43: {  	s6 =	simm.s32 $0x3C0;
	[sflag:s17] =	ssyncset.done $0x0  }
0x44: {  	s10 =	simm.s32 $0x1680;
	s16 =	simm.s32 $0x190;
	[sflag:s17] =	ssyncadd.s32 $0xFFFFD800  }
.LBB2_2:
0x45: {  	[tilespmem:s26], [sflag:$0x3] =	stream.indirect.gather [hbm4b:s4+s22], $0x80, s16, s22, $0xb8;
	[tilespmem:$0x1E800] =	vst v63  }
0x46: {  	s2 =	smov.u32 s6  }
0x47: {  	p0 =	sne.s32 s6, $0x4740;
	s6 =	sadd.s32 $0x3C0, s6;
	_ =	swait.ge [sflag:s28], $0x2800  }
0x48: {  	[sflag:s28] =	ssyncset.done $0x0  }
0x49: {  	s16 =	sadd.s32 $0xFFFFFF00, s10;
	[sflag:s28] =	ssyncadd.s32 $0xFFFFD800  }
0x4a: {  	[spmem:s1] =	stream.indirect.scatter.add.f32 [tilespmem:s23], [sflag:$0x8], $0x80, s16, s22, $0xb8;
	[tilespmem:$0x1E800] =	vst v63  }
0x4b: {  	_ =	swait.ge [sflag:s17], $0x2800  }
0x4c: {  	s2 =	sshra.s32 s2, $0x2;
	[sflag:s17] =	ssyncset.done $0x0  }
0x4d: {  	s16 =	sadd.s32 $0xF0, s2;
	[sflag:s17] =	ssyncadd.s32 $0xFFFFD800  }
0x4e: {  	[tilespmem:s23], [sflag:$0x1] =	stream.indirect.gather [hbm4b:s4+s22], $0x80, s16, s22, $0xb8;
	[tilespmem:$0x1E800] =	vst v63  }
0x4f: {  	_ =	swait.ge [sflag:s29], $0x2800  }
0x50: {  	[sflag:s29] =	ssyncset.done $0x0  }
0x51: {  	s16 =	sadd.s32 $0xFFFFFF80, s10;
	[sflag:s29] =	ssyncadd.s32 $0xFFFFD800  }
0x52: {  	[spmem:s1] =	stream.indirect.scatter.add.f32 [tilespmem:s24], [sflag:$0x8], $0x80, s16, s22, $0xb8;
	[tilespmem:$0x1E800] =	vst v63  }
0x53: {  	_ =	swait.ge [sflag:s17], $0x2800  }
0x54: {  	[sflag:s17] =	ssyncset.done $0x0  }
0x55: {  	s16 =	sadd.s32 $0x140, s2;
	[sflag:s17] =	ssyncadd.s32 $0xFFFFD800  }
0x56: {  	[tilespmem:s24], [sflag:$0x2] =	stream.indirect.gather [hbm4b:s4+s22], $0x80, s16, s22, $0xb8;
	[tilespmem:$0x1E800] =	vst v63  }
0x57: {  	_ =	swait.ge [sflag:s30], $0x2800  }
0x58: {  	[sflag:s30] =	ssyncset.done $0x0  }
.Ltmp0:
0x59: {  	[sflag:s30] =	ssyncadd.s32 $0xFFFFD800;
	(pc) =	sbr.rel @p0 .LBB2_2-.Ltmp0, $4  }
0x5a: {  	[spmem:s1] =	stream.indirect.scatter.add.f32 [tilespmem:s26], [sflag:$0x8], $0x80, s10, s22, $0xb8;
	[tilespmem:$0x1E800] =	vst v63  }
0x5b: {  	_ =	swait.ge [sflag:s17], $0x2800  }
0x5c: {  	[sflag:s17] =	ssyncset.done $0x0  }
0x5d: {  	s16 =	sadd.s32 $0x190, s2;
	s10 =	sadd.s32 $0x180, s10;
	[sflag:s17] =	ssyncadd.s32 $0xFFFFD800  }
0x5e: {  	[tilespmem:s26], [sflag:$0x3] =	stream.indirect.gather [hbm4b:s4+s22], $0x80, s16, s22, $0xb8;
	[tilespmem:$0x1E800] =	vst v63  }
0x5f: {  	_ =	swait.ge [sflag:s28], $0x2800  }
0x60: {  	[sflag:s28] =	ssyncset.done $0x0  }
0x61: {  	[sflag:s28] =	ssyncadd.s32 $0xFFFFD800  }
0x62: {  	[spmem:s1] =	stream.indirect.scatter.add.f32 [tilespmem:s23], [sflag:$0x8], $0x80, s31, s22, $0xb8;
	[tilespmem:$0x1E800] =	vst v63  }
0x63: {  	_ =	swait.ge [sflag:s17], $0x2800  }
0x64: {  	[sflag:s17] =	ssyncset.done $0x0  }
0x65: {  	[sflag:s17] =	ssyncadd.s32 $0xFFFFD800  }
0x66: {  	[tilespmem:s23], [sflag:$0x1] =	stream.indirect.gather [hbm4b:s4+s22], $0x80, s0, s22, $0xb8;
	[tilespmem:$0x1E800] =	vst v63  }
0x67: {  	_ =	swait.ge [sflag:s29], $0x2800  }
0x68: {  	[sflag:s29] =	ssyncset.done $0x0  }
0x69: {  	[sflag:s29] =	ssyncadd.s32 $0xFFFFD800  }
0x6a: {  	[spmem:s1] =	stream.indirect.scatter.add.f32 [tilespmem:s24], [sflag:$0x8], $0x80, s3, s22, $0xb8;
	[tilespmem:$0x1E800] =	vst v63  }
0x6b: {  	_ =	swait.ge [sflag:s17], $0x2800  }
0x6c: {  	[sflag:s17] =	ssyncset.done $0x0  }
0x6d: {  	[sflag:s17] =	ssyncadd.s32 $0xFFFFD800  }
0x6e: {  	_ =	swait.ge [sflag:s30], $0x2800  }
0x6f: {  	[sflag:s30] =	ssyncset.done $0x0  }
0x70: {  	[sflag:s30] =	ssyncadd.s32 $0xFFFFD800  }
0x71: {  	[spmem:s1] =	stream.indirect.scatter.add.f32 [tilespmem:s26], [sflag:$0x8], $0x80, s8, s22, $0xb8;
	[tilespmem:$0x1E800] =	vst v63  }
0x72: {  	_ =	swait.ge [sflag:s17], $0x2800  }
0x73: {  	[sflag:s17] =	ssyncset.done $0x0  }
0x74: {  	[sflag:s17] =	ssyncadd.s32 $0xFFFFD800  }
0x75: {  	_ =	swait.ge [sflag:s28], $0x2800  }
0x76: {  	[sflag:s28] =	ssyncset.done $0x0  }
0x77: {  	[sflag:s28] =	ssyncadd.s32 $0xFFFFD800  }
0x78: {  	[spmem:s1] =	stream.indirect.scatter.add.f32 [tilespmem:s23], [sflag:$0x8], $0x80, s11, s22, $0xb8;
	[tilespmem:$0x1E800] =	vst v63  }
0x79: {  	_ =	swait.ge [sflag:s17], $0x2800  }
0x7a: {  	[sflag:s17] =	ssyncset.done $0x0  }
0x7b: {  	s2 =	simm.s32 $0x0;
	s6 =	rddreg [dreg:$0x4];
	[sflag:s17] =	ssyncadd.s32 $0xFFFFD800  }
0x7c: {  	[tilespmem:s2], [sflag:$0x8] =	stream.linear.gather [hbm4b:s6+s2], $0x1400, $0x38;
	[tilespmem:$0x1E800] =	vst v63  }
0x7d: {  	_ =	swait.ge [sflag:s17], $0x1400  }
0x7e: {  	[sflag:s17] =	ssyncset.done $0x0  }
0x7f: {  	[sflag:s17] =	ssyncadd.s32 $0xFFFFEC00  }
0x80: {  	[tilespmem:s15], [sflag:$0x8] =	stream.linear.gather [hbm4b:s9+s2], $0x2000, $0x38;
	[tilespmem:$0x1E800] =	vst v63  }
0x81: {  	_ =	swait.ge [sflag:s17], $0x2000  }
0x82: {  	[sflag:s17] =	ssyncset.done $0x0  }
0x83: {  	[sflag:s17] =	ssyncadd.s32 $0xFFFFE000  }
0x84: {  	[tilespmem:s23], [sflag:$0x1] =	stream.indirect.gather [hbm4b:s4+s22], $0x80, s2, s22, $0xb8;
	[tilespmem:$0x1E800] =	vst v63  }
0x85: {  	_ = 	snop  }
0x86: {  	[tilespmem:s24], [sflag:$0x2] =	stream.indirect.gather [hbm4b:s4+s22], $0x80, s22, s22, $0xb8;
	[tilespmem:$0x1E800] =	vst v63  }
0x87: {  	_ = 	snop  }
0x88: {  	[tilespmem:s26], [sflag:$0x3] =	stream.indirect.gather [hbm4b:s4+s22], $0x80, s25, s22, $0xb8;
	[tilespmem:$0x1E800] =	vst v63  }
0x89: {  	_ =	swait.ge [sflag:s28], $0x2800  }
0x8a: {  	[sflag:s28] =	ssyncset.done $0x0  }
0x8b: {  	s16 =	simm.s32 $0x1400;
	[sflag:s28] =	ssyncadd.s32 $0xFFFFD800  }
0x8c: {  	[spmem:s1] =	stream.indirect.scatter.add.f32 [tilespmem:s23], [sflag:$0x8], $0x80, s16, s22, $0xb8;
	[tilespmem:$0x1E800] =	vst v63  }
0x8d: {  	_ =	swait.ge [sflag:s17], $0x2800  }
0x8e: {  	[sflag:s17] =	ssyncset.done $0x0  }
0x8f: {  	s6 =	simm.s32 $0xF0;
	[sflag:s17] =	ssyncadd.s32 $0xFFFFD800  }
0x90: {  	[tilespmem:s23], [sflag:$0x1] =	stream.indirect.gather [hbm4b:s4+s22], $0x80, s6, s22, $0xb8;
	[tilespmem:$0x1E800] =	vst v63  }
0x91: {  	_ =	swait.ge [sflag:s29], $0x2800  }
0x92: {  	[sflag:s29] =	ssyncset.done $0x0  }
0x93: {  	s10 =	simm.s32 $0x1480;
	[sflag:s29] =	ssyncadd.s32 $0xFFFFD800  }
0x94: {  	[spmem:s1] =	stream.indirect.scatter.add.f32 [tilespmem:s24], [sflag:$0x8], $0x80, s10, s22, $0xb8;
	[tilespmem:$0x1E800] =	vst v63  }
0x95: {  	_ =	swait.ge [sflag:s17], $0x2800  }
0x96: {  	[sflag:s17] =	ssyncset.done $0x0  }
0x97: {  	s12 =	simm.s32 $0x140;
	[sflag:s17] =	ssyncadd.s32 $0xFFFFD800  }
0x98: {  	[tilespmem:s24], [sflag:$0x2] =	stream.indirect.gather [hbm4b:s4+s22], $0x80, s12, s22, $0xb8;
	[tilespmem:$0x1E800] =	vst v63  }
0x99: {  	_ =	swait.ge [sflag:s30], $0x2800  }
0x9a: {  	[sflag:s30] =	ssyncset.done $0x0  }
0x9b: {  	s16 =	simm.s32 $0x1500;
	[sflag:s30] =	ssyncadd.s32 $0xFFFFD800  }
0x9c: {  	[spmem:s1] =	stream.indirect.scatter.add.f32 [tilespmem:s26], [sflag:$0x8], $0x80, s16, s22, $0xb8;
	[tilespmem:$0x1E800] =	vst v63  }
0x9d: {  	_ =	swait.ge [sflag:s17], $0x2800  }
0x9e: {  	s6 =	simm.s32 $0x3C0;
	[sflag:s17] =	ssyncset.done $0x0  }
0x9f: {  	s10 =	simm.s32 $0x1680;
	s16 =	simm.s32 $0x190;
	[sflag:s17] =	ssyncadd.s32 $0xFFFFD800  }
.LBB2_4:
0xa0: {  	[tilespmem:s26], [sflag:$0x3] =	stream.indirect.gather [hbm4b:s4+s22], $0x80, s16, s22, $0xb8;
	[tilespmem:$0x1E800] =	vst v63  }
0xa1: {  	s2 =	smov.u32 s6  }
0xa2: {  	p0 =	sne.s32 s6, $0x4740;
	s6 =	sadd.s32 $0x3C0, s6;
	_ =	swait.ge [sflag:s28], $0x2800  }
0xa3: {  	[sflag:s28] =	ssyncset.done $0x0  }
0xa4: {  	s16 =	sadd.s32 $0xFFFFFF00, s10;
	[sflag:s28] =	ssyncadd.s32 $0xFFFFD800  }
0xa5: {  	[spmem:s1] =	stream.indirect.scatter.add.f32 [tilespmem:s23], [sflag:$0x8], $0x80, s16, s22, $0xb8;
	[tilespmem:$0x1E800] =	vst v63  }
0xa6: {  	_ =	swait.ge [sflag:s17], $0x2800  }
0xa7: {  	s2 =	sshra.s32 s2, $0x2;
	[sflag:s17] =	ssyncset.done $0x0  }
0xa8: {  	s16 =	sadd.s32 $0xF0, s2;
	[sflag:s17] =	ssyncadd.s32 $0xFFFFD800  }
0xa9: {  	[tilespmem:s23], [sflag:$0x1] =	stream.indirect.gather [hbm4b:s4+s22], $0x80, s16, s22, $0xb8;
	[tilespmem:$0x1E800] =	vst v63  }
0xaa: {  	_ =	swait.ge [sflag:s29], $0x2800  }
0xab: {  	[sflag:s29] =	ssyncset.done $0x0  }
0xac: {  	s16 =	sadd.s32 $0xFFFFFF80, s10;
	[sflag:s29] =	ssyncadd.s32 $0xFFFFD800  }
0xad: {  	[spmem:s1] =	stream.indirect.scatter.add.f32 [tilespmem:s24], [sflag:$0x8], $0x80, s16, s22, $0xb8;
	[tilespmem:$0x1E800] =	vst v63  }
0xae: {  	_ =	swait.ge [sflag:s17], $0x2800  }
0xaf: {  	[sflag:s17] =	ssyncset.done $0x0  }
0xb0: {  	s16 =	sadd.s32 $0x140, s2;
	[sflag:s17] =	ssyncadd.s32 $0xFFFFD800  }
0xb1: {  	[tilespmem:s24], [sflag:$0x2] =	stream.indirect.gather [hbm4b:s4+s22], $0x80, s16, s22, $0xb8;
	[tilespmem:$0x1E800] =	vst v63  }
0xb2: {  	_ =	swait.ge [sflag:s30], $0x2800  }
0xb3: {  	[sflag:s30] =	ssyncset.done $0x0  }
.Ltmp1:
0xb4: {  	[sflag:s30] =	ssyncadd.s32 $0xFFFFD800;
	(pc) =	sbr.rel @p0 .LBB2_4-.Ltmp1, $4  }
0xb5: {  	[spmem:s1] =	stream.indirect.scatter.add.f32 [tilespmem:s26], [sflag:$0x8], $0x80, s10, s22, $0xb8;
	[tilespmem:$0x1E800] =	vst v63  }
0xb6: {  	_ =	swait.ge [sflag:s17], $0x2800  }
0xb7: {  	[sflag:s17] =	ssyncset.done $0x0  }
0xb8: {  	s16 =	sadd.s32 $0x190, s2;
	s10 =	sadd.s32 $0x180, s10;
	[sflag:s17] =	ssyncadd.s32 $0xFFFFD800  }
0xb9: {  	[tilespmem:s26], [sflag:$0x3] =	stream.indirect.gather [hbm4b:s4+s22], $0x80, s16, s22, $0xb8;
	[tilespmem:$0x1E800] =	vst v63  }
0xba: {  	_ =	swait.ge [sflag:s28], $0x2800  }
0xbb: {  	[sflag:s28] =	ssyncset.done $0x0  }
0xbc: {  	[sflag:s28] =	ssyncadd.s32 $0xFFFFD800  }
0xbd: {  	[spmem:s1] =	stream.indirect.scatter.add.f32 [tilespmem:s23], [sflag:$0x8], $0x80, s31, s22, $0xb8;
	[tilespmem:$0x1E800] =	vst v63  }
0xbe: {  	_ =	swait.ge [sflag:s17], $0x2800  }
0xbf: {  	[sflag:s17] =	ssyncset.done $0x0  }
0xc0: {  	[sflag:s17] =	ssyncadd.s32 $0xFFFFD800  }
0xc1: {  	[tilespmem:s23], [sflag:$0x1] =	stream.indirect.gather [hbm4b:s4+s22], $0x80, s0, s22, $0xb8;
	[tilespmem:$0x1E800] =	vst v63  }
0xc2: {  	_ =	swait.ge [sflag:s29], $0x2800  }
0xc3: {  	[sflag:s29] =	ssyncset.done $0x0  }
0xc4: {  	[sflag:s29] =	ssyncadd.s32 $0xFFFFD800  }
0xc5: {  	[spmem:s1] =	stream.indirect.scatter.add.f32 [tilespmem:s24], [sflag:$0x8], $0x80, s3, s22, $0xb8;
	[tilespmem:$0x1E800] =	vst v63  }
0xc6: {  	_ =	swait.ge [sflag:s17], $0x2800  }
0xc7: {  	[sflag:s17] =	ssyncset.done $0x0  }
0xc8: {  	[sflag:s17] =	ssyncadd.s32 $0xFFFFD800  }
0xc9: {  	_ =	swait.ge [sflag:s30], $0x2800  }
0xca: {  	[sflag:s30] =	ssyncset.done $0x0  }
0xcb: {  	[sflag:s30] =	ssyncadd.s32 $0xFFFFD800  }
0xcc: {  	[spmem:s1] =	stream.indirect.scatter.add.f32 [tilespmem:s26], [sflag:$0x8], $0x80, s8, s22, $0xb8;
	[tilespmem:$0x1E800] =	vst v63  }
0xcd: {  	_ =	swait.ge [sflag:s17], $0x2800  }
0xce: {  	[sflag:s17] =	ssyncset.done $0x0  }
0xcf: {  	[sflag:s17] =	ssyncadd.s32 $0xFFFFD800  }
0xd0: {  	_ =	swait.ge [sflag:s28], $0x2800  }
0xd1: {  	[sflag:s28] =	ssyncset.done $0x0  }
0xd2: {  	[sflag:s28] =	ssyncadd.s32 $0xFFFFD800  }
0xd3: {  	[spmem:s1] =	stream.indirect.scatter.add.f32 [tilespmem:s23], [sflag:$0x8], $0x80, s11, s22, $0xb8;
	[tilespmem:$0x1E800] =	vst v63  }
0xd4: {  	_ =	swait.ge [sflag:s17], $0x2800  }
0xd5: {  	[sflag:s17] =	ssyncset.done $0x0  }
0xd6: {  	s2 =	simm.s32 $0x0;
	s6 =	rddreg [dreg:$0x5];
	[sflag:s17] =	ssyncadd.s32 $0xFFFFD800  }
0xd7: {  	[tilespmem:s2], [sflag:$0x5] =	stream.linear.gather [hbm4b:s6+s2], $0x1400, $0x38;
	[tilespmem:$0x1E800] =	vst v63  }
0xd8: {  	_ = 	snop  }
0xd9: {  	[tilespmem:s15], [sflag:$0x7] =	stream.linear.gather [hbm4b:s5+s2], $0x2000, $0x38;
	[tilespmem:$0x1E800] =	vst v63  }
0xda: {  	[bflag:$0x0] =	sbarrier.arrive $0xFFFF  }
0xdb: {  	s16 =	rddreg [dreg:$0xa]  }
0xdc: {  	s10 =	rddreg [dreg:$0x6];
	s6 =	sor.u32 $0x1C06, s16  }
0xdd: {  	[hbm:s10], [sflag:s6] =	dma.local [spmem:s19], $0x2780  }
0xde: {  	_ =	swait.ge [sflag:s20], $0x1400  }
0xdf: {  	[sflag:s20] =	ssyncset.done $0x0  }
0xe0: {  	[sflag:s20] =	ssyncadd.s32 $0xFFFFEC00  }
0xe1: {  	[tilespmem:s23], [sflag:$0x1] =	stream.indirect.gather [hbm4b:s4+s22], $0x80, s2, s22, $0xb8;
	[tilespmem:$0x1E800] =	vst v63  }
0xe2: {  	_ = 	snop  }
0xe3: {  	[tilespmem:s24], [sflag:$0x2] =	stream.indirect.gather [hbm4b:s4+s22], $0x80, s22, s22, $0xb8;
	[tilespmem:$0x1E800] =	vst v63  }
0xe4: {  	s10 =	simm.s32 $0x7  }
0xe5: {  	[tilespmem:s26], [sflag:$0x3] =	stream.indirect.gather [hbm4b:s4+s22], $0x80, s25, s22, $0xb8;
	[tilespmem:$0x1E800] =	vst v63  }
0xe6: {  	_ =	swait.ge [sflag:s10], $0x2000  }
0xe7: {  	[sflag:s10] =	ssyncset.done $0x0  }
0xe8: {  	[sflag:s10] =	ssyncadd.s32 $0xFFFFE000  }
0xe9: {  	_ =	swait.ge [sflag:s13], $0x2780  }
0xea: {  	[sflag:s13] =	ssyncset.done $0x0  }
0xeb: {  	[sflag:s13] =	ssyncadd.s32 $0xFFFFD880  }
0xec: {  	[spmem:s19], [sflag:s18] =	dma.local [hbm:s7], $0x2780  }
0xed: {  	_ =	swait.ge [sflag:s21], $0x2780  }
0xee: {  	[sflag:s21] =	ssyncset.done $0x0  }
0xef: {  	[sflag:s21] =	ssyncadd.s32 $0xFFFFD880  }
0xf0: {  	[bflag:$0x0] =	sbarrier.arrive $0xFFFF  }
0xf1: {  	_ =	swait.ge [sflag:s28], $0x2800  }
0xf2: {  	[sflag:s28] =	ssyncset.done $0x0  }
0xf3: {  	s12 =	simm.s32 $0x1400;
	[sflag:s28] =	ssyncadd.s32 $0xFFFFD800  }
0xf4: {  	[spmem:s1] =	stream.indirect.scatter.add.f32 [tilespmem:s23], [sflag:$0x8], $0x80, s12, s22, $0xb8;
	[tilespmem:$0x1E800] =	vst v63  }
0xf5: {  	_ =	swait.ge [sflag:s17], $0x2800  }
0xf6: {  	[sflag:s17] =	ssyncset.done $0x0  }
0xf7: {  	s16 =	simm.s32 $0xF0;
	[sflag:s17] =	ssyncadd.s32 $0xFFFFD800  }
0xf8: {  	[tilespmem:s23], [sflag:$0x1] =	stream.indirect.gather [hbm4b:s4+s22], $0x80, s16, s22, $0xb8;
	[tilespmem:$0x1E800] =	vst v63  }
0xf9: {  	_ =	swait.ge [sflag:s29], $0x2800  }
0xfa: {  	[sflag:s29] =	ssyncset.done $0x0  }
0xfb: {  	s10 =	simm.s32 $0x1480;
	[sflag:s29] =	ssyncadd.s32 $0xFFFFD800  }
0xfc: {  	[spmem:s1] =	stream.indirect.scatter.add.f32 [tilespmem:s24], [sflag:$0x8], $0x80, s10, s22, $0xb8;
	[tilespmem:$0x1E800] =	vst v63  }
0xfd: {  	_ =	swait.ge [sflag:s17], $0x2800  }
0xfe: {  	[sflag:s17] =	ssyncset.done $0x0  }
0xff: {  	s12 =	simm.s32 $0x140;
	[sflag:s17] =	ssyncadd.s32 $0xFFFFD800  }
0x100: {  	[tilespmem:s24], [sflag:$0x2] =	stream.indirect.gather [hbm4b:s4+s22], $0x80, s12, s22, $0xb8;
	[tilespmem:$0x1E800] =	vst v63  }
0x101: {  	_ =	swait.ge [sflag:s30], $0x2800  }
0x102: {  	[sflag:s30] =	ssyncset.done $0x0  }
0x103: {  	s16 =	simm.s32 $0x1500;
	[sflag:s30] =	ssyncadd.s32 $0xFFFFD800  }
0x104: {  	[spmem:s1] =	stream.indirect.scatter.add.f32 [tilespmem:s26], [sflag:$0x8], $0x80, s16, s22, $0xb8;
	[tilespmem:$0x1E800] =	vst v63  }
0x105: {  	_ =	swait.ge [sflag:s17], $0x2800  }
0x106: {  	s2 =	simm.s32 $0x190;
	[sflag:s17] =	ssyncset.done $0x0  }
0x107: {  	s10 =	simm.s32 $0x3C0;
	s16 =	simm.s32 $0x1680;
	[sflag:s17] =	ssyncadd.s32 $0xFFFFD800  }
.LBB2_6:
0x108: {  	[tilespmem:s26], [sflag:$0x3] =	stream.indirect.gather [hbm4b:s4+s22], $0x80, s2, s22, $0xb8;
	[tilespmem:$0x1E800] =	vst v63  }
0x109: {  	s2 =	smov.u32 s10  }
0x10a: {  	p0 =	sne.s32 s10, $0x4740;
	s10 =	sadd.s32 $0x3C0, s10;
	_ =	swait.ge [sflag:s28], $0x2800  }
0x10b: {  	[sflag:s28] =	ssyncset.done $0x0  }
0x10c: {  	s12 =	sadd.s32 $0xFFFFFF00, s16;
	[sflag:s28] =	ssyncadd.s32 $0xFFFFD800  }
0x10d: {  	[spmem:s1] =	stream.indirect.scatter.add.f32 [tilespmem:s23], [sflag:$0x8], $0x80, s12, s22, $0xb8;
	[tilespmem:$0x1E800] =	vst v63  }
0x10e: {  	_ =	swait.ge [sflag:s17], $0x2800  }
0x10f: {  	s2 =	sshra.s32 s2, $0x2;
	[sflag:s17] =	ssyncset.done $0x0  }
0x110: {  	s12 =	sadd.s32 $0xF0, s2;
	[sflag:s17] =	ssyncadd.s32 $0xFFFFD800  }
0x111: {  	[tilespmem:s23], [sflag:$0x1] =	stream.indirect.gather [hbm4b:s4+s22], $0x80, s12, s22, $0xb8;
	[tilespmem:$0x1E800] =	vst v63  }
0x112: {  	_ =	swait.ge [sflag:s29], $0x2800  }
0x113: {  	[sflag:s29] =	ssyncset.done $0x0  }
0x114: {  	s12 =	sadd.s32 $0xFFFFFF80, s16;
	[sflag:s29] =	ssyncadd.s32 $0xFFFFD800  }
0x115: {  	[spmem:s1] =	stream.indirect.scatter.add.f32 [tilespmem:s24], [sflag:$0x8], $0x80, s12, s22, $0xb8;
	[tilespmem:$0x1E800] =	vst v63  }
0x116: {  	_ =	swait.ge [sflag:s17], $0x2800  }
0x117: {  	[sflag:s17] =	ssyncset.done $0x0  }
0x118: {  	s12 =	sadd.s32 $0x140, s2;
	[sflag:s17] =	ssyncadd.s32 $0xFFFFD800  }
0x119: {  	[tilespmem:s24], [sflag:$0x2] =	stream.indirect.gather [hbm4b:s4+s22], $0x80, s12, s22, $0xb8;
	[tilespmem:$0x1E800] =	vst v63  }
0x11a: {  	_ =	swait.ge [sflag:s30], $0x2800  }
0x11b: {  	[sflag:s30] =	ssyncset.done $0x0  }
.Ltmp2:
0x11c: {  	[sflag:s30] =	ssyncadd.s32 $0xFFFFD800;
	(pc) =	sbr.rel @p0 .LBB2_6-.Ltmp2, $4  }
0x11d: {  	[spmem:s1] =	stream.indirect.scatter.add.f32 [tilespmem:s26], [sflag:$0x8], $0x80, s16, s22, $0xb8;
	[tilespmem:$0x1E800] =	vst v63  }
0x11e: {  	_ =	swait.ge [sflag:s17], $0x2800  }
0x11f: {  	[sflag:s17] =	ssyncset.done $0x0  }
0x120: {  	s2 =	sadd.s32 $0x190, s2;
	s16 =	sadd.s32 $0x180, s16;
	[sflag:s17] =	ssyncadd.s32 $0xFFFFD800  }
0x121: {  	[tilespmem:s26], [sflag:$0x3] =	stream.indirect.gather [hbm4b:s4+s22], $0x80, s2, s22, $0xb8;
	[tilespmem:$0x1E800] =	vst v63  }
0x122: {  	_ =	swait.ge [sflag:s28], $0x2800  }
0x123: {  	[sflag:s28] =	ssyncset.done $0x0  }
0x124: {  	[sflag:s28] =	ssyncadd.s32 $0xFFFFD800  }
0x125: {  	[spmem:s1] =	stream.indirect.scatter.add.f32 [tilespmem:s23], [sflag:$0x8], $0x80, s31, s22, $0xb8;
	[tilespmem:$0x1E800] =	vst v63  }
0x126: {  	_ =	swait.ge [sflag:s17], $0x2800  }
0x127: {  	[sflag:s17] =	ssyncset.done $0x0  }
0x128: {  	[sflag:s17] =	ssyncadd.s32 $0xFFFFD800  }
0x129: {  	[tilespmem:s23], [sflag:$0x1] =	stream.indirect.gather [hbm4b:s4+s22], $0x80, s0, s22, $0xb8;
	[tilespmem:$0x1E800] =	vst v63  }
0x12a: {  	_ =	swait.ge [sflag:s29], $0x2800  }
0x12b: {  	[sflag:s29] =	ssyncset.done $0x0  }
0x12c: {  	[sflag:s29] =	ssyncadd.s32 $0xFFFFD800  }
0x12d: {  	[spmem:s1] =	stream.indirect.scatter.add.f32 [tilespmem:s24], [sflag:$0x8], $0x80, s3, s22, $0xb8;
	[tilespmem:$0x1E800] =	vst v63  }
0x12e: {  	_ =	swait.ge [sflag:s17], $0x2800  }
0x12f: {  	[sflag:s17] =	ssyncset.done $0x0  }
0x130: {  	[sflag:s17] =	ssyncadd.s32 $0xFFFFD800  }
0x131: {  	_ =	swait.ge [sflag:s30], $0x2800  }
0x132: {  	[sflag:s30] =	ssyncset.done $0x0  }
0x133: {  	[sflag:s30] =	ssyncadd.s32 $0xFFFFD800  }
0x134: {  	[spmem:s1] =	stream.indirect.scatter.add.f32 [tilespmem:s26], [sflag:$0x8], $0x80, s8, s22, $0xb8;
	[tilespmem:$0x1E800] =	vst v63  }
0x135: {  	_ =	swait.ge [sflag:s17], $0x2800  }
0x136: {  	[sflag:s17] =	ssyncset.done $0x0  }
0x137: {  	[sflag:s17] =	ssyncadd.s32 $0xFFFFD800  }
0x138: {  	_ =	swait.ge [sflag:s28], $0x2800  }
0x139: {  	[sflag:s28] =	ssyncset.done $0x0  }
0x13a: {  	[sflag:s28] =	ssyncadd.s32 $0xFFFFD800  }
0x13b: {  	[spmem:s1] =	stream.indirect.scatter.add.f32 [tilespmem:s23], [sflag:$0x8], $0x80, s11, s22, $0xb8;
	[tilespmem:$0x1E800] =	vst v63  }
0x13c: {  	_ =	swait.ge [sflag:s17], $0x2800  }
0x13d: {  	[sflag:s17] =	ssyncset.done $0x0  }
0x13e: {  	s16 =	simm.s32 $0x0;
	s10 =	rddreg [dreg:$0x7];
	[sflag:s17] =	ssyncadd.s32 $0xFFFFD800  }
0x13f: {  	[tilespmem:s16], [sflag:$0x8] =	stream.linear.gather [hbm4b:s10+s16], $0x1400, $0x38;
	[tilespmem:$0x1E800] =	vst v63  }
0x140: {  	_ =	swait.ge [sflag:s17], $0x1400  }
0x141: {  	[sflag:s17] =	ssyncset.done $0x0  }
0x142: {  	[sflag:s17] =	ssyncadd.s32 $0xFFFFEC00  }
0x143: {  	[tilespmem:s15], [sflag:$0x8] =	stream.linear.gather [hbm4b:s9+s16], $0x2000, $0x38;
	[tilespmem:$0x1E800] =	vst v63  }
0x144: {  	_ =	swait.ge [sflag:s17], $0x2000  }
0x145: {  	[sflag:s17] =	ssyncset.done $0x0  }
0x146: {  	[sflag:s17] =	ssyncadd.s32 $0xFFFFE000  }
0x147: {  	[tilespmem:s23], [sflag:$0x1] =	stream.indirect.gather [hbm4b:s4+s22], $0x80, s16, s22, $0xb8;
	[tilespmem:$0x1E800] =	vst v63  }
0x148: {  	_ = 	snop  }
0x149: {  	[tilespmem:s24], [sflag:$0x2] =	stream.indirect.gather [hbm4b:s4+s22], $0x80, s22, s22, $0xb8;
	[tilespmem:$0x1E800] =	vst v63  }
0x14a: {  	_ = 	snop  }
0x14b: {  	[tilespmem:s26], [sflag:$0x3] =	stream.indirect.gather [hbm4b:s4+s22], $0x80, s25, s22, $0xb8;
	[tilespmem:$0x1E800] =	vst v63  }
0x14c: {  	_ =	swait.ge [sflag:s28], $0x2800  }
0x14d: {  	[sflag:s28] =	ssyncset.done $0x0  }
0x14e: {  	s12 =	simm.s32 $0x1400;
	[sflag:s28] =	ssyncadd.s32 $0xFFFFD800  }
0x14f: {  	[spmem:s1] =	stream.indirect.scatter.add.f32 [tilespmem:s23], [sflag:$0x8], $0x80, s12, s22, $0xb8;
	[tilespmem:$0x1E800] =	vst v63  }
0x150: {  	_ =	swait.ge [sflag:s17], $0x2800  }
0x151: {  	[sflag:s17] =	ssyncset.done $0x0  }
0x152: {  	s16 =	simm.s32 $0xF0;
	[sflag:s17] =	ssyncadd.s32 $0xFFFFD800  }
0x153: {  	[tilespmem:s23], [sflag:$0x1] =	stream.indirect.gather [hbm4b:s4+s22], $0x80, s16, s22, $0xb8;
	[tilespmem:$0x1E800] =	vst v63  }
0x154: {  	_ =	swait.ge [sflag:s29], $0x2800  }
0x155: {  	[sflag:s29] =	ssyncset.done $0x0  }
0x156: {  	s10 =	simm.s32 $0x1480;
	[sflag:s29] =	ssyncadd.s32 $0xFFFFD800  }
0x157: {  	[spmem:s1] =	stream.indirect.scatter.add.f32 [tilespmem:s24], [sflag:$0x8], $0x80, s10, s22, $0xb8;
	[tilespmem:$0x1E800] =	vst v63  }
0x158: {  	_ =	swait.ge [sflag:s17], $0x2800  }
0x159: {  	[sflag:s17] =	ssyncset.done $0x0  }
0x15a: {  	s12 =	simm.s32 $0x140;
	[sflag:s17] =	ssyncadd.s32 $0xFFFFD800  }
0x15b: {  	[tilespmem:s24], [sflag:$0x2] =	stream.indirect.gather [hbm4b:s4+s22], $0x80, s12, s22, $0xb8;
	[tilespmem:$0x1E800] =	vst v63  }
0x15c: {  	_ =	swait.ge [sflag:s30], $0x2800  }
0x15d: {  	[sflag:s30] =	ssyncset.done $0x0  }
0x15e: {  	s16 =	simm.s32 $0x1500;
	[sflag:s30] =	ssyncadd.s32 $0xFFFFD800  }
0x15f: {  	[spmem:s1] =	stream.indirect.scatter.add.f32 [tilespmem:s26], [sflag:$0x8], $0x80, s16, s22, $0xb8;
	[tilespmem:$0x1E800] =	vst v63  }
0x160: {  	_ =	swait.ge [sflag:s17], $0x2800  }
0x161: {  	s2 =	simm.s32 $0x190;
	[sflag:s17] =	ssyncset.done $0x0  }
0x162: {  	s10 =	simm.s32 $0x3C0;
	s16 =	simm.s32 $0x1680;
	[sflag:s17] =	ssyncadd.s32 $0xFFFFD800  }
.LBB2_8:
0x163: {  	[tilespmem:s26], [sflag:$0x3] =	stream.indirect.gather [hbm4b:s4+s22], $0x80, s2, s22, $0xb8;
	[tilespmem:$0x1E800] =	vst v63  }
0x164: {  	s2 =	smov.u32 s10  }
0x165: {  	p0 =	sne.s32 s10, $0x4740;
	s10 =	sadd.s32 $0x3C0, s10;
	_ =	swait.ge [sflag:s28], $0x2800  }
0x166: {  	[sflag:s28] =	ssyncset.done $0x0  }
0x167: {  	s12 =	sadd.s32 $0xFFFFFF00, s16;
	[sflag:s28] =	ssyncadd.s32 $0xFFFFD800  }
0x168: {  	[spmem:s1] =	stream.indirect.scatter.add.f32 [tilespmem:s23], [sflag:$0x8], $0x80, s12, s22, $0xb8;
	[tilespmem:$0x1E800] =	vst v63  }
0x169: {  	_ =	swait.ge [sflag:s17], $0x2800  }
0x16a: {  	s2 =	sshra.s32 s2, $0x2;
	[sflag:s17] =	ssyncset.done $0x0  }
0x16b: {  	s12 =	sadd.s32 $0xF0, s2;
	[sflag:s17] =	ssyncadd.s32 $0xFFFFD800  }
0x16c: {  	[tilespmem:s23], [sflag:$0x1] =	stream.indirect.gather [hbm4b:s4+s22], $0x80, s12, s22, $0xb8;
	[tilespmem:$0x1E800] =	vst v63  }
0x16d: {  	_ =	swait.ge [sflag:s29], $0x2800  }
0x16e: {  	[sflag:s29] =	ssyncset.done $0x0  }
0x16f: {  	s12 =	sadd.s32 $0xFFFFFF80, s16;
	[sflag:s29] =	ssyncadd.s32 $0xFFFFD800  }
0x170: {  	[spmem:s1] =	stream.indirect.scatter.add.f32 [tilespmem:s24], [sflag:$0x8], $0x80, s12, s22, $0xb8;
	[tilespmem:$0x1E800] =	vst v63  }
0x171: {  	_ =	swait.ge [sflag:s17], $0x2800  }
0x172: {  	[sflag:s17] =	ssyncset.done $0x0  }
0x173: {  	s12 =	sadd.s32 $0x140, s2;
	[sflag:s17] =	ssyncadd.s32 $0xFFFFD800  }
0x174: {  	[tilespmem:s24], [sflag:$0x2] =	stream.indirect.gather [hbm4b:s4+s22], $0x80, s12, s22, $0xb8;
	[tilespmem:$0x1E800] =	vst v63  }
0x175: {  	_ =	swait.ge [sflag:s30], $0x2800  }
0x176: {  	[sflag:s30] =	ssyncset.done $0x0  }
.Ltmp3:
0x177: {  	[sflag:s30] =	ssyncadd.s32 $0xFFFFD800;
	(pc) =	sbr.rel @p0 .LBB2_8-.Ltmp3, $4  }
0x178: {  	[spmem:s1] =	stream.indirect.scatter.add.f32 [tilespmem:s26], [sflag:$0x8], $0x80, s16, s22, $0xb8;
	[tilespmem:$0x1E800] =	vst v63  }
0x179: {  	_ =	swait.ge [sflag:s17], $0x2800  }
0x17a: {  	[sflag:s17] =	ssyncset.done $0x0  }
0x17b: {  	s2 =	sadd.s32 $0x190, s2;
	s16 =	sadd.s32 $0x180, s16;
	[sflag:s17] =	ssyncadd.s32 $0xFFFFD800  }
0x17c: {  	[tilespmem:s26], [sflag:$0x3] =	stream.indirect.gather [hbm4b:s4+s22], $0x80, s2, s22, $0xb8;
	[tilespmem:$0x1E800] =	vst v63  }
0x17d: {  	_ =	swait.ge [sflag:s28], $0x2800  }
0x17e: {  	[sflag:s28] =	ssyncset.done $0x0  }
0x17f: {  	[sflag:s28] =	ssyncadd.s32 $0xFFFFD800  }
0x180: {  	[spmem:s1] =	stream.indirect.scatter.add.f32 [tilespmem:s23], [sflag:$0x8], $0x80, s31, s22, $0xb8;
	[tilespmem:$0x1E800] =	vst v63  }
0x181: {  	_ =	swait.ge [sflag:s17], $0x2800  }
0x182: {  	[sflag:s17] =	ssyncset.done $0x0  }
0x183: {  	[sflag:s17] =	ssyncadd.s32 $0xFFFFD800  }
0x184: {  	[tilespmem:s23], [sflag:$0x1] =	stream.indirect.gather [hbm4b:s4+s22], $0x80, s0, s22, $0xb8;
	[tilespmem:$0x1E800] =	vst v63  }
0x185: {  	_ =	swait.ge [sflag:s29], $0x2800  }
0x186: {  	[sflag:s29] =	ssyncset.done $0x0  }
0x187: {  	[sflag:s29] =	ssyncadd.s32 $0xFFFFD800  }
0x188: {  	[spmem:s1] =	stream.indirect.scatter.add.f32 [tilespmem:s24], [sflag:$0x8], $0x80, s3, s22, $0xb8;
	[tilespmem:$0x1E800] =	vst v63  }
0x189: {  	_ =	swait.ge [sflag:s17], $0x2800  }
0x18a: {  	[sflag:s17] =	ssyncset.done $0x0  }
0x18b: {  	[sflag:s17] =	ssyncadd.s32 $0xFFFFD800  }
0x18c: {  	_ =	swait.ge [sflag:s30], $0x2800  }
0x18d: {  	[sflag:s30] =	ssyncset.done $0x0  }
0x18e: {  	[sflag:s30] =	ssyncadd.s32 $0xFFFFD800  }
0x18f: {  	[spmem:s1] =	stream.indirect.scatter.add.f32 [tilespmem:s26], [sflag:$0x8], $0x80, s8, s22, $0xb8;
	[tilespmem:$0x1E800] =	vst v63  }
0x190: {  	_ =	swait.ge [sflag:s17], $0x2800  }
0x191: {  	[sflag:s17] =	ssyncset.done $0x0  }
0x192: {  	[sflag:s17] =	ssyncadd.s32 $0xFFFFD800  }
0x193: {  	_ =	swait.ge [sflag:s28], $0x2800  }
0x194: {  	[sflag:s28] =	ssyncset.done $0x0  }
0x195: {  	[sflag:s28] =	ssyncadd.s32 $0xFFFFD800  }
0x196: {  	[spmem:s1] =	stream.indirect.scatter.add.f32 [tilespmem:s23], [sflag:$0x8], $0x80, s11, s22, $0xb8;
	[tilespmem:$0x1E800] =	vst v63  }
0x197: {  	_ =	swait.ge [sflag:s17], $0x2800  }
0x198: {  	[sflag:s17] =	ssyncset.done $0x0  }
0x199: {  	[sflag:s17] =	ssyncadd.s32 $0xFFFFD800  }
0x19a: {  	[bflag:$0x0] =	sbarrier.arrive $0xFFFF  }
0x19b: {  	s12 =	rddreg [dreg:$0x8]  }
0x19c: {  	[hbm:s12], [sflag:s6] =	dma.local [spmem:s19], $0x2780  }
0x19d: {  	_ =	swait.ge [sflag:s13], $0x2780  }
0x19e: {  	s14 =	sadd.s32 $0x1, s14;
	s16 =	rddreg [dreg:$0x9]  }
0x19f: {  	p0 =	sne.s32 s14, s16  }
.Ltmp4:
0x1a0: {  	_ = 	snop;
	(pc) =	sbr.rel @p0 .LBB2_1-.Ltmp4, $3  }
0x1a1: {  	_ =	sdelay $0x1  }
0x1a2: {  	[sflag:s13] =	ssyncset.done $0x0  }
0x1a3: {  	[sflag:s13] =	ssyncadd.s32 $0xFFFFD880  }
0x1a4: {  	_ =	sfence.sel $0x180000  }
0x1a5: {  	[bflag:$0x0] =	sbarrier.arrive $0xFFFF  }
0x1a6: {  	_ =	strace $0x9000004A  }
0x1a7: {  	s0 =	stileid.u32;
	[bflag:$0x2] =	sbarrier.arrive $0xFFFF  }
0x1a8: {  	p0 =	sne.s32 s0, $0x0;
	s0 =	rddreg [dreg:$0x2]  }
0x1a9: {  	s0 =	sadd.s32 @!p0 $0x100000, s0  }
0x1aa: {  	[sflag:s0] =	ssyncadd.tile.s32 @!p0 $0x1;
	_ =	shalt  }
.Lfunc_end2:
_tile_overlayer_lowered:
.L_overlay_start_2:
0x1ab: {  	(tag) =	ssettag $0x2  }
0x1ac: {  	s0 =	rddreg [dreg:$0x0];
	s2 =	stileid.u32  }
0x1ad: {  	s1 =	rddreg [dreg:$0x1];
	p0 =	sne.s32 s2, $0x0  }
0x1ae: {  	s3 =	rddreg [dreg:$0x2];
	[bflag:$0x3] =	sbarrier.arrive $0xFFFF;
	s2 =	simm.s32 @!p0 $0x1C08  }
0x1af: {  	[timem:s3], [sflag:s2] =	dma.local @!p0 [hbm:s0], s1  }
0x1b0: {  	s0 =	simm.s32 @!p0 $0x8  }
0x1b1: {  	_ =	swait.ge @!p0 [sflag:s0], s1  }
0x1b2: {  	s1 =	ssub.s32 @!p0 $0x0, s1;
	[sflag:s0] =	ssyncset.done @!p0 $0x0  }
0x1b3: {  	[sflag:s0] =	ssyncadd.s32 @!p0 s1  }
0x1b4: {  	[bflag:$0x3] =	sbarrier.arrive $0xFFFF  }
0x1b5: {  	_ =	shalt  }

// kernel: kernel.15.cloned.1.call-start
scs
__scs_entry_jumppad:
0x0: {  	(pc) =	sbr.rel $0x88, $3  }
0x1: {  	(tag) =	ssettag $0x0;
	lr =	simm.s32 $0x1  }
0x2: {  	[smem:$0x3F90] =	sst lr;
	_ =	strace $0xD0000000  }
0x3: {  	_ = 	snop  }
0x4: {  	_ = 	snop  }
0x5: {  	_ = 	snop  }
0x6: {  	_ = 	snop  }
0x7: {  	_ = 	snop  }
__scs_overlays_trampoline_lowered:
0x8: {  	[smem:$0x3F9F] =	sst s0  }
0x9: {  	[smem:$0x3FA0] =	sst s1  }
0xa: {  	[smem:$0x3FA1] =	sst s2  }
0xb: {  	[smem:$0x3FA2] =	sst s3  }
0xc: {  	[smem:$0x3FA3] =	sst s4  }
0xd: {  	[smem:$0x3FA4] =	sst s5  }
0xe: {  	[smem:$0x3FA5] =	sst s6  }
0xf: {  	[smem:$0x3FA6] =	sst s7  }
0x10: {  	[smem:$0x3FA7] =	sst s8  }
0x11: {  	[smem:$0x3FA8] =	sst s9;
	s0 =	simm.s32 @!p0 $0x0  }
0x12: {  	s1 =	sld [smem:$0x3F8E];
	s0 =	simm.s32 @p0 $0x1  }
0x13: {  	[smem:$0x3FA9] =	sst s0;
	s0 =	simm.s32 @!p1 $0x0  }
0x14: {  	s2 =	sld [smem:$0x3F8D];
	s0 =	simm.s32 @p1 $0x1  }
0x15: {  	[smem:$0x3FAA] =	sst s0;
	s0 =	simm.s32 @!p2 $0x0  }
0x16: {  	s3 =	sld [smem:$0x3FDB];
	s0 =	simm.s32 @p2 $0x1  }
0x17: {  	s4 =	simm.s32 $0x1BF5;
	[smem:$0x3FAC] =	sst s0  }
0x18: {  	s0 =	sld [smem:$0x3F8F];
	_ =	swait.ge [sflag:s4], $0x0  }
0x19: {  	s7 =	sld [smem:$0x3F90]  }
0x1a: {  	s8 =	sadd.s32 $0xFFFFE003, lr  }
0x1b: {  	s9 =	sadd.s32 $0xFFFFFEF7, lr;
	s5 =	simm.s32 $0xFFFFFFFF;
	p2 =	slt.u32 s8, $0xFFFFF086  }
0x1c: {  	p1 =	slt.u32 s9, $0xF7A;
	s5 =	simm.s32 @!p2 $0x0  }
0x1d: {  	s5 =	simm.s32 @p1 $0x1;
	p0 =	seq.s32 s7, s2  }
0x1e: {  	s7 =	smul.u32 @!p0 $0xF7A, s2;
	p2 =	seq.s32 @!p0 s5, $0x0  }
0x1f: {  	s9 =	smul.u32 $0xF7A, s1;
	s8 =	simm.s32 @!p0 $0x1BF5;
	p2 =	por !p2, p0  }
0x20: {  	[sflag:s8] =	ssyncset.s32 @!p0 $0xFFFFF086;
	s6 =	sadd.s32 @!p0 s3, s7;
	s7 =	simm.s32 @!p0 $0x108  }
0x21: {  	s3 =	sadd.s32 s3, s9;
	s6 =	sadd.s32 @!p0 $0x88, s6;
	s7 =	simm.s32 @p2 $0x1082  }
0x22: {  	[simem:s7], [sflag:s8] =	dma.local @!p0 [hbm:s6], $0xF7A  }
0x23: {  	s9 =	sor.u32 $0xD0000000, s2;
	s6 =	simm.s32 $0x108;
	_ =	swait.ge @!p0 [sflag:s8], $0x0  }
0x24: {  	s3 =	sadd.s32 $0x88, s3;
	s6 =	simm.s32 @!p1 $0x1082;
	[sflag:s4] =	ssyncset.s32 $0xFFFFF086  }
0x25: {  	[simem:s6], [sflag:s4] =	dma.local [hbm:s3], $0xF7A  }
0x26: {  	[smem:$0x3F90] =	sst s1;
	(tag) =	ssettag s2;
	_ =	strace s9  }
0x27: {  	s1 =	sld [smem:$0x3FA0]  }
0x28: {  	s2 =	sld [smem:$0x3FA1]  }
0x29: {  	s4 =	sld [smem:$0x3FA3]  }
0x2a: {  	p0 =	seq.s32 s5, $0x0;
	s5 =	sld [smem:$0x3FA4]  }
0x2b: {  	s6 =	sld [smem:$0x3FA5]  }
0x2c: {  	s7 =	sld [smem:$0x3FA6]  }
0x2d: {  	s3 =	simm.s32 $0x108;
	s8 =	sld [smem:$0x3FA7]  }
0x2e: {  	s3 =	simm.s32 @!p0 $0x1082;
	s9 =	sld [smem:$0x3FA8]  }
0x2f: {  	lr =	sadd.s32 s0, s3;
	s0 =	sld [smem:$0x3F9F]  }
0x30: {  	s3 =	sld [smem:$0x3FA2]  }
0x31: {  	[smem:$0x3FAB] =	sst s10  }
0x32: {  	s10 =	sld [smem:$0x3FA9];
	_ =	sdelay $0x3  }
0x33: {  	p0 =	seq.s32 s10, $0x1;
	s10 =	sld [smem:$0x3FAB];
	_ =	sdelay $0x3  }
0x34: {  	[smem:$0x3FAB] =	sst s10  }
0x35: {  	s10 =	sld [smem:$0x3FAA];
	_ =	sdelay $0x3  }
0x36: {  	p1 =	seq.s32 s10, $0x1;
	s10 =	sld [smem:$0x3FAB];
	_ =	sdelay $0x3  }
0x37: {  	[smem:$0x3FAB] =	sst s10  }
0x38: {  	s10 =	sld [smem:$0x3FAC]  }
0x39: {  	_ = 	snop;
	(pc) =	sbr.ind lr, $3  }
0x3a: {  	_ = 	snop  }
0x3b: {  	_ = 	snop  }
0x3c: {  	p2 =	seq.s32 s10, $0x1;
	s10 =	sld [smem:$0x3FAB]  }
0x3d: {  	_ =	shalt  }
0x3e: {  	_ =	shalt  }
0x3f: {  	_ =	shalt  }
0x40: {  	_ =	shalt  }
0x41: {  	_ =	shalt  }
0x42: {  	_ =	shalt  }
0x43: {  	_ =	shalt  }
0x44: {  	_ =	shalt  }
0x45: {  	_ =	shalt  }
0x46: {  	_ =	shalt  }
0x47: {  	_ =	shalt  }
0x48: {  	_ =	shalt  }
0x49: {  	_ =	shalt  }
0x4a: {  	_ =	shalt  }
0x4b: {  	_ =	shalt  }
0x4c: {  	_ =	shalt  }
0x4d: {  	_ =	shalt  }
0x4e: {  	_ =	shalt  }
0x4f: {  	_ =	shalt  }
0x50: {  	_ =	shalt  }
0x51: {  	_ =	shalt  }
0x52: {  	_ =	shalt  }
0x53: {  	_ =	shalt  }
0x54: {  	_ =	shalt  }
0x55: {  	_ =	shalt  }
0x56: {  	_ =	shalt  }
0x57: {  	_ =	shalt  }
0x58: {  	_ =	shalt  }
0x59: {  	_ =	shalt  }
0x5a: {  	_ =	shalt  }
0x5b: {  	_ =	shalt  }
0x5c: {  	_ =	shalt  }
0x5d: {  	_ =	shalt  }
0x5e: {  	_ =	shalt  }
0x5f: {  	_ =	shalt  }
0x60: {  	_ =	shalt  }
0x61: {  	_ =	shalt  }
0x62: {  	_ =	shalt  }
0x63: {  	_ =	shalt  }
0x64: {  	_ =	shalt  }
0x65: {  	_ =	shalt  }
0x66: {  	_ =	shalt  }
0x67: {  	_ =	shalt  }
0x68: {  	_ =	shalt  }
0x69: {  	_ =	shalt  }
0x6a: {  	_ =	shalt  }
0x6b: {  	_ =	shalt  }
0x6c: {  	_ =	shalt  }
0x6d: {  	_ =	shalt  }
0x6e: {  	_ =	shalt  }
0x6f: {  	_ =	shalt  }
0x70: {  	_ =	shalt  }
0x71: {  	_ =	shalt  }
0x72: {  	_ =	shalt  }
0x73: {  	_ =	shalt  }
0x74: {  	_ =	shalt  }
0x75: {  	_ =	shalt  }
0x76: {  	_ =	shalt  }
0x77: {  	_ =	shalt  }
0x78: {  	_ =	shalt  }
0x79: {  	_ =	shalt  }
0x7a: {  	_ =	shalt  }
0x7b: {  	_ =	shalt  }
0x7c: {  	_ =	shalt  }
0x7d: {  	_ =	shalt  }
0x7e: {  	_ =	shalt  }
0x7f: {  	_ =	shalt  }
0x80: {  	_ =	shalt  }
0x81: {  	_ =	shalt  }
0x82: {  	_ =	shalt  }
0x83: {  	_ =	shalt  }
0x84: {  	_ =	shalt  }
0x85: {  	_ =	shalt  }
0x86: {  	_ =	shalt  }
0x87: {  	_ =	shalt  }
.Lfunc_end0:
.L_simem_size_0:
called_computation.2_lowered:
.L_overlay_start_0:
0x88: {  	s2 =	sld [smem:$0x3FD9]  }
0x89: {  	s3 =	sld [smem:$0x3FFE];
	_ =	sdelay $0x1  }
0x8a: {  	s1 =	srdreg.scid  }
0x8b: {  	s0 =	sand.u32 $0x1, s1  }
0x8c: {  	s16 =	sshll.u32 s0, $0xA;
	s2 =	sadd.s32 s3, s2  }
0x8d: {  	s2 =	sadd.s32 s2, s16  }
0x8e: {  	[smem:$0x3FB7] =	sst s2  }
0x8f: {  	_ = 	snop  }
0x90: {  	(tm) =	ssettm $0x1  }
0x91: {  	s17 =	sld [smem:$0x3FFB];
	_ =	sdelay $0x3  }
0x92: {  	_ =	strace s17  }
0x93: {  	s2 =	sld [smem:$0x3FFC];
	_ =	sdelay $0x3  }
0x94: {  	_ =	strace s2  }
0x95: {  	s2 =	sld [smem:$0x3FFD];
	_ =	sdelay $0x3  }
0x96: {  	_ =	strace s2  }
0x97: {  	_ =	strace $0x8FFFFFFF  }
0x98: {  	s18 =	sld [smem:$0x3FDB];
	_ =	sdelay $0x1  }
0x99: {  	s19 =	simm.s32 $_scs_section_size  }
0x9a: {  	s4 =	simm.s32 $_size__tile_overlayer_lowered;
	s5 =	simm.s32 $_tile_overlayer_lowered  }
0x9b: {  	s22 =	simm.s32 $0x1BFF;
	s21 =	sshll.u32 s5, $0x1;
	s2 =	sadd.s32 s19, s18  }
0x9c: {  	s6 =	simm.s32 $0x0;
	s20 =	sshll.u32 s4, $0x1;
	s4 =	sadd.s32 s21, s2  }
0x9d: {  	[timem:s6], [sflag:s22] =	dma.local [hbm:s4], s20  }
0x9e: {  	_ =	swait.ge [sflag:s22], s20  }
0x9f: {  	s3 =	ssub.s32 $0x0, s20;
	[sflag:s22] =	ssyncset.done $0x0  }
0xa0: {  	[sflag:s22] =	ssyncadd.s32 s3;
	_ =	sdelay $0x1  }
0xa1: {  	s23 =	simm.s32 $0x1B8B  }
0xa2: {  	_ =	swait.ge [sflag:s23], $0x1  }
0xa3: {  	[sflag:s23] =	ssyncset.done $0x0  }
0xa4: {  	s25 =	simm.s32 $0x1B8E;
	s24 =	sld [smem:$0x3FFE];
	[sflag:s23] =	ssyncadd.s32 $0xFFFFFFFF  }
0xa5: {  	s26 =	simm.s32 $execute0_lowered;
	[smem:$0x3FD2] =	sst s25  }
0xa6: {  	s4 =	sshll.u32 s26, $0x1;
	_ =	strace $0x8000004C;
	[dreg:$0x1] =	wrdreg $0xFFFFFFFF  }
0xa7: {  	s28 =	simm.s32 $_size_execute0_lowered;
	s2 =	sadd.s32 s2, s4;
	[dreg:$0x0] =	wrdreg $0x0  }
0xa8: {  	s4 =	sshll.u32 s28, $0x1;
	[dreg:$0x2] =	wrdreg s2  }
0xa9: {  	[dreg:$0x3] =	wrdreg s4  }
0xaa: {  	[dreg:$0x4] =	wrdreg $0xC0  }
0xab: {  	_ =	task [dreg:s6], $0x5FFFF  }
0xac: {  	[dreg:$0x1] =	wrdreg $0xFFFFFFFF  }
0xad: {  	[dreg:$0x0] =	wrdreg $0x60  }
0xae: {  	[dreg:$0x2] =	wrdreg s24  }
0xaf: {  	[dreg:$0x3] =	wrdreg $0xAC000  }
0xb0: {  	[dreg:$0x4] =	wrdreg $0x9  }
0xb1: {  	_ =	task.clear_ibuf [dreg:s6], $0x5FFFF;
	_ =	strace $0x9000004C  }
0xb2: {  	s29 =	simm.s32 $0x9;
	_ =	strace $0x8000004E  }
0xb3: {  	_ =	swait.ge [sflag:s29], $0x1  }
0xb4: {  	[sflag:s29] =	ssyncadd.s32 $0xFFFFFFFF  }
0xb5: {  	_ =	strace $0x9000004E  }
0xb6: {  	_ =	sfence  }
0xb7: {  	s30 =	sld [smem:$0x0];
	_ =	sdelay $0x2  }
0xb8: {  	s31 =	sshll.u32 s1, $0xD;
	s1 =	sshrl.u32 s1, $0x2  }
0xb9: {  	s3 =	sand.u32 $0x4000, s31;
	s1 =	sadd.s32 s1, s30  }
0xba: {  	s0 =	sor.u32 s3, s0;
	s1 =	sshll.u32 s1, $0x11  }
0xbb: {  	s0 =	sor.u32 s1, s0  }
0xbc: {  	s0 =	sadd.s32 $0x8F2B, s0  }
0xbd: {  	[sflag:s0] =	ssyncadd.remote.s32 $0x1  }
0xbe: {  	_ =	sfence.sel $0xFFFF  }
0xbf: {  	[dreg:$0x0] =	wrdreg $0xFFFFFFFF;
	(pc) =	sbr.abs _section_cstart, $3  }
0xc0: {  	[dreg:$0x1] =	wrdreg $0xFFFFFFFF  }
0xc1: {  	_ =	task.clear_ibuf [dreg:s6], $0x2FFFF;
	_ =	strace $0x9FFFFFFF  }
0xc2: {  	(tm) =	ssettm $0x7FFFFFFF  }
0xc3: {  	_ =	shalt  }
tec
execute0_lowered:
.L_overlay_start_1:
0x0: {  	(tag) =	ssettag $0x1  }
0x1: {  	s0 =	rddreg [dreg:$0x0]  }
0x2: {  	s1 =	rddreg [dreg:$0x1];
	s2 =	simm.s32 $0x0;
	s16 =	stileid.u32  }
0x3: {  	s3 =	srdreg.scid;
	s28 =	simm.s32 $0x1;
	s29 =	simm.s32 $0x2  }
0x4: {  	s30 =	simm.s32 $0x3;
	s31 =	simm.s32 $0x3200;
	[smem:$0x7FF] =	sst s2  }
0x5: {  	s4 =	sadd.s32 $0xF6800, s0;
	s17 =	sadd.s32 $0xE2800, s0;
	s6 =	smul.u32 $0x13C00, s16  }
0x6: {  	s5 =	sshll.u32 s16, $0xB;
	s3 =	sand.u32 $0x1, s3;
	s11 =	smul.u32 $0x2800, s16  }
0x7: {  	s12 =	smul.u32 $0x4F000, s16;
	s26 =	sshll.u32 s16, $0x6;
	_ =	strace $0x8000004D  }
0x8: {  	s8 =	sadd.s32 s5, s0;
	s18 =	ssub.s32 $0x2, s3;
	s7 =	smul.u32 $0x28000, s3  }
0x9: {  	s13 =	sor.u32 $0x2, s3;
	s3 =	smul.u32 $0x13C000, s3;
	[dreg:$0xa] =	wrdreg s26  }
0xa: {  	s9 =	sshrl.u32 s6, $0x3;
	s10 =	sshrl.u32 s18, $0x1;
	s14 =	smul.u32 $0x28000, s13  }
0xb: {  	s5 =	sadd.s32 $0xBE00, s8;
	s19 =	sshrl.u32 s12, $0x2;
	s13 =	smul.u32 $0x13C000, s13  }
0xc: {  	s9 =	sadd.s32 s9, s0;
	s0 =	sadd.s32 $0x192C00, s0;
	s10 =	ssub.s32 s18, s10  }
0xd: {  	s7 =	sadd.s32 s11, s7;
	s12 =	sadd.s32 s19, s1;
	s3 =	sadd.s32 s6, s3  }
0xe: {  	s18 =	sor.u32 $0x1C04, s26;
	s26 =	simm.s32 $0x8400;
	s7 =	sshrl.u32 s7, $0x3  }
0xf: {  	s21 =	sadd.s32 s11, s14;
	s6 =	sadd.s32 s6, s13;
	s22 =	sshrl.u32 s3, $0x3  }
0x10: {  	s25 =	smax.u32 s10, $0x1;
	s19 =	sshrl.u32 s12, $0x3;
	s3 =	simm.s32 $0x3280  }
0x11: {  	s11 =	simm.s32 $0x3380;
	s13 =	simm.s32 $0x6;
	s14 =	simm.s32 $0x0  }
0x12: {  	s15 =	sadd.s32 s17, s7;
	s7 =	sadd.s32 $0x6C000, s9;
	s9 =	sadd.s32 $0xC200, s8  }
0x13: {  	s8 =	sshrl.u32 s21, $0x3;
	s23 =	sshrl.u32 s6, $0x3;
	s2 =	sadd.s32 s0, s22  }
0x14: {  	[dreg:$0x9] =	wrdreg s25;
	s21 =	simm.s32 $0x4;
	s22 =	simm.s32 $0x50  }
0x15: {  	s25 =	simm.s32 $0xA0;
	[dreg:$0x3] =	wrdreg s15;
	s20 =	sadd.s32 $0x280, s15  }
0x16: {  	s8 =	sadd.s32 s17, s8;
	[dreg:$0x6] =	wrdreg s2;
	s0 =	sadd.s32 s0, s23  }
0x17: {  	s15 =	simm.s32 $0x1400;
	s17 =	simm.s32 $0x8;
	[dreg:$0x4] =	wrdreg s20  }
0x18: {  	s23 =	simm.s32 $0x3400;
	[dreg:$0x5] =	wrdreg s8;
	s24 =	sadd.s32 $0x280, s8  }
0x19: {  	[dreg:$0x8] =	wrdreg s0;
	s20 =	simm.s32 $0x5;
	s0 =	simm.s32 $0x13B0  }
0x1a: {  	s8 =	simm.s32 $0x3300;
	[dreg:$0x7] =	wrdreg s24;
	s24 =	simm.s32 $0x5C00  }
.LBB2_1:
0x1b: {  	s2 =	simm.s32 $0x0  }
0x1c: {  	[tilespmem:s15], [sflag:$0x8] =	stream.linear.gather [hbm4b:s5+s2], $0x2000, $0x38;
	[tilespmem:$0x1E800] =	vst v63  }
0x1d: {  	_ =	swait.ge [sflag:s17], $0x2000  }
0x1e: {  	[sflag:s17] =	ssyncset.done $0x0  }
0x1f: {  	s6 =	rddreg [dreg:$0x3];
	[sflag:s17] =	ssyncadd.s32 $0xFFFFE000  }
0x20: {  	[tilespmem:s2], [sflag:$0x5] =	stream.linear.gather [hbm4b:s6+s2], $0x1400, $0x38;
	[tilespmem:$0x1E800] =	vst v63  }
0x21: {  	[spmem:s19], [sflag:s18] =	dma.local [hbm:s7], $0x2780  }
0x22: {  	_ =	swait.ge [sflag:s20], $0x1400  }
0x23: {  	[sflag:s20] =	ssyncset.done $0x0  }
0x24: {  	[sflag:s20] =	ssyncadd.s32 $0xFFFFEC00  }
0x25: {  	_ =	swait.ge [sflag:s21], $0x2780  }
0x26: {  	[sflag:s21] =	ssyncset.done $0x0  }
0x27: {  	[sflag:s21] =	ssyncadd.s32 $0xFFFFD880  }
0x28: {  	[bflag:$0x0] =	sbarrier.arrive $0xFFFF  }
0x29: {  	[tilespmem:s23], [sflag:$0x1] =	stream.indirect.gather [hbm4b:s4+s22], $0x80, s2, s22, $0xb8;
	[tilespmem:$0x1E800] =	vst v63  }
0x2a: {  	_ = 	snop  }
0x2b: {  	[tilespmem:s24], [sflag:$0x2] =	stream.indirect.gather [hbm4b:s4+s22], $0x80, s22, s22, $0xb8;
	[tilespmem:$0x1E800] =	vst v63  }
0x2c: {  	_ = 	snop  }
0x2d: {  	[tilespmem:s26], [sflag:$0x3] =	stream.indirect.gather [hbm4b:s4+s22], $0x80, s25, s22, $0xb8;
	[tilespmem:$0x1E800] =	vst v63  }
0x2e: {  	_ =	swait.ge [sflag:s28], $0x2800  }
0x2f: {  	[sflag:s28] =	ssyncset.done $0x0  }
0x30: {  	s16 =	simm.s32 $0x1400;
	[sflag:s28] =	ssyncadd.s32 $0xFFFFD800  }
0x31: {  	[spmem:s1] =	stream.indirect.scatter.add.f32 [tilespmem:s23], [sflag:$0x8], $0x80, s16, s22, $0xb8;
	[tilespmem:$0x1E800] =	vst v63  }
0x32: {  	_ =	swait.ge [sflag:s17], $0x2800  }
0x33: {  	[sflag:s17] =	ssyncset.done $0x0  }
0x34: {  	s6 =	simm.s32 $0xF0;
	[sflag:s17] =	ssyncadd.s32 $0xFFFFD800  }
0x35: {  	[tilespmem:s23], [sflag:$0x1] =	stream.indirect.gather [hbm4b:s4+s22], $0x80, s6, s22, $0xb8;
	[tilespmem:$0x1E800] =	vst v63  }
0x36: {  	_ =	swait.ge [sflag:s29], $0x2800  }
0x37: {  	[sflag:s29] =	ssyncset.done $0x0  }
0x38: {  	s10 =	simm.s32 $0x1480;
	[sflag:s29] =	ssyncadd.s32 $0xFFFFD800  }
0x39: {  	[spmem:s1] =	stream.indirect.scatter.add.f32 [tilespmem:s24], [sflag:$0x8], $0x80, s10, s22, $0xb8;
	[tilespmem:$0x1E800] =	vst v63  }
0x3a: {  	_ =	swait.ge [sflag:s17], $0x2800  }
0x3b: {  	[sflag:s17] =	ssyncset.done $0x0  }
0x3c: {  	s12 =	simm.s32 $0x140;
	[sflag:s17] =	ssyncadd.s32 $0xFFFFD800  }
0x3d: {  	[tilespmem:s24], [sflag:$0x2] =	stream.indirect.gather [hbm4b:s4+s22], $0x80, s12, s22, $0xb8;
	[tilespmem:$0x1E800] =	vst v63  }
0x3e: {  	_ =	swait.ge [sflag:s30], $0x2800  }
0x3f: {  	[sflag:s30] =	ssyncset.done $0x0  }
0x40: {  	s16 =	simm.s32 $0x1500;
	[sflag:s30] =	ssyncadd.s32 $0xFFFFD800  }
0x41: {  	[spmem:s1] =	stream.indirect.scatter.add.f32 [tilespmem:s26], [sflag:$0x8], $0x80, s16, s22, $0xb8;
	[tilespmem:$0x1E800] =	vst v63  }
0x42: {  	_ =	swait.ge [sflag:s17], $0x2800  }
0x43: {  	s6 =	simm.s32 $0x3C0;
	[sflag:s17] =	ssyncset.done $0x0  }
0x44: {  	s10 =	simm.s32 $0x1680;
	s16 =	simm.s32 $0x190;
	[sflag:s17] =	ssyncadd.s32 $0xFFFFD800  }
.LBB2_2:
0x45: {  	[tilespmem:s26], [sflag:$0x3] =	stream.indirect.gather [hbm4b:s4+s22], $0x80, s16, s22, $0xb8;
	[tilespmem:$0x1E800] =	vst v63  }
0x46: {  	s2 =	smov.u32 s6  }
0x47: {  	p0 =	sne.s32 s6, $0x4740;
	s6 =	sadd.s32 $0x3C0, s6;
	_ =	swait.ge [sflag:s28], $0x2800  }
0x48: {  	[sflag:s28] =	ssyncset.done $0x0  }
0x49: {  	s16 =	sadd.s32 $0xFFFFFF00, s10;
	[sflag:s28] =	ssyncadd.s32 $0xFFFFD800  }
0x4a: {  	[spmem:s1] =	stream.indirect.scatter.add.f32 [tilespmem:s23], [sflag:$0x8], $0x80, s16, s22, $0xb8;
	[tilespmem:$0x1E800] =	vst v63  }
0x4b: {  	_ =	swait.ge [sflag:s17], $0x2800  }
0x4c: {  	s2 =	sshra.s32 s2, $0x2;
	[sflag:s17] =	ssyncset.done $0x0  }
0x4d: {  	s16 =	sadd.s32 $0xF0, s2;
	[sflag:s17] =	ssyncadd.s32 $0xFFFFD800  }
0x4e: {  	[tilespmem:s23], [sflag:$0x1] =	stream.indirect.gather [hbm4b:s4+s22], $0x80, s16, s22, $0xb8;
	[tilespmem:$0x1E800] =	vst v63  }
0x4f: {  	_ =	swait.ge [sflag:s29], $0x2800  }
0x50: {  	[sflag:s29] =	ssyncset.done $0x0  }
0x51: {  	s16 =	sadd.s32 $0xFFFFFF80, s10;
	[sflag:s29] =	ssyncadd.s32 $0xFFFFD800  }
0x52: {  	[spmem:s1] =	stream.indirect.scatter.add.f32 [tilespmem:s24], [sflag:$0x8], $0x80, s16, s22, $0xb8;
	[tilespmem:$0x1E800] =	vst v63  }
0x53: {  	_ =	swait.ge [sflag:s17], $0x2800  }
0x54: {  	[sflag:s17] =	ssyncset.done $0x0  }
0x55: {  	s16 =	sadd.s32 $0x140, s2;
	[sflag:s17] =	ssyncadd.s32 $0xFFFFD800  }
0x56: {  	[tilespmem:s24], [sflag:$0x2] =	stream.indirect.gather [hbm4b:s4+s22], $0x80, s16, s22, $0xb8;
	[tilespmem:$0x1E800] =	vst v63  }
0x57: {  	_ =	swait.ge [sflag:s30], $0x2800  }
0x58: {  	[sflag:s30] =	ssyncset.done $0x0  }
.Ltmp0:
0x59: {  	[sflag:s30] =	ssyncadd.s32 $0xFFFFD800;
	(pc) =	sbr.rel @p0 .LBB2_2-.Ltmp0, $4  }
0x5a: {  	[spmem:s1] =	stream.indirect.scatter.add.f32 [tilespmem:s26], [sflag:$0x8], $0x80, s10, s22, $0xb8;
	[tilespmem:$0x1E800] =	vst v63  }
0x5b: {  	_ =	swait.ge [sflag:s17], $0x2800  }
0x5c: {  	[sflag:s17] =	ssyncset.done $0x0  }
0x5d: {  	s16 =	sadd.s32 $0x190, s2;
	s10 =	sadd.s32 $0x180, s10;
	[sflag:s17] =	ssyncadd.s32 $0xFFFFD800  }
0x5e: {  	[tilespmem:s26], [sflag:$0x3] =	stream.indirect.gather [hbm4b:s4+s22], $0x80, s16, s22, $0xb8;
	[tilespmem:$0x1E800] =	vst v63  }
0x5f: {  	_ =	swait.ge [sflag:s28], $0x2800  }
0x60: {  	[sflag:s28] =	ssyncset.done $0x0  }
0x61: {  	[sflag:s28] =	ssyncadd.s32 $0xFFFFD800  }
0x62: {  	[spmem:s1] =	stream.indirect.scatter.add.f32 [tilespmem:s23], [sflag:$0x8], $0x80, s31, s22, $0xb8;
	[tilespmem:$0x1E800] =	vst v63  }
0x63: {  	_ =	swait.ge [sflag:s17], $0x2800  }
0x64: {  	[sflag:s17] =	ssyncset.done $0x0  }
0x65: {  	[sflag:s17] =	ssyncadd.s32 $0xFFFFD800  }
0x66: {  	[tilespmem:s23], [sflag:$0x1] =	stream.indirect.gather [hbm4b:s4+s22], $0x80, s0, s22, $0xb8;
	[tilespmem:$0x1E800] =	vst v63  }
0x67: {  	_ =	swait.ge [sflag:s29], $0x2800  }
0x68: {  	[sflag:s29] =	ssyncset.done $0x0  }
0x69: {  	[sflag:s29] =	ssyncadd.s32 $0xFFFFD800  }
0x6a: {  	[spmem:s1] =	stream.indirect.scatter.add.f32 [tilespmem:s24], [sflag:$0x8], $0x80, s3, s22, $0xb8;
	[tilespmem:$0x1E800] =	vst v63  }
0x6b: {  	_ =	swait.ge [sflag:s17], $0x2800  }
0x6c: {  	[sflag:s17] =	ssyncset.done $0x0  }
0x6d: {  	[sflag:s17] =	ssyncadd.s32 $0xFFFFD800  }
0x6e: {  	_ =	swait.ge [sflag:s30], $0x2800  }
0x6f: {  	[sflag:s30] =	ssyncset.done $0x0  }
0x70: {  	[sflag:s30] =	ssyncadd.s32 $0xFFFFD800  }
0x71: {  	[spmem:s1] =	stream.indirect.scatter.add.f32 [tilespmem:s26], [sflag:$0x8], $0x80, s8, s22, $0xb8;
	[tilespmem:$0x1E800] =	vst v63  }
0x72: {  	_ =	swait.ge [sflag:s17], $0x2800  }
0x73: {  	[sflag:s17] =	ssyncset.done $0x0  }
0x74: {  	[sflag:s17] =	ssyncadd.s32 $0xFFFFD800  }
0x75: {  	_ =	swait.ge [sflag:s28], $0x2800  }
0x76: {  	[sflag:s28] =	ssyncset.done $0x0  }
0x77: {  	[sflag:s28] =	ssyncadd.s32 $0xFFFFD800  }
0x78: {  	[spmem:s1] =	stream.indirect.scatter.add.f32 [tilespmem:s23], [sflag:$0x8], $0x80, s11, s22, $0xb8;
	[tilespmem:$0x1E800] =	vst v63  }
0x79: {  	_ =	swait.ge [sflag:s17], $0x2800  }
0x7a: {  	[sflag:s17] =	ssyncset.done $0x0  }
0x7b: {  	s2 =	simm.s32 $0x0;
	s6 =	rddreg [dreg:$0x4];
	[sflag:s17] =	ssyncadd.s32 $0xFFFFD800  }
0x7c: {  	[tilespmem:s2], [sflag:$0x8] =	stream.linear.gather [hbm4b:s6+s2], $0x1400, $0x38;
	[tilespmem:$0x1E800] =	vst v63  }
0x7d: {  	_ =	swait.ge [sflag:s17], $0x1400  }
0x7e: {  	[sflag:s17] =	ssyncset.done $0x0  }
0x7f: {  	[sflag:s17] =	ssyncadd.s32 $0xFFFFEC00  }
0x80: {  	[tilespmem:s15], [sflag:$0x8] =	stream.linear.gather [hbm4b:s9+s2], $0x2000, $0x38;
	[tilespmem:$0x1E800] =	vst v63  }
0x81: {  	_ =	swait.ge [sflag:s17], $0x2000  }
0x82: {  	[sflag:s17] =	ssyncset.done $0x0  }
0x83: {  	[sflag:s17] =	ssyncadd.s32 $0xFFFFE000  }
0x84: {  	[tilespmem:s23], [sflag:$0x1] =	stream.indirect.gather [hbm4b:s4+s22], $0x80, s2, s22, $0xb8;
	[tilespmem:$0x1E800] =	vst v63  }
0x85: {  	_ = 	snop  }
0x86: {  	[tilespmem:s24], [sflag:$0x2] =	stream.indirect.gather [hbm4b:s4+s22], $0x80, s22, s22, $0xb8;
	[tilespmem:$0x1E800] =	vst v63  }
0x87: {  	_ = 	snop  }
0x88: {  	[tilespmem:s26], [sflag:$0x3] =	stream.indirect.gather [hbm4b:s4+s22], $0x80, s25, s22, $0xb8;
	[tilespmem:$0x1E800] =	vst v63  }
0x89: {  	_ =	swait.ge [sflag:s28], $0x2800  }
0x8a: {  	[sflag:s28] =	ssyncset.done $0x0  }
0x8b: {  	s16 =	simm.s32 $0x1400;
	[sflag:s28] =	ssyncadd.s32 $0xFFFFD800  }
0x8c: {  	[spmem:s1] =	stream.indirect.scatter.add.f32 [tilespmem:s23], [sflag:$0x8], $0x80, s16, s22, $0xb8;
	[tilespmem:$0x1E800] =	vst v63  }
0x8d: {  	_ =	swait.ge [sflag:s17], $0x2800  }
0x8e: {  	[sflag:s17] =	ssyncset.done $0x0  }
0x8f: {  	s6 =	simm.s32 $0xF0;
	[sflag:s17] =	ssyncadd.s32 $0xFFFFD800  }
0x90: {  	[tilespmem:s23], [sflag:$0x1] =	stream.indirect.gather [hbm4b:s4+s22], $0x80, s6, s22, $0xb8;
	[tilespmem:$0x1E800] =	vst v63  }
0x91: {  	_ =	swait.ge [sflag:s29], $0x2800  }
0x92: {  	[sflag:s29] =	ssyncset.done $0x0  }
0x93: {  	s10 =	simm.s32 $0x1480;
	[sflag:s29] =	ssyncadd.s32 $0xFFFFD800  }
0x94: {  	[spmem:s1] =	stream.indirect.scatter.add.f32 [tilespmem:s24], [sflag:$0x8], $0x80, s10, s22, $0xb8;
	[tilespmem:$0x1E800] =	vst v63  }
0x95: {  	_ =	swait.ge [sflag:s17], $0x2800  }
0x96: {  	[sflag:s17] =	ssyncset.done $0x0  }
0x97: {  	s12 =	simm.s32 $0x140;
	[sflag:s17] =	ssyncadd.s32 $0xFFFFD800  }
0x98: {  	[tilespmem:s24], [sflag:$0x2] =	stream.indirect.gather [hbm4b:s4+s22], $0x80, s12, s22, $0xb8;
	[tilespmem:$0x1E800] =	vst v63  }
0x99: {  	_ =	swait.ge [sflag:s30], $0x2800  }
0x9a: {  	[sflag:s30] =	ssyncset.done $0x0  }
0x9b: {  	s16 =	simm.s32 $0x1500;
	[sflag:s30] =	ssyncadd.s32 $0xFFFFD800  }
0x9c: {  	[spmem:s1] =	stream.indirect.scatter.add.f32 [tilespmem:s26], [sflag:$0x8], $0x80, s16, s22, $0xb8;
	[tilespmem:$0x1E800] =	vst v63  }
0x9d: {  	_ =	swait.ge [sflag:s17], $0x2800  }
0x9e: {  	s6 =	simm.s32 $0x3C0;
	[sflag:s17] =	ssyncset.done $0x0  }
0x9f: {  	s10 =	simm.s32 $0x1680;
	s16 =	simm.s32 $0x190;
	[sflag:s17] =	ssyncadd.s32 $0xFFFFD800  }
.LBB2_4:
0xa0: {  	[tilespmem:s26], [sflag:$0x3] =	stream.indirect.gather [hbm4b:s4+s22], $0x80, s16, s22, $0xb8;
	[tilespmem:$0x1E800] =	vst v63  }
0xa1: {  	s2 =	smov.u32 s6  }
0xa2: {  	p0 =	sne.s32 s6, $0x4740;
	s6 =	sadd.s32 $0x3C0, s6;
	_ =	swait.ge [sflag:s28], $0x2800  }
0xa3: {  	[sflag:s28] =	ssyncset.done $0x0  }
0xa4: {  	s16 =	sadd.s32 $0xFFFFFF00, s10;
	[sflag:s28] =	ssyncadd.s32 $0xFFFFD800  }
0xa5: {  	[spmem:s1] =	stream.indirect.scatter.add.f32 [tilespmem:s23], [sflag:$0x8], $0x80, s16, s22, $0xb8;
	[tilespmem:$0x1E800] =	vst v63  }
0xa6: {  	_ =	swait.ge [sflag:s17], $0x2800  }
0xa7: {  	s2 =	sshra.s32 s2, $0x2;
	[sflag:s17] =	ssyncset.done $0x0  }
0xa8: {  	s16 =	sadd.s32 $0xF0, s2;
	[sflag:s17] =	ssyncadd.s32 $0xFFFFD800  }
0xa9: {  	[tilespmem:s23], [sflag:$0x1] =	stream.indirect.gather [hbm4b:s4+s22], $0x80, s16, s22, $0xb8;
	[tilespmem:$0x1E800] =	vst v63  }
0xaa: {  	_ =	swait.ge [sflag:s29], $0x2800  }
0xab: {  	[sflag:s29] =	ssyncset.done $0x0  }
0xac: {  	s16 =	sadd.s32 $0xFFFFFF80, s10;
	[sflag:s29] =	ssyncadd.s32 $0xFFFFD800  }
0xad: {  	[spmem:s1] =	stream.indirect.scatter.add.f32 [tilespmem:s24], [sflag:$0x8], $0x80, s16, s22, $0xb8;
	[tilespmem:$0x1E800] =	vst v63  }
0xae: {  	_ =	swait.ge [sflag:s17], $0x2800  }
0xaf: {  	[sflag:s17] =	ssyncset.done $0x0  }
0xb0: {  	s16 =	sadd.s32 $0x140, s2;
	[sflag:s17] =	ssyncadd.s32 $0xFFFFD800  }
0xb1: {  	[tilespmem:s24], [sflag:$0x2] =	stream.indirect.gather [hbm4b:s4+s22], $0x80, s16, s22, $0xb8;
	[tilespmem:$0x1E800] =	vst v63  }
0xb2: {  	_ =	swait.ge [sflag:s30], $0x2800  }
0xb3: {  	[sflag:s30] =	ssyncset.done $0x0  }
.Ltmp1:
0xb4: {  	[sflag:s30] =	ssyncadd.s32 $0xFFFFD800;
	(pc) =	sbr.rel @p0 .LBB2_4-.Ltmp1, $4  }
0xb5: {  	[spmem:s1] =	stream.indirect.scatter.add.f32 [tilespmem:s26], [sflag:$0x8], $0x80, s10, s22, $0xb8;
	[tilespmem:$0x1E800] =	vst v63  }
0xb6: {  	_ =	swait.ge [sflag:s17], $0x2800  }
0xb7: {  	[sflag:s17] =	ssyncset.done $0x0  }
0xb8: {  	s16 =	sadd.s32 $0x190, s2;
	s10 =	sadd.s32 $0x180, s10;
	[sflag:s17] =	ssyncadd.s32 $0xFFFFD800  }
0xb9: {  	[tilespmem:s26], [sflag:$0x3] =	stream.indirect.gather [hbm4b:s4+s22], $0x80, s16, s22, $0xb8;
	[tilespmem:$0x1E800] =	vst v63  }
0xba: {  	_ =	swait.ge [sflag:s28], $0x2800  }
0xbb: {  	[sflag:s28] =	ssyncset.done $0x0  }
0xbc: {  	[sflag:s28] =	ssyncadd.s32 $0xFFFFD800  }
0xbd: {  	[spmem:s1] =	stream.indirect.scatter.add.f32 [tilespmem:s23], [sflag:$0x8], $0x80, s31, s22, $0xb8;
	[tilespmem:$0x1E800] =	vst v63  }
0xbe: {  	_ =	swait.ge [sflag:s17], $0x2800  }
0xbf: {  	[sflag:s17] =	ssyncset.done $0x0  }
0xc0: {  	[sflag:s17] =	ssyncadd.s32 $0xFFFFD800  }
0xc1: {  	[tilespmem:s23], [sflag:$0x1] =	stream.indirect.gather [hbm4b:s4+s22], $0x80, s0, s22, $0xb8;
	[tilespmem:$0x1E800] =	vst v63  }
0xc2: {  	_ =	swait.ge [sflag:s29], $0x2800  }
0xc3: {  	[sflag:s29] =	ssyncset.done $0x0  }
0xc4: {  	[sflag:s29] =	ssyncadd.s32 $0xFFFFD800  }
0xc5: {  	[spmem:s1] =	stream.indirect.scatter.add.f32 [tilespmem:s24], [sflag:$0x8], $0x80, s3, s22, $0xb8;
	[tilespmem:$0x1E800] =	vst v63  }
0xc6: {  	_ =	swait.ge [sflag:s17], $0x2800  }
0xc7: {  	[sflag:s17] =	ssyncset.done $0x0  }
0xc8: {  	[sflag:s17] =	ssyncadd.s32 $0xFFFFD800  }
0xc9: {  	_ =	swait.ge [sflag:s30], $0x2800  }
0xca: {  	[sflag:s30] =	ssyncset.done $0x0  }
0xcb: {  	[sflag:s30] =	ssyncadd.s32 $0xFFFFD800  }
0xcc: {  	[spmem:s1] =	stream.indirect.scatter.add.f32 [tilespmem:s26], [sflag:$0x8], $0x80, s8, s22, $0xb8;
	[tilespmem:$0x1E800] =	vst v63  }
0xcd: {  	_ =	swait.ge [sflag:s17], $0x2800  }
0xce: {  	[sflag:s17] =	ssyncset.done $0x0  }
0xcf: {  	[sflag:s17] =	ssyncadd.s32 $0xFFFFD800  }
0xd0: {  	_ =	swait.ge [sflag:s28], $0x2800  }
0xd1: {  	[sflag:s28] =	ssyncset.done $0x0  }
0xd2: {  	[sflag:s28] =	ssyncadd.s32 $0xFFFFD800  }
0xd3: {  	[spmem:s1] =	stream.indirect.scatter.add.f32 [tilespmem:s23], [sflag:$0x8], $0x80, s11, s22, $0xb8;
	[tilespmem:$0x1E800] =	vst v63  }
0xd4: {  	_ =	swait.ge [sflag:s17], $0x2800  }
0xd5: {  	[sflag:s17] =	ssyncset.done $0x0  }
0xd6: {  	s2 =	simm.s32 $0x0;
	s6 =	rddreg [dreg:$0x5];
	[sflag:s17] =	ssyncadd.s32 $0xFFFFD800  }
0xd7: {  	[tilespmem:s2], [sflag:$0x5] =	stream.linear.gather [hbm4b:s6+s2], $0x1400, $0x38;
	[tilespmem:$0x1E800] =	vst v63  }
0xd8: {  	_ = 	snop  }
0xd9: {  	[tilespmem:s15], [sflag:$0x7] =	stream.linear.gather [hbm4b:s5+s2], $0x2000, $0x38;
	[tilespmem:$0x1E800] =	vst v63  }
0xda: {  	[bflag:$0x0] =	sbarrier.arrive $0xFFFF  }
0xdb: {  	s16 =	rddreg [dreg:$0xa]  }
0xdc: {  	s10 =	rddreg [dreg:$0x6];
	s6 =	sor.u32 $0x1C06, s16  }
0xdd: {  	[hbm:s10], [sflag:s6] =	dma.local [spmem:s19], $0x2780  }
0xde: {  	_ =	swait.ge [sflag:s20], $0x1400  }
0xdf: {  	[sflag:s20] =	ssyncset.done $0x0  }
0xe0: {  	[sflag:s20] =	ssyncadd.s32 $0xFFFFEC00  }
0xe1: {  	[tilespmem:s23], [sflag:$0x1] =	stream.indirect.gather [hbm4b:s4+s22], $0x80, s2, s22, $0xb8;
	[tilespmem:$0x1E800] =	vst v63  }
0xe2: {  	_ = 	snop  }
0xe3: {  	[tilespmem:s24], [sflag:$0x2] =	stream.indirect.gather [hbm4b:s4+s22], $0x80, s22, s22, $0xb8;
	[tilespmem:$0x1E800] =	vst v63  }
0xe4: {  	s10 =	simm.s32 $0x7  }
0xe5: {  	[tilespmem:s26], [sflag:$0x3] =	stream.indirect.gather [hbm4b:s4+s22], $0x80, s25, s22, $0xb8;
	[tilespmem:$0x1E800] =	vst v63  }
0xe6: {  	_ =	swait.ge [sflag:s10], $0x2000  }
0xe7: {  	[sflag:s10] =	ssyncset.done $0x0  }
0xe8: {  	[sflag:s10] =	ssyncadd.s32 $0xFFFFE000  }
0xe9: {  	_ =	swait.ge [sflag:s13], $0x2780  }
0xea: {  	[sflag:s13] =	ssyncset.done $0x0  }
0xeb: {  	[sflag:s13] =	ssyncadd.s32 $0xFFFFD880  }
0xec: {  	[spmem:s19], [sflag:s18] =	dma.local [hbm:s7], $0x2780  }
0xed: {  	_ =	swait.ge [sflag:s21], $0x2780  }
0xee: {  	[sflag:s21] =	ssyncset.done $0x0  }
0xef: {  	[sflag:s21] =	ssyncadd.s32 $0xFFFFD880  }
0xf0: {  	[bflag:$0x0] =	sbarrier.arrive $0xFFFF  }
0xf1: {  	_ =	swait.ge [sflag:s28], $0x2800  }
0xf2: {  	[sflag:s28] =	ssyncset.done $0x0  }
0xf3: {  	s12 =	simm.s32 $0x1400;
	[sflag:s28] =	ssyncadd.s32 $0xFFFFD800  }
0xf4: {  	[spmem:s1] =	stream.indirect.scatter.add.f32 [tilespmem:s23], [sflag:$0x8], $0x80, s12, s22, $0xb8;
	[tilespmem:$0x1E800] =	vst v63  }
0xf5: {  	_ =	swait.ge [sflag:s17], $0x2800  }
0xf6: {  	[sflag:s17] =	ssyncset.done $0x0  }
0xf7: {  	s16 =	simm.s32 $0xF0;
	[sflag:s17] =	ssyncadd.s32 $0xFFFFD800  }
0xf8: {  	[tilespmem:s23], [sflag:$0x1] =	stream.indirect.gather [hbm4b:s4+s22], $0x80, s16, s22, $0xb8;
	[tilespmem:$0x1E800] =	vst v63  }
0xf9: {  	_ =	swait.ge [sflag:s29], $0x2800  }
0xfa: {  	[sflag:s29] =	ssyncset.done $0x0  }
0xfb: {  	s10 =	simm.s32 $0x1480;
	[sflag:s29] =	ssyncadd.s32 $0xFFFFD800  }
0xfc: {  	[spmem:s1] =	stream.indirect.scatter.add.f32 [tilespmem:s24], [sflag:$0x8], $0x80, s10, s22, $0xb8;
	[tilespmem:$0x1E800] =	vst v63  }
0xfd: {  	_ =	swait.ge [sflag:s17], $0x2800  }
0xfe: {  	[sflag:s17] =	ssyncset.done $0x0  }
0xff: {  	s12 =	simm.s32 $0x140;
	[sflag:s17] =	ssyncadd.s32 $0xFFFFD800  }
0x100: {  	[tilespmem:s24], [sflag:$0x2] =	stream.indirect.gather [hbm4b:s4+s22], $0x80, s12, s22, $0xb8;
	[tilespmem:$0x1E800] =	vst v63  }
0x101: {  	_ =	swait.ge [sflag:s30], $0x2800  }
0x102: {  	[sflag:s30] =	ssyncset.done $0x0  }
0x103: {  	s16 =	simm.s32 $0x1500;
	[sflag:s30] =	ssyncadd.s32 $0xFFFFD800  }
0x104: {  	[spmem:s1] =	stream.indirect.scatter.add.f32 [tilespmem:s26], [sflag:$0x8], $0x80, s16, s22, $0xb8;
	[tilespmem:$0x1E800] =	vst v63  }
0x105: {  	_ =	swait.ge [sflag:s17], $0x2800  }
0x106: {  	s2 =	simm.s32 $0x190;
	[sflag:s17] =	ssyncset.done $0x0  }
0x107: {  	s10 =	simm.s32 $0x3C0;
	s16 =	simm.s32 $0x1680;
	[sflag:s17] =	ssyncadd.s32 $0xFFFFD800  }
.LBB2_6:
0x108: {  	[tilespmem:s26], [sflag:$0x3] =	stream.indirect.gather [hbm4b:s4+s22], $0x80, s2, s22, $0xb8;
	[tilespmem:$0x1E800] =	vst v63  }
0x109: {  	s2 =	smov.u32 s10  }
0x10a: {  	p0 =	sne.s32 s10, $0x4740;
	s10 =	sadd.s32 $0x3C0, s10;
	_ =	swait.ge [sflag:s28], $0x2800  }
0x10b: {  	[sflag:s28] =	ssyncset.done $0x0  }
0x10c: {  	s12 =	sadd.s32 $0xFFFFFF00, s16;
	[sflag:s28] =	ssyncadd.s32 $0xFFFFD800  }
0x10d: {  	[spmem:s1] =	stream.indirect.scatter.add.f32 [tilespmem:s23], [sflag:$0x8], $0x80, s12, s22, $0xb8;
	[tilespmem:$0x1E800] =	vst v63  }
0x10e: {  	_ =	swait.ge [sflag:s17], $0x2800  }
0x10f: {  	s2 =	sshra.s32 s2, $0x2;
	[sflag:s17] =	ssyncset.done $0x0  }
0x110: {  	s12 =	sadd.s32 $0xF0, s2;
	[sflag:s17] =	ssyncadd.s32 $0xFFFFD800  }
0x111: {  	[tilespmem:s23], [sflag:$0x1] =	stream.indirect.gather [hbm4b:s4+s22], $0x80, s12, s22, $0xb8;
	[tilespmem:$0x1E800] =	vst v63  }
0x112: {  	_ =	swait.ge [sflag:s29], $0x2800  }
0x113: {  	[sflag:s29] =	ssyncset.done $0x0  }
0x114: {  	s12 =	sadd.s32 $0xFFFFFF80, s16;
	[sflag:s29] =	ssyncadd.s32 $0xFFFFD800  }
0x115: {  	[spmem:s1] =	stream.indirect.scatter.add.f32 [tilespmem:s24], [sflag:$0x8], $0x80, s12, s22, $0xb8;
	[tilespmem:$0x1E800] =	vst v63  }
0x116: {  	_ =	swait.ge [sflag:s17], $0x2800  }
0x117: {  	[sflag:s17] =	ssyncset.done $0x0  }
0x118: {  	s12 =	sadd.s32 $0x140, s2;
	[sflag:s17] =	ssyncadd.s32 $0xFFFFD800  }
0x119: {  	[tilespmem:s24], [sflag:$0x2] =	stream.indirect.gather [hbm4b:s4+s22], $0x80, s12, s22, $0xb8;
	[tilespmem:$0x1E800] =	vst v63  }
0x11a: {  	_ =	swait.ge [sflag:s30], $0x2800  }
0x11b: {  	[sflag:s30] =	ssyncset.done $0x0  }
.Ltmp2:
0x11c: {  	[sflag:s30] =	ssyncadd.s32 $0xFFFFD800;
	(pc) =	sbr.rel @p0 .LBB2_6-.Ltmp2, $4  }
0x11d: {  	[spmem:s1] =	stream.indirect.scatter.add.f32 [tilespmem:s26], [sflag:$0x8], $0x80, s16, s22, $0xb8;
	[tilespmem:$0x1E800] =	vst v63  }
0x11e: {  	_ =	swait.ge [sflag:s17], $0x2800  }
0x11f: {  	[sflag:s17] =	ssyncset.done $0x0  }
0x120: {  	s2 =	sadd.s32 $0x190, s2;
	s16 =	sadd.s32 $0x180, s16;
	[sflag:s17] =	ssyncadd.s32 $0xFFFFD800  }
0x121: {  	[tilespmem:s26], [sflag:$0x3] =	stream.indirect.gather [hbm4b:s4+s22], $0x80, s2, s22, $0xb8;
	[tilespmem:$0x1E800] =	vst v63  }
0x122: {  	_ =	swait.ge [sflag:s28], $0x2800  }
0x123: {  	[sflag:s28] =	ssyncset.done $0x0  }
0x124: {  	[sflag:s28] =	ssyncadd.s32 $0xFFFFD800  }
0x125: {  	[spmem:s1] =	stream.indirect.scatter.add.f32 [tilespmem:s23], [sflag:$0x8], $0x80, s31, s22, $0xb8;
	[tilespmem:$0x1E800] =	vst v63  }
0x126: {  	_ =	swait.ge [sflag:s17], $0x2800  }
0x127: {  	[sflag:s17] =	ssyncset.done $0x0  }
0x128: {  	[sflag:s17] =	ssyncadd.s32 $0xFFFFD800  }
0x129: {  	[tilespmem:s23], [sflag:$0x1] =	stream.indirect.gather [hbm4b:s4+s22], $0x80, s0, s22, $0xb8;
	[tilespmem:$0x1E800] =	vst v63  }
0x12a: {  	_ =	swait.ge [sflag:s29], $0x2800  }
0x12b: {  	[sflag:s29] =	ssyncset.done $0x0  }
0x12c: {  	[sflag:s29] =	ssyncadd.s32 $0xFFFFD800  }
0x12d: {  	[spmem:s1] =	stream.indirect.scatter.add.f32 [tilespmem:s24], [sflag:$0x8], $0x80, s3, s22, $0xb8;
	[tilespmem:$0x1E800] =	vst v63  }
0x12e: {  	_ =	swait.ge [sflag:s17], $0x2800  }
0x12f: {  	[sflag:s17] =	ssyncset.done $0x0  }
0x130: {  	[sflag:s17] =	ssyncadd.s32 $0xFFFFD800  }
0x131: {  	_ =	swait.ge [sflag:s30], $0x2800  }
0x132: {  	[sflag:s30] =	ssyncset.done $0x0  }
0x133: {  	[sflag:s30] =	ssyncadd.s32 $0xFFFFD800  }
0x134: {  	[spmem:s1] =	stream.indirect.scatter.add.f32 [tilespmem:s26], [sflag:$0x8], $0x80, s8, s22, $0xb8;
	[tilespmem:$0x1E800] =	vst v63  }
0x135: {  	_ =	swait.ge [sflag:s17], $0x2800  }
0x136: {  	[sflag:s17] =	ssyncset.done $0x0  }
0x137: {  	[sflag:s17] =	ssyncadd.s32 $0xFFFFD800  }
0x138: {  	_ =	swait.ge [sflag:s28], $0x2800  }
0x139: {  	[sflag:s28] =	ssyncset.done $0x0  }
0x13a: {  	[sflag:s28] =	ssyncadd.s32 $0xFFFFD800  }
0x13b: {  	[spmem:s1] =	stream.indirect.scatter.add.f32 [tilespmem:s23], [sflag:$0x8], $0x80, s11, s22, $0xb8;
	[tilespmem:$0x1E800] =	vst v63  }
0x13c: {  	_ =	swait.ge [sflag:s17], $0x2800  }
0x13d: {  	[sflag:s17] =	ssyncset.done $0x0  }
0x13e: {  	s16 =	simm.s32 $0x0;
	s10 =	rddreg [dreg:$0x7];
	[sflag:s17] =	ssyncadd.s32 $0xFFFFD800  }
0x13f: {  	[tilespmem:s16], [sflag:$0x8] =	stream.linear.gather [hbm4b:s10+s16], $0x1400, $0x38;
	[tilespmem:$0x1E800] =	vst v63  }
0x140: {  	_ =	swait.ge [sflag:s17], $0x1400  }
0x141: {  	[sflag:s17] =	ssyncset.done $0x0  }
0x142: {  	[sflag:s17] =	ssyncadd.s32 $0xFFFFEC00  }
0x143: {  	[tilespmem:s15], [sflag:$0x8] =	stream.linear.gather [hbm4b:s9+s16], $0x2000, $0x38;
	[tilespmem:$0x1E800] =	vst v63  }
0x144: {  	_ =	swait.ge [sflag:s17], $0x2000  }
0x145: {  	[sflag:s17] =	ssyncset.done $0x0  }
0x146: {  	[sflag:s17] =	ssyncadd.s32 $0xFFFFE000  }
0x147: {  	[tilespmem:s23], [sflag:$0x1] =	stream.indirect.gather [hbm4b:s4+s22], $0x80, s16, s22, $0xb8;
	[tilespmem:$0x1E800] =	vst v63  }
0x148: {  	_ = 	snop  }
0x149: {  	[tilespmem:s24], [sflag:$0x2] =	stream.indirect.gather [hbm4b:s4+s22], $0x80, s22, s22, $0xb8;
	[tilespmem:$0x1E800] =	vst v63  }
0x14a: {  	_ = 	snop  }
0x14b: {  	[tilespmem:s26], [sflag:$0x3] =	stream.indirect.gather [hbm4b:s4+s22], $0x80, s25, s22, $0xb8;
	[tilespmem:$0x1E800] =	vst v63  }
0x14c: {  	_ =	swait.ge [sflag:s28], $0x2800  }
0x14d: {  	[sflag:s28] =	ssyncset.done $0x0  }
0x14e: {  	s12 =	simm.s32 $0x1400;
	[sflag:s28] =	ssyncadd.s32 $0xFFFFD800  }
0x14f: {  	[spmem:s1] =	stream.indirect.scatter.add.f32 [tilespmem:s23], [sflag:$0x8], $0x80, s12, s22, $0xb8;
	[tilespmem:$0x1E800] =	vst v63  }
0x150: {  	_ =	swait.ge [sflag:s17], $0x2800  }
0x151: {  	[sflag:s17] =	ssyncset.done $0x0  }
0x152: {  	s16 =	simm.s32 $0xF0;
	[sflag:s17] =	ssyncadd.s32 $0xFFFFD800  }
0x153: {  	[tilespmem:s23], [sflag:$0x1] =	stream.indirect.gather [hbm4b:s4+s22], $0x80, s16, s22, $0xb8;
	[tilespmem:$0x1E800] =	vst v63  }
0x154: {  	_ =	swait.ge [sflag:s29], $0x2800  }
0x155: {  	[sflag:s29] =	ssyncset.done $0x0  }
0x156: {  	s10 =	simm.s32 $0x1480;
	[sflag:s29] =	ssyncadd.s32 $0xFFFFD800  }
0x157: {  	[spmem:s1] =	stream.indirect.scatter.add.f32 [tilespmem:s24], [sflag:$0x8], $0x80, s10, s22, $0xb8;
	[tilespmem:$0x1E800] =	vst v63  }
0x158: {  	_ =	swait.ge [sflag:s17], $0x2800  }
0x159: {  	[sflag:s17] =	ssyncset.done $0x0  }
0x15a: {  	s12 =	simm.s32 $0x140;
	[sflag:s17] =	ssyncadd.s32 $0xFFFFD800  }
0x15b: {  	[tilespmem:s24], [sflag:$0x2] =	stream.indirect.gather [hbm4b:s4+s22], $0x80, s12, s22, $0xb8;
	[tilespmem:$0x1E800] =	vst v63  }
0x15c: {  	_ =	swait.ge [sflag:s30], $0x2800  }
0x15d: {  	[sflag:s30] =	ssyncset.done $0x0  }
0x15e: {  	s16 =	simm.s32 $0x1500;
	[sflag:s30] =	ssyncadd.s32 $0xFFFFD800  }
0x15f: {  	[spmem:s1] =	stream.indirect.scatter.add.f32 [tilespmem:s26], [sflag:$0x8], $0x80, s16, s22, $0xb8;
	[tilespmem:$0x1E800] =	vst v63  }
0x160: {  	_ =	swait.ge [sflag:s17], $0x2800  }
0x161: {  	s2 =	simm.s32 $0x190;
	[sflag:s17] =	ssyncset.done $0x0  }
0x162: {  	s10 =	simm.s32 $0x3C0;
	s16 =	simm.s32 $0x1680;
	[sflag:s17] =	ssyncadd.s32 $0xFFFFD800  }
.LBB2_8:
0x163: {  	[tilespmem:s26], [sflag:$0x3] =	stream.indirect.gather [hbm4b:s4+s22], $0x80, s2, s22, $0xb8;
	[tilespmem:$0x1E800] =	vst v63  }
0x164: {  	s2 =	smov.u32 s10  }
0x165: {  	p0 =	sne.s32 s10, $0x4740;
	s10 =	sadd.s32 $0x3C0, s10;
	_ =	swait.ge [sflag:s28], $0x2800  }
0x166: {  	[sflag:s28] =	ssyncset.done $0x0  }
0x167: {  	s12 =	sadd.s32 $0xFFFFFF00, s16;
	[sflag:s28] =	ssyncadd.s32 $0xFFFFD800  }
0x168: {  	[spmem:s1] =	stream.indirect.scatter.add.f32 [tilespmem:s23], [sflag:$0x8], $0x80, s12, s22, $0xb8;
	[tilespmem:$0x1E800] =	vst v63  }
0x169: {  	_ =	swait.ge [sflag:s17], $0x2800  }
0x16a: {  	s2 =	sshra.s32 s2, $0x2;
	[sflag:s17] =	ssyncset.done $0x0  }
0x16b: {  	s12 =	sadd.s32 $0xF0, s2;
	[sflag:s17] =	ssyncadd.s32 $0xFFFFD800  }
0x16c: {  	[tilespmem:s23], [sflag:$0x1] =	stream.indirect.gather [hbm4b:s4+s22], $0x80, s12, s22, $0xb8;
	[tilespmem:$0x1E800] =	vst v63  }
0x16d: {  	_ =	swait.ge [sflag:s29], $0x2800  }
0x16e: {  	[sflag:s29] =	ssyncset.done $0x0  }
0x16f: {  	s12 =	sadd.s32 $0xFFFFFF80, s16;
	[sflag:s29] =	ssyncadd.s32 $0xFFFFD800  }
0x170: {  	[spmem:s1] =	stream.indirect.scatter.add.f32 [tilespmem:s24], [sflag:$0x8], $0x80, s12, s22, $0xb8;
	[tilespmem:$0x1E800] =	vst v63  }
0x171: {  	_ =	swait.ge [sflag:s17], $0x2800  }
0x172: {  	[sflag:s17] =	ssyncset.done $0x0  }
0x173: {  	s12 =	sadd.s32 $0x140, s2;
	[sflag:s17] =	ssyncadd.s32 $0xFFFFD800  }
0x174: {  	[tilespmem:s24], [sflag:$0x2] =	stream.indirect.gather [hbm4b:s4+s22], $0x80, s12, s22, $0xb8;
	[tilespmem:$0x1E800] =	vst v63  }
0x175: {  	_ =	swait.ge [sflag:s30], $0x2800  }
0x176: {  	[sflag:s30] =	ssyncset.done $0x0  }
.Ltmp3:
0x177: {  	[sflag:s30] =	ssyncadd.s32 $0xFFFFD800;
	(pc) =	sbr.rel @p0 .LBB2_8-.Ltmp3, $4  }
0x178: {  	[spmem:s1] =	stream.indirect.scatter.add.f32 [tilespmem:s26], [sflag:$0x8], $0x80, s16, s22, $0xb8;
	[tilespmem:$0x1E800] =	vst v63  }
0x179: {  	_ =	swait.ge [sflag:s17], $0x2800  }
0x17a: {  	[sflag:s17] =	ssyncset.done $0x0  }
0x17b: {  	s2 =	sadd.s32 $0x190, s2;
	s16 =	sadd.s32 $0x180, s16;
	[sflag:s17] =	ssyncadd.s32 $0xFFFFD800  }
0x17c: {  	[tilespmem:s26], [sflag:$0x3] =	stream.indirect.gather [hbm4b:s4+s22], $0x80, s2, s22, $0xb8;
	[tilespmem:$0x1E800] =	vst v63  }
0x17d: {  	_ =	swait.ge [sflag:s28], $0x2800  }
0x17e: {  	[sflag:s28] =	ssyncset.done $0x0  }
0x17f: {  	[sflag:s28] =	ssyncadd.s32 $0xFFFFD800  }
0x180: {  	[spmem:s1] =	stream.indirect.scatter.add.f32 [tilespmem:s23], [sflag:$0x8], $0x80, s31, s22, $0xb8;
	[tilespmem:$0x1E800] =	vst v63  }
0x181: {  	_ =	swait.ge [sflag:s17], $0x2800  }
0x182: {  	[sflag:s17] =	ssyncset.done $0x0  }
0x183: {  	[sflag:s17] =	ssyncadd.s32 $0xFFFFD800  }
0x184: {  	[tilespmem:s23], [sflag:$0x1] =	stream.indirect.gather [hbm4b:s4+s22], $0x80, s0, s22, $0xb8;
	[tilespmem:$0x1E800] =	vst v63  }
0x185: {  	_ =	swait.ge [sflag:s29], $0x2800  }
0x186: {  	[sflag:s29] =	ssyncset.done $0x0  }
0x187: {  	[sflag:s29] =	ssyncadd.s32 $0xFFFFD800  }
0x188: {  	[spmem:s1] =	stream.indirect.scatter.add.f32 [tilespmem:s24], [sflag:$0x8], $0x80, s3, s22, $0xb8;
	[tilespmem:$0x1E800] =	vst v63  }
0x189: {  	_ =	swait.ge [sflag:s17], $0x2800  }
0x18a: {  	[sflag:s17] =	ssyncset.done $0x0  }
0x18b: {  	[sflag:s17] =	ssyncadd.s32 $0xFFFFD800  }
0x18c: {  	_ =	swait.ge [sflag:s30], $0x2800  }
0x18d: {  	[sflag:s30] =	ssyncset.done $0x0  }
0x18e: {  	[sflag:s30] =	ssyncadd.s32 $0xFFFFD800  }
0x18f: {  	[spmem:s1] =	stream.indirect.scatter.add.f32 [tilespmem:s26], [sflag:$0x8], $0x80, s8, s22, $0xb8;
	[tilespmem:$0x1E800] =	vst v63  }
0x190: {  	_ =	swait.ge [sflag:s17], $0x2800  }
0x191: {  	[sflag:s17] =	ssyncset.done $0x0  }
0x192: {  	[sflag:s17] =	ssyncadd.s32 $0xFFFFD800  }
0x193: {  	_ =	swait.ge [sflag:s28], $0x2800  }
0x194: {  	[sflag:s28] =	ssyncset.done $0x0  }
0x195: {  	[sflag:s28] =	ssyncadd.s32 $0xFFFFD800  }
0x196: {  	[spmem:s1] =	stream.indirect.scatter.add.f32 [tilespmem:s23], [sflag:$0x8], $0x80, s11, s22, $0xb8;
	[tilespmem:$0x1E800] =	vst v63  }
0x197: {  	_ =	swait.ge [sflag:s17], $0x2800  }
0x198: {  	[sflag:s17] =	ssyncset.done $0x0  }
0x199: {  	[sflag:s17] =	ssyncadd.s32 $0xFFFFD800  }
0x19a: {  	[bflag:$0x0] =	sbarrier.arrive $0xFFFF  }
0x19b: {  	s12 =	rddreg [dreg:$0x8]  }
0x19c: {  	[hbm:s12], [sflag:s6] =	dma.local [spmem:s19], $0x2780  }
0x19d: {  	_ =	swait.ge [sflag:s13], $0x2780  }
0x19e: {  	s14 =	sadd.s32 $0x1, s14;
	s16 =	rddreg [dreg:$0x9]  }
0x19f: {  	p0 =	sne.s32 s14, s16  }
.Ltmp4:
0x1a0: {  	_ = 	snop;
	(pc) =	sbr.rel @p0 .LBB2_1-.Ltmp4, $3  }
0x1a1: {  	_ =	sdelay $0x1  }
0x1a2: {  	[sflag:s13] =	ssyncset.done $0x0  }
0x1a3: {  	[sflag:s13] =	ssyncadd.s32 $0xFFFFD880  }
0x1a4: {  	_ =	sfence.sel $0x180000  }
0x1a5: {  	[bflag:$0x0] =	sbarrier.arrive $0xFFFF  }
0x1a6: {  	_ =	strace $0x9000004D  }
0x1a7: {  	s0 =	stileid.u32;
	[bflag:$0x2] =	sbarrier.arrive $0xFFFF  }
0x1a8: {  	p0 =	sne.s32 s0, $0x0;
	s0 =	rddreg [dreg:$0x2]  }
0x1a9: {  	s0 =	sadd.s32 @!p0 $0x100000, s0  }
0x1aa: {  	[sflag:s0] =	ssyncadd.tile.s32 @!p0 $0x1;
	_ =	shalt  }
.Lfunc_end2:
_tile_overlayer_lowered:
.L_overlay_start_2:
0x1ab: {  	(tag) =	ssettag $0x2  }
0x1ac: {  	s0 =	rddreg [dreg:$0x0];
	s2 =	stileid.u32  }
0x1ad: {  	s1 =	rddreg [dreg:$0x1];
	p0 =	sne.s32 s2, $0x0  }
0x1ae: {  	s3 =	rddreg [dreg:$0x2];
	[bflag:$0x3] =	sbarrier.arrive $0xFFFF;
	s2 =	simm.s32 @!p0 $0x1C08  }
0x1af: {  	[timem:s3], [sflag:s2] =	dma.local @!p0 [hbm:s0], s1  }
0x1b0: {  	s0 =	simm.s32 @!p0 $0x8  }
0x1b1: {  	_ =	swait.ge @!p0 [sflag:s0], s1  }
0x1b2: {  	s1 =	ssub.s32 @!p0 $0x0, s1;
	[sflag:s0] =	ssyncset.done @!p0 $0x0  }
0x1b3: {  	[sflag:s0] =	ssyncadd.s32 @!p0 s1  }
0x1b4: {  	[bflag:$0x3] =	sbarrier.arrive $0xFFFF  }
0x1b5: {  	_ =	shalt  }

// kernel: kernel.9.cloned.1.call-start
scs
__scs_entry_jumppad:
0x0: {  	(pc) =	sbr.rel $0x88, $3  }
0x1: {  	(tag) =	ssettag $0x0;
	lr =	simm.s32 $0x1  }
0x2: {  	[smem:$0x3F90] =	sst lr;
	_ =	strace $0xD0000000  }
0x3: {  	_ = 	snop  }
0x4: {  	_ = 	snop  }
0x5: {  	_ = 	snop  }
0x6: {  	_ = 	snop  }
0x7: {  	_ = 	snop  }
__scs_overlays_trampoline_lowered:
0x8: {  	[smem:$0x3F9F] =	sst s0  }
0x9: {  	[smem:$0x3FA0] =	sst s1  }
0xa: {  	[smem:$0x3FA1] =	sst s2  }
0xb: {  	[smem:$0x3FA2] =	sst s3  }
0xc: {  	[smem:$0x3FA3] =	sst s4  }
0xd: {  	[smem:$0x3FA4] =	sst s5  }
0xe: {  	[smem:$0x3FA5] =	sst s6  }
0xf: {  	[smem:$0x3FA6] =	sst s7  }
0x10: {  	[smem:$0x3FA7] =	sst s8  }
0x11: {  	[smem:$0x3FA8] =	sst s9;
	s0 =	simm.s32 @!p0 $0x0  }
0x12: {  	s1 =	sld [smem:$0x3F8E];
	s0 =	simm.s32 @p0 $0x1  }
0x13: {  	[smem:$0x3FA9] =	sst s0;
	s0 =	simm.s32 @!p1 $0x0  }
0x14: {  	s2 =	sld [smem:$0x3F8D];
	s0 =	simm.s32 @p1 $0x1  }
0x15: {  	[smem:$0x3FAA] =	sst s0;
	s0 =	simm.s32 @!p2 $0x0  }
0x16: {  	s3 =	sld [smem:$0x3FDB];
	s0 =	simm.s32 @p2 $0x1  }
0x17: {  	s4 =	simm.s32 $0x1BF5;
	[smem:$0x3FAC] =	sst s0  }
0x18: {  	s0 =	sld [smem:$0x3F8F];
	_ =	swait.ge [sflag:s4], $0x0  }
0x19: {  	s7 =	sld [smem:$0x3F90]  }
0x1a: {  	s8 =	sadd.s32 $0xFFFFE003, lr  }
0x1b: {  	s9 =	sadd.s32 $0xFFFFFEF7, lr;
	s5 =	simm.s32 $0xFFFFFFFF;
	p2 =	slt.u32 s8, $0xFFFFF086  }
0x1c: {  	p1 =	slt.u32 s9, $0xF7A;
	s5 =	simm.s32 @!p2 $0x0  }
0x1d: {  	s5 =	simm.s32 @p1 $0x1;
	p0 =	seq.s32 s7, s2  }
0x1e: {  	s7 =	smul.u32 @!p0 $0xF7A, s2;
	p2 =	seq.s32 @!p0 s5, $0x0  }
0x1f: {  	s9 =	smul.u32 $0xF7A, s1;
	s8 =	simm.s32 @!p0 $0x1BF5;
	p2 =	por !p2, p0  }
0x20: {  	[sflag:s8] =	ssyncset.s32 @!p0 $0xFFFFF086;
	s6 =	sadd.s32 @!p0 s3, s7;
	s7 =	simm.s32 @!p0 $0x108  }
0x21: {  	s3 =	sadd.s32 s3, s9;
	s6 =	sadd.s32 @!p0 $0x88, s6;
	s7 =	simm.s32 @p2 $0x1082  }
0x22: {  	[simem:s7], [sflag:s8] =	dma.local @!p0 [hbm:s6], $0xF7A  }
0x23: {  	s9 =	sor.u32 $0xD0000000, s2;
	s6 =	simm.s32 $0x108;
	_ =	swait.ge @!p0 [sflag:s8], $0x0  }
0x24: {  	s3 =	sadd.s32 $0x88, s3;
	s6 =	simm.s32 @!p1 $0x1082;
	[sflag:s4] =	ssyncset.s32 $0xFFFFF086  }
0x25: {  	[simem:s6], [sflag:s4] =	dma.local [hbm:s3], $0xF7A  }
0x26: {  	[smem:$0x3F90] =	sst s1;
	(tag) =	ssettag s2;
	_ =	strace s9  }
0x27: {  	s1 =	sld [smem:$0x3FA0]  }
0x28: {  	s2 =	sld [smem:$0x3FA1]  }
0x29: {  	s4 =	sld [smem:$0x3FA3]  }
0x2a: {  	p0 =	seq.s32 s5, $0x0;
	s5 =	sld [smem:$0x3FA4]  }
0x2b: {  	s6 =	sld [smem:$0x3FA5]  }
0x2c: {  	s7 =	sld [smem:$0x3FA6]  }
0x2d: {  	s3 =	simm.s32 $0x108;
	s8 =	sld [smem:$0x3FA7]  }
0x2e: {  	s3 =	simm.s32 @!p0 $0x1082;
	s9 =	sld [smem:$0x3FA8]  }
0x2f: {  	lr =	sadd.s32 s0, s3;
	s0 =	sld [smem:$0x3F9F]  }
0x30: {  	s3 =	sld [smem:$0x3FA2]  }
0x31: {  	[smem:$0x3FAB] =	sst s10  }
0x32: {  	s10 =	sld [smem:$0x3FA9];
	_ =	sdelay $0x3  }
0x33: {  	p0 =	seq.s32 s10, $0x1;
	s10 =	sld [smem:$0x3FAB];
	_ =	sdelay $0x3  }
0x34: {  	[smem:$0x3FAB] =	sst s10  }
0x35: {  	s10 =	sld [smem:$0x3FAA];
	_ =	sdelay $0x3  }
0x36: {  	p1 =	seq.s32 s10, $0x1;
	s10 =	sld [smem:$0x3FAB];
	_ =	sdelay $0x3  }
0x37: {  	[smem:$0x3FAB] =	sst s10  }
0x38: {  	s10 =	sld [smem:$0x3FAC]  }
0x39: {  	_ = 	snop;
	(pc) =	sbr.ind lr, $3  }
0x3a: {  	_ = 	snop  }
0x3b: {  	_ = 	snop  }
0x3c: {  	p2 =	seq.s32 s10, $0x1;
	s10 =	sld [smem:$0x3FAB]  }
0x3d: {  	_ =	shalt  }
0x3e: {  	_ =	shalt  }
0x3f: {  	_ =	shalt  }
0x40: {  	_ =	shalt  }
0x41: {  	_ =	shalt  }
0x42: {  	_ =	shalt  }
0x43: {  	_ =	shalt  }
0x44: {  	_ =	shalt  }
0x45: {  	_ =	shalt  }
0x46: {  	_ =	shalt  }
0x47: {  	_ =	shalt  }
0x48: {  	_ =	shalt  }
0x49: {  	_ =	shalt  }
0x4a: {  	_ =	shalt  }
0x4b: {  	_ =	shalt  }
0x4c: {  	_ =	shalt  }
0x4d: {  	_ =	shalt  }
0x4e: {  	_ =	shalt  }
0x4f: {  	_ =	shalt  }
0x50: {  	_ =	shalt  }
0x51: {  	_ =	shalt  }
0x52: {  	_ =	shalt  }
0x53: {  	_ =	shalt  }
0x54: {  	_ =	shalt  }
0x55: {  	_ =	shalt  }
0x56: {  	_ =	shalt  }
0x57: {  	_ =	shalt  }
0x58: {  	_ =	shalt  }
0x59: {  	_ =	shalt  }
0x5a: {  	_ =	shalt  }
0x5b: {  	_ =	shalt  }
0x5c: {  	_ =	shalt  }
0x5d: {  	_ =	shalt  }
0x5e: {  	_ =	shalt  }
0x5f: {  	_ =	shalt  }
0x60: {  	_ =	shalt  }
0x61: {  	_ =	shalt  }
0x62: {  	_ =	shalt  }
0x63: {  	_ =	shalt  }
0x64: {  	_ =	shalt  }
0x65: {  	_ =	shalt  }
0x66: {  	_ =	shalt  }
0x67: {  	_ =	shalt  }
0x68: {  	_ =	shalt  }
0x69: {  	_ =	shalt  }
0x6a: {  	_ =	shalt  }
0x6b: {  	_ =	shalt  }
0x6c: {  	_ =	shalt  }
0x6d: {  	_ =	shalt  }
0x6e: {  	_ =	shalt  }
0x6f: {  	_ =	shalt  }
0x70: {  	_ =	shalt  }
0x71: {  	_ =	shalt  }
0x72: {  	_ =	shalt  }
0x73: {  	_ =	shalt  }
0x74: {  	_ =	shalt  }
0x75: {  	_ =	shalt  }
0x76: {  	_ =	shalt  }
0x77: {  	_ =	shalt  }
0x78: {  	_ =	shalt  }
0x79: {  	_ =	shalt  }
0x7a: {  	_ =	shalt  }
0x7b: {  	_ =	shalt  }
0x7c: {  	_ =	shalt  }
0x7d: {  	_ =	shalt  }
0x7e: {  	_ =	shalt  }
0x7f: {  	_ =	shalt  }
0x80: {  	_ =	shalt  }
0x81: {  	_ =	shalt  }
0x82: {  	_ =	shalt  }
0x83: {  	_ =	shalt  }
0x84: {  	_ =	shalt  }
0x85: {  	_ =	shalt  }
0x86: {  	_ =	shalt  }
0x87: {  	_ =	shalt  }
.Lfunc_end0:
.L_simem_size_0:
called_computation_lowered:
.L_overlay_start_0:
0x88: {  	s2 =	sld [smem:$0x3FD9]  }
0x89: {  	s3 =	sld [smem:$0x3FFE];
	_ =	sdelay $0x1  }
0x8a: {  	s1 =	srdreg.scid  }
0x8b: {  	s0 =	sand.u32 $0x1, s1  }
0x8c: {  	s16 =	sshll.u32 s0, $0xA;
	s2 =	sadd.s32 s3, s2  }
0x8d: {  	s2 =	sadd.s32 s2, s16  }
0x8e: {  	[smem:$0x3FB7] =	sst s2  }
0x8f: {  	_ = 	snop  }
0x90: {  	(tm) =	ssettm $0x1  }
0x91: {  	s17 =	sld [smem:$0x3FFB];
	_ =	sdelay $0x3  }
0x92: {  	_ =	strace s17  }
0x93: {  	s2 =	sld [smem:$0x3FFC];
	_ =	sdelay $0x3  }
0x94: {  	_ =	strace s2  }
0x95: {  	s2 =	sld [smem:$0x3FFD];
	_ =	sdelay $0x3  }
0x96: {  	_ =	strace s2  }
0x97: {  	_ =	strace $0x8FFFFFFF  }
0x98: {  	s18 =	sld [smem:$0x3FDB];
	_ =	sdelay $0x1  }
0x99: {  	s19 =	simm.s32 $_scs_section_size  }
0x9a: {  	s4 =	simm.s32 $_size__tile_overlayer_lowered;
	s5 =	simm.s32 $_tile_overlayer_lowered  }
0x9b: {  	s22 =	simm.s32 $0x1BFF;
	s21 =	sshll.u32 s5, $0x1;
	s2 =	sadd.s32 s19, s18  }
0x9c: {  	s6 =	simm.s32 $0x0;
	s20 =	sshll.u32 s4, $0x1;
	s4 =	sadd.s32 s21, s2  }
0x9d: {  	[timem:s6], [sflag:s22] =	dma.local [hbm:s4], s20  }
0x9e: {  	_ =	swait.ge [sflag:s22], s20  }
0x9f: {  	s3 =	ssub.s32 $0x0, s20;
	[sflag:s22] =	ssyncset.done $0x0  }
0xa0: {  	[sflag:s22] =	ssyncadd.s32 s3;
	_ =	sdelay $0x1  }
0xa1: {  	s23 =	simm.s32 $0x1B8B  }
0xa2: {  	_ =	swait.ge [sflag:s23], $0x1  }
0xa3: {  	[sflag:s23] =	ssyncset.done $0x0  }
0xa4: {  	s25 =	simm.s32 $0x1B8E;
	s24 =	sld [smem:$0x3FFE];
	[sflag:s23] =	ssyncadd.s32 $0xFFFFFFFF  }
0xa5: {  	s26 =	simm.s32 $execute0_lowered;
	[smem:$0x3FD2] =	sst s25  }
0xa6: {  	s4 =	sshll.u32 s26, $0x1;
	_ =	strace $0x80000046;
	[dreg:$0x1] =	wrdreg $0xFFFFFFFF  }
0xa7: {  	s28 =	simm.s32 $_size_execute0_lowered;
	s2 =	sadd.s32 s2, s4;
	[dreg:$0x0] =	wrdreg $0x0  }
0xa8: {  	s4 =	sshll.u32 s28, $0x1;
	[dreg:$0x2] =	wrdreg s2  }
0xa9: {  	[dreg:$0x3] =	wrdreg s4  }
0xaa: {  	[dreg:$0x4] =	wrdreg $0xC0  }
0xab: {  	_ =	task [dreg:s6], $0x5FFFF  }
0xac: {  	[dreg:$0x1] =	wrdreg $0xFFFFFFFF  }
0xad: {  	[dreg:$0x0] =	wrdreg $0x60  }
0xae: {  	[dreg:$0x2] =	wrdreg s24  }
0xaf: {  	[dreg:$0x3] =	wrdreg $0xAC000  }
0xb0: {  	[dreg:$0x4] =	wrdreg $0x9  }
0xb1: {  	_ =	task.clear_ibuf [dreg:s6], $0x5FFFF;
	_ =	strace $0x90000046  }
0xb2: {  	s29 =	simm.s32 $0x9;
	_ =	strace $0x80000048  }
0xb3: {  	_ =	swait.ge [sflag:s29], $0x1  }
0xb4: {  	[sflag:s29] =	ssyncadd.s32 $0xFFFFFFFF  }
0xb5: {  	_ =	strace $0x90000048  }
0xb6: {  	_ =	sfence  }
0xb7: {  	s30 =	sld [smem:$0x0];
	_ =	sdelay $0x2  }
0xb8: {  	s31 =	sshll.u32 s1, $0xD;
	s1 =	sshrl.u32 s1, $0x2  }
0xb9: {  	s3 =	sand.u32 $0x4000, s31;
	s1 =	sadd.s32 s1, s30  }
0xba: {  	s0 =	sor.u32 s3, s0;
	s1 =	sshll.u32 s1, $0x11  }
0xbb: {  	s0 =	sor.u32 s1, s0  }
0xbc: {  	s0 =	sadd.s32 $0x8F2B, s0  }
0xbd: {  	[sflag:s0] =	ssyncadd.remote.s32 $0x1  }
0xbe: {  	_ =	sfence.sel $0xFFFF  }
0xbf: {  	[dreg:$0x0] =	wrdreg $0xFFFFFFFF;
	(pc) =	sbr.abs _section_cstart, $3  }
0xc0: {  	[dreg:$0x1] =	wrdreg $0xFFFFFFFF  }
0xc1: {  	_ =	task.clear_ibuf [dreg:s6], $0x2FFFF;
	_ =	strace $0x9FFFFFFF  }
0xc2: {  	(tm) =	ssettm $0x7FFFFFFF  }
0xc3: {  	_ =	shalt  }
tec
execute0_lowered:
.L_overlay_start_1:
0x0: {  	(tag) =	ssettag $0x1  }
0x1: {  	s0 =	rddreg [dreg:$0x0]  }
0x2: {  	s1 =	rddreg [dreg:$0x1];
	s2 =	srdreg.scid;
	s3 =	simm.s32 $0x0  }
0x3: {  	s12 =	stileid.u32;
	s14 =	simm.s32 $0x7;
	s17 =	simm.s32 $0x5  }
0x4: {  	s18 =	simm.s32 $0x4;
	s19 =	simm.s32 $0x50;
	s20 =	simm.s32 $0x3400  }
0x5: {  	s28 =	simm.s32 $0x3200;
	s29 =	simm.s32 $0x13B0;
	s6 =	smul.u32 $0x2800, s12  }
0x6: {  	s30 =	simm.s32 $0x3280;
	s31 =	simm.s32 $0x3300;
	s21 =	smul.u32 $0x13C00, s12  }
0x7: {  	s2 =	sand.u32 $0x1, s2;
	[smem:$0x7FF] =	sst s3;
	s22 =	smul.u32 $0x4F000, s12  }
0x8: {  	s4 =	sadd.s32 $0x1DE00, s0;
	s7 =	sshll.u32 s12, $0xB;
	s5 =	smul.u32 $0x28000, s2  }
0x9: {  	s12 =	sshll.u32 s12, $0x6;
	_ =	strace $0x80000047;
	s8 =	smul.u32 $0x13C000, s2  }
0xa: {  	s7 =	sadd.s32 s7, s0;
	s2 =	ssub.s32 $0x2, s2;
	s15 =	sor.u32 $0x1C04, s12  }
0xb: {  	s9 =	sshrl.u32 s21, $0x3;
	s10 =	sshrl.u32 s2, $0x1;
	s23 =	sshrl.u32 s22, $0x2  }
0xc: {  	s24 =	sadd.s32 $0xBE00, s7;
	s22 =	simm.s32 $0xA0;
	s5 =	sadd.s32 s6, s5  }
0xd: {  	s6 =	sadd.s32 s21, s8;
	s9 =	sadd.s32 s9, s0;
	s2 =	ssub.s32 s2, s10  }
0xe: {  	[dreg:$0x3] =	wrdreg s24;
	s21 =	simm.s32 $0x5C00;
	s24 =	simm.s32 $0x1  }
0xf: {  	s5 =	sshrl.u32 s5, $0x3;
	s6 =	sshrl.u32 s6, $0x3;
	s26 =	sadd.s32 $0x6C000, s9  }
0x10: {  	s9 =	sadd.s32 $0xC200, s7;
	s11 =	smax.u32 s2, $0x1;
	s2 =	simm.s32 $0x6  }
0x11: {  	s5 =	sadd.s32 s5, s0;
	s0 =	sadd.s32 s6, s0;
	s6 =	sadd.s32 s23, s1  }
0x12: {  	[dreg:$0x5] =	wrdreg s26;
	s23 =	simm.s32 $0x8400;
	s26 =	simm.s32 $0x3  }
0x13: {  	s25 =	sadd.s32 $0x13E00, s5;
	s5 =	sadd.s32 $0x14080, s5;
	s10 =	sadd.s32 $0x93800, s0  }
0x14: {  	s16 =	sshrl.u32 s6, $0x3;
	s0 =	simm.s32 $0x3380;
	[dreg:$0x4] =	wrdreg s25  }
0x15: {  	[dreg:$0x6] =	wrdreg s5;
	s25 =	simm.s32 $0x2;
	s5 =	simm.s32 $0x0  }
.LBB2_1:
0x16: {  	s6 =	rddreg [dreg:$0x3];
	s7 =	simm.s32 $0x1400  }
0x17: {  	[tilespmem:s7], [sflag:$0x7] =	stream.linear.gather [hbm4b:s6+s3], $0x2000, $0x38;
	[tilespmem:$0x1E800] =	vst v63  }
0x18: {  	_ =	swait.ge [sflag:s14], $0x2000  }
0x19: {  	[sflag:s14] =	ssyncset.done $0x0;
	s13 =	rddreg [dreg:$0x4]  }
0x1a: {  	s7 =	rddreg [dreg:$0x5];
	[sflag:s14] =	ssyncadd.s32 $0xFFFFE000  }
0x1b: {  	[tilespmem:s3], [sflag:$0x5] =	stream.linear.gather [hbm4b:s13+s3], $0x1400, $0x38;
	[tilespmem:$0x1E800] =	vst v63  }
0x1c: {  	[spmem:s16], [sflag:s15] =	dma.local [hbm:s7], $0x2780  }
0x1d: {  	_ =	swait.ge [sflag:s17], $0x1400  }
0x1e: {  	[sflag:s17] =	ssyncset.done $0x0  }
0x1f: {  	[sflag:s17] =	ssyncadd.s32 $0xFFFFEC00  }
0x20: {  	_ =	swait.ge [sflag:s18], $0x2780  }
0x21: {  	[sflag:s18] =	ssyncset.done $0x0  }
0x22: {  	[sflag:s18] =	ssyncadd.s32 $0xFFFFD880  }
0x23: {  	[bflag:$0x0] =	sbarrier.arrive $0xFFFF  }
0x24: {  	[tilespmem:s20], [sflag:$0x1] =	stream.indirect.gather [hbm4b:s4+s19], $0x80, s3, s19, $0xb8;
	[tilespmem:$0x1E800] =	vst v63  }
0x25: {  	_ = 	snop  }
0x26: {  	[tilespmem:s21], [sflag:$0x2] =	stream.indirect.gather [hbm4b:s4+s19], $0x80, s19, s19, $0xb8;
	[tilespmem:$0x1E800] =	vst v63  }
0x27: {  	_ = 	snop  }
0x28: {  	[tilespmem:s23], [sflag:$0x3] =	stream.indirect.gather [hbm4b:s4+s19], $0x80, s22, s19, $0xb8;
	[tilespmem:$0x1E800] =	vst v63  }
0x29: {  	_ =	swait.ge [sflag:s24], $0x2800  }
0x2a: {  	[sflag:s24] =	ssyncset.done $0x0  }
0x2b: {  	s8 =	simm.s32 $0x1400;
	[sflag:s24] =	ssyncadd.s32 $0xFFFFD800  }
0x2c: {  	[spmem:s1] =	stream.indirect.scatter.add.f32 [tilespmem:s20], [sflag:$0x7], $0x80, s8, s19, $0xb8;
	[tilespmem:$0x1E800] =	vst v63  }
0x2d: {  	_ =	swait.ge [sflag:s14], $0x2800  }
0x2e: {  	[sflag:s14] =	ssyncset.done $0x0  }
0x2f: {  	s13 =	simm.s32 $0xF0;
	[sflag:s14] =	ssyncadd.s32 $0xFFFFD800  }
0x30: {  	[tilespmem:s20], [sflag:$0x1] =	stream.indirect.gather [hbm4b:s4+s19], $0x80, s13, s19, $0xb8;
	[tilespmem:$0x1E800] =	vst v63  }
0x31: {  	_ =	swait.ge [sflag:s25], $0x2800  }
0x32: {  	[sflag:s25] =	ssyncset.done $0x0  }
0x33: {  	s7 =	simm.s32 $0x1480;
	[sflag:s25] =	ssyncadd.s32 $0xFFFFD800  }
0x34: {  	[spmem:s1] =	stream.indirect.scatter.add.f32 [tilespmem:s21], [sflag:$0x7], $0x80, s7, s19, $0xb8;
	[tilespmem:$0x1E800] =	vst v63  }
0x35: {  	_ =	swait.ge [sflag:s14], $0x2800  }
0x36: {  	[sflag:s14] =	ssyncset.done $0x0  }
0x37: {  	s8 =	simm.s32 $0x140;
	[sflag:s14] =	ssyncadd.s32 $0xFFFFD800  }
0x38: {  	[tilespmem:s21], [sflag:$0x2] =	stream.indirect.gather [hbm4b:s4+s19], $0x80, s8, s19, $0xb8;
	[tilespmem:$0x1E800] =	vst v63  }
0x39: {  	_ =	swait.ge [sflag:s26], $0x2800  }
0x3a: {  	[sflag:s26] =	ssyncset.done $0x0  }
0x3b: {  	s13 =	simm.s32 $0x1500;
	[sflag:s26] =	ssyncadd.s32 $0xFFFFD800  }
0x3c: {  	[spmem:s1] =	stream.indirect.scatter.add.f32 [tilespmem:s23], [sflag:$0x7], $0x80, s13, s19, $0xb8;
	[tilespmem:$0x1E800] =	vst v63  }
0x3d: {  	_ =	swait.ge [sflag:s14], $0x2800  }
0x3e: {  	s6 =	simm.s32 $0x3C0;
	[sflag:s14] =	ssyncset.done $0x0  }
0x3f: {  	s7 =	simm.s32 $0x1680;
	s13 =	simm.s32 $0x190;
	[sflag:s14] =	ssyncadd.s32 $0xFFFFD800  }
.LBB2_2:
0x40: {  	[tilespmem:s23], [sflag:$0x3] =	stream.indirect.gather [hbm4b:s4+s19], $0x80, s13, s19, $0xb8;
	[tilespmem:$0x1E800] =	vst v63  }
0x41: {  	s13 =	smov.u32 s6  }
0x42: {  	p0 =	sne.s32 s6, $0x4740;
	s6 =	sadd.s32 $0x3C0, s6;
	_ =	swait.ge [sflag:s24], $0x2800  }
0x43: {  	[sflag:s24] =	ssyncset.done $0x0  }
0x44: {  	s8 =	sadd.s32 $0xFFFFFF00, s7;
	[sflag:s24] =	ssyncadd.s32 $0xFFFFD800  }
0x45: {  	[spmem:s1] =	stream.indirect.scatter.add.f32 [tilespmem:s20], [sflag:$0x7], $0x80, s8, s19, $0xb8;
	[tilespmem:$0x1E800] =	vst v63  }
0x46: {  	_ =	swait.ge [sflag:s14], $0x2800  }
0x47: {  	s8 =	sshra.s32 s13, $0x2;
	[sflag:s14] =	ssyncset.done $0x0  }
0x48: {  	s13 =	sadd.s32 $0xF0, s8;
	[sflag:s14] =	ssyncadd.s32 $0xFFFFD800  }
0x49: {  	[tilespmem:s20], [sflag:$0x1] =	stream.indirect.gather [hbm4b:s4+s19], $0x80, s13, s19, $0xb8;
	[tilespmem:$0x1E800] =	vst v63  }
0x4a: {  	_ =	swait.ge [sflag:s25], $0x2800  }
0x4b: {  	[sflag:s25] =	ssyncset.done $0x0  }
0x4c: {  	s13 =	sadd.s32 $0xFFFFFF80, s7;
	[sflag:s25] =	ssyncadd.s32 $0xFFFFD800  }
0x4d: {  	[spmem:s1] =	stream.indirect.scatter.add.f32 [tilespmem:s21], [sflag:$0x7], $0x80, s13, s19, $0xb8;
	[tilespmem:$0x1E800] =	vst v63  }
0x4e: {  	_ =	swait.ge [sflag:s14], $0x2800  }
0x4f: {  	[sflag:s14] =	ssyncset.done $0x0  }
0x50: {  	s13 =	sadd.s32 $0x140, s8;
	[sflag:s14] =	ssyncadd.s32 $0xFFFFD800  }
0x51: {  	[tilespmem:s21], [sflag:$0x2] =	stream.indirect.gather [hbm4b:s4+s19], $0x80, s13, s19, $0xb8;
	[tilespmem:$0x1E800] =	vst v63  }
0x52: {  	_ =	swait.ge [sflag:s26], $0x2800  }
0x53: {  	[sflag:s26] =	ssyncset.done $0x0  }
.Ltmp0:
0x54: {  	[sflag:s26] =	ssyncadd.s32 $0xFFFFD800;
	(pc) =	sbr.rel @p0 .LBB2_2-.Ltmp0, $4  }
0x55: {  	[spmem:s1] =	stream.indirect.scatter.add.f32 [tilespmem:s23], [sflag:$0x7], $0x80, s7, s19, $0xb8;
	[tilespmem:$0x1E800] =	vst v63  }
0x56: {  	_ =	swait.ge [sflag:s14], $0x2800  }
0x57: {  	[sflag:s14] =	ssyncset.done $0x0  }
0x58: {  	s13 =	sadd.s32 $0x190, s8;
	s7 =	sadd.s32 $0x180, s7;
	[sflag:s14] =	ssyncadd.s32 $0xFFFFD800  }
0x59: {  	[tilespmem:s23], [sflag:$0x3] =	stream.indirect.gather [hbm4b:s4+s19], $0x80, s13, s19, $0xb8;
	[tilespmem:$0x1E800] =	vst v63  }
0x5a: {  	_ =	swait.ge [sflag:s24], $0x2800  }
0x5b: {  	[sflag:s24] =	ssyncset.done $0x0  }
0x5c: {  	[sflag:s24] =	ssyncadd.s32 $0xFFFFD800  }
0x5d: {  	[spmem:s1] =	stream.indirect.scatter.add.f32 [tilespmem:s20], [sflag:$0x7], $0x80, s28, s19, $0xb8;
	[tilespmem:$0x1E800] =	vst v63  }
0x5e: {  	_ =	swait.ge [sflag:s14], $0x2800  }
0x5f: {  	[sflag:s14] =	ssyncset.done $0x0  }
0x60: {  	[sflag:s14] =	ssyncadd.s32 $0xFFFFD800  }
0x61: {  	[tilespmem:s20], [sflag:$0x1] =	stream.indirect.gather [hbm4b:s4+s19], $0x80, s29, s19, $0xb8;
	[tilespmem:$0x1E800] =	vst v63  }
0x62: {  	_ =	swait.ge [sflag:s25], $0x2800  }
0x63: {  	[sflag:s25] =	ssyncset.done $0x0  }
0x64: {  	[sflag:s25] =	ssyncadd.s32 $0xFFFFD800  }
0x65: {  	[spmem:s1] =	stream.indirect.scatter.add.f32 [tilespmem:s21], [sflag:$0x7], $0x80, s30, s19, $0xb8;
	[tilespmem:$0x1E800] =	vst v63  }
0x66: {  	_ =	swait.ge [sflag:s14], $0x2800  }
0x67: {  	[sflag:s14] =	ssyncset.done $0x0  }
0x68: {  	[sflag:s14] =	ssyncadd.s32 $0xFFFFD800  }
0x69: {  	_ =	swait.ge [sflag:s26], $0x2800  }
0x6a: {  	[sflag:s26] =	ssyncset.done $0x0  }
0x6b: {  	[sflag:s26] =	ssyncadd.s32 $0xFFFFD800  }
0x6c: {  	[spmem:s1] =	stream.indirect.scatter.add.f32 [tilespmem:s23], [sflag:$0x7], $0x80, s31, s19, $0xb8;
	[tilespmem:$0x1E800] =	vst v63  }
0x6d: {  	_ =	swait.ge [sflag:s14], $0x2800  }
0x6e: {  	[sflag:s14] =	ssyncset.done $0x0  }
0x6f: {  	[sflag:s14] =	ssyncadd.s32 $0xFFFFD800  }
0x70: {  	_ =	swait.ge [sflag:s24], $0x2800  }
0x71: {  	[sflag:s24] =	ssyncset.done $0x0  }
0x72: {  	[sflag:s24] =	ssyncadd.s32 $0xFFFFD800  }
0x73: {  	[spmem:s1] =	stream.indirect.scatter.add.f32 [tilespmem:s20], [sflag:$0x7], $0x80, s0, s19, $0xb8;
	[tilespmem:$0x1E800] =	vst v63  }
0x74: {  	_ =	swait.ge [sflag:s14], $0x2800  }
0x75: {  	[sflag:s14] =	ssyncset.done $0x0  }
0x76: {  	s6 =	simm.s32 $0x0;
	s7 =	rddreg [dreg:$0x6];
	[sflag:s14] =	ssyncadd.s32 $0xFFFFD800  }
0x77: {  	[tilespmem:s6], [sflag:$0x7] =	stream.linear.gather [hbm4b:s7+s6], $0x1400, $0x38;
	[tilespmem:$0x1E800] =	vst v63  }
0x78: {  	_ =	swait.ge [sflag:s14], $0x1400  }
0x79: {  	[sflag:s14] =	ssyncset.done $0x0  }
0x7a: {  	s13 =	simm.s32 $0x1400;
	[sflag:s14] =	ssyncadd.s32 $0xFFFFEC00  }
0x7b: {  	[tilespmem:s13], [sflag:$0x7] =	stream.linear.gather [hbm4b:s9+s6], $0x2000, $0x38;
	[tilespmem:$0x1E800] =	vst v63  }
0x7c: {  	_ =	swait.ge [sflag:s14], $0x2000  }
0x7d: {  	[sflag:s14] =	ssyncset.done $0x0  }
0x7e: {  	[sflag:s14] =	ssyncadd.s32 $0xFFFFE000  }
0x7f: {  	[tilespmem:s20], [sflag:$0x1] =	stream.indirect.gather [hbm4b:s4+s19], $0x80, s6, s19, $0xb8;
	[tilespmem:$0x1E800] =	vst v63  }
0x80: {  	_ = 	snop  }
0x81: {  	[tilespmem:s21], [sflag:$0x2] =	stream.indirect.gather [hbm4b:s4+s19], $0x80, s19, s19, $0xb8;
	[tilespmem:$0x1E800] =	vst v63  }
0x82: {  	_ = 	snop  }
0x83: {  	[tilespmem:s23], [sflag:$0x3] =	stream.indirect.gather [hbm4b:s4+s19], $0x80, s22, s19, $0xb8;
	[tilespmem:$0x1E800] =	vst v63  }
0x84: {  	_ =	swait.ge [sflag:s24], $0x2800  }
0x85: {  	[sflag:s24] =	ssyncset.done $0x0  }
0x86: {  	s8 =	simm.s32 $0x1400;
	[sflag:s24] =	ssyncadd.s32 $0xFFFFD800  }
0x87: {  	[spmem:s1] =	stream.indirect.scatter.add.f32 [tilespmem:s20], [sflag:$0x7], $0x80, s8, s19, $0xb8;
	[tilespmem:$0x1E800] =	vst v63  }
0x88: {  	_ =	swait.ge [sflag:s14], $0x2800  }
0x89: {  	[sflag:s14] =	ssyncset.done $0x0  }
0x8a: {  	s13 =	simm.s32 $0xF0;
	[sflag:s14] =	ssyncadd.s32 $0xFFFFD800  }
0x8b: {  	[tilespmem:s20], [sflag:$0x1] =	stream.indirect.gather [hbm4b:s4+s19], $0x80, s13, s19, $0xb8;
	[tilespmem:$0x1E800] =	vst v63  }
0x8c: {  	_ =	swait.ge [sflag:s25], $0x2800  }
0x8d: {  	[sflag:s25] =	ssyncset.done $0x0  }
0x8e: {  	s7 =	simm.s32 $0x1480;
	[sflag:s25] =	ssyncadd.s32 $0xFFFFD800  }
0x8f: {  	[spmem:s1] =	stream.indirect.scatter.add.f32 [tilespmem:s21], [sflag:$0x7], $0x80, s7, s19, $0xb8;
	[tilespmem:$0x1E800] =	vst v63  }
0x90: {  	_ =	swait.ge [sflag:s14], $0x2800  }
0x91: {  	[sflag:s14] =	ssyncset.done $0x0  }
0x92: {  	s8 =	simm.s32 $0x140;
	[sflag:s14] =	ssyncadd.s32 $0xFFFFD800  }
0x93: {  	[tilespmem:s21], [sflag:$0x2] =	stream.indirect.gather [hbm4b:s4+s19], $0x80, s8, s19, $0xb8;
	[tilespmem:$0x1E800] =	vst v63  }
0x94: {  	_ =	swait.ge [sflag:s26], $0x2800  }
0x95: {  	[sflag:s26] =	ssyncset.done $0x0  }
0x96: {  	s13 =	simm.s32 $0x1500;
	[sflag:s26] =	ssyncadd.s32 $0xFFFFD800  }
0x97: {  	[spmem:s1] =	stream.indirect.scatter.add.f32 [tilespmem:s23], [sflag:$0x7], $0x80, s13, s19, $0xb8;
	[tilespmem:$0x1E800] =	vst v63  }
0x98: {  	_ =	swait.ge [sflag:s14], $0x2800  }
0x99: {  	s6 =	simm.s32 $0x3C0;
	[sflag:s14] =	ssyncset.done $0x0  }
0x9a: {  	s7 =	simm.s32 $0x1680;
	s13 =	simm.s32 $0x190;
	[sflag:s14] =	ssyncadd.s32 $0xFFFFD800  }
.LBB2_4:
0x9b: {  	[tilespmem:s23], [sflag:$0x3] =	stream.indirect.gather [hbm4b:s4+s19], $0x80, s13, s19, $0xb8;
	[tilespmem:$0x1E800] =	vst v63  }
0x9c: {  	s8 =	smov.u32 s6  }
0x9d: {  	p0 =	sne.s32 s6, $0x4740;
	s6 =	sadd.s32 $0x3C0, s6;
	_ =	swait.ge [sflag:s24], $0x2800  }
0x9e: {  	[sflag:s24] =	ssyncset.done $0x0  }
0x9f: {  	s13 =	sadd.s32 $0xFFFFFF00, s7;
	[sflag:s24] =	ssyncadd.s32 $0xFFFFD800  }
0xa0: {  	[spmem:s1] =	stream.indirect.scatter.add.f32 [tilespmem:s20], [sflag:$0x7], $0x80, s13, s19, $0xb8;
	[tilespmem:$0x1E800] =	vst v63  }
0xa1: {  	_ =	swait.ge [sflag:s14], $0x2800  }
0xa2: {  	s8 =	sshra.s32 s8, $0x2;
	[sflag:s14] =	ssyncset.done $0x0  }
0xa3: {  	s13 =	sadd.s32 $0xF0, s8;
	[sflag:s14] =	ssyncadd.s32 $0xFFFFD800  }
0xa4: {  	[tilespmem:s20], [sflag:$0x1] =	stream.indirect.gather [hbm4b:s4+s19], $0x80, s13, s19, $0xb8;
	[tilespmem:$0x1E800] =	vst v63  }
0xa5: {  	_ =	swait.ge [sflag:s25], $0x2800  }
0xa6: {  	[sflag:s25] =	ssyncset.done $0x0  }
0xa7: {  	s13 =	sadd.s32 $0xFFFFFF80, s7;
	[sflag:s25] =	ssyncadd.s32 $0xFFFFD800  }
0xa8: {  	[spmem:s1] =	stream.indirect.scatter.add.f32 [tilespmem:s21], [sflag:$0x7], $0x80, s13, s19, $0xb8;
	[tilespmem:$0x1E800] =	vst v63  }
0xa9: {  	_ =	swait.ge [sflag:s14], $0x2800  }
0xaa: {  	[sflag:s14] =	ssyncset.done $0x0  }
0xab: {  	s13 =	sadd.s32 $0x140, s8;
	[sflag:s14] =	ssyncadd.s32 $0xFFFFD800  }
0xac: {  	[tilespmem:s21], [sflag:$0x2] =	stream.indirect.gather [hbm4b:s4+s19], $0x80, s13, s19, $0xb8;
	[tilespmem:$0x1E800] =	vst v63  }
0xad: {  	_ =	swait.ge [sflag:s26], $0x2800  }
0xae: {  	[sflag:s26] =	ssyncset.done $0x0  }
.Ltmp1:
0xaf: {  	[sflag:s26] =	ssyncadd.s32 $0xFFFFD800;
	(pc) =	sbr.rel @p0 .LBB2_4-.Ltmp1, $4  }
0xb0: {  	[spmem:s1] =	stream.indirect.scatter.add.f32 [tilespmem:s23], [sflag:$0x7], $0x80, s7, s19, $0xb8;
	[tilespmem:$0x1E800] =	vst v63  }
0xb1: {  	_ =	swait.ge [sflag:s14], $0x2800  }
0xb2: {  	[sflag:s14] =	ssyncset.done $0x0  }
0xb3: {  	s13 =	sadd.s32 $0x190, s8;
	s7 =	sadd.s32 $0x180, s7;
	[sflag:s14] =	ssyncadd.s32 $0xFFFFD800  }
0xb4: {  	[tilespmem:s23], [sflag:$0x3] =	stream.indirect.gather [hbm4b:s4+s19], $0x80, s13, s19, $0xb8;
	[tilespmem:$0x1E800] =	vst v63  }
0xb5: {  	_ =	swait.ge [sflag:s24], $0x2800  }
0xb6: {  	[sflag:s24] =	ssyncset.done $0x0  }
0xb7: {  	[sflag:s24] =	ssyncadd.s32 $0xFFFFD800  }
0xb8: {  	[spmem:s1] =	stream.indirect.scatter.add.f32 [tilespmem:s20], [sflag:$0x7], $0x80, s28, s19, $0xb8;
	[tilespmem:$0x1E800] =	vst v63  }
0xb9: {  	_ =	swait.ge [sflag:s14], $0x2800  }
0xba: {  	[sflag:s14] =	ssyncset.done $0x0  }
0xbb: {  	[sflag:s14] =	ssyncadd.s32 $0xFFFFD800  }
0xbc: {  	[tilespmem:s20], [sflag:$0x1] =	stream.indirect.gather [hbm4b:s4+s19], $0x80, s29, s19, $0xb8;
	[tilespmem:$0x1E800] =	vst v63  }
0xbd: {  	_ =	swait.ge [sflag:s25], $0x2800  }
0xbe: {  	[sflag:s25] =	ssyncset.done $0x0  }
0xbf: {  	[sflag:s25] =	ssyncadd.s32 $0xFFFFD800  }
0xc0: {  	[spmem:s1] =	stream.indirect.scatter.add.f32 [tilespmem:s21], [sflag:$0x7], $0x80, s30, s19, $0xb8;
	[tilespmem:$0x1E800] =	vst v63  }
0xc1: {  	_ =	swait.ge [sflag:s14], $0x2800  }
0xc2: {  	[sflag:s14] =	ssyncset.done $0x0  }
0xc3: {  	[sflag:s14] =	ssyncadd.s32 $0xFFFFD800  }
0xc4: {  	_ =	swait.ge [sflag:s26], $0x2800  }
0xc5: {  	[sflag:s26] =	ssyncset.done $0x0  }
0xc6: {  	[sflag:s26] =	ssyncadd.s32 $0xFFFFD800  }
0xc7: {  	[spmem:s1] =	stream.indirect.scatter.add.f32 [tilespmem:s23], [sflag:$0x7], $0x80, s31, s19, $0xb8;
	[tilespmem:$0x1E800] =	vst v63  }
0xc8: {  	_ =	swait.ge [sflag:s14], $0x2800  }
0xc9: {  	[sflag:s14] =	ssyncset.done $0x0  }
0xca: {  	[sflag:s14] =	ssyncadd.s32 $0xFFFFD800  }
0xcb: {  	_ =	swait.ge [sflag:s24], $0x2800  }
0xcc: {  	[sflag:s24] =	ssyncset.done $0x0  }
0xcd: {  	[sflag:s24] =	ssyncadd.s32 $0xFFFFD800  }
0xce: {  	[spmem:s1] =	stream.indirect.scatter.add.f32 [tilespmem:s20], [sflag:$0x7], $0x80, s0, s19, $0xb8;
	[tilespmem:$0x1E800] =	vst v63  }
0xcf: {  	_ =	swait.ge [sflag:s14], $0x2800  }
0xd0: {  	s5 =	sadd.s32 $0x1, s5;
	[sflag:s14] =	ssyncset.done $0x0  }
0xd1: {  	p0 =	sne.s32 s5, s11;
	[sflag:s14] =	ssyncadd.s32 $0xFFFFD800  }
.Ltmp2:
0xd2: {  	s6 =	sor.u32 $0x1C06, s12;
	[bflag:$0x0] =	sbarrier.arrive $0xFFFF;
	(pc) =	sbr.rel @p0 .LBB2_1-.Ltmp2, $4  }
0xd3: {  	[hbm:s10], [sflag:s6] =	dma.local [spmem:s16], $0x2780  }
0xd4: {  	_ =	swait.ge [sflag:s2], $0x2780  }
0xd5: {  	[sflag:s2] =	ssyncset.done $0x0  }
0xd6: {  	[sflag:s2] =	ssyncadd.s32 $0xFFFFD880  }
0xd7: {  	_ =	sfence.sel $0x180000  }
0xd8: {  	[bflag:$0x0] =	sbarrier.arrive $0xFFFF  }
0xd9: {  	_ =	strace $0x90000047  }
0xda: {  	s0 =	stileid.u32;
	[bflag:$0x2] =	sbarrier.arrive $0xFFFF  }
0xdb: {  	p0 =	sne.s32 s0, $0x0;
	s0 =	rddreg [dreg:$0x2]  }
0xdc: {  	s0 =	sadd.s32 @!p0 $0x100000, s0  }
0xdd: {  	[sflag:s0] =	ssyncadd.tile.s32 @!p0 $0x1;
	_ =	shalt  }
.Lfunc_end2:
_tile_overlayer_lowered:
.L_overlay_start_2:
0xde: {  	(tag) =	ssettag $0x2  }
0xdf: {  	s0 =	rddreg [dreg:$0x0];
	s2 =	stileid.u32  }
0xe0: {  	s1 =	rddreg [dreg:$0x1];
	p0 =	sne.s32 s2, $0x0  }
0xe1: {  	s3 =	rddreg [dreg:$0x2];
	[bflag:$0x3] =	sbarrier.arrive $0xFFFF;
	s2 =	simm.s32 @!p0 $0x1C07  }
0xe2: {  	[timem:s3], [sflag:s2] =	dma.local @!p0 [hbm:s0], s1  }
0xe3: {  	s0 =	simm.s32 @!p0 $0x7  }
0xe4: {  	_ =	swait.ge @!p0 [sflag:s0], s1  }
0xe5: {  	s1 =	ssub.s32 @!p0 $0x0, s1;
	[sflag:s0] =	ssyncset.done @!p0 $0x0  }
0xe6: {  	[sflag:s0] =	ssyncadd.s32 @!p0 s1  }
0xe7: {  	[bflag:$0x3] =	sbarrier.arrive $0xFFFF  }
0xe8: {  	_ =	shalt  }

</sc_bundles>
